<compile_context>
chip_gen: v7x
topology: tpu7x:2x2x1
jax: 0.10.2.dev20260603
libtpu: 0.0.44.dev20260713+nightly
codegen_flags: <defaults>
</compile_context>

<pallas_src>
import functools

import jax
import jax.numpy as jnp
from jax import lax
from jax.experimental import pallas as pl
from jax.experimental.pallas import tpu as pltpu
from jax.experimental.pallas import tpu_sc as plsc

_B, _L = 4096, 50
_DW, _DF = 128, 64
_DO = _DW + _DF
_NW = 32
_BPW = _B // _NW
_NG = _BPW
_ND = 4

_mesh = plsc.VectorSubcoreMesh(core_axis_name="c", subcore_axis_name="s")


@functools.partial(
    pl.kernel,
    out_type=jax.ShapeDtypeStruct((_B, 1, _L, _DO), jnp.float32),
    mesh=_mesh,
    scratch_types=[
        [pltpu.VMEM((2, _L), jnp.int32)] * _ND,
        [pltpu.VMEM((_L, _DW), jnp.float32)] * _ND,
        [pltpu.VMEM((1, _L, _DO), jnp.float32)] * _ND,
        [pltpu.SemaphoreType.DMA] * _ND,
        [pltpu.SemaphoreType.DMA] * _ND,
        [pltpu.SemaphoreType.DMA] * _ND,
        [pltpu.SemaphoreType.DMA] * _ND,
    ],
)
def _stack_kernel(idx_hbm, ww_hbm, wf_hbm, out_hbm,
                  cix, rf, asm, semi, semw, semf, semo):
    wid = lax.axis_index("s") * 2 + lax.axis_index("c")

    def stage_idx(c, s):
        pltpu.async_copy(idx_hbm.at[wid * _NG + c], cix[s], semi[s])

    def wait_idx(s):
        pltpu.make_async_copy(idx_hbm.at[0], cix[s], semi[s]).wait()

    def fire(c, b):
        pltpu.async_copy(ww_hbm.at[cix[b].at[0]],
                         asm[b].at[0, :, pl.ds(0, _DW)], semw[b])
        pltpu.async_copy(wf_hbm.at[cix[b].at[1]], rf[b], semf[b])

    def wait_write(b):
        pltpu.make_async_copy(asm[b], out_hbm.at[0], semo[b]).wait()

    def process(c, b):
        bn, bs = (b + 1) % _ND, (b + 2) % _ND
        @pl.when(c >= 3)
        def _():
            wait_write(bn)

        @pl.when(c + 2 < _NG)
        def _():
            stage_idx(c + 2, bs)

        @pl.when(c + 1 < _NG)
        def _():
            wait_idx(bn)
            fire(c + 1, bn)

        pltpu.make_async_copy(wf_hbm.at[cix[b].at[1]], rf[b], semf[b]).wait()

        @pl.loop(0, _L, unroll=10)
        def _row(l):
            for k in range(_DF // 16):
                asm[b][0, l, pl.ds(_DW + 16 * k, 16)] = rf[b][l, pl.ds(16 * k, 16)]

        pltpu.make_async_copy(ww_hbm.at[cix[b].at[0]],
                              asm[b].at[0, :, pl.ds(0, _DW)], semw[b]).wait()
        pltpu.async_copy(asm[b], out_hbm.at[wid * _NG + c], semo[b])

    stage_idx(0, 0)
    stage_idx(1, 1)
    wait_idx(0)
    fire(0, 0)

    @pl.loop(0, _NG // _ND)
    def _quad(p):
        c0 = _ND * p
        for i in range(_ND):
            process(c0 + i, i)

    for c in (_NG - 3, _NG - 2, _NG - 1):
        wait_write(c % _ND)


def kernel(word, feat, W_word, W_feat):
    wg = word.reshape(_B, 1, _L).astype(jnp.int32)
    fg = feat.reshape(_B, 1, _L).astype(jnp.int32)
    idx = jnp.concatenate([wg, fg], axis=1)
    wf_pad = jnp.pad(W_feat, ((0, 0), (0, _DW - _DF)))
    return _stack_kernel(idx, W_word, wf_pad).reshape(_B, _L, _DO)

# --- scband reference (transcript-rebuilt; emitter-appended) ---
"""Pipeline reference for scband-embeddings-stack-13322988552399 (READ-ONLY COPY).

The authoritative reference and input builder live on the scoring server;
editing this copy changes nothing except your own understanding.
"""

import jax, jax.numpy as jnp
import numpy as np

B, L = 4096, 50
V_WORD, D_WORD = 100000, 128
V_FEAT, D_FEAT = 1000, 64

def setup_inputs(seed: int = 0) -> dict:
    key = jax.random.key(seed)
    k1, k2, k3, k4 = jax.random.split(key, 4)
    word = jax.random.randint(k1, (B, L), 0, V_WORD, dtype=jnp.int64 if jax.config.jax_enable_x64 else jnp.int32)
    feat = jax.random.randint(k2, (B, L), 0, V_FEAT, dtype=jnp.int64 if jax.config.jax_enable_x64 else jnp.int32)
    W_word = jax.random.normal(k3, (V_WORD, D_WORD), dtype=jnp.float32)
    W_feat = jax.random.normal(k4, (V_FEAT, D_FEAT), dtype=jnp.float32)
    return {"word": word, "feat": feat, "W_word": W_word, "W_feat": W_feat}

def reference(word, feat, W_word, W_feat):
    # EmbeddingsStack.forward: per-feature embedding lookup, concat along last dim.
    # dropout_rate=0.0 -> identity in eval/train, so omitted.
    e_word = jnp.take(W_word, word, axis=0)   # [B, L, D_WORD]
    e_feat = jnp.take(W_feat, feat, axis=0)   # [B, L, D_FEAT]
    word_embeddings = jnp.concatenate([e_word, e_feat], axis=-1)  # [B, L, D_WORD+D_FEAT]
    return word_embeddings

if __name__ == "__main__":
    import jax
    _d = setup_inputs()
    print(jax.jit(kernel)(*tuple(_d.values())))

</pallas_src>

<mosaic_0001>
#map = affine_map<(d0, d1) -> (0, 0, 0)>
#map1 = affine_map<(d0, d1) -> (0, 0)>
#map2 = affine_map<(d0, d1) -> (0, 0, 0, 0)>
module attributes {stable_mosaic.version = 14 : i64} {
  func.func @_stack_kernel(%arg0: i32, %arg1: i32, %arg2: memref<4096x2x50xi32, #tpu.memory_space<hbm>>, %arg3: memref<100000x128xf32, #tpu.memory_space<hbm>>, %arg4: memref<1000x128xf32, #tpu.memory_space<hbm>>, %arg5: memref<4096x1x50x192xf32, #tpu.memory_space<hbm>>, %arg6: memref<2x50xi32, #tpu.memory_space<vmem>>, %arg7: memref<2x50xi32, #tpu.memory_space<vmem>>, %arg8: memref<2x50xi32, #tpu.memory_space<vmem>>, %arg9: memref<2x50xi32, #tpu.memory_space<vmem>>, %arg10: memref<50x128xf32, #tpu.memory_space<vmem>>, %arg11: memref<50x128xf32, #tpu.memory_space<vmem>>, %arg12: memref<50x128xf32, #tpu.memory_space<vmem>>, %arg13: memref<50x128xf32, #tpu.memory_space<vmem>>, %arg14: memref<1x50x192xf32, #tpu.memory_space<vmem>>, %arg15: memref<1x50x192xf32, #tpu.memory_space<vmem>>, %arg16: memref<1x50x192xf32, #tpu.memory_space<vmem>>, %arg17: memref<1x50x192xf32, #tpu.memory_space<vmem>>, %arg18: memref<!tpu.dma_semaphore, #tpu.memory_space<semaphore_mem>>, %arg19: memref<!tpu.dma_semaphore, #tpu.memory_space<semaphore_mem>>, %arg20: memref<!tpu.dma_semaphore, #tpu.memory_space<semaphore_mem>>, %arg21: memref<!tpu.dma_semaphore, #tpu.memory_space<semaphore_mem>>, %arg22: memref<!tpu.dma_semaphore, #tpu.memory_space<semaphore_mem>>, %arg23: memref<!tpu.dma_semaphore, #tpu.memory_space<semaphore_mem>>, %arg24: memref<!tpu.dma_semaphore, #tpu.memory_space<semaphore_mem>>, %arg25: memref<!tpu.dma_semaphore, #tpu.memory_space<semaphore_mem>>, %arg26: memref<!tpu.dma_semaphore, #tpu.memory_space<semaphore_mem>>, %arg27: memref<!tpu.dma_semaphore, #tpu.memory_space<semaphore_mem>>, %arg28: memref<!tpu.dma_semaphore, #tpu.memory_space<semaphore_mem>>, %arg29: memref<!tpu.dma_semaphore, #tpu.memory_space<semaphore_mem>>, %arg30: memref<!tpu.dma_semaphore, #tpu.memory_space<semaphore_mem>>, %arg31: memref<!tpu.dma_semaphore, #tpu.memory_space<semaphore_mem>>, %arg32: memref<!tpu.dma_semaphore, #tpu.memory_space<semaphore_mem>>, %arg33: memref<!tpu.dma_semaphore, #tpu.memory_space<semaphore_mem>>) attributes {dimension_semantics = [#tpu.dimension_semantics<core_parallel>, #tpu.dimension_semantics<subcore_parallel>], iteration_bounds = array<i64: 2, 16>, scalar_prefetch = 0 : i64, scratch_operands = 28 : i64, tpu.core_type = #tpu.core_type<sc_vector_subcore>, window_params = [{transform_indices = #map}, {transform_indices = #map1}, {transform_indices = #map1}, {transform_indices = #map2}]} {
    %mul3A = arith.constant 2 : i32
    %mul3A_0 = arith.muli %arg1, %mul3A : i32
    %add3A = arith.addi %mul3A_0, %arg0 : i32
    %mul3A_1 = arith.constant 128 : i32
    %mul3A_2 = arith.muli %add3A, %mul3A_1 : i32
    %add3A_3 = arith.constant 0 : i32
    %add3A_4 = arith.addi %mul3A_2, %add3A_3 : i32
    %dma_start3A = arith.constant 0 : i32
    %dma_start3A_5 = arith.constant 0 : i32
    %dma_start3A_6 = tpu.memref_slice %arg2[%add3A_4, %dma_start3A, %dma_start3A_5] : memref<4096x2x50xi32, #tpu.memory_space<hbm>> -> memref<1x2x50xi32, #tpu.memory_space<hbm>>
    %dma_start3A_7 = tpu.memref_squeeze %dma_start3A_6 : memref<1x2x50xi32, #tpu.memory_space<hbm>> -> memref<2x50xi32, #tpu.memory_space<hbm>>
    %dma_start3A_8 = arith.constant 0 : i32
    %dma_start3A_9 = arith.constant 0 : i32
    %dma_start3A_10 = tpu.memref_slice %arg2[%add3A_4, %dma_start3A_8, %dma_start3A_9] : memref<4096x2x50xi32, #tpu.memory_space<hbm>> -> memref<1x2x50xi32, #tpu.memory_space<hbm>>
    %dma_start3A_11 = tpu.memref_squeeze %dma_start3A_10 : memref<1x2x50xi32, #tpu.memory_space<hbm>> -> memref<2x50xi32, #tpu.memory_space<hbm>>
    tpu.enqueue_dma source(%dma_start3A_11 : memref<2x50xi32, #tpu.memory_space<hbm>>) target(%arg6 : memref<2x50xi32, #tpu.memory_space<vmem>>) target_semaphore(%arg18 : memref<!tpu.dma_semaphore, #tpu.memory_space<semaphore_mem>>)
    %mul3A_12 = arith.constant 128 : i32
    %mul3A_13 = arith.muli %add3A, %mul3A_12 : i32
    %add3A_14 = arith.constant 1 : i32
    %add3A_15 = arith.addi %mul3A_13, %add3A_14 : i32
    %dma_start3A_16 = arith.constant 0 : i32
    %dma_start3A_17 = arith.constant 0 : i32
    %dma_start3A_18 = tpu.memref_slice %arg2[%add3A_15, %dma_start3A_16, %dma_start3A_17] : memref<4096x2x50xi32, #tpu.memory_space<hbm>> -> memref<1x2x50xi32, #tpu.memory_space<hbm>>
    %dma_start3A_19 = tpu.memref_squeeze %dma_start3A_18 : memref<1x2x50xi32, #tpu.memory_space<hbm>> -> memref<2x50xi32, #tpu.memory_space<hbm>>
    %dma_start3A_20 = arith.constant 0 : i32
    %dma_start3A_21 = arith.constant 0 : i32
    %dma_start3A_22 = tpu.memref_slice %arg2[%add3A_15, %dma_start3A_20, %dma_start3A_21] : memref<4096x2x50xi32, #tpu.memory_space<hbm>> -> memref<1x2x50xi32, #tpu.memory_space<hbm>>
    %dma_start3A_23 = tpu.memref_squeeze %dma_start3A_22 : memref<1x2x50xi32, #tpu.memory_space<hbm>> -> memref<2x50xi32, #tpu.memory_space<hbm>>
    tpu.enqueue_dma source(%dma_start3A_23 : memref<2x50xi32, #tpu.memory_space<hbm>>) target(%arg7 : memref<2x50xi32, #tpu.memory_space<vmem>>) target_semaphore(%arg19 : memref<!tpu.dma_semaphore, #tpu.memory_space<semaphore_mem>>)
    %dma_wait3A = arith.constant 0 : i32
    %dma_wait3A_24 = arith.constant 0 : i32
    %dma_wait3A_25 = arith.constant 0 : i32
    %dma_wait3A_26 = tpu.memref_slice %arg2[%dma_wait3A, %dma_wait3A_24, %dma_wait3A_25] : memref<4096x2x50xi32, #tpu.memory_space<hbm>> -> memref<1x2x50xi32, #tpu.memory_space<hbm>>
    %dma_wait3A_27 = tpu.memref_squeeze %dma_wait3A_26 : memref<1x2x50xi32, #tpu.memory_space<hbm>> -> memref<2x50xi32, #tpu.memory_space<hbm>>
    %dma_wait3A_28 = arith.constant 0 : i32
    %dma_wait3A_29 = arith.constant 0 : i32
    %dma_wait3A_30 = tpu.memref_slice %arg2[%dma_wait3A, %dma_wait3A_28, %dma_wait3A_29] : memref<4096x2x50xi32, #tpu.memory_space<hbm>> -> memref<1x2x50xi32, #tpu.memory_space<hbm>>
    %dma_wait3A_31 = tpu.memref_squeeze %dma_wait3A_30 : memref<1x2x50xi32, #tpu.memory_space<hbm>> -> memref<2x50xi32, #tpu.memory_space<hbm>>
    tpu.wait_dma2 semaphore(%arg18 : memref<!tpu.dma_semaphore, #tpu.memory_space<semaphore_mem>>) src(%dma_wait3A_31 : memref<2x50xi32, #tpu.memory_space<hbm>>) dst(%arg6 : memref<2x50xi32, #tpu.memory_space<vmem>>)
    %dma_start3A_32 = arith.constant 0 : i32
    %dma_start3A_33 = arith.constant 0 : i32
    %dma_start3A_34 = arith.constant 0 : i32
    %dma_start3A_35 = arith.constant 0 : i32
    %dma_start3A_36 = tpu.memref_slice %arg14[%dma_start3A_33, %dma_start3A_34, %dma_start3A_35] : memref<1x50x192xf32, #tpu.memory_space<vmem>> -> memref<1x50x128xf32, #tpu.memory_space<vmem>>
    %dma_start3A_37 = tpu.memref_squeeze %dma_start3A_36 : memref<1x50x128xf32, #tpu.memory_space<vmem>> -> memref<50x128xf32, #tpu.memory_space<vmem>>
    %dma_start3A_38 = arith.constant 0 : i32
    %dma_start3A_39 = tpu.memref_slice %arg6[%dma_start3A_32, %dma_start3A_38] : memref<2x50xi32, #tpu.memory_space<vmem>> -> memref<1x50xi32, #tpu.memory_space<vmem>>
    %dma_start3A_40 = tpu.memref_squeeze %dma_start3A_39 : memref<1x50xi32, #tpu.memory_space<vmem>> -> memref<50xi32, #tpu.memory_space<vmem>>
    %dma_start3A_41 = arith.constant 0 : i32
    %dma_start3A_42 = arith.constant 0 : i32
    %dma_start3A_43 = tpu.memref_slice %arg3[%dma_start3A_41, %dma_start3A_42] : memref<100000x128xf32, #tpu.memory_space<hbm>> -> memref<100000x128xf32, #tpu.memory_space<hbm>>
    tpu.enqueue_indirect_dma source(%dma_start3A_43 : memref<100000x128xf32, #tpu.memory_space<hbm>>) target(%dma_start3A_37 : memref<50x128xf32, #tpu.memory_space<vmem>>) offsets(%dma_start3A_40 : memref<50xi32, #tpu.memory_space<vmem>>) semaphore(%arg22 : memref<!tpu.dma_semaphore, #tpu.memory_space<semaphore_mem>>)
    %dma_start3A_44 = arith.constant 1 : i32
    %dma_start3A_45 = arith.constant 0 : i32
    %dma_start3A_46 = tpu.memref_slice %arg6[%dma_start3A_44, %dma_start3A_45] : memref<2x50xi32, #tpu.memory_space<vmem>> -> memref<1x50xi32, #tpu.memory_space<vmem>>
    %dma_start3A_47 = tpu.memref_squeeze %dma_start3A_46 : memref<1x50xi32, #tpu.memory_space<vmem>> -> memref<50xi32, #tpu.memory_space<vmem>>
    %dma_start3A_48 = arith.constant 0 : i32
    %dma_start3A_49 = arith.constant 0 : i32
    %dma_start3A_50 = tpu.memref_slice %arg4[%dma_start3A_48, %dma_start3A_49] : memref<1000x128xf32, #tpu.memory_space<hbm>> -> memref<1000x128xf32, #tpu.memory_space<hbm>>
    tpu.enqueue_indirect_dma source(%dma_start3A_50 : memref<1000x128xf32, #tpu.memory_space<hbm>>) target(%arg10 : memref<50x128xf32, #tpu.memory_space<vmem>>) offsets(%dma_start3A_47 : memref<50xi32, #tpu.memory_space<vmem>>) semaphore(%arg26 : memref<!tpu.dma_semaphore, #tpu.memory_space<semaphore_mem>>)
    %scan3A = arith.constant 0 : i32
    %scan3A_51 = arith.constant 32 : i32
    %scan3A_52 = arith.addi %scan3A, %scan3A_51 : i32
    %scan3A_53 = arith.constant 1 : i32
    scf.for %scan3A_88 = %scan3A to %scan3A_52 step %scan3A_53  : i32 {
      %mul3A_89 = arith.constant 1 : i32
      %mul3A_90 = arith.muli %scan3A_88, %mul3A_89 : i32
      %add3A_91 = arith.constant 0 : i32
      %add3A_92 = arith.addi %add3A_91, %mul3A_90 : i32
      %mul3A_93 = arith.constant 4 : i32
      %mul3A_94 = arith.muli %mul3A_93, %add3A_92 : i32
      %add3A_95 = arith.constant 0 : i32
      %add3A_96 = arith.addi %mul3A_94, %add3A_95 : i32
      %ge3A = arith.constant 3 : i32
      %ge3A_97 = arith.cmpi sge, %add3A_96, %ge3A : i32
      %convert_element_type3A = arith.extui %ge3A_97 : i1 to i32
      %cond3A = arith.constant 0 : i32
      %cond3A_98 = arith.cmpi ne, %convert_element_type3A, %cond3A : i32
      scf.if %cond3A_98 {
        %dma_wait3A_323 = arith.constant 0 : i32
        %dma_wait3A_324 = arith.constant 0 : i32
        %dma_wait3A_325 = arith.constant 0 : i32
        %dma_wait3A_326 = arith.constant 0 : i32
        %dma_wait3A_327 = tpu.memref_slice %arg5[%dma_wait3A_323, %dma_wait3A_324, %dma_wait3A_325, %dma_wait3A_326] : memref<4096x1x50x192xf32, #tpu.memory_space<hbm>> -> memref<1x1x50x192xf32, #tpu.memory_space<hbm>>
        %dma_wait3A_328 = tpu.memref_squeeze %dma_wait3A_327 : memref<1x1x50x192xf32, #tpu.memory_space<hbm>> -> memref<1x50x192xf32, #tpu.memory_space<hbm>>
        %dma_wait3A_329 = arith.constant 0 : i32
        %dma_wait3A_330 = arith.constant 0 : i32
        %dma_wait3A_331 = arith.constant 0 : i32
        %dma_wait3A_332 = tpu.memref_slice %arg5[%dma_wait3A_323, %dma_wait3A_329, %dma_wait3A_330, %dma_wait3A_331] : memref<4096x1x50x192xf32, #tpu.memory_space<hbm>> -> memref<1x1x50x192xf32, #tpu.memory_space<hbm>>
        %dma_wait3A_333 = tpu.memref_squeeze %dma_wait3A_332 : memref<1x1x50x192xf32, #tpu.memory_space<hbm>> -> memref<1x50x192xf32, #tpu.memory_space<hbm>>
        tpu.wait_dma2 semaphore(%arg31 : memref<!tpu.dma_semaphore, #tpu.memory_space<semaphore_mem>>) src(%arg15 : memref<1x50x192xf32, #tpu.memory_space<vmem>>) dst(%dma_wait3A_333 : memref<1x50x192xf32, #tpu.memory_space<hbm>>)
      } else {
      }
      %add3A_99 = arith.constant 2 : i32
      %add3A_100 = arith.addi %add3A_96, %add3A_99 : i32
      %lt3A = arith.constant 128 : i32
      %lt3A_101 = arith.cmpi slt, %add3A_100, %lt3A : i32
      %convert_element_type3A_102 = arith.extui %lt3A_101 : i1 to i32
      %cond3A_103 = arith.constant 0 : i32
      %cond3A_104 = arith.cmpi ne, %convert_element_type3A_102, %cond3A_103 : i32
      scf.if %cond3A_104 {
        %add3A_323 = arith.constant 2 : i32
        %add3A_324 = arith.addi %add3A_96, %add3A_323 : i32
        %mul3A_325 = arith.constant 128 : i32
        %mul3A_326 = arith.muli %add3A, %mul3A_325 : i32
        %add3A_327 = arith.addi %mul3A_326, %add3A_324 : i32
        %dma_start3A_328 = arith.constant 0 : i32
        %dma_start3A_329 = arith.constant 0 : i32
        %dma_start3A_330 = tpu.memref_slice %arg2[%add3A_327, %dma_start3A_328, %dma_start3A_329] : memref<4096x2x50xi32, #tpu.memory_space<hbm>> -> memref<1x2x50xi32, #tpu.memory_space<hbm>>
        %dma_start3A_331 = tpu.memref_squeeze %dma_start3A_330 : memref<1x2x50xi32, #tpu.memory_space<hbm>> -> memref<2x50xi32, #tpu.memory_space<hbm>>
        %dma_start3A_332 = arith.constant 0 : i32
        %dma_start3A_333 = arith.constant 0 : i32
        %dma_start3A_334 = tpu.memref_slice %arg2[%add3A_327, %dma_start3A_332, %dma_start3A_333] : memref<4096x2x50xi32, #tpu.memory_space<hbm>> -> memref<1x2x50xi32, #tpu.memory_space<hbm>>
        %dma_start3A_335 = tpu.memref_squeeze %dma_start3A_334 : memref<1x2x50xi32, #tpu.memory_space<hbm>> -> memref<2x50xi32, #tpu.memory_space<hbm>>
        tpu.enqueue_dma source(%dma_start3A_335 : memref<2x50xi32, #tpu.memory_space<hbm>>) target(%arg8 : memref<2x50xi32, #tpu.memory_space<vmem>>) target_semaphore(%arg20 : memref<!tpu.dma_semaphore, #tpu.memory_space<semaphore_mem>>)
      } else {
      }
      %add3A_105 = arith.constant 1 : i32
      %add3A_106 = arith.addi %add3A_96, %add3A_105 : i32
      %lt3A_107 = arith.constant 128 : i32
      %lt3A_108 = arith.cmpi slt, %add3A_106, %lt3A_107 : i32
      %convert_element_type3A_109 = arith.extui %lt3A_108 : i1 to i32
      %cond3A_110 = arith.constant 0 : i32
      %cond3A_111 = arith.cmpi ne, %convert_element_type3A_109, %cond3A_110 : i32
      scf.if %cond3A_111 {
        %dma_wait3A_323 = arith.constant 0 : i32
        %dma_wait3A_324 = arith.constant 0 : i32
        %dma_wait3A_325 = arith.constant 0 : i32
        %dma_wait3A_326 = tpu.memref_slice %arg2[%dma_wait3A_323, %dma_wait3A_324, %dma_wait3A_325] : memref<4096x2x50xi32, #tpu.memory_space<hbm>> -> memref<1x2x50xi32, #tpu.memory_space<hbm>>
        %dma_wait3A_327 = tpu.memref_squeeze %dma_wait3A_326 : memref<1x2x50xi32, #tpu.memory_space<hbm>> -> memref<2x50xi32, #tpu.memory_space<hbm>>
        %dma_wait3A_328 = arith.constant 0 : i32
        %dma_wait3A_329 = arith.constant 0 : i32
        %dma_wait3A_330 = tpu.memref_slice %arg2[%dma_wait3A_323, %dma_wait3A_328, %dma_wait3A_329] : memref<4096x2x50xi32, #tpu.memory_space<hbm>> -> memref<1x2x50xi32, #tpu.memory_space<hbm>>
        %dma_wait3A_331 = tpu.memref_squeeze %dma_wait3A_330 : memref<1x2x50xi32, #tpu.memory_space<hbm>> -> memref<2x50xi32, #tpu.memory_space<hbm>>
        tpu.wait_dma2 semaphore(%arg19 : memref<!tpu.dma_semaphore, #tpu.memory_space<semaphore_mem>>) src(%dma_wait3A_331 : memref<2x50xi32, #tpu.memory_space<hbm>>) dst(%arg7 : memref<2x50xi32, #tpu.memory_space<vmem>>)
        %add3A_332 = arith.constant 1 : i32
        %add3A_333 = arith.addi %add3A_96, %add3A_332 : i32
        %dma_start3A_334 = arith.constant 0 : i32
        %dma_start3A_335 = arith.constant 0 : i32
        %dma_start3A_336 = arith.constant 0 : i32
        %dma_start3A_337 = arith.constant 0 : i32
        %dma_start3A_338 = tpu.memref_slice %arg15[%dma_start3A_335, %dma_start3A_336, %dma_start3A_337] : memref<1x50x192xf32, #tpu.memory_space<vmem>> -> memref<1x50x128xf32, #tpu.memory_space<vmem>>
        %dma_start3A_339 = tpu.memref_squeeze %dma_start3A_338 : memref<1x50x128xf32, #tpu.memory_space<vmem>> -> memref<50x128xf32, #tpu.memory_space<vmem>>
        %dma_start3A_340 = arith.constant 0 : i32
        %dma_start3A_341 = tpu.memref_slice %arg7[%dma_start3A_334, %dma_start3A_340] : memref<2x50xi32, #tpu.memory_space<vmem>> -> memref<1x50xi32, #tpu.memory_space<vmem>>
        %dma_start3A_342 = tpu.memref_squeeze %dma_start3A_341 : memref<1x50xi32, #tpu.memory_space<vmem>> -> memref<50xi32, #tpu.memory_space<vmem>>
        %dma_start3A_343 = arith.constant 0 : i32
        %dma_start3A_344 = arith.constant 0 : i32
        %dma_start3A_345 = tpu.memref_slice %arg3[%dma_start3A_343, %dma_start3A_344] : memref<100000x128xf32, #tpu.memory_space<hbm>> -> memref<100000x128xf32, #tpu.memory_space<hbm>>
        tpu.enqueue_indirect_dma source(%dma_start3A_345 : memref<100000x128xf32, #tpu.memory_space<hbm>>) target(%dma_start3A_339 : memref<50x128xf32, #tpu.memory_space<vmem>>) offsets(%dma_start3A_342 : memref<50xi32, #tpu.memory_space<vmem>>) semaphore(%arg23 : memref<!tpu.dma_semaphore, #tpu.memory_space<semaphore_mem>>)
        %dma_start3A_346 = arith.constant 1 : i32
        %dma_start3A_347 = arith.constant 0 : i32
        %dma_start3A_348 = tpu.memref_slice %arg7[%dma_start3A_346, %dma_start3A_347] : memref<2x50xi32, #tpu.memory_space<vmem>> -> memref<1x50xi32, #tpu.memory_space<vmem>>
        %dma_start3A_349 = tpu.memref_squeeze %dma_start3A_348 : memref<1x50xi32, #tpu.memory_space<vmem>> -> memref<50xi32, #tpu.memory_space<vmem>>
        %dma_start3A_350 = arith.constant 0 : i32
        %dma_start3A_351 = arith.constant 0 : i32
        %dma_start3A_352 = tpu.memref_slice %arg4[%dma_start3A_350, %dma_start3A_351] : memref<1000x128xf32, #tpu.memory_space<hbm>> -> memref<1000x128xf32, #tpu.memory_space<hbm>>
        tpu.enqueue_indirect_dma source(%dma_start3A_352 : memref<1000x128xf32, #tpu.memory_space<hbm>>) target(%arg11 : memref<50x128xf32, #tpu.memory_space<vmem>>) offsets(%dma_start3A_349 : memref<50xi32, #tpu.memory_space<vmem>>) semaphore(%arg27 : memref<!tpu.dma_semaphore, #tpu.memory_space<semaphore_mem>>)
      } else {
      }
      %dma_wait3A_112 = arith.constant 1 : i32
      %dma_wait3A_113 = arith.constant 0 : i32
      %dma_wait3A_114 = tpu.memref_slice %arg6[%dma_wait3A_112, %dma_wait3A_113] : memref<2x50xi32, #tpu.memory_space<vmem>> -> memref<1x50xi32, #tpu.memory_space<vmem>>
      %dma_wait3A_115 = tpu.memref_squeeze %dma_wait3A_114 : memref<1x50xi32, #tpu.memory_space<vmem>> -> memref<50xi32, #tpu.memory_space<vmem>>
      %dma_wait3A_116 = arith.constant 0 : i32
      %dma_wait3A_117 = arith.constant 0 : i32
      %dma_wait3A_118 = tpu.memref_slice %arg4[%dma_wait3A_116, %dma_wait3A_117] : memref<1000x128xf32, #tpu.memory_space<hbm>> -> memref<1000x128xf32, #tpu.memory_space<hbm>>
      tpu.wait_indirect_dma semaphore(%arg26 : memref<!tpu.dma_semaphore, #tpu.memory_space<semaphore_mem>>) src(%dma_wait3A_118 : memref<1000x128xf32, #tpu.memory_space<hbm>>) dst(%arg10 : memref<50x128xf32, #tpu.memory_space<vmem>>)
      %scan3A_119 = arith.constant 0 : i32
      %scan3A_120 = arith.constant 50 : i32
      %scan3A_121 = arith.addi %scan3A_119, %scan3A_120 : i32
      %scan3A_122 = arith.constant 10 : i32
      scf.for %scan3A_323 = %scan3A_119 to %scan3A_121 step %scan3A_122  : i32 {
        %mul3A_324 = arith.constant 1 : i32
        %mul3A_325 = arith.muli %scan3A_323, %mul3A_324 : i32
        %add3A_326 = arith.constant 0 : i32
        %add3A_327 = arith.addi %add3A_326, %mul3A_325 : i32
        %get3A = arith.index_cast %add3A_327 : i32 to index
        %get3A_328 = arith.constant 0 : index
        %get3A_329 = tpu.vector_load %arg10[%get3A, %get3A_328] {strides = array<i32>} : memref<50x128xf32, #tpu.memory_space<vmem>>, vector<1x16xf32>,
        %get3A_330 = vector.shape_cast %get3A_329 : vector<1x16xf32> to vector<16xf32>
        %swap3A = arith.constant 0 : i32
        %swap3A_331 = arith.index_cast %swap3A : i32 to index
        %swap3A_332 = arith.index_cast %add3A_327 : i32 to index
        %swap3A_333 = arith.constant 128 : index
        %swap3A_334 = tpu.vector_load %arg14[%swap3A_331, %swap3A_332, %swap3A_333] {strides = array<i32>} : memref<1x50x192xf32, #tpu.memory_space<vmem>>, vector<1x1x16xf32>,
        %swap3A_335 = vector.shape_cast %swap3A_334 : vector<1x1x16xf32> to vector<16xf32>
        %swap3A_336 = vector.shape_cast %get3A_330 : vector<16xf32> to vector<1x1x16xf32>
        tpu.vector_store %arg14[%swap3A_331, %swap3A_332, %swap3A_333], %swap3A_336 {strides = array<i32>} : memref<1x50x192xf32, #tpu.memory_space<vmem>>, vector<1x1x16xf32>,
        %get3A_337 = arith.index_cast %add3A_327 : i32 to index
        %get3A_338 = arith.constant 16 : index
        %get3A_339 = tpu.vector_load %arg10[%get3A_337, %get3A_338] {strides = array<i32>} : memref<50x128xf32, #tpu.memory_space<vmem>>, vector<1x16xf32>,
        %get3A_340 = vector.shape_cast %get3A_339 : vector<1x16xf32> to vector<16xf32>
        %swap3A_341 = arith.constant 0 : i32
        %swap3A_342 = arith.index_cast %swap3A_341 : i32 to index
        %swap3A_343 = arith.index_cast %add3A_327 : i32 to index
        %swap3A_344 = arith.constant 144 : index
        %swap3A_345 = tpu.vector_load %arg14[%swap3A_342, %swap3A_343, %swap3A_344] {strides = array<i32>} : memref<1x50x192xf32, #tpu.memory_space<vmem>>, vector<1x1x16xf32>,
        %swap3A_346 = vector.shape_cast %swap3A_345 : vector<1x1x16xf32> to vector<16xf32>
        %swap3A_347 = vector.shape_cast %get3A_340 : vector<16xf32> to vector<1x1x16xf32>
        tpu.vector_store %arg14[%swap3A_342, %swap3A_343, %swap3A_344], %swap3A_347 {strides = array<i32>} : memref<1x50x192xf32, #tpu.memory_space<vmem>>, vector<1x1x16xf32>,
        %get3A_348 = arith.index_cast %add3A_327 : i32 to index
        %get3A_349 = arith.constant 32 : index
        %get3A_350 = tpu.vector_load %arg10[%get3A_348, %get3A_349] {strides = array<i32>} : memref<50x128xf32, #tpu.memory_space<vmem>>, vector<1x16xf32>,
        %get3A_351 = vector.shape_cast %get3A_350 : vector<1x16xf32> to vector<16xf32>
        %swap3A_352 = arith.constant 0 : i32
        %swap3A_353 = arith.index_cast %swap3A_352 : i32 to index
        %swap3A_354 = arith.index_cast %add3A_327 : i32 to index
        %swap3A_355 = arith.constant 160 : index
        %swap3A_356 = tpu.vector_load %arg14[%swap3A_353, %swap3A_354, %swap3A_355] {strides = array<i32>} : memref<1x50x192xf32, #tpu.memory_space<vmem>>, vector<1x1x16xf32>,
        %swap3A_357 = vector.shape_cast %swap3A_356 : vector<1x1x16xf32> to vector<16xf32>
        %swap3A_358 = vector.shape_cast %get3A_351 : vector<16xf32> to vector<1x1x16xf32>
        tpu.vector_store %arg14[%swap3A_353, %swap3A_354, %swap3A_355], %swap3A_358 {strides = array<i32>} : memref<1x50x192xf32, #tpu.memory_space<vmem>>, vector<1x1x16xf32>,
        %get3A_359 = arith.index_cast %add3A_327 : i32 to index
        %get3A_360 = arith.constant 48 : index
        %get3A_361 = tpu.vector_load %arg10[%get3A_359, %get3A_360] {strides = array<i32>} : memref<50x128xf32, #tpu.memory_space<vmem>>, vector<1x16xf32>,
        %get3A_362 = vector.shape_cast %get3A_361 : vector<1x16xf32> to vector<16xf32>
        %swap3A_363 = arith.constant 0 : i32
        %swap3A_364 = arith.index_cast %swap3A_363 : i32 to index
        %swap3A_365 = arith.index_cast %add3A_327 : i32 to index
        %swap3A_366 = arith.constant 176 : index
        %swap3A_367 = tpu.vector_load %arg14[%swap3A_364, %swap3A_365, %swap3A_366] {strides = array<i32>} : memref<1x50x192xf32, #tpu.memory_space<vmem>>, vector<1x1x16xf32>,
        %swap3A_368 = vector.shape_cast %swap3A_367 : vector<1x1x16xf32> to vector<16xf32>
        %swap3A_369 = vector.shape_cast %get3A_362 : vector<16xf32> to vector<1x1x16xf32>
        tpu.vector_store %arg14[%swap3A_364, %swap3A_365, %swap3A_366], %swap3A_369 {strides = array<i32>} : memref<1x50x192xf32, #tpu.memory_space<vmem>>, vector<1x1x16xf32>,
        %scan3A_370 = arith.constant 1 : i32
        %scan3A_371 = arith.addi %scan3A_323, %scan3A_370 : i32
        %mul3A_372 = arith.constant 1 : i32
        %mul3A_373 = arith.muli %scan3A_371, %mul3A_372 : i32
        %add3A_374 = arith.constant 0 : i32
        %add3A_375 = arith.addi %add3A_374, %mul3A_373 : i32
        %get3A_376 = arith.index_cast %add3A_375 : i32 to index
        %get3A_377 = arith.constant 0 : index
        %get3A_378 = tpu.vector_load %arg10[%get3A_376, %get3A_377] {strides = array<i32>} : memref<50x128xf32, #tpu.memory_space<vmem>>, vector<1x16xf32>,
        %get3A_379 = vector.shape_cast %get3A_378 : vector<1x16xf32> to vector<16xf32>
        %swap3A_380 = arith.constant 0 : i32
        %swap3A_381 = arith.index_cast %swap3A_380 : i32 to index
        %swap3A_382 = arith.index_cast %add3A_375 : i32 to index
        %swap3A_383 = arith.constant 128 : index
        %swap3A_384 = tpu.vector_load %arg14[%swap3A_381, %swap3A_382, %swap3A_383] {strides = array<i32>} : memref<1x50x192xf32, #tpu.memory_space<vmem>>, vector<1x1x16xf32>,
        %swap3A_385 = vector.shape_cast %swap3A_384 : vector<1x1x16xf32> to vector<16xf32>
        %swap3A_386 = vector.shape_cast %get3A_379 : vector<16xf32> to vector<1x1x16xf32>
        tpu.vector_store %arg14[%swap3A_381, %swap3A_382, %swap3A_383], %swap3A_386 {strides = array<i32>} : memref<1x50x192xf32, #tpu.memory_space<vmem>>, vector<1x1x16xf32>,
        %get3A_387 = arith.index_cast %add3A_375 : i32 to index
        %get3A_388 = arith.constant 16 : index
        %get3A_389 = tpu.vector_load %arg10[%get3A_387, %get3A_388] {strides = array<i32>} : memref<50x128xf32, #tpu.memory_space<vmem>>, vector<1x16xf32>,
        %get3A_390 = vector.shape_cast %get3A_389 : vector<1x16xf32> to vector<16xf32>
        %swap3A_391 = arith.constant 0 : i32
        %swap3A_392 = arith.index_cast %swap3A_391 : i32 to index
        %swap3A_393 = arith.index_cast %add3A_375 : i32 to index
        %swap3A_394 = arith.constant 144 : index
        %swap3A_395 = tpu.vector_load %arg14[%swap3A_392, %swap3A_393, %swap3A_394] {strides = array<i32>} : memref<1x50x192xf32, #tpu.memory_space<vmem>>, vector<1x1x16xf32>,
        %swap3A_396 = vector.shape_cast %swap3A_395 : vector<1x1x16xf32> to vector<16xf32>
        %swap3A_397 = vector.shape_cast %get3A_390 : vector<16xf32> to vector<1x1x16xf32>
        tpu.vector_store %arg14[%swap3A_392, %swap3A_393, %swap3A_394], %swap3A_397 {strides = array<i32>} : memref<1x50x192xf32, #tpu.memory_space<vmem>>, vector<1x1x16xf32>,
        %get3A_398 = arith.index_cast %add3A_375 : i32 to index
        %get3A_399 = arith.constant 32 : index
        %get3A_400 = tpu.vector_load %arg10[%get3A_398, %get3A_399] {strides = array<i32>} : memref<50x128xf32, #tpu.memory_space<vmem>>, vector<1x16xf32>,
        %get3A_401 = vector.shape_cast %get3A_400 : vector<1x16xf32> to vector<16xf32>
        %swap3A_402 = arith.constant 0 : i32
        %swap3A_403 = arith.index_cast %swap3A_402 : i32 to index
        %swap3A_404 = arith.index_cast %add3A_375 : i32 to index
        %swap3A_405 = arith.constant 160 : index
        %swap3A_406 = tpu.vector_load %arg14[%swap3A_403, %swap3A_404, %swap3A_405] {strides = array<i32>} : memref<1x50x192xf32, #tpu.memory_space<vmem>>, vector<1x1x16xf32>,
        %swap3A_407 = vector.shape_cast %swap3A_406 : vector<1x1x16xf32> to vector<16xf32>
        %swap3A_408 = vector.shape_cast %get3A_401 : vector<16xf32> to vector<1x1x16xf32>
        tpu.vector_store %arg14[%swap3A_403, %swap3A_404, %swap3A_405], %swap3A_408 {strides = array<i32>} : memref<1x50x192xf32, #tpu.memory_space<vmem>>, vector<1x1x16xf32>,
        %get3A_409 = arith.index_cast %add3A_375 : i32 to index
        %get3A_410 = arith.constant 48 : index
        %get3A_411 = tpu.vector_load %arg10[%get3A_409, %get3A_410] {strides = array<i32>} : memref<50x128xf32, #tpu.memory_space<vmem>>, vector<1x16xf32>,
        %get3A_412 = vector.shape_cast %get3A_411 : vector<1x16xf32> to vector<16xf32>
        %swap3A_413 = arith.constant 0 : i32
        %swap3A_414 = arith.index_cast %swap3A_413 : i32 to index
        %swap3A_415 = arith.index_cast %add3A_375 : i32 to index
        %swap3A_416 = arith.constant 176 : index
        %swap3A_417 = tpu.vector_load %arg14[%swap3A_414, %swap3A_415, %swap3A_416] {strides = array<i32>} : memref<1x50x192xf32, #tpu.memory_space<vmem>>, vector<1x1x16xf32>,
        %swap3A_418 = vector.shape_cast %swap3A_417 : vector<1x1x16xf32> to vector<16xf32>
        %swap3A_419 = vector.shape_cast %get3A_412 : vector<16xf32> to vector<1x1x16xf32>
        tpu.vector_store %arg14[%swap3A_414, %swap3A_415, %swap3A_416], %swap3A_419 {strides = array<i32>} : memref<1x50x192xf32, #tpu.memory_space<vmem>>, vector<1x1x16xf32>,
        %scan3A_420 = arith.constant 2 : i32
        %scan3A_421 = arith.addi %scan3A_323, %scan3A_420 : i32
        %mul3A_422 = arith.constant 1 : i32
        %mul3A_423 = arith.muli %scan3A_421, %mul3A_422 : i32
        %add3A_424 = arith.constant 0 : i32
        %add3A_425 = arith.addi %add3A_424, %mul3A_423 : i32
        %get3A_426 = arith.index_cast %add3A_425 : i32 to index
        %get3A_427 = arith.constant 0 : index
        %get3A_428 = tpu.vector_load %arg10[%get3A_426, %get3A_427] {strides = array<i32>} : memref<50x128xf32, #tpu.memory_space<vmem>>, vector<1x16xf32>,
        %get3A_429 = vector.shape_cast %get3A_428 : vector<1x16xf32> to vector<16xf32>
        %swap3A_430 = arith.constant 0 : i32
        %swap3A_431 = arith.index_cast %swap3A_430 : i32 to index
        %swap3A_432 = arith.index_cast %add3A_425 : i32 to index
        %swap3A_433 = arith.constant 128 : index
        %swap3A_434 = tpu.vector_load %arg14[%swap3A_431, %swap3A_432, %swap3A_433] {strides = array<i32>} : memref<1x50x192xf32, #tpu.memory_space<vmem>>, vector<1x1x16xf32>,
        %swap3A_435 = vector.shape_cast %swap3A_434 : vector<1x1x16xf32> to vector<16xf32>
        %swap3A_436 = vector.shape_cast %get3A_429 : vector<16xf32> to vector<1x1x16xf32>
        tpu.vector_store %arg14[%swap3A_431, %swap3A_432, %swap3A_433], %swap3A_436 {strides = array<i32>} : memref<1x50x192xf32, #tpu.memory_space<vmem>>, vector<1x1x16xf32>,
        %get3A_437 = arith.index_cast %add3A_425 : i32 to index
        %get3A_438 = arith.constant 16 : index
        %get3A_439 = tpu.vector_load %arg10[%get3A_437, %get3A_438] {strides = array<i32>} : memref<50x128xf32, #tpu.memory_space<vmem>>, vector<1x16xf32>,
        %get3A_440 = vector.shape_cast %get3A_439 : vector<1x16xf32> to vector<16xf32>
        %swap3A_441 = arith.constant 0 : i32
        %swap3A_442 = arith.index_cast %swap3A_441 : i32 to index
        %swap3A_443 = arith.index_cast %add3A_425 : i32 to index
        %swap3A_444 = arith.constant 144 : index
        %swap3A_445 = tpu.vector_load %arg14[%swap3A_442, %swap3A_443, %swap3A_444] {strides = array<i32>} : memref<1x50x192xf32, #tpu.memory_space<vmem>>, vector<1x1x16xf32>,
        %swap3A_446 = vector.shape_cast %swap3A_445 : vector<1x1x16xf32> to vector<16xf32>
        %swap3A_447 = vector.shape_cast %get3A_440 : vector<16xf32> to vector<1x1x16xf32>
        tpu.vector_store %arg14[%swap3A_442, %swap3A_443, %swap3A_444], %swap3A_447 {strides = array<i32>} : memref<1x50x192xf32, #tpu.memory_space<vmem>>, vector<1x1x16xf32>,
        %get3A_448 = arith.index_cast %add3A_425 : i32 to index
        %get3A_449 = arith.constant 32 : index
        %get3A_450 = tpu.vector_load %arg10[%get3A_448, %get3A_449] {strides = array<i32>} : memref<50x128xf32, #tpu.memory_space<vmem>>, vector<1x16xf32>,
        %get3A_451 = vector.shape_cast %get3A_450 : vector<1x16xf32> to vector<16xf32>
        %swap3A_452 = arith.constant 0 : i32
        %swap3A_453 = arith.index_cast %swap3A_452 : i32 to index
        %swap3A_454 = arith.index_cast %add3A_425 : i32 to index
        %swap3A_455 = arith.constant 160 : index
        %swap3A_456 = tpu.vector_load %arg14[%swap3A_453, %swap3A_454, %swap3A_455] {strides = array<i32>} : memref<1x50x192xf32, #tpu.memory_space<vmem>>, vector<1x1x16xf32>,
        %swap3A_457 = vector.shape_cast %swap3A_456 : vector<1x1x16xf32> to vector<16xf32>
        %swap3A_458 = vector.shape_cast %get3A_451 : vector<16xf32> to vector<1x1x16xf32>
        tpu.vector_store %arg14[%swap3A_453, %swap3A_454, %swap3A_455], %swap3A_458 {strides = array<i32>} : memref<1x50x192xf32, #tpu.memory_space<vmem>>, vector<1x1x16xf32>,
        %get3A_459 = arith.index_cast %add3A_425 : i32 to index
        %get3A_460 = arith.constant 48 : index
        %get3A_461 = tpu.vector_load %arg10[%get3A_459, %get3A_460] {strides = array<i32>} : memref<50x128xf32, #tpu.memory_space<vmem>>, vector<1x16xf32>,
        %get3A_462 = vector.shape_cast %get3A_461 : vector<1x16xf32> to vector<16xf32>
        %swap3A_463 = arith.constant 0 : i32
        %swap3A_464 = arith.index_cast %swap3A_463 : i32 to index
        %swap3A_465 = arith.index_cast %add3A_425 : i32 to index
        %swap3A_466 = arith.constant 176 : index
        %swap3A_467 = tpu.vector_load %arg14[%swap3A_464, %swap3A_465, %swap3A_466] {strides = array<i32>} : memref<1x50x192xf32, #tpu.memory_space<vmem>>, vector<1x1x16xf32>,
        %swap3A_468 = vector.shape_cast %swap3A_467 : vector<1x1x16xf32> to vector<16xf32>
        %swap3A_469 = vector.shape_cast %get3A_462 : vector<16xf32> to vector<1x1x16xf32>
        tpu.vector_store %arg14[%swap3A_464, %swap3A_465, %swap3A_466], %swap3A_469 {strides = array<i32>} : memref<1x50x192xf32, #tpu.memory_space<vmem>>, vector<1x1x16xf32>,
        %scan3A_470 = arith.constant 3 : i32
        %scan3A_471 = arith.addi %scan3A_323, %scan3A_470 : i32
        %mul3A_472 = arith.constant 1 : i32
        %mul3A_473 = arith.muli %scan3A_471, %mul3A_472 : i32
        %add3A_474 = arith.constant 0 : i32
        %add3A_475 = arith.addi %add3A_474, %mul3A_473 : i32
        %get3A_476 = arith.index_cast %add3A_475 : i32 to index
        %get3A_477 = arith.constant 0 : index
        %get3A_478 = tpu.vector_load %arg10[%get3A_476, %get3A_477] {strides = array<i32>} : memref<50x128xf32, #tpu.memory_space<vmem>>, vector<1x16xf32>,
        %get3A_479 = vector.shape_cast %get3A_478 : vector<1x16xf32> to vector<16xf32>
        %swap3A_480 = arith.constant 0 : i32
        %swap3A_481 = arith.index_cast %swap3A_480 : i32 to index
        %swap3A_482 = arith.index_cast %add3A_475 : i32 to index
        %swap3A_483 = arith.constant 128 : index
        %swap3A_484 = tpu.vector_load %arg14[%swap3A_481, %swap3A_482, %swap3A_483] {strides = array<i32>} : memref<1x50x192xf32, #tpu.memory_space<vmem>>, vector<1x1x16xf32>,
        %swap3A_485 = vector.shape_cast %swap3A_484 : vector<1x1x16xf32> to vector<16xf32>
        %swap3A_486 = vector.shape_cast %get3A_479 : vector<16xf32> to vector<1x1x16xf32>
        tpu.vector_store %arg14[%swap3A_481, %swap3A_482, %swap3A_483], %swap3A_486 {strides = array<i32>} : memref<1x50x192xf32, #tpu.memory_space<vmem>>, vector<1x1x16xf32>,
        %get3A_487 = arith.index_cast %add3A_475 : i32 to index
        %get3A_488 = arith.constant 16 : index
        %get3A_489 = tpu.vector_load %arg10[%get3A_487, %get3A_488] {strides = array<i32>} : memref<50x128xf32, #tpu.memory_space<vmem>>, vector<1x16xf32>,
        %get3A_490 = vector.shape_cast %get3A_489 : vector<1x16xf32> to vector<16xf32>
        %swap3A_491 = arith.constant 0 : i32
        %swap3A_492 = arith.index_cast %swap3A_491 : i32 to index
        %swap3A_493 = arith.index_cast %add3A_475 : i32 to index
        %swap3A_494 = arith.constant 144 : index
        %swap3A_495 = tpu.vector_load %arg14[%swap3A_492, %swap3A_493, %swap3A_494] {strides = array<i32>} : memref<1x50x192xf32, #tpu.memory_space<vmem>>, vector<1x1x16xf32>,
        %swap3A_496 = vector.shape_cast %swap3A_495 : vector<1x1x16xf32> to vector<16xf32>
        %swap3A_497 = vector.shape_cast %get3A_490 : vector<16xf32> to vector<1x1x16xf32>
        tpu.vector_store %arg14[%swap3A_492, %swap3A_493, %swap3A_494], %swap3A_497 {strides = array<i32>} : memref<1x50x192xf32, #tpu.memory_space<vmem>>, vector<1x1x16xf32>,
        %get3A_498 = arith.index_cast %add3A_475 : i32 to index
        %get3A_499 = arith.constant 32 : index
        %get3A_500 = tpu.vector_load %arg10[%get3A_498, %get3A_499] {strides = array<i32>} : memref<50x128xf32, #tpu.memory_space<vmem>>, vector<1x16xf32>,
        %get3A_501 = vector.shape_cast %get3A_500 : vector<1x16xf32> to vector<16xf32>
        %swap3A_502 = arith.constant 0 : i32
        %swap3A_503 = arith.index_cast %swap3A_502 : i32 to index
        %swap3A_504 = arith.index_cast %add3A_475 : i32 to index
        %swap3A_505 = arith.constant 160 : index
        %swap3A_506 = tpu.vector_load %arg14[%swap3A_503, %swap3A_504, %swap3A_505] {strides = array<i32>} : memref<1x50x192xf32, #tpu.memory_space<vmem>>, vector<1x1x16xf32>,
        %swap3A_507 = vector.shape_cast %swap3A_506 : vector<1x1x16xf32> to vector<16xf32>
        %swap3A_508 = vector.shape_cast %get3A_501 : vector<16xf32> to vector<1x1x16xf32>
        tpu.vector_store %arg14[%swap3A_503, %swap3A_504, %swap3A_505], %swap3A_508 {strides = array<i32>} : memref<1x50x192xf32, #tpu.memory_space<vmem>>, vector<1x1x16xf32>,
        %get3A_509 = arith.index_cast %add3A_475 : i32 to index
        %get3A_510 = arith.constant 48 : index
        %get3A_511 = tpu.vector_load %arg10[%get3A_509, %get3A_510] {strides = array<i32>} : memref<50x128xf32, #tpu.memory_space<vmem>>, vector<1x16xf32>,
        %get3A_512 = vector.shape_cast %get3A_511 : vector<1x16xf32> to vector<16xf32>
        %swap3A_513 = arith.constant 0 : i32
        %swap3A_514 = arith.index_cast %swap3A_513 : i32 to index
        %swap3A_515 = arith.index_cast %add3A_475 : i32 to index
        %swap3A_516 = arith.constant 176 : index
        %swap3A_517 = tpu.vector_load %arg14[%swap3A_514, %swap3A_515, %swap3A_516] {strides = array<i32>} : memref<1x50x192xf32, #tpu.memory_space<vmem>>, vector<1x1x16xf32>,
        %swap3A_518 = vector.shape_cast %swap3A_517 : vector<1x1x16xf32> to vector<16xf32>
        %swap3A_519 = vector.shape_cast %get3A_512 : vector<16xf32> to vector<1x1x16xf32>
        tpu.vector_store %arg14[%swap3A_514, %swap3A_515, %swap3A_516], %swap3A_519 {strides = array<i32>} : memref<1x50x192xf32, #tpu.memory_space<vmem>>, vector<1x1x16xf32>,
        %scan3A_520 = arith.constant 4 : i32
        %scan3A_521 = arith.addi %scan3A_323, %scan3A_520 : i32
        %mul3A_522 = arith.constant 1 : i32
        %mul3A_523 = arith.muli %scan3A_521, %mul3A_522 : i32
        %add3A_524 = arith.constant 0 : i32
        %add3A_525 = arith.addi %add3A_524, %mul3A_523 : i32
        %get3A_526 = arith.index_cast %add3A_525 : i32 to index
        %get3A_527 = arith.constant 0 : index
        %get3A_528 = tpu.vector_load %arg10[%get3A_526, %get3A_527] {strides = array<i32>} : memref<50x128xf32, #tpu.memory_space<vmem>>, vector<1x16xf32>,
        %get3A_529 = vector.shape_cast %get3A_528 : vector<1x16xf32> to vector<16xf32>
        %swap3A_530 = arith.constant 0 : i32
        %swap3A_531 = arith.index_cast %swap3A_530 : i32 to index
        %swap3A_532 = arith.index_cast %add3A_525 : i32 to index
        %swap3A_533 = arith.constant 128 : index
        %swap3A_534 = tpu.vector_load %arg14[%swap3A_531, %swap3A_532, %swap3A_533] {strides = array<i32>} : memref<1x50x192xf32, #tpu.memory_space<vmem>>, vector<1x1x16xf32>,
        %swap3A_535 = vector.shape_cast %swap3A_534 : vector<1x1x16xf32> to vector<16xf32>
        %swap3A_536 = vector.shape_cast %get3A_529 : vector<16xf32> to vector<1x1x16xf32>
        tpu.vector_store %arg14[%swap3A_531, %swap3A_532, %swap3A_533], %swap3A_536 {strides = array<i32>} : memref<1x50x192xf32, #tpu.memory_space<vmem>>, vector<1x1x16xf32>,
        %get3A_537 = arith.index_cast %add3A_525 : i32 to index
        %get3A_538 = arith.constant 16 : index
        %get3A_539 = tpu.vector_load %arg10[%get3A_537, %get3A_538] {strides = array<i32>} : memref<50x128xf32, #tpu.memory_space<vmem>>, vector<1x16xf32>,
        %get3A_540 = vector.shape_cast %get3A_539 : vector<1x16xf32> to vector<16xf32>
        %swap3A_541 = arith.constant 0 : i32
        %swap3A_542 = arith.index_cast %swap3A_541 : i32 to index
        %swap3A_543 = arith.index_cast %add3A_525 : i32 to index
        %swap3A_544 = arith.constant 144 : index
        %swap3A_545 = tpu.vector_load %arg14[%swap3A_542, %swap3A_543, %swap3A_544] {strides = array<i32>} : memref<1x50x192xf32, #tpu.memory_space<vmem>>, vector<1x1x16xf32>,
        %swap3A_546 = vector.shape_cast %swap3A_545 : vector<1x1x16xf32> to vector<16xf32>
        %swap3A_547 = vector.shape_cast %get3A_540 : vector<16xf32> to vector<1x1x16xf32>
        tpu.vector_store %arg14[%swap3A_542, %swap3A_543, %swap3A_544], %swap3A_547 {strides = array<i32>} : memref<1x50x192xf32, #tpu.memory_space<vmem>>, vector<1x1x16xf32>,
        %get3A_548 = arith.index_cast %add3A_525 : i32 to index
        %get3A_549 = arith.constant 32 : index
        %get3A_550 = tpu.vector_load %arg10[%get3A_548, %get3A_549] {strides = array<i32>} : memref<50x128xf32, #tpu.memory_space<vmem>>, vector<1x16xf32>,
        %get3A_551 = vector.shape_cast %get3A_550 : vector<1x16xf32> to vector<16xf32>
        %swap3A_552 = arith.constant 0 : i32
        %swap3A_553 = arith.index_cast %swap3A_552 : i32 to index
        %swap3A_554 = arith.index_cast %add3A_525 : i32 to index
        %swap3A_555 = arith.constant 160 : index
        %swap3A_556 = tpu.vector_load %arg14[%swap3A_553, %swap3A_554, %swap3A_555] {strides = array<i32>} : memref<1x50x192xf32, #tpu.memory_space<vmem>>, vector<1x1x16xf32>,
        %swap3A_557 = vector.shape_cast %swap3A_556 : vector<1x1x16xf32> to vector<16xf32>
        %swap3A_558 = vector.shape_cast %get3A_551 : vector<16xf32> to vector<1x1x16xf32>
        tpu.vector_store %arg14[%swap3A_553, %swap3A_554, %swap3A_555], %swap3A_558 {strides = array<i32>} : memref<1x50x192xf32, #tpu.memory_space<vmem>>, vector<1x1x16xf32>,
        %get3A_559 = arith.index_cast %add3A_525 : i32 to index
        %get3A_560 = arith.constant 48 : index
        %get3A_561 = tpu.vector_load %arg10[%get3A_559, %get3A_560] {strides = array<i32>} : memref<50x128xf32, #tpu.memory_space<vmem>>, vector<1x16xf32>,
        %get3A_562 = vector.shape_cast %get3A_561 : vector<1x16xf32> to vector<16xf32>
        %swap3A_563 = arith.constant 0 : i32
        %swap3A_564 = arith.index_cast %swap3A_563 : i32 to index
        %swap3A_565 = arith.index_cast %add3A_525 : i32 to index
        %swap3A_566 = arith.constant 176 : index
        %swap3A_567 = tpu.vector_load %arg14[%swap3A_564, %swap3A_565, %swap3A_566] {strides = array<i32>} : memref<1x50x192xf32, #tpu.memory_space<vmem>>, vector<1x1x16xf32>,
        %swap3A_568 = vector.shape_cast %swap3A_567 : vector<1x1x16xf32> to vector<16xf32>
        %swap3A_569 = vector.shape_cast %get3A_562 : vector<16xf32> to vector<1x1x16xf32>
        tpu.vector_store %arg14[%swap3A_564, %swap3A_565, %swap3A_566], %swap3A_569 {strides = array<i32>} : memref<1x50x192xf32, #tpu.memory_space<vmem>>, vector<1x1x16xf32>,
        %scan3A_570 = arith.constant 5 : i32
        %scan3A_571 = arith.addi %scan3A_323, %scan3A_570 : i32
        %mul3A_572 = arith.constant 1 : i32
        %mul3A_573 = arith.muli %scan3A_571, %mul3A_572 : i32
        %add3A_574 = arith.constant 0 : i32
        %add3A_575 = arith.addi %add3A_574, %mul3A_573 : i32
        %get3A_576 = arith.index_cast %add3A_575 : i32 to index
        %get3A_577 = arith.constant 0 : index
        %get3A_578 = tpu.vector_load %arg10[%get3A_576, %get3A_577] {strides = array<i32>} : memref<50x128xf32, #tpu.memory_space<vmem>>, vector<1x16xf32>,
        %get3A_579 = vector.shape_cast %get3A_578 : vector<1x16xf32> to vector<16xf32>
        %swap3A_580 = arith.constant 0 : i32
        %swap3A_581 = arith.index_cast %swap3A_580 : i32 to index
        %swap3A_582 = arith.index_cast %add3A_575 : i32 to index
        %swap3A_583 = arith.constant 128 : index
        %swap3A_584 = tpu.vector_load %arg14[%swap3A_581, %swap3A_582, %swap3A_583] {strides = array<i32>} : memref<1x50x192xf32, #tpu.memory_space<vmem>>, vector<1x1x16xf32>,
        %swap3A_585 = vector.shape_cast %swap3A_584 : vector<1x1x16xf32> to vector<16xf32>
        %swap3A_586 = vector.shape_cast %get3A_579 : vector<16xf32> to vector<1x1x16xf32>
        tpu.vector_store %arg14[%swap3A_581, %swap3A_582, %swap3A_583], %swap3A_586 {strides = array<i32>} : memref<1x50x192xf32, #tpu.memory_space<vmem>>, vector<1x1x16xf32>,
        %get3A_587 = arith.index_cast %add3A_575 : i32 to index
        %get3A_588 = arith.constant 16 : index
        %get3A_589 = tpu.vector_load %arg10[%get3A_587, %get3A_588] {strides = array<i32>} : memref<50x128xf32, #tpu.memory_space<vmem>>, vector<1x16xf32>,
        %get3A_590 = vector.shape_cast %get3A_589 : vector<1x16xf32> to vector<16xf32>
        %swap3A_591 = arith.constant 0 : i32
        %swap3A_592 = arith.index_cast %swap3A_591 : i32 to index
        %swap3A_593 = arith.index_cast %add3A_575 : i32 to index
        %swap3A_594 = arith.constant 144 : index
        %swap3A_595 = tpu.vector_load %arg14[%swap3A_592, %swap3A_593, %swap3A_594] {strides = array<i32>} : memref<1x50x192xf32, #tpu.memory_space<vmem>>, vector<1x1x16xf32>,
        %swap3A_596 = vector.shape_cast %swap3A_595 : vector<1x1x16xf32> to vector<16xf32>
        %swap3A_597 = vector.shape_cast %get3A_590 : vector<16xf32> to vector<1x1x16xf32>
        tpu.vector_store %arg14[%swap3A_592, %swap3A_593, %swap3A_594], %swap3A_597 {strides = array<i32>} : memref<1x50x192xf32, #tpu.memory_space<vmem>>, vector<1x1x16xf32>,
        %get3A_598 = arith.index_cast %add3A_575 : i32 to index
        %get3A_599 = arith.constant 32 : index
        %get3A_600 = tpu.vector_load %arg10[%get3A_598, %get3A_599] {strides = array<i32>} : memref<50x128xf32, #tpu.memory_space<vmem>>, vector<1x16xf32>,
        %get3A_601 = vector.shape_cast %get3A_600 : vector<1x16xf32> to vector<16xf32>
        %swap3A_602 = arith.constant 0 : i32
        %swap3A_603 = arith.index_cast %swap3A_602 : i32 to index
        %swap3A_604 = arith.index_cast %add3A_575 : i32 to index
        %swap3A_605 = arith.constant 160 : index
        %swap3A_606 = tpu.vector_load %arg14[%swap3A_603, %swap3A_604, %swap3A_605] {strides = array<i32>} : memref<1x50x192xf32, #tpu.memory_space<vmem>>, vector<1x1x16xf32>,
        %swap3A_607 = vector.shape_cast %swap3A_606 : vector<1x1x16xf32> to vector<16xf32>
        %swap3A_608 = vector.shape_cast %get3A_601 : vector<16xf32> to vector<1x1x16xf32>
        tpu.vector_store %arg14[%swap3A_603, %swap3A_604, %swap3A_605], %swap3A_608 {strides = array<i32>} : memref<1x50x192xf32, #tpu.memory_space<vmem>>, vector<1x1x16xf32>,
        %get3A_609 = arith.index_cast %add3A_575 : i32 to index
        %get3A_610 = arith.constant 48 : index
        %get3A_611 = tpu.vector_load %arg10[%get3A_609, %get3A_610] {strides = array<i32>} : memref<50x128xf32, #tpu.memory_space<vmem>>, vector<1x16xf32>,
        %get3A_612 = vector.shape_cast %get3A_611 : vector<1x16xf32> to vector<16xf32>
        %swap3A_613 = arith.constant 0 : i32
        %swap3A_614 = arith.index_cast %swap3A_613 : i32 to index
        %swap3A_615 = arith.index_cast %add3A_575 : i32 to index
        %swap3A_616 = arith.constant 176 : index
        %swap3A_617 = tpu.vector_load %arg14[%swap3A_614, %swap3A_615, %swap3A_616] {strides = array<i32>} : memref<1x50x192xf32, #tpu.memory_space<vmem>>, vector<1x1x16xf32>,
        %swap3A_618 = vector.shape_cast %swap3A_617 : vector<1x1x16xf32> to vector<16xf32>
        %swap3A_619 = vector.shape_cast %get3A_612 : vector<16xf32> to vector<1x1x16xf32>
        tpu.vector_store %arg14[%swap3A_614, %swap3A_615, %swap3A_616], %swap3A_619 {strides = array<i32>} : memref<1x50x192xf32, #tpu.memory_space<vmem>>, vector<1x1x16xf32>,
        %scan3A_620 = arith.constant 6 : i32
        %scan3A_621 = arith.addi %scan3A_323, %scan3A_620 : i32
        %mul3A_622 = arith.constant 1 : i32
        %mul3A_623 = arith.muli %scan3A_621, %mul3A_622 : i32
        %add3A_624 = arith.constant 0 : i32
        %add3A_625 = arith.addi %add3A_624, %mul3A_623 : i32
        %get3A_626 = arith.index_cast %add3A_625 : i32 to index
        %get3A_627 = arith.constant 0 : index
        %get3A_628 = tpu.vector_load %arg10[%get3A_626, %get3A_627] {strides = array<i32>} : memref<50x128xf32, #tpu.memory_space<vmem>>, vector<1x16xf32>,
        %get3A_629 = vector.shape_cast %get3A_628 : vector<1x16xf32> to vector<16xf32>
        %swap3A_630 = arith.constant 0 : i32
        %swap3A_631 = arith.index_cast %swap3A_630 : i32 to index
        %swap3A_632 = arith.index_cast %add3A_625 : i32 to index
        %swap3A_633 = arith.constant 128 : index
        %swap3A_634 = tpu.vector_load %arg14[%swap3A_631, %swap3A_632, %swap3A_633] {strides = array<i32>} : memref<1x50x192xf32, #tpu.memory_space<vmem>>, vector<1x1x16xf32>,
        %swap3A_635 = vector.shape_cast %swap3A_634 : vector<1x1x16xf32> to vector<16xf32>
        %swap3A_636 = vector.shape_cast %get3A_629 : vector<16xf32> to vector<1x1x16xf32>
        tpu.vector_store %arg14[%swap3A_631, %swap3A_632, %swap3A_633], %swap3A_636 {strides = array<i32>} : memref<1x50x192xf32, #tpu.memory_space<vmem>>, vector<1x1x16xf32>,
        %get3A_637 = arith.index_cast %add3A_625 : i32 to index
        %get3A_638 = arith.constant 16 : index
        %get3A_639 = tpu.vector_load %arg10[%get3A_637, %get3A_638] {strides = array<i32>} : memref<50x128xf32, #tpu.memory_space<vmem>>, vector<1x16xf32>,
        %get3A_640 = vector.shape_cast %get3A_639 : vector<1x16xf32> to vector<16xf32>
        %swap3A_641 = arith.constant 0 : i32
        %swap3A_642 = arith.index_cast %swap3A_641 : i32 to index
        %swap3A_643 = arith.index_cast %add3A_625 : i32 to index
        %swap3A_644 = arith.constant 144 : index
        %swap3A_645 = tpu.vector_load %arg14[%swap3A_642, %swap3A_643, %swap3A_644] {strides = array<i32>} : memref<1x50x192xf32, #tpu.memory_space<vmem>>, vector<1x1x16xf32>,
        %swap3A_646 = vector.shape_cast %swap3A_645 : vector<1x1x16xf32> to vector<16xf32>
        %swap3A_647 = vector.shape_cast %get3A_640 : vector<16xf32> to vector<1x1x16xf32>
        tpu.vector_store %arg14[%swap3A_642, %swap3A_643, %swap3A_644], %swap3A_647 {strides = array<i32>} : memref<1x50x192xf32, #tpu.memory_space<vmem>>, vector<1x1x16xf32>,
        %get3A_648 = arith.index_cast %add3A_625 : i32 to index
        %get3A_649 = arith.constant 32 : index
        %get3A_650 = tpu.vector_load %arg10[%get3A_648, %get3A_649] {strides = array<i32>} : memref<50x128xf32, #tpu.memory_space<vmem>>, vector<1x16xf32>,
        %get3A_651 = vector.shape_cast %get3A_650 : vector<1x16xf32> to vector<16xf32>
        %swap3A_652 = arith.constant 0 : i32
        %swap3A_653 = arith.index_cast %swap3A_652 : i32 to index
        %swap3A_654 = arith.index_cast %add3A_625 : i32 to index
        %swap3A_655 = arith.constant 160 : index
        %swap3A_656 = tpu.vector_load %arg14[%swap3A_653, %swap3A_654, %swap3A_655] {strides = array<i32>} : memref<1x50x192xf32, #tpu.memory_space<vmem>>, vector<1x1x16xf32>,
        %swap3A_657 = vector.shape_cast %swap3A_656 : vector<1x1x16xf32> to vector<16xf32>
        %swap3A_658 = vector.shape_cast %get3A_651 : vector<16xf32> to vector<1x1x16xf32>
        tpu.vector_store %arg14[%swap3A_653, %swap3A_654, %swap3A_655], %swap3A_658 {strides = array<i32>} : memref<1x50x192xf32, #tpu.memory_space<vmem>>, vector<1x1x16xf32>,
        %get3A_659 = arith.index_cast %add3A_625 : i32 to index
        %get3A_660 = arith.constant 48 : index
        %get3A_661 = tpu.vector_load %arg10[%get3A_659, %get3A_660] {strides = array<i32>} : memref<50x128xf32, #tpu.memory_space<vmem>>, vector<1x16xf32>,
        %get3A_662 = vector.shape_cast %get3A_661 : vector<1x16xf32> to vector<16xf32>
        %swap3A_663 = arith.constant 0 : i32
        %swap3A_664 = arith.index_cast %swap3A_663 : i32 to index
        %swap3A_665 = arith.index_cast %add3A_625 : i32 to index
        %swap3A_666 = arith.constant 176 : index
        %swap3A_667 = tpu.vector_load %arg14[%swap3A_664, %swap3A_665, %swap3A_666] {strides = array<i32>} : memref<1x50x192xf32, #tpu.memory_space<vmem>>, vector<1x1x16xf32>,
        %swap3A_668 = vector.shape_cast %swap3A_667 : vector<1x1x16xf32> to vector<16xf32>
        %swap3A_669 = vector.shape_cast %get3A_662 : vector<16xf32> to vector<1x1x16xf32>
        tpu.vector_store %arg14[%swap3A_664, %swap3A_665, %swap3A_666], %swap3A_669 {strides = array<i32>} : memref<1x50x192xf32, #tpu.memory_space<vmem>>, vector<1x1x16xf32>,
        %scan3A_670 = arith.constant 7 : i32
        %scan3A_671 = arith.addi %scan3A_323, %scan3A_670 : i32
        %mul3A_672 = arith.constant 1 : i32
        %mul3A_673 = arith.muli %scan3A_671, %mul3A_672 : i32
        %add3A_674 = arith.constant 0 : i32
        %add3A_675 = arith.addi %add3A_674, %mul3A_673 : i32
        %get3A_676 = arith.index_cast %add3A_675 : i32 to index
        %get3A_677 = arith.constant 0 : index
        %get3A_678 = tpu.vector_load %arg10[%get3A_676, %get3A_677] {strides = array<i32>} : memref<50x128xf32, #tpu.memory_space<vmem>>, vector<1x16xf32>,
        %get3A_679 = vector.shape_cast %get3A_678 : vector<1x16xf32> to vector<16xf32>
        %swap3A_680 = arith.constant 0 : i32
        %swap3A_681 = arith.index_cast %swap3A_680 : i32 to index
        %swap3A_682 = arith.index_cast %add3A_675 : i32 to index
        %swap3A_683 = arith.constant 128 : index
        %swap3A_684 = tpu.vector_load %arg14[%swap3A_681, %swap3A_682, %swap3A_683] {strides = array<i32>} : memref<1x50x192xf32, #tpu.memory_space<vmem>>, vector<1x1x16xf32>,
        %swap3A_685 = vector.shape_cast %swap3A_684 : vector<1x1x16xf32> to vector<16xf32>
        %swap3A_686 = vector.shape_cast %get3A_679 : vector<16xf32> to vector<1x1x16xf32>
        tpu.vector_store %arg14[%swap3A_681, %swap3A_682, %swap3A_683], %swap3A_686 {strides = array<i32>} : memref<1x50x192xf32, #tpu.memory_space<vmem>>, vector<1x1x16xf32>,
        %get3A_687 = arith.index_cast %add3A_675 : i32 to index
        %get3A_688 = arith.constant 16 : index
        %get3A_689 = tpu.vector_load %arg10[%get3A_687, %get3A_688] {strides = array<i32>} : memref<50x128xf32, #tpu.memory_space<vmem>>, vector<1x16xf32>,
        %get3A_690 = vector.shape_cast %get3A_689 : vector<1x16xf32> to vector<16xf32>
        %swap3A_691 = arith.constant 0 : i32
        %swap3A_692 = arith.index_cast %swap3A_691 : i32 to index
        %swap3A_693 = arith.index_cast %add3A_675 : i32 to index
        %swap3A_694 = arith.constant 144 : index
        %swap3A_695 = tpu.vector_load %arg14[%swap3A_692, %swap3A_693, %swap3A_694] {strides = array<i32>} : memref<1x50x192xf32, #tpu.memory_space<vmem>>, vector<1x1x16xf32>,
        %swap3A_696 = vector.shape_cast %swap3A_695 : vector<1x1x16xf32> to vector<16xf32>
        %swap3A_697 = vector.shape_cast %get3A_690 : vector<16xf32> to vector<1x1x16xf32>
        tpu.vector_store %arg14[%swap3A_692, %swap3A_693, %swap3A_694], %swap3A_697 {strides = array<i32>} : memref<1x50x192xf32, #tpu.memory_space<vmem>>, vector<1x1x16xf32>,
        %get3A_698 = arith.index_cast %add3A_675 : i32 to index
        %get3A_699 = arith.constant 32 : index
        %get3A_700 = tpu.vector_load %arg10[%get3A_698, %get3A_699] {strides = array<i32>} : memref<50x128xf32, #tpu.memory_space<vmem>>, vector<1x16xf32>,
        %get3A_701 = vector.shape_cast %get3A_700 : vector<1x16xf32> to vector<16xf32>
        %swap3A_702 = arith.constant 0 : i32
        %swap3A_703 = arith.index_cast %swap3A_702 : i32 to index
        %swap3A_704 = arith.index_cast %add3A_675 : i32 to index
        %swap3A_705 = arith.constant 160 : index
        %swap3A_706 = tpu.vector_load %arg14[%swap3A_703, %swap3A_704, %swap3A_705] {strides = array<i32>} : memref<1x50x192xf32, #tpu.memory_space<vmem>>, vector<1x1x16xf32>,
        %swap3A_707 = vector.shape_cast %swap3A_706 : vector<1x1x16xf32> to vector<16xf32>
        %swap3A_708 = vector.shape_cast %get3A_701 : vector<16xf32> to vector<1x1x16xf32>
        tpu.vector_store %arg14[%swap3A_703, %swap3A_704, %swap3A_705], %swap3A_708 {strides = array<i32>} : memref<1x50x192xf32, #tpu.memory_space<vmem>>, vector<1x1x16xf32>,
        %get3A_709 = arith.index_cast %add3A_675 : i32 to index
        %get3A_710 = arith.constant 48 : index
        %get3A_711 = tpu.vector_load %arg10[%get3A_709, %get3A_710] {strides = array<i32>} : memref<50x128xf32, #tpu.memory_space<vmem>>, vector<1x16xf32>,
        %get3A_712 = vector.shape_cast %get3A_711 : vector<1x16xf32> to vector<16xf32>
        %swap3A_713 = arith.constant 0 : i32
        %swap3A_714 = arith.index_cast %swap3A_713 : i32 to index
        %swap3A_715 = arith.index_cast %add3A_675 : i32 to index
        %swap3A_716 = arith.constant 176 : index
        %swap3A_717 = tpu.vector_load %arg14[%swap3A_714, %swap3A_715, %swap3A_716] {strides = array<i32>} : memref<1x50x192xf32, #tpu.memory_space<vmem>>, vector<1x1x16xf32>,
        %swap3A_718 = vector.shape_cast %swap3A_717 : vector<1x1x16xf32> to vector<16xf32>
        %swap3A_719 = vector.shape_cast %get3A_712 : vector<16xf32> to vector<1x1x16xf32>
        tpu.vector_store %arg14[%swap3A_714, %swap3A_715, %swap3A_716], %swap3A_719 {strides = array<i32>} : memref<1x50x192xf32, #tpu.memory_space<vmem>>, vector<1x1x16xf32>,
        %scan3A_720 = arith.constant 8 : i32
        %scan3A_721 = arith.addi %scan3A_323, %scan3A_720 : i32
        %mul3A_722 = arith.constant 1 : i32
        %mul3A_723 = arith.muli %scan3A_721, %mul3A_722 : i32
        %add3A_724 = arith.constant 0 : i32
        %add3A_725 = arith.addi %add3A_724, %mul3A_723 : i32
        %get3A_726 = arith.index_cast %add3A_725 : i32 to index
        %get3A_727 = arith.constant 0 : index
        %get3A_728 = tpu.vector_load %arg10[%get3A_726, %get3A_727] {strides = array<i32>} : memref<50x128xf32, #tpu.memory_space<vmem>>, vector<1x16xf32>,
        %get3A_729 = vector.shape_cast %get3A_728 : vector<1x16xf32> to vector<16xf32>
        %swap3A_730 = arith.constant 0 : i32
        %swap3A_731 = arith.index_cast %swap3A_730 : i32 to index
        %swap3A_732 = arith.index_cast %add3A_725 : i32 to index
        %swap3A_733 = arith.constant 128 : index
        %swap3A_734 = tpu.vector_load %arg14[%swap3A_731, %swap3A_732, %swap3A_733] {strides = array<i32>} : memref<1x50x192xf32, #tpu.memory_space<vmem>>, vector<1x1x16xf32>,
        %swap3A_735 = vector.shape_cast %swap3A_734 : vector<1x1x16xf32> to vector<16xf32>
        %swap3A_736 = vector.shape_cast %get3A_729 : vector<16xf32> to vector<1x1x16xf32>
        tpu.vector_store %arg14[%swap3A_731, %swap3A_732, %swap3A_733], %swap3A_736 {strides = array<i32>} : memref<1x50x192xf32, #tpu.memory_space<vmem>>, vector<1x1x16xf32>,
        %get3A_737 = arith.index_cast %add3A_725 : i32 to index
        %get3A_738 = arith.constant 16 : index
        %get3A_739 = tpu.vector_load %arg10[%get3A_737, %get3A_738] {strides = array<i32>} : memref<50x128xf32, #tpu.memory_space<vmem>>, vector<1x16xf32>,
        %get3A_740 = vector.shape_cast %get3A_739 : vector<1x16xf32> to vector<16xf32>
        %swap3A_741 = arith.constant 0 : i32
        %swap3A_742 = arith.index_cast %swap3A_741 : i32 to index
        %swap3A_743 = arith.index_cast %add3A_725 : i32 to index
        %swap3A_744 = arith.constant 144 : index
        %swap3A_745 = tpu.vector_load %arg14[%swap3A_742, %swap3A_743, %swap3A_744] {strides = array<i32>} : memref<1x50x192xf32, #tpu.memory_space<vmem>>, vector<1x1x16xf32>,
        %swap3A_746 = vector.shape_cast %swap3A_745 : vector<1x1x16xf32> to vector<16xf32>
        %swap3A_747 = vector.shape_cast %get3A_740 : vector<16xf32> to vector<1x1x16xf32>
        tpu.vector_store %arg14[%swap3A_742, %swap3A_743, %swap3A_744], %swap3A_747 {strides = array<i32>} : memref<1x50x192xf32, #tpu.memory_space<vmem>>, vector<1x1x16xf32>,
        %get3A_748 = arith.index_cast %add3A_725 : i32 to index
        %get3A_749 = arith.constant 32 : index
        %get3A_750 = tpu.vector_load %arg10[%get3A_748, %get3A_749] {strides = array<i32>} : memref<50x128xf32, #tpu.memory_space<vmem>>, vector<1x16xf32>,
        %get3A_751 = vector.shape_cast %get3A_750 : vector<1x16xf32> to vector<16xf32>
        %swap3A_752 = arith.constant 0 : i32
        %swap3A_753 = arith.index_cast %swap3A_752 : i32 to index
        %swap3A_754 = arith.index_cast %add3A_725 : i32 to index
        %swap3A_755 = arith.constant 160 : index
        %swap3A_756 = tpu.vector_load %arg14[%swap3A_753, %swap3A_754, %swap3A_755] {strides = array<i32>} : memref<1x50x192xf32, #tpu.memory_space<vmem>>, vector<1x1x16xf32>,
        %swap3A_757 = vector.shape_cast %swap3A_756 : vector<1x1x16xf32> to vector<16xf32>
        %swap3A_758 = vector.shape_cast %get3A_751 : vector<16xf32> to vector<1x1x16xf32>
        tpu.vector_store %arg14[%swap3A_753, %swap3A_754, %swap3A_755], %swap3A_758 {strides = array<i32>} : memref<1x50x192xf32, #tpu.memory_space<vmem>>, vector<1x1x16xf32>,
        %get3A_759 = arith.index_cast %add3A_725 : i32 to index
        %get3A_760 = arith.constant 48 : index
        %get3A_761 = tpu.vector_load %arg10[%get3A_759, %get3A_760] {strides = array<i32>} : memref<50x128xf32, #tpu.memory_space<vmem>>, vector<1x16xf32>,
        %get3A_762 = vector.shape_cast %get3A_761 : vector<1x16xf32> to vector<16xf32>
        %swap3A_763 = arith.constant 0 : i32
        %swap3A_764 = arith.index_cast %swap3A_763 : i32 to index
        %swap3A_765 = arith.index_cast %add3A_725 : i32 to index
        %swap3A_766 = arith.constant 176 : index
        %swap3A_767 = tpu.vector_load %arg14[%swap3A_764, %swap3A_765, %swap3A_766] {strides = array<i32>} : memref<1x50x192xf32, #tpu.memory_space<vmem>>, vector<1x1x16xf32>,
        %swap3A_768 = vector.shape_cast %swap3A_767 : vector<1x1x16xf32> to vector<16xf32>
        %swap3A_769 = vector.shape_cast %get3A_762 : vector<16xf32> to vector<1x1x16xf32>
        tpu.vector_store %arg14[%swap3A_764, %swap3A_765, %swap3A_766], %swap3A_769 {strides = array<i32>} : memref<1x50x192xf32, #tpu.memory_space<vmem>>, vector<1x1x16xf32>,
        %scan3A_770 = arith.constant 9 : i32
        %scan3A_771 = arith.addi %scan3A_323, %scan3A_770 : i32
        %mul3A_772 = arith.constant 1 : i32
        %mul3A_773 = arith.muli %scan3A_771, %mul3A_772 : i32
        %add3A_774 = arith.constant 0 : i32
        %add3A_775 = arith.addi %add3A_774, %mul3A_773 : i32
        %get3A_776 = arith.index_cast %add3A_775 : i32 to index
        %get3A_777 = arith.constant 0 : index
        %get3A_778 = tpu.vector_load %arg10[%get3A_776, %get3A_777] {strides = array<i32>} : memref<50x128xf32, #tpu.memory_space<vmem>>, vector<1x16xf32>,
        %get3A_779 = vector.shape_cast %get3A_778 : vector<1x16xf32> to vector<16xf32>
        %swap3A_780 = arith.constant 0 : i32
        %swap3A_781 = arith.index_cast %swap3A_780 : i32 to index
        %swap3A_782 = arith.index_cast %add3A_775 : i32 to index
        %swap3A_783 = arith.constant 128 : index
        %swap3A_784 = tpu.vector_load %arg14[%swap3A_781, %swap3A_782, %swap3A_783] {strides = array<i32>} : memref<1x50x192xf32, #tpu.memory_space<vmem>>, vector<1x1x16xf32>,
        %swap3A_785 = vector.shape_cast %swap3A_784 : vector<1x1x16xf32> to vector<16xf32>
        %swap3A_786 = vector.shape_cast %get3A_779 : vector<16xf32> to vector<1x1x16xf32>
        tpu.vector_store %arg14[%swap3A_781, %swap3A_782, %swap3A_783], %swap3A_786 {strides = array<i32>} : memref<1x50x192xf32, #tpu.memory_space<vmem>>, vector<1x1x16xf32>,
        %get3A_787 = arith.index_cast %add3A_775 : i32 to index
        %get3A_788 = arith.constant 16 : index
        %get3A_789 = tpu.vector_load %arg10[%get3A_787, %get3A_788] {strides = array<i32>} : memref<50x128xf32, #tpu.memory_space<vmem>>, vector<1x16xf32>,
        %get3A_790 = vector.shape_cast %get3A_789 : vector<1x16xf32> to vector<16xf32>
        %swap3A_791 = arith.constant 0 : i32
        %swap3A_792 = arith.index_cast %swap3A_791 : i32 to index
        %swap3A_793 = arith.index_cast %add3A_775 : i32 to index
        %swap3A_794 = arith.constant 144 : index
        %swap3A_795 = tpu.vector_load %arg14[%swap3A_792, %swap3A_793, %swap3A_794] {strides = array<i32>} : memref<1x50x192xf32, #tpu.memory_space<vmem>>, vector<1x1x16xf32>,
        %swap3A_796 = vector.shape_cast %swap3A_795 : vector<1x1x16xf32> to vector<16xf32>
        %swap3A_797 = vector.shape_cast %get3A_790 : vector<16xf32> to vector<1x1x16xf32>
        tpu.vector_store %arg14[%swap3A_792, %swap3A_793, %swap3A_794], %swap3A_797 {strides = array<i32>} : memref<1x50x192xf32, #tpu.memory_space<vmem>>, vector<1x1x16xf32>,
        %get3A_798 = arith.index_cast %add3A_775 : i32 to index
        %get3A_799 = arith.constant 32 : index
        %get3A_800 = tpu.vector_load %arg10[%get3A_798, %get3A_799] {strides = array<i32>} : memref<50x128xf32, #tpu.memory_space<vmem>>, vector<1x16xf32>,
        %get3A_801 = vector.shape_cast %get3A_800 : vector<1x16xf32> to vector<16xf32>
        %swap3A_802 = arith.constant 0 : i32
        %swap3A_803 = arith.index_cast %swap3A_802 : i32 to index
        %swap3A_804 = arith.index_cast %add3A_775 : i32 to index
        %swap3A_805 = arith.constant 160 : index
        %swap3A_806 = tpu.vector_load %arg14[%swap3A_803, %swap3A_804, %swap3A_805] {strides = array<i32>} : memref<1x50x192xf32, #tpu.memory_space<vmem>>, vector<1x1x16xf32>,
        %swap3A_807 = vector.shape_cast %swap3A_806 : vector<1x1x16xf32> to vector<16xf32>
        %swap3A_808 = vector.shape_cast %get3A_801 : vector<16xf32> to vector<1x1x16xf32>
        tpu.vector_store %arg14[%swap3A_803, %swap3A_804, %swap3A_805], %swap3A_808 {strides = array<i32>} : memref<1x50x192xf32, #tpu.memory_space<vmem>>, vector<1x1x16xf32>,
        %get3A_809 = arith.index_cast %add3A_775 : i32 to index
        %get3A_810 = arith.constant 48 : index
        %get3A_811 = tpu.vector_load %arg10[%get3A_809, %get3A_810] {strides = array<i32>} : memref<50x128xf32, #tpu.memory_space<vmem>>, vector<1x16xf32>,
        %get3A_812 = vector.shape_cast %get3A_811 : vector<1x16xf32> to vector<16xf32>
        %swap3A_813 = arith.constant 0 : i32
        %swap3A_814 = arith.index_cast %swap3A_813 : i32 to index
        %swap3A_815 = arith.index_cast %add3A_775 : i32 to index
        %swap3A_816 = arith.constant 176 : index
        %swap3A_817 = tpu.vector_load %arg14[%swap3A_814, %swap3A_815, %swap3A_816] {strides = array<i32>} : memref<1x50x192xf32, #tpu.memory_space<vmem>>, vector<1x1x16xf32>,
        %swap3A_818 = vector.shape_cast %swap3A_817 : vector<1x1x16xf32> to vector<16xf32>
        %swap3A_819 = vector.shape_cast %get3A_812 : vector<16xf32> to vector<1x1x16xf32>
        tpu.vector_store %arg14[%swap3A_814, %swap3A_815, %swap3A_816], %swap3A_819 {strides = array<i32>} : memref<1x50x192xf32, #tpu.memory_space<vmem>>, vector<1x1x16xf32>,
      }
      %scan3A_123 = arith.constant 50 : i32
      %dma_wait3A_124 = arith.constant 0 : i32
      %dma_wait3A_125 = arith.constant 0 : i32
      %dma_wait3A_126 = arith.constant 0 : i32
      %dma_wait3A_127 = arith.constant 0 : i32
      %dma_wait3A_128 = tpu.memref_slice %arg14[%dma_wait3A_125, %dma_wait3A_126, %dma_wait3A_127] : memref<1x50x192xf32, #tpu.memory_space<vmem>> -> memref<1x50x128xf32, #tpu.memory_space<vmem>>
      %dma_wait3A_129 = tpu.memref_squeeze %dma_wait3A_128 : memref<1x50x128xf32, #tpu.memory_space<vmem>> -> memref<50x128xf32, #tpu.memory_space<vmem>>
      %dma_wait3A_130 = arith.constant 0 : i32
      %dma_wait3A_131 = tpu.memref_slice %arg6[%dma_wait3A_124, %dma_wait3A_130] : memref<2x50xi32, #tpu.memory_space<vmem>> -> memref<1x50xi32, #tpu.memory_space<vmem>>
      %dma_wait3A_132 = tpu.memref_squeeze %dma_wait3A_131 : memref<1x50xi32, #tpu.memory_space<vmem>> -> memref<50xi32, #tpu.memory_space<vmem>>
      %dma_wait3A_133 = arith.constant 0 : i32
      %dma_wait3A_134 = arith.constant 0 : i32
      %dma_wait3A_135 = tpu.memref_slice %arg3[%dma_wait3A_133, %dma_wait3A_134] : memref<100000x128xf32, #tpu.memory_space<hbm>> -> memref<100000x128xf32, #tpu.memory_space<hbm>>
      tpu.wait_indirect_dma semaphore(%arg22 : memref<!tpu.dma_semaphore, #tpu.memory_space<semaphore_mem>>) src(%dma_wait3A_135 : memref<100000x128xf32, #tpu.memory_space<hbm>>) dst(%dma_wait3A_129 : memref<50x128xf32, #tpu.memory_space<vmem>>)
      %mul3A_136 = arith.constant 128 : i32
      %mul3A_137 = arith.muli %add3A, %mul3A_136 : i32
      %add3A_138 = arith.addi %mul3A_137, %add3A_96 : i32
      %dma_start3A_139 = arith.constant 0 : i32
      %dma_start3A_140 = arith.constant 0 : i32
      %dma_start3A_141 = arith.constant 0 : i32
      %dma_start3A_142 = tpu.memref_slice %arg5[%add3A_138, %dma_start3A_139, %dma_start3A_140, %dma_start3A_141] : memref<4096x1x50x192xf32, #tpu.memory_space<hbm>> -> memref<1x1x50x192xf32, #tpu.memory_space<hbm>>
      %dma_start3A_143 = tpu.memref_squeeze %dma_start3A_142 : memref<1x1x50x192xf32, #tpu.memory_space<hbm>> -> memref<1x50x192xf32, #tpu.memory_space<hbm>>
      %dma_start3A_144 = arith.constant 0 : i32
      %dma_start3A_145 = arith.constant 0 : i32
      %dma_start3A_146 = arith.constant 0 : i32
      %dma_start3A_147 = tpu.memref_slice %arg5[%add3A_138, %dma_start3A_144, %dma_start3A_145, %dma_start3A_146] : memref<4096x1x50x192xf32, #tpu.memory_space<hbm>> -> memref<1x1x50x192xf32, #tpu.memory_space<hbm>>
      %dma_start3A_148 = tpu.memref_squeeze %dma_start3A_147 : memref<1x1x50x192xf32, #tpu.memory_space<hbm>> -> memref<1x50x192xf32, #tpu.memory_space<hbm>>
      tpu.enqueue_dma source(%arg14 : memref<1x50x192xf32, #tpu.memory_space<vmem>>) target(%dma_start3A_148 : memref<1x50x192xf32, #tpu.memory_space<hbm>>) target_semaphore(%arg30 : memref<!tpu.dma_semaphore, #tpu.memory_space<semaphore_mem>>)
      %add3A_149 = arith.constant 1 : i32
      %add3A_150 = arith.addi %mul3A_94, %add3A_149 : i32
      %ge3A_151 = arith.constant 3 : i32
      %ge3A_152 = arith.cmpi sge, %add3A_150, %ge3A_151 : i32
      %convert_element_type3A_153 = arith.extui %ge3A_152 : i1 to i32
      %cond3A_154 = arith.constant 0 : i32
      %cond3A_155 = arith.cmpi ne, %convert_element_type3A_153, %cond3A_154 : i32
      scf.if %cond3A_155 {
        %dma_wait3A_323 = arith.constant 0 : i32
        %dma_wait3A_324 = arith.constant 0 : i32
        %dma_wait3A_325 = arith.constant 0 : i32
        %dma_wait3A_326 = arith.constant 0 : i32
        %dma_wait3A_327 = tpu.memref_slice %arg5[%dma_wait3A_323, %dma_wait3A_324, %dma_wait3A_325, %dma_wait3A_326] : memref<4096x1x50x192xf32, #tpu.memory_space<hbm>> -> memref<1x1x50x192xf32, #tpu.memory_space<hbm>>
        %dma_wait3A_328 = tpu.memref_squeeze %dma_wait3A_327 : memref<1x1x50x192xf32, #tpu.memory_space<hbm>> -> memref<1x50x192xf32, #tpu.memory_space<hbm>>
        %dma_wait3A_329 = arith.constant 0 : i32
        %dma_wait3A_330 = arith.constant 0 : i32
        %dma_wait3A_331 = arith.constant 0 : i32
        %dma_wait3A_332 = tpu.memref_slice %arg5[%dma_wait3A_323, %dma_wait3A_329, %dma_wait3A_330, %dma_wait3A_331] : memref<4096x1x50x192xf32, #tpu.memory_space<hbm>> -> memref<1x1x50x192xf32, #tpu.memory_space<hbm>>
        %dma_wait3A_333 = tpu.memref_squeeze %dma_wait3A_332 : memref<1x1x50x192xf32, #tpu.memory_space<hbm>> -> memref<1x50x192xf32, #tpu.memory_space<hbm>>
        tpu.wait_dma2 semaphore(%arg32 : memref<!tpu.dma_semaphore, #tpu.memory_space<semaphore_mem>>) src(%arg16 : memref<1x50x192xf32, #tpu.memory_space<vmem>>) dst(%dma_wait3A_333 : memref<1x50x192xf32, #tpu.memory_space<hbm>>)
      } else {
      }
      %add3A_156 = arith.constant 2 : i32
      %add3A_157 = arith.addi %add3A_150, %add3A_156 : i32
      %lt3A_158 = arith.constant 128 : i32
      %lt3A_159 = arith.cmpi slt, %add3A_157, %lt3A_158 : i32
      %convert_element_type3A_160 = arith.extui %lt3A_159 : i1 to i32
      %cond3A_161 = arith.constant 0 : i32
      %cond3A_162 = arith.cmpi ne, %convert_element_type3A_160, %cond3A_161 : i32
      scf.if %cond3A_162 {
        %add3A_323 = arith.constant 2 : i32
        %add3A_324 = arith.addi %add3A_150, %add3A_323 : i32
        %mul3A_325 = arith.constant 128 : i32
        %mul3A_326 = arith.muli %add3A, %mul3A_325 : i32
        %add3A_327 = arith.addi %mul3A_326, %add3A_324 : i32
        %dma_start3A_328 = arith.constant 0 : i32
        %dma_start3A_329 = arith.constant 0 : i32
        %dma_start3A_330 = tpu.memref_slice %arg2[%add3A_327, %dma_start3A_328, %dma_start3A_329] : memref<4096x2x50xi32, #tpu.memory_space<hbm>> -> memref<1x2x50xi32, #tpu.memory_space<hbm>>
        %dma_start3A_331 = tpu.memref_squeeze %dma_start3A_330 : memref<1x2x50xi32, #tpu.memory_space<hbm>> -> memref<2x50xi32, #tpu.memory_space<hbm>>
        %dma_start3A_332 = arith.constant 0 : i32
        %dma_start3A_333 = arith.constant 0 : i32
        %dma_start3A_334 = tpu.memref_slice %arg2[%add3A_327, %dma_start3A_332, %dma_start3A_333] : memref<4096x2x50xi32, #tpu.memory_space<hbm>> -> memref<1x2x50xi32, #tpu.memory_space<hbm>>
        %dma_start3A_335 = tpu.memref_squeeze %dma_start3A_334 : memref<1x2x50xi32, #tpu.memory_space<hbm>> -> memref<2x50xi32, #tpu.memory_space<hbm>>
        tpu.enqueue_dma source(%dma_start3A_335 : memref<2x50xi32, #tpu.memory_space<hbm>>) target(%arg9 : memref<2x50xi32, #tpu.memory_space<vmem>>) target_semaphore(%arg21 : memref<!tpu.dma_semaphore, #tpu.memory_space<semaphore_mem>>)
      } else {
      }
      %add3A_163 = arith.constant 1 : i32
      %add3A_164 = arith.addi %add3A_150, %add3A_163 : i32
      %lt3A_165 = arith.constant 128 : i32
      %lt3A_166 = arith.cmpi slt, %add3A_164, %lt3A_165 : i32
      %convert_element_type3A_167 = arith.extui %lt3A_166 : i1 to i32
      %cond3A_168 = arith.constant 0 : i32
      %cond3A_169 = arith.cmpi ne, %convert_element_type3A_167, %cond3A_168 : i32
      scf.if %cond3A_169 {
        %dma_wait3A_323 = arith.constant 0 : i32
        %dma_wait3A_324 = arith.constant 0 : i32
        %dma_wait3A_325 = arith.constant 0 : i32
        %dma_wait3A_326 = tpu.memref_slice %arg2[%dma_wait3A_323, %dma_wait3A_324, %dma_wait3A_325] : memref<4096x2x50xi32, #tpu.memory_space<hbm>> -> memref<1x2x50xi32, #tpu.memory_space<hbm>>
        %dma_wait3A_327 = tpu.memref_squeeze %dma_wait3A_326 : memref<1x2x50xi32, #tpu.memory_space<hbm>> -> memref<2x50xi32, #tpu.memory_space<hbm>>
        %dma_wait3A_328 = arith.constant 0 : i32
        %dma_wait3A_329 = arith.constant 0 : i32
        %dma_wait3A_330 = tpu.memref_slice %arg2[%dma_wait3A_323, %dma_wait3A_328, %dma_wait3A_329] : memref<4096x2x50xi32, #tpu.memory_space<hbm>> -> memref<1x2x50xi32, #tpu.memory_space<hbm>>
        %dma_wait3A_331 = tpu.memref_squeeze %dma_wait3A_330 : memref<1x2x50xi32, #tpu.memory_space<hbm>> -> memref<2x50xi32, #tpu.memory_space<hbm>>
        tpu.wait_dma2 semaphore(%arg20 : memref<!tpu.dma_semaphore, #tpu.memory_space<semaphore_mem>>) src(%dma_wait3A_331 : memref<2x50xi32, #tpu.memory_space<hbm>>) dst(%arg8 : memref<2x50xi32, #tpu.memory_space<vmem>>)
        %add3A_332 = arith.constant 1 : i32
        %add3A_333 = arith.addi %add3A_150, %add3A_332 : i32
        %dma_start3A_334 = arith.constant 0 : i32
        %dma_start3A_335 = arith.constant 0 : i32
        %dma_start3A_336 = arith.constant 0 : i32
        %dma_start3A_337 = arith.constant 0 : i32
        %dma_start3A_338 = tpu.memref_slice %arg16[%dma_start3A_335, %dma_start3A_336, %dma_start3A_337] : memref<1x50x192xf32, #tpu.memory_space<vmem>> -> memref<1x50x128xf32, #tpu.memory_space<vmem>>
        %dma_start3A_339 = tpu.memref_squeeze %dma_start3A_338 : memref<1x50x128xf32, #tpu.memory_space<vmem>> -> memref<50x128xf32, #tpu.memory_space<vmem>>
        %dma_start3A_340 = arith.constant 0 : i32
        %dma_start3A_341 = tpu.memref_slice %arg8[%dma_start3A_334, %dma_start3A_340] : memref<2x50xi32, #tpu.memory_space<vmem>> -> memref<1x50xi32, #tpu.memory_space<vmem>>
        %dma_start3A_342 = tpu.memref_squeeze %dma_start3A_341 : memref<1x50xi32, #tpu.memory_space<vmem>> -> memref<50xi32, #tpu.memory_space<vmem>>
        %dma_start3A_343 = arith.constant 0 : i32
        %dma_start3A_344 = arith.constant 0 : i32
        %dma_start3A_345 = tpu.memref_slice %arg3[%dma_start3A_343, %dma_start3A_344] : memref<100000x128xf32, #tpu.memory_space<hbm>> -> memref<100000x128xf32, #tpu.memory_space<hbm>>
        tpu.enqueue_indirect_dma source(%dma_start3A_345 : memref<100000x128xf32, #tpu.memory_space<hbm>>) target(%dma_start3A_339 : memref<50x128xf32, #tpu.memory_space<vmem>>) offsets(%dma_start3A_342 : memref<50xi32, #tpu.memory_space<vmem>>) semaphore(%arg24 : memref<!tpu.dma_semaphore, #tpu.memory_space<semaphore_mem>>)
        %dma_start3A_346 = arith.constant 1 : i32
        %dma_start3A_347 = arith.constant 0 : i32
        %dma_start3A_348 = tpu.memref_slice %arg8[%dma_start3A_346, %dma_start3A_347] : memref<2x50xi32, #tpu.memory_space<vmem>> -> memref<1x50xi32, #tpu.memory_space<vmem>>
        %dma_start3A_349 = tpu.memref_squeeze %dma_start3A_348 : memref<1x50xi32, #tpu.memory_space<vmem>> -> memref<50xi32, #tpu.memory_space<vmem>>
        %dma_start3A_350 = arith.constant 0 : i32
        %dma_start3A_351 = arith.constant 0 : i32
        %dma_start3A_352 = tpu.memref_slice %arg4[%dma_start3A_350, %dma_start3A_351] : memref<1000x128xf32, #tpu.memory_space<hbm>> -> memref<1000x128xf32, #tpu.memory_space<hbm>>
        tpu.enqueue_indirect_dma source(%dma_start3A_352 : memref<1000x128xf32, #tpu.memory_space<hbm>>) target(%arg12 : memref<50x128xf32, #tpu.memory_space<vmem>>) offsets(%dma_start3A_349 : memref<50xi32, #tpu.memory_space<vmem>>) semaphore(%arg28 : memref<!tpu.dma_semaphore, #tpu.memory_space<semaphore_mem>>)
      } else {
      }
      %dma_wait3A_170 = arith.constant 1 : i32
      %dma_wait3A_171 = arith.constant 0 : i32
      %dma_wait3A_172 = tpu.memref_slice %arg7[%dma_wait3A_170, %dma_wait3A_171] : memref<2x50xi32, #tpu.memory_space<vmem>> -> memref<1x50xi32, #tpu.memory_space<vmem>>
      %dma_wait3A_173 = tpu.memref_squeeze %dma_wait3A_172 : memref<1x50xi32, #tpu.memory_space<vmem>> -> memref<50xi32, #tpu.memory_space<vmem>>
      %dma_wait3A_174 = arith.constant 0 : i32
      %dma_wait3A_175 = arith.constant 0 : i32
      %dma_wait3A_176 = tpu.memref_slice %arg4[%dma_wait3A_174, %dma_wait3A_175] : memref<1000x128xf32, #tpu.memory_space<hbm>> -> memref<1000x128xf32, #tpu.memory_space<hbm>>
      tpu.wait_indirect_dma semaphore(%arg27 : memref<!tpu.dma_semaphore, #tpu.memory_space<semaphore_mem>>) src(%dma_wait3A_176 : memref<1000x128xf32, #tpu.memory_space<hbm>>) dst(%arg11 : memref<50x128xf32, #tpu.memory_space<vmem>>)
      %scan3A_177 = arith.constant 0 : i32
      %scan3A_178 = arith.constant 50 : i32
      %scan3A_179 = arith.addi %scan3A_177, %scan3A_178 : i32
      %scan3A_180 = arith.constant 10 : i32
      scf.for %scan3A_323 = %scan3A_177 to %scan3A_179 step %scan3A_180  : i32 {
        %mul3A_324 = arith.constant 1 : i32
        %mul3A_325 = arith.muli %scan3A_323, %mul3A_324 : i32
        %add3A_326 = arith.constant 0 : i32
        %add3A_327 = arith.addi %add3A_326, %mul3A_325 : i32
        %get3A = arith.index_cast %add3A_327 : i32 to index
        %get3A_328 = arith.constant 0 : index
        %get3A_329 = tpu.vector_load %arg11[%get3A, %get3A_328] {strides = array<i32>} : memref<50x128xf32, #tpu.memory_space<vmem>>, vector<1x16xf32>,
        %get3A_330 = vector.shape_cast %get3A_329 : vector<1x16xf32> to vector<16xf32>
        %swap3A = arith.constant 0 : i32
        %swap3A_331 = arith.index_cast %swap3A : i32 to index
        %swap3A_332 = arith.index_cast %add3A_327 : i32 to index
        %swap3A_333 = arith.constant 128 : index
        %swap3A_334 = tpu.vector_load %arg15[%swap3A_331, %swap3A_332, %swap3A_333] {strides = array<i32>} : memref<1x50x192xf32, #tpu.memory_space<vmem>>, vector<1x1x16xf32>,
        %swap3A_335 = vector.shape_cast %swap3A_334 : vector<1x1x16xf32> to vector<16xf32>
        %swap3A_336 = vector.shape_cast %get3A_330 : vector<16xf32> to vector<1x1x16xf32>
        tpu.vector_store %arg15[%swap3A_331, %swap3A_332, %swap3A_333], %swap3A_336 {strides = array<i32>} : memref<1x50x192xf32, #tpu.memory_space<vmem>>, vector<1x1x16xf32>,
        %get3A_337 = arith.index_cast %add3A_327 : i32 to index
        %get3A_338 = arith.constant 16 : index
        %get3A_339 = tpu.vector_load %arg11[%get3A_337, %get3A_338] {strides = array<i32>} : memref<50x128xf32, #tpu.memory_space<vmem>>, vector<1x16xf32>,
        %get3A_340 = vector.shape_cast %get3A_339 : vector<1x16xf32> to vector<16xf32>
        %swap3A_341 = arith.constant 0 : i32
        %swap3A_342 = arith.index_cast %swap3A_341 : i32 to index
        %swap3A_343 = arith.index_cast %add3A_327 : i32 to index
        %swap3A_344 = arith.constant 144 : index
        %swap3A_345 = tpu.vector_load %arg15[%swap3A_342, %swap3A_343, %swap3A_344] {strides = array<i32>} : memref<1x50x192xf32, #tpu.memory_space<vmem>>, vector<1x1x16xf32>,
        %swap3A_346 = vector.shape_cast %swap3A_345 : vector<1x1x16xf32> to vector<16xf32>
        %swap3A_347 = vector.shape_cast %get3A_340 : vector<16xf32> to vector<1x1x16xf32>
        tpu.vector_store %arg15[%swap3A_342, %swap3A_343, %swap3A_344], %swap3A_347 {strides = array<i32>} : memref<1x50x192xf32, #tpu.memory_space<vmem>>, vector<1x1x16xf32>,
        %get3A_348 = arith.index_cast %add3A_327 : i32 to index
        %get3A_349 = arith.constant 32 : index
        %get3A_350 = tpu.vector_load %arg11[%get3A_348, %get3A_349] {strides = array<i32>} : memref<50x128xf32, #tpu.memory_space<vmem>>, vector<1x16xf32>,
        %get3A_351 = vector.shape_cast %get3A_350 : vector<1x16xf32> to vector<16xf32>
        %swap3A_352 = arith.constant 0 : i32
        %swap3A_353 = arith.index_cast %swap3A_352 : i32 to index
        %swap3A_354 = arith.index_cast %add3A_327 : i32 to index
        %swap3A_355 = arith.constant 160 : index
        %swap3A_356 = tpu.vector_load %arg15[%swap3A_353, %swap3A_354, %swap3A_355] {strides = array<i32>} : memref<1x50x192xf32, #tpu.memory_space<vmem>>, vector<1x1x16xf32>,
        %swap3A_357 = vector.shape_cast %swap3A_356 : vector<1x1x16xf32> to vector<16xf32>
        %swap3A_358 = vector.shape_cast %get3A_351 : vector<16xf32> to vector<1x1x16xf32>
        tpu.vector_store %arg15[%swap3A_353, %swap3A_354, %swap3A_355], %swap3A_358 {strides = array<i32>} : memref<1x50x192xf32, #tpu.memory_space<vmem>>, vector<1x1x16xf32>,
        %get3A_359 = arith.index_cast %add3A_327 : i32 to index
        %get3A_360 = arith.constant 48 : index
        %get3A_361 = tpu.vector_load %arg11[%get3A_359, %get3A_360] {strides = array<i32>} : memref<50x128xf32, #tpu.memory_space<vmem>>, vector<1x16xf32>,
        %get3A_362 = vector.shape_cast %get3A_361 : vector<1x16xf32> to vector<16xf32>
        %swap3A_363 = arith.constant 0 : i32
        %swap3A_364 = arith.index_cast %swap3A_363 : i32 to index
        %swap3A_365 = arith.index_cast %add3A_327 : i32 to index
        %swap3A_366 = arith.constant 176 : index
        %swap3A_367 = tpu.vector_load %arg15[%swap3A_364, %swap3A_365, %swap3A_366] {strides = array<i32>} : memref<1x50x192xf32, #tpu.memory_space<vmem>>, vector<1x1x16xf32>,
        %swap3A_368 = vector.shape_cast %swap3A_367 : vector<1x1x16xf32> to vector<16xf32>
        %swap3A_369 = vector.shape_cast %get3A_362 : vector<16xf32> to vector<1x1x16xf32>
        tpu.vector_store %arg15[%swap3A_364, %swap3A_365, %swap3A_366], %swap3A_369 {strides = array<i32>} : memref<1x50x192xf32, #tpu.memory_space<vmem>>, vector<1x1x16xf32>,
        %scan3A_370 = arith.constant 1 : i32
        %scan3A_371 = arith.addi %scan3A_323, %scan3A_370 : i32
        %mul3A_372 = arith.constant 1 : i32
        %mul3A_373 = arith.muli %scan3A_371, %mul3A_372 : i32
        %add3A_374 = arith.constant 0 : i32
        %add3A_375 = arith.addi %add3A_374, %mul3A_373 : i32
        %get3A_376 = arith.index_cast %add3A_375 : i32 to index
        %get3A_377 = arith.constant 0 : index
        %get3A_378 = tpu.vector_load %arg11[%get3A_376, %get3A_377] {strides = array<i32>} : memref<50x128xf32, #tpu.memory_space<vmem>>, vector<1x16xf32>,
        %get3A_379 = vector.shape_cast %get3A_378 : vector<1x16xf32> to vector<16xf32>
        %swap3A_380 = arith.constant 0 : i32
        %swap3A_381 = arith.index_cast %swap3A_380 : i32 to index
        %swap3A_382 = arith.index_cast %add3A_375 : i32 to index
        %swap3A_383 = arith.constant 128 : index
        %swap3A_384 = tpu.vector_load %arg15[%swap3A_381, %swap3A_382, %swap3A_383] {strides = array<i32>} : memref<1x50x192xf32, #tpu.memory_space<vmem>>, vector<1x1x16xf32>,
        %swap3A_385 = vector.shape_cast %swap3A_384 : vector<1x1x16xf32> to vector<16xf32>
        %swap3A_386 = vector.shape_cast %get3A_379 : vector<16xf32> to vector<1x1x16xf32>
        tpu.vector_store %arg15[%swap3A_381, %swap3A_382, %swap3A_383], %swap3A_386 {strides = array<i32>} : memref<1x50x192xf32, #tpu.memory_space<vmem>>, vector<1x1x16xf32>,
        %get3A_387 = arith.index_cast %add3A_375 : i32 to index
        %get3A_388 = arith.constant 16 : index
        %get3A_389 = tpu.vector_load %arg11[%get3A_387, %get3A_388] {strides = array<i32>} : memref<50x128xf32, #tpu.memory_space<vmem>>, vector<1x16xf32>,
        %get3A_390 = vector.shape_cast %get3A_389 : vector<1x16xf32> to vector<16xf32>
        %swap3A_391 = arith.constant 0 : i32
        %swap3A_392 = arith.index_cast %swap3A_391 : i32 to index
        %swap3A_393 = arith.index_cast %add3A_375 : i32 to index
        %swap3A_394 = arith.constant 144 : index
        %swap3A_395 = tpu.vector_load %arg15[%swap3A_392, %swap3A_393, %swap3A_394] {strides = array<i32>} : memref<1x50x192xf32, #tpu.memory_space<vmem>>, vector<1x1x16xf32>,
        %swap3A_396 = vector.shape_cast %swap3A_395 : vector<1x1x16xf32> to vector<16xf32>
        %swap3A_397 = vector.shape_cast %get3A_390 : vector<16xf32> to vector<1x1x16xf32>
        tpu.vector_store %arg15[%swap3A_392, %swap3A_393, %swap3A_394], %swap3A_397 {strides = array<i32>} : memref<1x50x192xf32, #tpu.memory_space<vmem>>, vector<1x1x16xf32>,
        %get3A_398 = arith.index_cast %add3A_375 : i32 to index
        %get3A_399 = arith.constant 32 : index
        %get3A_400 = tpu.vector_load %arg11[%get3A_398, %get3A_399] {strides = array<i32>} : memref<50x128xf32, #tpu.memory_space<vmem>>, vector<1x16xf32>,
        %get3A_401 = vector.shape_cast %get3A_400 : vector<1x16xf32> to vector<16xf32>
        %swap3A_402 = arith.constant 0 : i32
        %swap3A_403 = arith.index_cast %swap3A_402 : i32 to index
        %swap3A_404 = arith.index_cast %add3A_375 : i32 to index
        %swap3A_405 = arith.constant 160 : index
        %swap3A_406 = tpu.vector_load %arg15[%swap3A_403, %swap3A_404, %swap3A_405] {strides = array<i32>} : memref<1x50x192xf32, #tpu.memory_space<vmem>>, vector<1x1x16xf32>,
        %swap3A_407 = vector.shape_cast %swap3A_406 : vector<1x1x16xf32> to vector<16xf32>
        %swap3A_408 = vector.shape_cast %get3A_401 : vector<16xf32> to vector<1x1x16xf32>
        tpu.vector_store %arg15[%swap3A_403, %swap3A_404, %swap3A_405], %swap3A_408 {strides = array<i32>} : memref<1x50x192xf32, #tpu.memory_space<vmem>>, vector<1x1x16xf32>,
        %get3A_409 = arith.index_cast %add3A_375 : i32 to index
        %get3A_410 = arith.constant 48 : index
        %get3A_411 = tpu.vector_load %arg11[%get3A_409, %get3A_410] {strides = array<i32>} : memref<50x128xf32, #tpu.memory_space<vmem>>, vector<1x16xf32>,
        %get3A_412 = vector.shape_cast %get3A_411 : vector<1x16xf32> to vector<16xf32>
        %swap3A_413 = arith.constant 0 : i32
        %swap3A_414 = arith.index_cast %swap3A_413 : i32 to index
        %swap3A_415 = arith.index_cast %add3A_375 : i32 to index
        %swap3A_416 = arith.constant 176 : index
        %swap3A_417 = tpu.vector_load %arg15[%swap3A_414, %swap3A_415, %swap3A_416] {strides = array<i32>} : memref<1x50x192xf32, #tpu.memory_space<vmem>>, vector<1x1x16xf32>,
        %swap3A_418 = vector.shape_cast %swap3A_417 : vector<1x1x16xf32> to vector<16xf32>
        %swap3A_419 = vector.shape_cast %get3A_412 : vector<16xf32> to vector<1x1x16xf32>
        tpu.vector_store %arg15[%swap3A_414, %swap3A_415, %swap3A_416], %swap3A_419 {strides = array<i32>} : memref<1x50x192xf32, #tpu.memory_space<vmem>>, vector<1x1x16xf32>,
        %scan3A_420 = arith.constant 2 : i32
        %scan3A_421 = arith.addi %scan3A_323, %scan3A_420 : i32
        %mul3A_422 = arith.constant 1 : i32
        %mul3A_423 = arith.muli %scan3A_421, %mul3A_422 : i32
        %add3A_424 = arith.constant 0 : i32
        %add3A_425 = arith.addi %add3A_424, %mul3A_423 : i32
        %get3A_426 = arith.index_cast %add3A_425 : i32 to index
        %get3A_427 = arith.constant 0 : index
        %get3A_428 = tpu.vector_load %arg11[%get3A_426, %get3A_427] {strides = array<i32>} : memref<50x128xf32, #tpu.memory_space<vmem>>, vector<1x16xf32>,
        %get3A_429 = vector.shape_cast %get3A_428 : vector<1x16xf32> to vector<16xf32>
        %swap3A_430 = arith.constant 0 : i32
        %swap3A_431 = arith.index_cast %swap3A_430 : i32 to index
        %swap3A_432 = arith.index_cast %add3A_425 : i32 to index
        %swap3A_433 = arith.constant 128 : index
        %swap3A_434 = tpu.vector_load %arg15[%swap3A_431, %swap3A_432, %swap3A_433] {strides = array<i32>} : memref<1x50x192xf32, #tpu.memory_space<vmem>>, vector<1x1x16xf32>,
        %swap3A_435 = vector.shape_cast %swap3A_434 : vector<1x1x16xf32> to vector<16xf32>
        %swap3A_436 = vector.shape_cast %get3A_429 : vector<16xf32> to vector<1x1x16xf32>
        tpu.vector_store %arg15[%swap3A_431, %swap3A_432, %swap3A_433], %swap3A_436 {strides = array<i32>} : memref<1x50x192xf32, #tpu.memory_space<vmem>>, vector<1x1x16xf32>,
        %get3A_437 = arith.index_cast %add3A_425 : i32 to index
        %get3A_438 = arith.constant 16 : index
        %get3A_439 = tpu.vector_load %arg11[%get3A_437, %get3A_438] {strides = array<i32>} : memref<50x128xf32, #tpu.memory_space<vmem>>, vector<1x16xf32>,
        %get3A_440 = vector.shape_cast %get3A_439 : vector<1x16xf32> to vector<16xf32>
        %swap3A_441 = arith.constant 0 : i32
        %swap3A_442 = arith.index_cast %swap3A_441 : i32 to index
        %swap3A_443 = arith.index_cast %add3A_425 : i32 to index
        %swap3A_444 = arith.constant 144 : index
        %swap3A_445 = tpu.vector_load %arg15[%swap3A_442, %swap3A_443, %swap3A_444] {strides = array<i32>} : memref<1x50x192xf32, #tpu.memory_space<vmem>>, vector<1x1x16xf32>,
        %swap3A_446 = vector.shape_cast %swap3A_445 : vector<1x1x16xf32> to vector<16xf32>
        %swap3A_447 = vector.shape_cast %get3A_440 : vector<16xf32> to vector<1x1x16xf32>
        tpu.vector_store %arg15[%swap3A_442, %swap3A_443, %swap3A_444], %swap3A_447 {strides = array<i32>} : memref<1x50x192xf32, #tpu.memory_space<vmem>>, vector<1x1x16xf32>,
        %get3A_448 = arith.index_cast %add3A_425 : i32 to index
        %get3A_449 = arith.constant 32 : index
        %get3A_450 = tpu.vector_load %arg11[%get3A_448, %get3A_449] {strides = array<i32>} : memref<50x128xf32, #tpu.memory_space<vmem>>, vector<1x16xf32>,
        %get3A_451 = vector.shape_cast %get3A_450 : vector<1x16xf32> to vector<16xf32>
        %swap3A_452 = arith.constant 0 : i32
        %swap3A_453 = arith.index_cast %swap3A_452 : i32 to index
        %swap3A_454 = arith.index_cast %add3A_425 : i32 to index
        %swap3A_455 = arith.constant 160 : index
        %swap3A_456 = tpu.vector_load %arg15[%swap3A_453, %swap3A_454, %swap3A_455] {strides = array<i32>} : memref<1x50x192xf32, #tpu.memory_space<vmem>>, vector<1x1x16xf32>,
        %swap3A_457 = vector.shape_cast %swap3A_456 : vector<1x1x16xf32> to vector<16xf32>
        %swap3A_458 = vector.shape_cast %get3A_451 : vector<16xf32> to vector<1x1x16xf32>
        tpu.vector_store %arg15[%swap3A_453, %swap3A_454, %swap3A_455], %swap3A_458 {strides = array<i32>} : memref<1x50x192xf32, #tpu.memory_space<vmem>>, vector<1x1x16xf32>,
        %get3A_459 = arith.index_cast %add3A_425 : i32 to index
        %get3A_460 = arith.constant 48 : index
        %get3A_461 = tpu.vector_load %arg11[%get3A_459, %get3A_460] {strides = array<i32>} : memref<50x128xf32, #tpu.memory_space<vmem>>, vector<1x16xf32>,
        %get3A_462 = vector.shape_cast %get3A_461 : vector<1x16xf32> to vector<16xf32>
        %swap3A_463 = arith.constant 0 : i32
        %swap3A_464 = arith.index_cast %swap3A_463 : i32 to index
        %swap3A_465 = arith.index_cast %add3A_425 : i32 to index
        %swap3A_466 = arith.constant 176 : index
        %swap3A_467 = tpu.vector_load %arg15[%swap3A_464, %swap3A_465, %swap3A_466] {strides = array<i32>} : memref<1x50x192xf32, #tpu.memory_space<vmem>>, vector<1x1x16xf32>,
        %swap3A_468 = vector.shape_cast %swap3A_467 : vector<1x1x16xf32> to vector<16xf32>
        %swap3A_469 = vector.shape_cast %get3A_462 : vector<16xf32> to vector<1x1x16xf32>
        tpu.vector_store %arg15[%swap3A_464, %swap3A_465, %swap3A_466], %swap3A_469 {strides = array<i32>} : memref<1x50x192xf32, #tpu.memory_space<vmem>>, vector<1x1x16xf32>,
        %scan3A_470 = arith.constant 3 : i32
        %scan3A_471 = arith.addi %scan3A_323, %scan3A_470 : i32
        %mul3A_472 = arith.constant 1 : i32
        %mul3A_473 = arith.muli %scan3A_471, %mul3A_472 : i32
        %add3A_474 = arith.constant 0 : i32
        %add3A_475 = arith.addi %add3A_474, %mul3A_473 : i32
        %get3A_476 = arith.index_cast %add3A_475 : i32 to index
        %get3A_477 = arith.constant 0 : index
        %get3A_478 = tpu.vector_load %arg11[%get3A_476, %get3A_477] {strides = array<i32>} : memref<50x128xf32, #tpu.memory_space<vmem>>, vector<1x16xf32>,
        %get3A_479 = vector.shape_cast %get3A_478 : vector<1x16xf32> to vector<16xf32>
        %swap3A_480 = arith.constant 0 : i32
        %swap3A_481 = arith.index_cast %swap3A_480 : i32 to index
        %swap3A_482 = arith.index_cast %add3A_475 : i32 to index
        %swap3A_483 = arith.constant 128 : index
        %swap3A_484 = tpu.vector_load %arg15[%swap3A_481, %swap3A_482, %swap3A_483] {strides = array<i32>} : memref<1x50x192xf32, #tpu.memory_space<vmem>>, vector<1x1x16xf32>,
        %swap3A_485 = vector.shape_cast %swap3A_484 : vector<1x1x16xf32> to vector<16xf32>
        %swap3A_486 = vector.shape_cast %get3A_479 : vector<16xf32> to vector<1x1x16xf32>
        tpu.vector_store %arg15[%swap3A_481, %swap3A_482, %swap3A_483], %swap3A_486 {strides = array<i32>} : memref<1x50x192xf32, #tpu.memory_space<vmem>>, vector<1x1x16xf32>,
        %get3A_487 = arith.index_cast %add3A_475 : i32 to index
        %get3A_488 = arith.constant 16 : index
        %get3A_489 = tpu.vector_load %arg11[%get3A_487, %get3A_488] {strides = array<i32>} : memref<50x128xf32, #tpu.memory_space<vmem>>, vector<1x16xf32>,
        %get3A_490 = vector.shape_cast %get3A_489 : vector<1x16xf32> to vector<16xf32>
        %swap3A_491 = arith.constant 0 : i32
        %swap3A_492 = arith.index_cast %swap3A_491 : i32 to index
        %swap3A_493 = arith.index_cast %add3A_475 : i32 to index
        %swap3A_494 = arith.constant 144 : index
        %swap3A_495 = tpu.vector_load %arg15[%swap3A_492, %swap3A_493, %swap3A_494] {strides = array<i32>} : memref<1x50x192xf32, #tpu.memory_space<vmem>>, vector<1x1x16xf32>,
        %swap3A_496 = vector.shape_cast %swap3A_495 : vector<1x1x16xf32> to vector<16xf32>
        %swap3A_497 = vector.shape_cast %get3A_490 : vector<16xf32> to vector<1x1x16xf32>
        tpu.vector_store %arg15[%swap3A_492, %swap3A_493, %swap3A_494], %swap3A_497 {strides = array<i32>} : memref<1x50x192xf32, #tpu.memory_space<vmem>>, vector<1x1x16xf32>,
        %get3A_498 = arith.index_cast %add3A_475 : i32 to index
        %get3A_499 = arith.constant 32 : index
        %get3A_500 = tpu.vector_load %arg11[%get3A_498, %get3A_499] {strides = array<i32>} : memref<50x128xf32, #tpu.memory_space<vmem>>, vector<1x16xf32>,
        %get3A_501 = vector.shape_cast %get3A_500 : vector<1x16xf32> to vector<16xf32>
        %swap3A_502 = arith.constant 0 : i32
        %swap3A_503 = arith.index_cast %swap3A_502 : i32 to index
        %swap3A_504 = arith.index_cast %add3A_475 : i32 to index
        %swap3A_505 = arith.constant 160 : index
        %swap3A_506 = tpu.vector_load %arg15[%swap3A_503, %swap3A_504, %swap3A_505] {strides = array<i32>} : memref<1x50x192xf32, #tpu.memory_space<vmem>>, vector<1x1x16xf32>,
        %swap3A_507 = vector.shape_cast %swap3A_506 : vector<1x1x16xf32> to vector<16xf32>
        %swap3A_508 = vector.shape_cast %get3A_501 : vector<16xf32> to vector<1x1x16xf32>
        tpu.vector_store %arg15[%swap3A_503, %swap3A_504, %swap3A_505], %swap3A_508 {strides = array<i32>} : memref<1x50x192xf32, #tpu.memory_space<vmem>>, vector<1x1x16xf32>,
        %get3A_509 = arith.index_cast %add3A_475 : i32 to index
        %get3A_510 = arith.constant 48 : index
        %get3A_511 = tpu.vector_load %arg11[%get3A_509, %get3A_510] {strides = array<i32>} : memref<50x128xf32, #tpu.memory_space<vmem>>, vector<1x16xf32>,
        %get3A_512 = vector.shape_cast %get3A_511 : vector<1x16xf32> to vector<16xf32>
        %swap3A_513 = arith.constant 0 : i32
        %swap3A_514 = arith.index_cast %swap3A_513 : i32 to index
        %swap3A_515 = arith.index_cast %add3A_475 : i32 to index
        %swap3A_516 = arith.constant 176 : index
        %swap3A_517 = tpu.vector_load %arg15[%swap3A_514, %swap3A_515, %swap3A_516] {strides = array<i32>} : memref<1x50x192xf32, #tpu.memory_space<vmem>>, vector<1x1x16xf32>,
        %swap3A_518 = vector.shape_cast %swap3A_517 : vector<1x1x16xf32> to vector<16xf32>
        %swap3A_519 = vector.shape_cast %get3A_512 : vector<16xf32> to vector<1x1x16xf32>
        tpu.vector_store %arg15[%swap3A_514, %swap3A_515, %swap3A_516], %swap3A_519 {strides = array<i32>} : memref<1x50x192xf32, #tpu.memory_space<vmem>>, vector<1x1x16xf32>,
        %scan3A_520 = arith.constant 4 : i32
        %scan3A_521 = arith.addi %scan3A_323, %scan3A_520 : i32
        %mul3A_522 = arith.constant 1 : i32
        %mul3A_523 = arith.muli %scan3A_521, %mul3A_522 : i32
        %add3A_524 = arith.constant 0 : i32
        %add3A_525 = arith.addi %add3A_524, %mul3A_523 : i32
        %get3A_526 = arith.index_cast %add3A_525 : i32 to index
        %get3A_527 = arith.constant 0 : index
        %get3A_528 = tpu.vector_load %arg11[%get3A_526, %get3A_527] {strides = array<i32>} : memref<50x128xf32, #tpu.memory_space<vmem>>, vector<1x16xf32>,
        %get3A_529 = vector.shape_cast %get3A_528 : vector<1x16xf32> to vector<16xf32>
        %swap3A_530 = arith.constant 0 : i32
        %swap3A_531 = arith.index_cast %swap3A_530 : i32 to index
        %swap3A_532 = arith.index_cast %add3A_525 : i32 to index
        %swap3A_533 = arith.constant 128 : index
        %swap3A_534 = tpu.vector_load %arg15[%swap3A_531, %swap3A_532, %swap3A_533] {strides = array<i32>} : memref<1x50x192xf32, #tpu.memory_space<vmem>>, vector<1x1x16xf32>,
        %swap3A_535 = vector.shape_cast %swap3A_534 : vector<1x1x16xf32> to vector<16xf32>
        %swap3A_536 = vector.shape_cast %get3A_529 : vector<16xf32> to vector<1x1x16xf32>
        tpu.vector_store %arg15[%swap3A_531, %swap3A_532, %swap3A_533], %swap3A_536 {strides = array<i32>} : memref<1x50x192xf32, #tpu.memory_space<vmem>>, vector<1x1x16xf32>,
        %get3A_537 = arith.index_cast %add3A_525 : i32 to index
        %get3A_538 = arith.constant 16 : index
        %get3A_539 = tpu.vector_load %arg11[%get3A_537, %get3A_538] {strides = array<i32>} : memref<50x128xf32, #tpu.memory_space<vmem>>, vector<1x16xf32>,
        %get3A_540 = vector.shape_cast %get3A_539 : vector<1x16xf32> to vector<16xf32>
        %swap3A_541 = arith.constant 0 : i32
        %swap3A_542 = arith.index_cast %swap3A_541 : i32 to index
        %swap3A_543 = arith.index_cast %add3A_525 : i32 to index
        %swap3A_544 = arith.constant 144 : index
        %swap3A_545 = tpu.vector_load %arg15[%swap3A_542, %swap3A_543, %swap3A_544] {strides = array<i32>} : memref<1x50x192xf32, #tpu.memory_space<vmem>>, vector<1x1x16xf32>,
        %swap3A_546 = vector.shape_cast %swap3A_545 : vector<1x1x16xf32> to vector<16xf32>
        %swap3A_547 = vector.shape_cast %get3A_540 : vector<16xf32> to vector<1x1x16xf32>
        tpu.vector_store %arg15[%swap3A_542, %swap3A_543, %swap3A_544], %swap3A_547 {strides = array<i32>} : memref<1x50x192xf32, #tpu.memory_space<vmem>>, vector<1x1x16xf32>,
        %get3A_548 = arith.index_cast %add3A_525 : i32 to index
        %get3A_549 = arith.constant 32 : index
        %get3A_550 = tpu.vector_load %arg11[%get3A_548, %get3A_549] {strides = array<i32>} : memref<50x128xf32, #tpu.memory_space<vmem>>, vector<1x16xf32>,
        %get3A_551 = vector.shape_cast %get3A_550 : vector<1x16xf32> to vector<16xf32>
        %swap3A_552 = arith.constant 0 : i32
        %swap3A_553 = arith.index_cast %swap3A_552 : i32 to index
        %swap3A_554 = arith.index_cast %add3A_525 : i32 to index
        %swap3A_555 = arith.constant 160 : index
        %swap3A_556 = tpu.vector_load %arg15[%swap3A_553, %swap3A_554, %swap3A_555] {strides = array<i32>} : memref<1x50x192xf32, #tpu.memory_space<vmem>>, vector<1x1x16xf32>,
        %swap3A_557 = vector.shape_cast %swap3A_556 : vector<1x1x16xf32> to vector<16xf32>
        %swap3A_558 = vector.shape_cast %get3A_551 : vector<16xf32> to vector<1x1x16xf32>
        tpu.vector_store %arg15[%swap3A_553, %swap3A_554, %swap3A_555], %swap3A_558 {strides = array<i32>} : memref<1x50x192xf32, #tpu.memory_space<vmem>>, vector<1x1x16xf32>,
        %get3A_559 = arith.index_cast %add3A_525 : i32 to index
        %get3A_560 = arith.constant 48 : index
        %get3A_561 = tpu.vector_load %arg11[%get3A_559, %get3A_560] {strides = array<i32>} : memref<50x128xf32, #tpu.memory_space<vmem>>, vector<1x16xf32>,
        %get3A_562 = vector.shape_cast %get3A_561 : vector<1x16xf32> to vector<16xf32>
        %swap3A_563 = arith.constant 0 : i32
        %swap3A_564 = arith.index_cast %swap3A_563 : i32 to index
        %swap3A_565 = arith.index_cast %add3A_525 : i32 to index
        %swap3A_566 = arith.constant 176 : index
        %swap3A_567 = tpu.vector_load %arg15[%swap3A_564, %swap3A_565, %swap3A_566] {strides = array<i32>} : memref<1x50x192xf32, #tpu.memory_space<vmem>>, vector<1x1x16xf32>,
        %swap3A_568 = vector.shape_cast %swap3A_567 : vector<1x1x16xf32> to vector<16xf32>
        %swap3A_569 = vector.shape_cast %get3A_562 : vector<16xf32> to vector<1x1x16xf32>
        tpu.vector_store %arg15[%swap3A_564, %swap3A_565, %swap3A_566], %swap3A_569 {strides = array<i32>} : memref<1x50x192xf32, #tpu.memory_space<vmem>>, vector<1x1x16xf32>,
        %scan3A_570 = arith.constant 5 : i32
        %scan3A_571 = arith.addi %scan3A_323, %scan3A_570 : i32
        %mul3A_572 = arith.constant 1 : i32
        %mul3A_573 = arith.muli %scan3A_571, %mul3A_572 : i32
        %add3A_574 = arith.constant 0 : i32
        %add3A_575 = arith.addi %add3A_574, %mul3A_573 : i32
        %get3A_576 = arith.index_cast %add3A_575 : i32 to index
        %get3A_577 = arith.constant 0 : index
        %get3A_578 = tpu.vector_load %arg11[%get3A_576, %get3A_577] {strides = array<i32>} : memref<50x128xf32, #tpu.memory_space<vmem>>, vector<1x16xf32>,
        %get3A_579 = vector.shape_cast %get3A_578 : vector<1x16xf32> to vector<16xf32>
        %swap3A_580 = arith.constant 0 : i32
        %swap3A_581 = arith.index_cast %swap3A_580 : i32 to index
        %swap3A_582 = arith.index_cast %add3A_575 : i32 to index
        %swap3A_583 = arith.constant 128 : index
        %swap3A_584 = tpu.vector_load %arg15[%swap3A_581, %swap3A_582, %swap3A_583] {strides = array<i32>} : memref<1x50x192xf32, #tpu.memory_space<vmem>>, vector<1x1x16xf32>,
        %swap3A_585 = vector.shape_cast %swap3A_584 : vector<1x1x16xf32> to vector<16xf32>
        %swap3A_586 = vector.shape_cast %get3A_579 : vector<16xf32> to vector<1x1x16xf32>
        tpu.vector_store %arg15[%swap3A_581, %swap3A_582, %swap3A_583], %swap3A_586 {strides = array<i32>} : memref<1x50x192xf32, #tpu.memory_space<vmem>>, vector<1x1x16xf32>,
        %get3A_587 = arith.index_cast %add3A_575 : i32 to index
        %get3A_588 = arith.constant 16 : index
        %get3A_589 = tpu.vector_load %arg11[%get3A_587, %get3A_588] {strides = array<i32>} : memref<50x128xf32, #tpu.memory_space<vmem>>, vector<1x16xf32>,
        %get3A_590 = vector.shape_cast %get3A_589 : vector<1x16xf32> to vector<16xf32>
        %swap3A_591 = arith.constant 0 : i32
        %swap3A_592 = arith.index_cast %swap3A_591 : i32 to index
        %swap3A_593 = arith.index_cast %add3A_575 : i32 to index
        %swap3A_594 = arith.constant 144 : index
        %swap3A_595 = tpu.vector_load %arg15[%swap3A_592, %swap3A_593, %swap3A_594] {strides = array<i32>} : memref<1x50x192xf32, #tpu.memory_space<vmem>>, vector<1x1x16xf32>,
        %swap3A_596 = vector.shape_cast %swap3A_595 : vector<1x1x16xf32> to vector<16xf32>
        %swap3A_597 = vector.shape_cast %get3A_590 : vector<16xf32> to vector<1x1x16xf32>
        tpu.vector_store %arg15[%swap3A_592, %swap3A_593, %swap3A_594], %swap3A_597 {strides = array<i32>} : memref<1x50x192xf32, #tpu.memory_space<vmem>>, vector<1x1x16xf32>,
        %get3A_598 = arith.index_cast %add3A_575 : i32 to index
        %get3A_599 = arith.constant 32 : index
        %get3A_600 = tpu.vector_load %arg11[%get3A_598, %get3A_599] {strides = array<i32>} : memref<50x128xf32, #tpu.memory_space<vmem>>, vector<1x16xf32>,
        %get3A_601 = vector.shape_cast %get3A_600 : vector<1x16xf32> to vector<16xf32>
        %swap3A_602 = arith.constant 0 : i32
        %swap3A_603 = arith.index_cast %swap3A_602 : i32 to index
        %swap3A_604 = arith.index_cast %add3A_575 : i32 to index
        %swap3A_605 = arith.constant 160 : index
        %swap3A_606 = tpu.vector_load %arg15[%swap3A_603, %swap3A_604, %swap3A_605] {strides = array<i32>} : memref<1x50x192xf32, #tpu.memory_space<vmem>>, vector<1x1x16xf32>,
        %swap3A_607 = vector.shape_cast %swap3A_606 : vector<1x1x16xf32> to vector<16xf32>
        %swap3A_608 = vector.shape_cast %get3A_601 : vector<16xf32> to vector<1x1x16xf32>
        tpu.vector_store %arg15[%swap3A_603, %swap3A_604, %swap3A_605], %swap3A_608 {strides = array<i32>} : memref<1x50x192xf32, #tpu.memory_space<vmem>>, vector<1x1x16xf32>,
        %get3A_609 = arith.index_cast %add3A_575 : i32 to index
        %get3A_610 = arith.constant 48 : index
        %get3A_611 = tpu.vector_load %arg11[%get3A_609, %get3A_610] {strides = array<i32>} : memref<50x128xf32, #tpu.memory_space<vmem>>, vector<1x16xf32>,
        %get3A_612 = vector.shape_cast %get3A_611 : vector<1x16xf32> to vector<16xf32>
        %swap3A_613 = arith.constant 0 : i32
        %swap3A_614 = arith.index_cast %swap3A_613 : i32 to index
        %swap3A_615 = arith.index_cast %add3A_575 : i32 to index
        %swap3A_616 = arith.constant 176 : index
        %swap3A_617 = tpu.vector_load %arg15[%swap3A_614, %swap3A_615, %swap3A_616] {strides = array<i32>} : memref<1x50x192xf32, #tpu.memory_space<vmem>>, vector<1x1x16xf32>,
        %swap3A_618 = vector.shape_cast %swap3A_617 : vector<1x1x16xf32> to vector<16xf32>
        %swap3A_619 = vector.shape_cast %get3A_612 : vector<16xf32> to vector<1x1x16xf32>
        tpu.vector_store %arg15[%swap3A_614, %swap3A_615, %swap3A_616], %swap3A_619 {strides = array<i32>} : memref<1x50x192xf32, #tpu.memory_space<vmem>>, vector<1x1x16xf32>,
        %scan3A_620 = arith.constant 6 : i32
        %scan3A_621 = arith.addi %scan3A_323, %scan3A_620 : i32
        %mul3A_622 = arith.constant 1 : i32
        %mul3A_623 = arith.muli %scan3A_621, %mul3A_622 : i32
        %add3A_624 = arith.constant 0 : i32
        %add3A_625 = arith.addi %add3A_624, %mul3A_623 : i32
        %get3A_626 = arith.index_cast %add3A_625 : i32 to index
        %get3A_627 = arith.constant 0 : index
        %get3A_628 = tpu.vector_load %arg11[%get3A_626, %get3A_627] {strides = array<i32>} : memref<50x128xf32, #tpu.memory_space<vmem>>, vector<1x16xf32>,
        %get3A_629 = vector.shape_cast %get3A_628 : vector<1x16xf32> to vector<16xf32>
        %swap3A_630 = arith.constant 0 : i32
        %swap3A_631 = arith.index_cast %swap3A_630 : i32 to index
        %swap3A_632 = arith.index_cast %add3A_625 : i32 to index
        %swap3A_633 = arith.constant 128 : index
        %swap3A_634 = tpu.vector_load %arg15[%swap3A_631, %swap3A_632, %swap3A_633] {strides = array<i32>} : memref<1x50x192xf32, #tpu.memory_space<vmem>>, vector<1x1x16xf32>,
        %swap3A_635 = vector.shape_cast %swap3A_634 : vector<1x1x16xf32> to vector<16xf32>
        %swap3A_636 = vector.shape_cast %get3A_629 : vector<16xf32> to vector<1x1x16xf32>
        tpu.vector_store %arg15[%swap3A_631, %swap3A_632, %swap3A_633], %swap3A_636 {strides = array<i32>} : memref<1x50x192xf32, #tpu.memory_space<vmem>>, vector<1x1x16xf32>,
        %get3A_637 = arith.index_cast %add3A_625 : i32 to index
        %get3A_638 = arith.constant 16 : index
        %get3A_639 = tpu.vector_load %arg11[%get3A_637, %get3A_638] {strides = array<i32>} : memref<50x128xf32, #tpu.memory_space<vmem>>, vector<1x16xf32>,
        %get3A_640 = vector.shape_cast %get3A_639 : vector<1x16xf32> to vector<16xf32>
        %swap3A_641 = arith.constant 0 : i32
        %swap3A_642 = arith.index_cast %swap3A_641 : i32 to index
        %swap3A_643 = arith.index_cast %add3A_625 : i32 to index
        %swap3A_644 = arith.constant 144 : index
        %swap3A_645 = tpu.vector_load %arg15[%swap3A_642, %swap3A_643, %swap3A_644] {strides = array<i32>} : memref<1x50x192xf32, #tpu.memory_space<vmem>>, vector<1x1x16xf32>,
        %swap3A_646 = vector.shape_cast %swap3A_645 : vector<1x1x16xf32> to vector<16xf32>
        %swap3A_647 = vector.shape_cast %get3A_640 : vector<16xf32> to vector<1x1x16xf32>
        tpu.vector_store %arg15[%swap3A_642, %swap3A_643, %swap3A_644], %swap3A_647 {strides = array<i32>} : memref<1x50x192xf32, #tpu.memory_space<vmem>>, vector<1x1x16xf32>,
        %get3A_648 = arith.index_cast %add3A_625 : i32 to index
        %get3A_649 = arith.constant 32 : index
        %get3A_650 = tpu.vector_load %arg11[%get3A_648, %get3A_649] {strides = array<i32>} : memref<50x128xf32, #tpu.memory_space<vmem>>, vector<1x16xf32>,
        %get3A_651 = vector.shape_cast %get3A_650 : vector<1x16xf32> to vector<16xf32>
        %swap3A_652 = arith.constant 0 : i32
        %swap3A_653 = arith.index_cast %swap3A_652 : i32 to index
        %swap3A_654 = arith.index_cast %add3A_625 : i32 to index
        %swap3A_655 = arith.constant 160 : index
        %swap3A_656 = tpu.vector_load %arg15[%swap3A_653, %swap3A_654, %swap3A_655] {strides = array<i32>} : memref<1x50x192xf32, #tpu.memory_space<vmem>>, vector<1x1x16xf32>,
        %swap3A_657 = vector.shape_cast %swap3A_656 : vector<1x1x16xf32> to vector<16xf32>
        %swap3A_658 = vector.shape_cast %get3A_651 : vector<16xf32> to vector<1x1x16xf32>
        tpu.vector_store %arg15[%swap3A_653, %swap3A_654, %swap3A_655], %swap3A_658 {strides = array<i32>} : memref<1x50x192xf32, #tpu.memory_space<vmem>>, vector<1x1x16xf32>,
        %get3A_659 = arith.index_cast %add3A_625 : i32 to index
        %get3A_660 = arith.constant 48 : index
        %get3A_661 = tpu.vector_load %arg11[%get3A_659, %get3A_660] {strides = array<i32>} : memref<50x128xf32, #tpu.memory_space<vmem>>, vector<1x16xf32>,
        %get3A_662 = vector.shape_cast %get3A_661 : vector<1x16xf32> to vector<16xf32>
        %swap3A_663 = arith.constant 0 : i32
        %swap3A_664 = arith.index_cast %swap3A_663 : i32 to index
        %swap3A_665 = arith.index_cast %add3A_625 : i32 to index
        %swap3A_666 = arith.constant 176 : index
        %swap3A_667 = tpu.vector_load %arg15[%swap3A_664, %swap3A_665, %swap3A_666] {strides = array<i32>} : memref<1x50x192xf32, #tpu.memory_space<vmem>>, vector<1x1x16xf32>,
        %swap3A_668 = vector.shape_cast %swap3A_667 : vector<1x1x16xf32> to vector<16xf32>
        %swap3A_669 = vector.shape_cast %get3A_662 : vector<16xf32> to vector<1x1x16xf32>
        tpu.vector_store %arg15[%swap3A_664, %swap3A_665, %swap3A_666], %swap3A_669 {strides = array<i32>} : memref<1x50x192xf32, #tpu.memory_space<vmem>>, vector<1x1x16xf32>,
        %scan3A_670 = arith.constant 7 : i32
        %scan3A_671 = arith.addi %scan3A_323, %scan3A_670 : i32
        %mul3A_672 = arith.constant 1 : i32
        %mul3A_673 = arith.muli %scan3A_671, %mul3A_672 : i32
        %add3A_674 = arith.constant 0 : i32
        %add3A_675 = arith.addi %add3A_674, %mul3A_673 : i32
        %get3A_676 = arith.index_cast %add3A_675 : i32 to index
        %get3A_677 = arith.constant 0 : index
        %get3A_678 = tpu.vector_load %arg11[%get3A_676, %get3A_677] {strides = array<i32>} : memref<50x128xf32, #tpu.memory_space<vmem>>, vector<1x16xf32>,
        %get3A_679 = vector.shape_cast %get3A_678 : vector<1x16xf32> to vector<16xf32>
        %swap3A_680 = arith.constant 0 : i32
        %swap3A_681 = arith.index_cast %swap3A_680 : i32 to index
        %swap3A_682 = arith.index_cast %add3A_675 : i32 to index
        %swap3A_683 = arith.constant 128 : index
        %swap3A_684 = tpu.vector_load %arg15[%swap3A_681, %swap3A_682, %swap3A_683] {strides = array<i32>} : memref<1x50x192xf32, #tpu.memory_space<vmem>>, vector<1x1x16xf32>,
        %swap3A_685 = vector.shape_cast %swap3A_684 : vector<1x1x16xf32> to vector<16xf32>
        %swap3A_686 = vector.shape_cast %get3A_679 : vector<16xf32> to vector<1x1x16xf32>
        tpu.vector_store %arg15[%swap3A_681, %swap3A_682, %swap3A_683], %swap3A_686 {strides = array<i32>} : memref<1x50x192xf32, #tpu.memory_space<vmem>>, vector<1x1x16xf32>,
        %get3A_687 = arith.index_cast %add3A_675 : i32 to index
        %get3A_688 = arith.constant 16 : index
        %get3A_689 = tpu.vector_load %arg11[%get3A_687, %get3A_688] {strides = array<i32>} : memref<50x128xf32, #tpu.memory_space<vmem>>, vector<1x16xf32>,
        %get3A_690 = vector.shape_cast %get3A_689 : vector<1x16xf32> to vector<16xf32>
        %swap3A_691 = arith.constant 0 : i32
        %swap3A_692 = arith.index_cast %swap3A_691 : i32 to index
        %swap3A_693 = arith.index_cast %add3A_675 : i32 to index
        %swap3A_694 = arith.constant 144 : index
        %swap3A_695 = tpu.vector_load %arg15[%swap3A_692, %swap3A_693, %swap3A_694] {strides = array<i32>} : memref<1x50x192xf32, #tpu.memory_space<vmem>>, vector<1x1x16xf32>,
        %swap3A_696 = vector.shape_cast %swap3A_695 : vector<1x1x16xf32> to vector<16xf32>
        %swap3A_697 = vector.shape_cast %get3A_690 : vector<16xf32> to vector<1x1x16xf32>
        tpu.vector_store %arg15[%swap3A_692, %swap3A_693, %swap3A_694], %swap3A_697 {strides = array<i32>} : memref<1x50x192xf32, #tpu.memory_space<vmem>>, vector<1x1x16xf32>,
        %get3A_698 = arith.index_cast %add3A_675 : i32 to index
        %get3A_699 = arith.constant 32 : index
        %get3A_700 = tpu.vector_load %arg11[%get3A_698, %get3A_699] {strides = array<i32>} : memref<50x128xf32, #tpu.memory_space<vmem>>, vector<1x16xf32>,
        %get3A_701 = vector.shape_cast %get3A_700 : vector<1x16xf32> to vector<16xf32>
        %swap3A_702 = arith.constant 0 : i32
        %swap3A_703 = arith.index_cast %swap3A_702 : i32 to index
        %swap3A_704 = arith.index_cast %add3A_675 : i32 to index
        %swap3A_705 = arith.constant 160 : index
        %swap3A_706 = tpu.vector_load %arg15[%swap3A_703, %swap3A_704, %swap3A_705] {strides = array<i32>} : memref<1x50x192xf32, #tpu.memory_space<vmem>>, vector<1x1x16xf32>,
        %swap3A_707 = vector.shape_cast %swap3A_706 : vector<1x1x16xf32> to vector<16xf32>
        %swap3A_708 = vector.shape_cast %get3A_701 : vector<16xf32> to vector<1x1x16xf32>
        tpu.vector_store %arg15[%swap3A_703, %swap3A_704, %swap3A_705], %swap3A_708 {strides = array<i32>} : memref<1x50x192xf32, #tpu.memory_space<vmem>>, vector<1x1x16xf32>,
        %get3A_709 = arith.index_cast %add3A_675 : i32 to index
        %get3A_710 = arith.constant 48 : index
        %get3A_711 = tpu.vector_load %arg11[%get3A_709, %get3A_710] {strides = array<i32>} : memref<50x128xf32, #tpu.memory_space<vmem>>, vector<1x16xf32>,
        %get3A_712 = vector.shape_cast %get3A_711 : vector<1x16xf32> to vector<16xf32>
        %swap3A_713 = arith.constant 0 : i32
        %swap3A_714 = arith.index_cast %swap3A_713 : i32 to index
        %swap3A_715 = arith.index_cast %add3A_675 : i32 to index
        %swap3A_716 = arith.constant 176 : index
        %swap3A_717 = tpu.vector_load %arg15[%swap3A_714, %swap3A_715, %swap3A_716] {strides = array<i32>} : memref<1x50x192xf32, #tpu.memory_space<vmem>>, vector<1x1x16xf32>,
        %swap3A_718 = vector.shape_cast %swap3A_717 : vector<1x1x16xf32> to vector<16xf32>
        %swap3A_719 = vector.shape_cast %get3A_712 : vector<16xf32> to vector<1x1x16xf32>
        tpu.vector_store %arg15[%swap3A_714, %swap3A_715, %swap3A_716], %swap3A_719 {strides = array<i32>} : memref<1x50x192xf32, #tpu.memory_space<vmem>>, vector<1x1x16xf32>,
        %scan3A_720 = arith.constant 8 : i32
        %scan3A_721 = arith.addi %scan3A_323, %scan3A_720 : i32
        %mul3A_722 = arith.constant 1 : i32
        %mul3A_723 = arith.muli %scan3A_721, %mul3A_722 : i32
        %add3A_724 = arith.constant 0 : i32
        %add3A_725 = arith.addi %add3A_724, %mul3A_723 : i32
        %get3A_726 = arith.index_cast %add3A_725 : i32 to index
        %get3A_727 = arith.constant 0 : index
        %get3A_728 = tpu.vector_load %arg11[%get3A_726, %get3A_727] {strides = array<i32>} : memref<50x128xf32, #tpu.memory_space<vmem>>, vector<1x16xf32>,
        %get3A_729 = vector.shape_cast %get3A_728 : vector<1x16xf32> to vector<16xf32>
        %swap3A_730 = arith.constant 0 : i32
        %swap3A_731 = arith.index_cast %swap3A_730 : i32 to index
        %swap3A_732 = arith.index_cast %add3A_725 : i32 to index
        %swap3A_733 = arith.constant 128 : index
        %swap3A_734 = tpu.vector_load %arg15[%swap3A_731, %swap3A_732, %swap3A_733] {strides = array<i32>} : memref<1x50x192xf32, #tpu.memory_space<vmem>>, vector<1x1x16xf32>,
        %swap3A_735 = vector.shape_cast %swap3A_734 : vector<1x1x16xf32> to vector<16xf32>
        %swap3A_736 = vector.shape_cast %get3A_729 : vector<16xf32> to vector<1x1x16xf32>
        tpu.vector_store %arg15[%swap3A_731, %swap3A_732, %swap3A_733], %swap3A_736 {strides = array<i32>} : memref<1x50x192xf32, #tpu.memory_space<vmem>>, vector<1x1x16xf32>,
        %get3A_737 = arith.index_cast %add3A_725 : i32 to index
        %get3A_738 = arith.constant 16 : index
        %get3A_739 = tpu.vector_load %arg11[%get3A_737, %get3A_738] {strides = array<i32>} : memref<50x128xf32, #tpu.memory_space<vmem>>, vector<1x16xf32>,
        %get3A_740 = vector.shape_cast %get3A_739 : vector<1x16xf32> to vector<16xf32>
        %swap3A_741 = arith.constant 0 : i32
        %swap3A_742 = arith.index_cast %swap3A_741 : i32 to index
        %swap3A_743 = arith.index_cast %add3A_725 : i32 to index
        %swap3A_744 = arith.constant 144 : index
        %swap3A_745 = tpu.vector_load %arg15[%swap3A_742, %swap3A_743, %swap3A_744] {strides = array<i32>} : memref<1x50x192xf32, #tpu.memory_space<vmem>>, vector<1x1x16xf32>,
        %swap3A_746 = vector.shape_cast %swap3A_745 : vector<1x1x16xf32> to vector<16xf32>
        %swap3A_747 = vector.shape_cast %get3A_740 : vector<16xf32> to vector<1x1x16xf32>
        tpu.vector_store %arg15[%swap3A_742, %swap3A_743, %swap3A_744], %swap3A_747 {strides = array<i32>} : memref<1x50x192xf32, #tpu.memory_space<vmem>>, vector<1x1x16xf32>,
        %get3A_748 = arith.index_cast %add3A_725 : i32 to index
        %get3A_749 = arith.constant 32 : index
        %get3A_750 = tpu.vector_load %arg11[%get3A_748, %get3A_749] {strides = array<i32>} : memref<50x128xf32, #tpu.memory_space<vmem>>, vector<1x16xf32>,
        %get3A_751 = vector.shape_cast %get3A_750 : vector<1x16xf32> to vector<16xf32>
        %swap3A_752 = arith.constant 0 : i32
        %swap3A_753 = arith.index_cast %swap3A_752 : i32 to index
        %swap3A_754 = arith.index_cast %add3A_725 : i32 to index
        %swap3A_755 = arith.constant 160 : index
        %swap3A_756 = tpu.vector_load %arg15[%swap3A_753, %swap3A_754, %swap3A_755] {strides = array<i32>} : memref<1x50x192xf32, #tpu.memory_space<vmem>>, vector<1x1x16xf32>,
        %swap3A_757 = vector.shape_cast %swap3A_756 : vector<1x1x16xf32> to vector<16xf32>
        %swap3A_758 = vector.shape_cast %get3A_751 : vector<16xf32> to vector<1x1x16xf32>
        tpu.vector_store %arg15[%swap3A_753, %swap3A_754, %swap3A_755], %swap3A_758 {strides = array<i32>} : memref<1x50x192xf32, #tpu.memory_space<vmem>>, vector<1x1x16xf32>,
        %get3A_759 = arith.index_cast %add3A_725 : i32 to index
        %get3A_760 = arith.constant 48 : index
        %get3A_761 = tpu.vector_load %arg11[%get3A_759, %get3A_760] {strides = array<i32>} : memref<50x128xf32, #tpu.memory_space<vmem>>, vector<1x16xf32>,
        %get3A_762 = vector.shape_cast %get3A_761 : vector<1x16xf32> to vector<16xf32>
        %swap3A_763 = arith.constant 0 : i32
        %swap3A_764 = arith.index_cast %swap3A_763 : i32 to index
        %swap3A_765 = arith.index_cast %add3A_725 : i32 to index
        %swap3A_766 = arith.constant 176 : index
        %swap3A_767 = tpu.vector_load %arg15[%swap3A_764, %swap3A_765, %swap3A_766] {strides = array<i32>} : memref<1x50x192xf32, #tpu.memory_space<vmem>>, vector<1x1x16xf32>,
        %swap3A_768 = vector.shape_cast %swap3A_767 : vector<1x1x16xf32> to vector<16xf32>
        %swap3A_769 = vector.shape_cast %get3A_762 : vector<16xf32> to vector<1x1x16xf32>
        tpu.vector_store %arg15[%swap3A_764, %swap3A_765, %swap3A_766], %swap3A_769 {strides = array<i32>} : memref<1x50x192xf32, #tpu.memory_space<vmem>>, vector<1x1x16xf32>,
        %scan3A_770 = arith.constant 9 : i32
        %scan3A_771 = arith.addi %scan3A_323, %scan3A_770 : i32
        %mul3A_772 = arith.constant 1 : i32
        %mul3A_773 = arith.muli %scan3A_771, %mul3A_772 : i32
        %add3A_774 = arith.constant 0 : i32
        %add3A_775 = arith.addi %add3A_774, %mul3A_773 : i32
        %get3A_776 = arith.index_cast %add3A_775 : i32 to index
        %get3A_777 = arith.constant 0 : index
        %get3A_778 = tpu.vector_load %arg11[%get3A_776, %get3A_777] {strides = array<i32>} : memref<50x128xf32, #tpu.memory_space<vmem>>, vector<1x16xf32>,
        %get3A_779 = vector.shape_cast %get3A_778 : vector<1x16xf32> to vector<16xf32>
        %swap3A_780 = arith.constant 0 : i32
        %swap3A_781 = arith.index_cast %swap3A_780 : i32 to index
        %swap3A_782 = arith.index_cast %add3A_775 : i32 to index
        %swap3A_783 = arith.constant 128 : index
        %swap3A_784 = tpu.vector_load %arg15[%swap3A_781, %swap3A_782, %swap3A_783] {strides = array<i32>} : memref<1x50x192xf32, #tpu.memory_space<vmem>>, vector<1x1x16xf32>,
        %swap3A_785 = vector.shape_cast %swap3A_784 : vector<1x1x16xf32> to vector<16xf32>
        %swap3A_786 = vector.shape_cast %get3A_779 : vector<16xf32> to vector<1x1x16xf32>
        tpu.vector_store %arg15[%swap3A_781, %swap3A_782, %swap3A_783], %swap3A_786 {strides = array<i32>} : memref<1x50x192xf32, #tpu.memory_space<vmem>>, vector<1x1x16xf32>,
        %get3A_787 = arith.index_cast %add3A_775 : i32 to index
        %get3A_788 = arith.constant 16 : index
        %get3A_789 = tpu.vector_load %arg11[%get3A_787, %get3A_788] {strides = array<i32>} : memref<50x128xf32, #tpu.memory_space<vmem>>, vector<1x16xf32>,
        %get3A_790 = vector.shape_cast %get3A_789 : vector<1x16xf32> to vector<16xf32>
        %swap3A_791 = arith.constant 0 : i32
        %swap3A_792 = arith.index_cast %swap3A_791 : i32 to index
        %swap3A_793 = arith.index_cast %add3A_775 : i32 to index
        %swap3A_794 = arith.constant 144 : index
        %swap3A_795 = tpu.vector_load %arg15[%swap3A_792, %swap3A_793, %swap3A_794] {strides = array<i32>} : memref<1x50x192xf32, #tpu.memory_space<vmem>>, vector<1x1x16xf32>,
        %swap3A_796 = vector.shape_cast %swap3A_795 : vector<1x1x16xf32> to vector<16xf32>
        %swap3A_797 = vector.shape_cast %get3A_790 : vector<16xf32> to vector<1x1x16xf32>
        tpu.vector_store %arg15[%swap3A_792, %swap3A_793, %swap3A_794], %swap3A_797 {strides = array<i32>} : memref<1x50x192xf32, #tpu.memory_space<vmem>>, vector<1x1x16xf32>,
        %get3A_798 = arith.index_cast %add3A_775 : i32 to index
        %get3A_799 = arith.constant 32 : index
        %get3A_800 = tpu.vector_load %arg11[%get3A_798, %get3A_799] {strides = array<i32>} : memref<50x128xf32, #tpu.memory_space<vmem>>, vector<1x16xf32>,
        %get3A_801 = vector.shape_cast %get3A_800 : vector<1x16xf32> to vector<16xf32>
        %swap3A_802 = arith.constant 0 : i32
        %swap3A_803 = arith.index_cast %swap3A_802 : i32 to index
        %swap3A_804 = arith.index_cast %add3A_775 : i32 to index
        %swap3A_805 = arith.constant 160 : index
        %swap3A_806 = tpu.vector_load %arg15[%swap3A_803, %swap3A_804, %swap3A_805] {strides = array<i32>} : memref<1x50x192xf32, #tpu.memory_space<vmem>>, vector<1x1x16xf32>,
        %swap3A_807 = vector.shape_cast %swap3A_806 : vector<1x1x16xf32> to vector<16xf32>
        %swap3A_808 = vector.shape_cast %get3A_801 : vector<16xf32> to vector<1x1x16xf32>
        tpu.vector_store %arg15[%swap3A_803, %swap3A_804, %swap3A_805], %swap3A_808 {strides = array<i32>} : memref<1x50x192xf32, #tpu.memory_space<vmem>>, vector<1x1x16xf32>,
        %get3A_809 = arith.index_cast %add3A_775 : i32 to index
        %get3A_810 = arith.constant 48 : index
        %get3A_811 = tpu.vector_load %arg11[%get3A_809, %get3A_810] {strides = array<i32>} : memref<50x128xf32, #tpu.memory_space<vmem>>, vector<1x16xf32>,
        %get3A_812 = vector.shape_cast %get3A_811 : vector<1x16xf32> to vector<16xf32>
        %swap3A_813 = arith.constant 0 : i32
        %swap3A_814 = arith.index_cast %swap3A_813 : i32 to index
        %swap3A_815 = arith.index_cast %add3A_775 : i32 to index
        %swap3A_816 = arith.constant 176 : index
        %swap3A_817 = tpu.vector_load %arg15[%swap3A_814, %swap3A_815, %swap3A_816] {strides = array<i32>} : memref<1x50x192xf32, #tpu.memory_space<vmem>>, vector<1x1x16xf32>,
        %swap3A_818 = vector.shape_cast %swap3A_817 : vector<1x1x16xf32> to vector<16xf32>
        %swap3A_819 = vector.shape_cast %get3A_812 : vector<16xf32> to vector<1x1x16xf32>
        tpu.vector_store %arg15[%swap3A_814, %swap3A_815, %swap3A_816], %swap3A_819 {strides = array<i32>} : memref<1x50x192xf32, #tpu.memory_space<vmem>>, vector<1x1x16xf32>,
      }
      %scan3A_181 = arith.constant 50 : i32
      %dma_wait3A_182 = arith.constant 0 : i32
      %dma_wait3A_183 = arith.constant 0 : i32
      %dma_wait3A_184 = arith.constant 0 : i32
      %dma_wait3A_185 = arith.constant 0 : i32
      %dma_wait3A_186 = tpu.memref_slice %arg15[%dma_wait3A_183, %dma_wait3A_184, %dma_wait3A_185] : memref<1x50x192xf32, #tpu.memory_space<vmem>> -> memref<1x50x128xf32, #tpu.memory_space<vmem>>
      %dma_wait3A_187 = tpu.memref_squeeze %dma_wait3A_186 : memref<1x50x128xf32, #tpu.memory_space<vmem>> -> memref<50x128xf32, #tpu.memory_space<vmem>>
      %dma_wait3A_188 = arith.constant 0 : i32
      %dma_wait3A_189 = tpu.memref_slice %arg7[%dma_wait3A_182, %dma_wait3A_188] : memref<2x50xi32, #tpu.memory_space<vmem>> -> memref<1x50xi32, #tpu.memory_space<vmem>>
      %dma_wait3A_190 = tpu.memref_squeeze %dma_wait3A_189 : memref<1x50xi32, #tpu.memory_space<vmem>> -> memref<50xi32, #tpu.memory_space<vmem>>
      %dma_wait3A_191 = arith.constant 0 : i32
      %dma_wait3A_192 = arith.constant 0 : i32
      %dma_wait3A_193 = tpu.memref_slice %arg3[%dma_wait3A_191, %dma_wait3A_192] : memref<100000x128xf32, #tpu.memory_space<hbm>> -> memref<100000x128xf32, #tpu.memory_space<hbm>>
      tpu.wait_indirect_dma semaphore(%arg23 : memref<!tpu.dma_semaphore, #tpu.memory_space<semaphore_mem>>) src(%dma_wait3A_193 : memref<100000x128xf32, #tpu.memory_space<hbm>>) dst(%dma_wait3A_187 : memref<50x128xf32, #tpu.memory_space<vmem>>)
      %mul3A_194 = arith.constant 128 : i32
      %mul3A_195 = arith.muli %add3A, %mul3A_194 : i32
      %add3A_196 = arith.addi %mul3A_195, %add3A_150 : i32
      %dma_start3A_197 = arith.constant 0 : i32
      %dma_start3A_198 = arith.constant 0 : i32
      %dma_start3A_199 = arith.constant 0 : i32
      %dma_start3A_200 = tpu.memref_slice %arg5[%add3A_196, %dma_start3A_197, %dma_start3A_198, %dma_start3A_199] : memref<4096x1x50x192xf32, #tpu.memory_space<hbm>> -> memref<1x1x50x192xf32, #tpu.memory_space<hbm>>
      %dma_start3A_201 = tpu.memref_squeeze %dma_start3A_200 : memref<1x1x50x192xf32, #tpu.memory_space<hbm>> -> memref<1x50x192xf32, #tpu.memory_space<hbm>>
      %dma_start3A_202 = arith.constant 0 : i32
      %dma_start3A_203 = arith.constant 0 : i32
      %dma_start3A_204 = arith.constant 0 : i32
      %dma_start3A_205 = tpu.memref_slice %arg5[%add3A_196, %dma_start3A_202, %dma_start3A_203, %dma_start3A_204] : memref<4096x1x50x192xf32, #tpu.memory_space<hbm>> -> memref<1x1x50x192xf32, #tpu.memory_space<hbm>>
      %dma_start3A_206 = tpu.memref_squeeze %dma_start3A_205 : memref<1x1x50x192xf32, #tpu.memory_space<hbm>> -> memref<1x50x192xf32, #tpu.memory_space<hbm>>
      tpu.enqueue_dma source(%arg15 : memref<1x50x192xf32, #tpu.memory_space<vmem>>) target(%dma_start3A_206 : memref<1x50x192xf32, #tpu.memory_space<hbm>>) target_semaphore(%arg31 : memref<!tpu.dma_semaphore, #tpu.memory_space<semaphore_mem>>)
      %add3A_207 = arith.constant 2 : i32
      %add3A_208 = arith.addi %mul3A_94, %add3A_207 : i32
      %ge3A_209 = arith.constant 3 : i32
      %ge3A_210 = arith.cmpi sge, %add3A_208, %ge3A_209 : i32
      %convert_element_type3A_211 = arith.extui %ge3A_210 : i1 to i32
      %cond3A_212 = arith.constant 0 : i32
      %cond3A_213 = arith.cmpi ne, %convert_element_type3A_211, %cond3A_212 : i32
      scf.if %cond3A_213 {
        %dma_wait3A_323 = arith.constant 0 : i32
        %dma_wait3A_324 = arith.constant 0 : i32
        %dma_wait3A_325 = arith.constant 0 : i32
        %dma_wait3A_326 = arith.constant 0 : i32
        %dma_wait3A_327 = tpu.memref_slice %arg5[%dma_wait3A_323, %dma_wait3A_324, %dma_wait3A_325, %dma_wait3A_326] : memref<4096x1x50x192xf32, #tpu.memory_space<hbm>> -> memref<1x1x50x192xf32, #tpu.memory_space<hbm>>
        %dma_wait3A_328 = tpu.memref_squeeze %dma_wait3A_327 : memref<1x1x50x192xf32, #tpu.memory_space<hbm>> -> memref<1x50x192xf32, #tpu.memory_space<hbm>>
        %dma_wait3A_329 = arith.constant 0 : i32
        %dma_wait3A_330 = arith.constant 0 : i32
        %dma_wait3A_331 = arith.constant 0 : i32
        %dma_wait3A_332 = tpu.memref_slice %arg5[%dma_wait3A_323, %dma_wait3A_329, %dma_wait3A_330, %dma_wait3A_331] : memref<4096x1x50x192xf32, #tpu.memory_space<hbm>> -> memref<1x1x50x192xf32, #tpu.memory_space<hbm>>
        %dma_wait3A_333 = tpu.memref_squeeze %dma_wait3A_332 : memref<1x1x50x192xf32, #tpu.memory_space<hbm>> -> memref<1x50x192xf32, #tpu.memory_space<hbm>>
        tpu.wait_dma2 semaphore(%arg33 : memref<!tpu.dma_semaphore, #tpu.memory_space<semaphore_mem>>) src(%arg17 : memref<1x50x192xf32, #tpu.memory_space<vmem>>) dst(%dma_wait3A_333 : memref<1x50x192xf32, #tpu.memory_space<hbm>>)
      } else {
      }
      %add3A_214 = arith.constant 2 : i32
      %add3A_215 = arith.addi %add3A_208, %add3A_214 : i32
      %lt3A_216 = arith.constant 128 : i32
      %lt3A_217 = arith.cmpi slt, %add3A_215, %lt3A_216 : i32
      %convert_element_type3A_218 = arith.extui %lt3A_217 : i1 to i32
      %cond3A_219 = arith.constant 0 : i32
      %cond3A_220 = arith.cmpi ne, %convert_element_type3A_218, %cond3A_219 : i32
      scf.if %cond3A_220 {
        %add3A_323 = arith.constant 2 : i32
        %add3A_324 = arith.addi %add3A_208, %add3A_323 : i32
        %mul3A_325 = arith.constant 128 : i32
        %mul3A_326 = arith.muli %add3A, %mul3A_325 : i32
        %add3A_327 = arith.addi %mul3A_326, %add3A_324 : i32
        %dma_start3A_328 = arith.constant 0 : i32
        %dma_start3A_329 = arith.constant 0 : i32
        %dma_start3A_330 = tpu.memref_slice %arg2[%add3A_327, %dma_start3A_328, %dma_start3A_329] : memref<4096x2x50xi32, #tpu.memory_space<hbm>> -> memref<1x2x50xi32, #tpu.memory_space<hbm>>
        %dma_start3A_331 = tpu.memref_squeeze %dma_start3A_330 : memref<1x2x50xi32, #tpu.memory_space<hbm>> -> memref<2x50xi32, #tpu.memory_space<hbm>>
        %dma_start3A_332 = arith.constant 0 : i32
        %dma_start3A_333 = arith.constant 0 : i32
        %dma_start3A_334 = tpu.memref_slice %arg2[%add3A_327, %dma_start3A_332, %dma_start3A_333] : memref<4096x2x50xi32, #tpu.memory_space<hbm>> -> memref<1x2x50xi32, #tpu.memory_space<hbm>>
        %dma_start3A_335 = tpu.memref_squeeze %dma_start3A_334 : memref<1x2x50xi32, #tpu.memory_space<hbm>> -> memref<2x50xi32, #tpu.memory_space<hbm>>
        tpu.enqueue_dma source(%dma_start3A_335 : memref<2x50xi32, #tpu.memory_space<hbm>>) target(%arg6 : memref<2x50xi32, #tpu.memory_space<vmem>>) target_semaphore(%arg18 : memref<!tpu.dma_semaphore, #tpu.memory_space<semaphore_mem>>)
      } else {
      }
      %add3A_221 = arith.constant 1 : i32
      %add3A_222 = arith.addi %add3A_208, %add3A_221 : i32
      %lt3A_223 = arith.constant 128 : i32
      %lt3A_224 = arith.cmpi slt, %add3A_222, %lt3A_223 : i32
      %convert_element_type3A_225 = arith.extui %lt3A_224 : i1 to i32
      %cond3A_226 = arith.constant 0 : i32
      %cond3A_227 = arith.cmpi ne, %convert_element_type3A_225, %cond3A_226 : i32
      scf.if %cond3A_227 {
        %dma_wait3A_323 = arith.constant 0 : i32
        %dma_wait3A_324 = arith.constant 0 : i32
        %dma_wait3A_325 = arith.constant 0 : i32
        %dma_wait3A_326 = tpu.memref_slice %arg2[%dma_wait3A_323, %dma_wait3A_324, %dma_wait3A_325] : memref<4096x2x50xi32, #tpu.memory_space<hbm>> -> memref<1x2x50xi32, #tpu.memory_space<hbm>>
        %dma_wait3A_327 = tpu.memref_squeeze %dma_wait3A_326 : memref<1x2x50xi32, #tpu.memory_space<hbm>> -> memref<2x50xi32, #tpu.memory_space<hbm>>
        %dma_wait3A_328 = arith.constant 0 : i32
        %dma_wait3A_329 = arith.constant 0 : i32
        %dma_wait3A_330 = tpu.memref_slice %arg2[%dma_wait3A_323, %dma_wait3A_328, %dma_wait3A_329] : memref<4096x2x50xi32, #tpu.memory_space<hbm>> -> memref<1x2x50xi32, #tpu.memory_space<hbm>>
        %dma_wait3A_331 = tpu.memref_squeeze %dma_wait3A_330 : memref<1x2x50xi32, #tpu.memory_space<hbm>> -> memref<2x50xi32, #tpu.memory_space<hbm>>
        tpu.wait_dma2 semaphore(%arg21 : memref<!tpu.dma_semaphore, #tpu.memory_space<semaphore_mem>>) src(%dma_wait3A_331 : memref<2x50xi32, #tpu.memory_space<hbm>>) dst(%arg9 : memref<2x50xi32, #tpu.memory_space<vmem>>)
        %add3A_332 = arith.constant 1 : i32
        %add3A_333 = arith.addi %add3A_208, %add3A_332 : i32
        %dma_start3A_334 = arith.constant 0 : i32
        %dma_start3A_335 = arith.constant 0 : i32
        %dma_start3A_336 = arith.constant 0 : i32
        %dma_start3A_337 = arith.constant 0 : i32
        %dma_start3A_338 = tpu.memref_slice %arg17[%dma_start3A_335, %dma_start3A_336, %dma_start3A_337] : memref<1x50x192xf32, #tpu.memory_space<vmem>> -> memref<1x50x128xf32, #tpu.memory_space<vmem>>
        %dma_start3A_339 = tpu.memref_squeeze %dma_start3A_338 : memref<1x50x128xf32, #tpu.memory_space<vmem>> -> memref<50x128xf32, #tpu.memory_space<vmem>>
        %dma_start3A_340 = arith.constant 0 : i32
        %dma_start3A_341 = tpu.memref_slice %arg9[%dma_start3A_334, %dma_start3A_340] : memref<2x50xi32, #tpu.memory_space<vmem>> -> memref<1x50xi32, #tpu.memory_space<vmem>>
        %dma_start3A_342 = tpu.memref_squeeze %dma_start3A_341 : memref<1x50xi32, #tpu.memory_space<vmem>> -> memref<50xi32, #tpu.memory_space<vmem>>
        %dma_start3A_343 = arith.constant 0 : i32
        %dma_start3A_344 = arith.constant 0 : i32
        %dma_start3A_345 = tpu.memref_slice %arg3[%dma_start3A_343, %dma_start3A_344] : memref<100000x128xf32, #tpu.memory_space<hbm>> -> memref<100000x128xf32, #tpu.memory_space<hbm>>
        tpu.enqueue_indirect_dma source(%dma_start3A_345 : memref<100000x128xf32, #tpu.memory_space<hbm>>) target(%dma_start3A_339 : memref<50x128xf32, #tpu.memory_space<vmem>>) offsets(%dma_start3A_342 : memref<50xi32, #tpu.memory_space<vmem>>) semaphore(%arg25 : memref<!tpu.dma_semaphore, #tpu.memory_space<semaphore_mem>>)
        %dma_start3A_346 = arith.constant 1 : i32
        %dma_start3A_347 = arith.constant 0 : i32
        %dma_start3A_348 = tpu.memref_slice %arg9[%dma_start3A_346, %dma_start3A_347] : memref<2x50xi32, #tpu.memory_space<vmem>> -> memref<1x50xi32, #tpu.memory_space<vmem>>
        %dma_start3A_349 = tpu.memref_squeeze %dma_start3A_348 : memref<1x50xi32, #tpu.memory_space<vmem>> -> memref<50xi32, #tpu.memory_space<vmem>>
        %dma_start3A_350 = arith.constant 0 : i32
        %dma_start3A_351 = arith.constant 0 : i32
        %dma_start3A_352 = tpu.memref_slice %arg4[%dma_start3A_350, %dma_start3A_351] : memref<1000x128xf32, #tpu.memory_space<hbm>> -> memref<1000x128xf32, #tpu.memory_space<hbm>>
        tpu.enqueue_indirect_dma source(%dma_start3A_352 : memref<1000x128xf32, #tpu.memory_space<hbm>>) target(%arg13 : memref<50x128xf32, #tpu.memory_space<vmem>>) offsets(%dma_start3A_349 : memref<50xi32, #tpu.memory_space<vmem>>) semaphore(%arg29 : memref<!tpu.dma_semaphore, #tpu.memory_space<semaphore_mem>>)
      } else {
      }
      %dma_wait3A_228 = arith.constant 1 : i32
      %dma_wait3A_229 = arith.constant 0 : i32
      %dma_wait3A_230 = tpu.memref_slice %arg8[%dma_wait3A_228, %dma_wait3A_229] : memref<2x50xi32, #tpu.memory_space<vmem>> -> memref<1x50xi32, #tpu.memory_space<vmem>>
      %dma_wait3A_231 = tpu.memref_squeeze %dma_wait3A_230 : memref<1x50xi32, #tpu.memory_space<vmem>> -> memref<50xi32, #tpu.memory_space<vmem>>
      %dma_wait3A_232 = arith.constant 0 : i32
      %dma_wait3A_233 = arith.constant 0 : i32
      %dma_wait3A_234 = tpu.memref_slice %arg4[%dma_wait3A_232, %dma_wait3A_233] : memref<1000x128xf32, #tpu.memory_space<hbm>> -> memref<1000x128xf32, #tpu.memory_space<hbm>>
      tpu.wait_indirect_dma semaphore(%arg28 : memref<!tpu.dma_semaphore, #tpu.memory_space<semaphore_mem>>) src(%dma_wait3A_234 : memref<1000x128xf32, #tpu.memory_space<hbm>>) dst(%arg12 : memref<50x128xf32, #tpu.memory_space<vmem>>)
      %scan3A_235 = arith.constant 0 : i32
      %scan3A_236 = arith.constant 50 : i32
      %scan3A_237 = arith.addi %scan3A_235, %scan3A_236 : i32
      %scan3A_238 = arith.constant 10 : i32
      scf.for %scan3A_323 = %scan3A_235 to %scan3A_237 step %scan3A_238  : i32 {
        %mul3A_324 = arith.constant 1 : i32
        %mul3A_325 = arith.muli %scan3A_323, %mul3A_324 : i32
        %add3A_326 = arith.constant 0 : i32
        %add3A_327 = arith.addi %add3A_326, %mul3A_325 : i32
        %get3A = arith.index_cast %add3A_327 : i32 to index
        %get3A_328 = arith.constant 0 : index
        %get3A_329 = tpu.vector_load %arg12[%get3A, %get3A_328] {strides = array<i32>} : memref<50x128xf32, #tpu.memory_space<vmem>>, vector<1x16xf32>,
        %get3A_330 = vector.shape_cast %get3A_329 : vector<1x16xf32> to vector<16xf32>
        %swap3A = arith.constant 0 : i32
        %swap3A_331 = arith.index_cast %swap3A : i32 to index
        %swap3A_332 = arith.index_cast %add3A_327 : i32 to index
        %swap3A_333 = arith.constant 128 : index
        %swap3A_334 = tpu.vector_load %arg16[%swap3A_331, %swap3A_332, %swap3A_333] {strides = array<i32>} : memref<1x50x192xf32, #tpu.memory_space<vmem>>, vector<1x1x16xf32>,
        %swap3A_335 = vector.shape_cast %swap3A_334 : vector<1x1x16xf32> to vector<16xf32>
        %swap3A_336 = vector.shape_cast %get3A_330 : vector<16xf32> to vector<1x1x16xf32>
        tpu.vector_store %arg16[%swap3A_331, %swap3A_332, %swap3A_333], %swap3A_336 {strides = array<i32>} : memref<1x50x192xf32, #tpu.memory_space<vmem>>, vector<1x1x16xf32>,
        %get3A_337 = arith.index_cast %add3A_327 : i32 to index
        %get3A_338 = arith.constant 16 : index
        %get3A_339 = tpu.vector_load %arg12[%get3A_337, %get3A_338] {strides = array<i32>} : memref<50x128xf32, #tpu.memory_space<vmem>>, vector<1x16xf32>,
        %get3A_340 = vector.shape_cast %get3A_339 : vector<1x16xf32> to vector<16xf32>
        %swap3A_341 = arith.constant 0 : i32
        %swap3A_342 = arith.index_cast %swap3A_341 : i32 to index
        %swap3A_343 = arith.index_cast %add3A_327 : i32 to index
        %swap3A_344 = arith.constant 144 : index
        %swap3A_345 = tpu.vector_load %arg16[%swap3A_342, %swap3A_343, %swap3A_344] {strides = array<i32>} : memref<1x50x192xf32, #tpu.memory_space<vmem>>, vector<1x1x16xf32>,
        %swap3A_346 = vector.shape_cast %swap3A_345 : vector<1x1x16xf32> to vector<16xf32>
        %swap3A_347 = vector.shape_cast %get3A_340 : vector<16xf32> to vector<1x1x16xf32>
        tpu.vector_store %arg16[%swap3A_342, %swap3A_343, %swap3A_344], %swap3A_347 {strides = array<i32>} : memref<1x50x192xf32, #tpu.memory_space<vmem>>, vector<1x1x16xf32>,
        %get3A_348 = arith.index_cast %add3A_327 : i32 to index
        %get3A_349 = arith.constant 32 : index
        %get3A_350 = tpu.vector_load %arg12[%get3A_348, %get3A_349] {strides = array<i32>} : memref<50x128xf32, #tpu.memory_space<vmem>>, vector<1x16xf32>,
        %get3A_351 = vector.shape_cast %get3A_350 : vector<1x16xf32> to vector<16xf32>
        %swap3A_352 = arith.constant 0 : i32
        %swap3A_353 = arith.index_cast %swap3A_352 : i32 to index
        %swap3A_354 = arith.index_cast %add3A_327 : i32 to index
        %swap3A_355 = arith.constant 160 : index
        %swap3A_356 = tpu.vector_load %arg16[%swap3A_353, %swap3A_354, %swap3A_355] {strides = array<i32>} : memref<1x50x192xf32, #tpu.memory_space<vmem>>, vector<1x1x16xf32>,
        %swap3A_357 = vector.shape_cast %swap3A_356 : vector<1x1x16xf32> to vector<16xf32>
        %swap3A_358 = vector.shape_cast %get3A_351 : vector<16xf32> to vector<1x1x16xf32>
        tpu.vector_store %arg16[%swap3A_353, %swap3A_354, %swap3A_355], %swap3A_358 {strides = array<i32>} : memref<1x50x192xf32, #tpu.memory_space<vmem>>, vector<1x1x16xf32>,
        %get3A_359 = arith.index_cast %add3A_327 : i32 to index
        %get3A_360 = arith.constant 48 : index
        %get3A_361 = tpu.vector_load %arg12[%get3A_359, %get3A_360] {strides = array<i32>} : memref<50x128xf32, #tpu.memory_space<vmem>>, vector<1x16xf32>,
        %get3A_362 = vector.shape_cast %get3A_361 : vector<1x16xf32> to vector<16xf32>
        %swap3A_363 = arith.constant 0 : i32
        %swap3A_364 = arith.index_cast %swap3A_363 : i32 to index
        %swap3A_365 = arith.index_cast %add3A_327 : i32 to index
        %swap3A_366 = arith.constant 176 : index
        %swap3A_367 = tpu.vector_load %arg16[%swap3A_364, %swap3A_365, %swap3A_366] {strides = array<i32>} : memref<1x50x192xf32, #tpu.memory_space<vmem>>, vector<1x1x16xf32>,
        %swap3A_368 = vector.shape_cast %swap3A_367 : vector<1x1x16xf32> to vector<16xf32>
        %swap3A_369 = vector.shape_cast %get3A_362 : vector<16xf32> to vector<1x1x16xf32>
        tpu.vector_store %arg16[%swap3A_364, %swap3A_365, %swap3A_366], %swap3A_369 {strides = array<i32>} : memref<1x50x192xf32, #tpu.memory_space<vmem>>, vector<1x1x16xf32>,
        %scan3A_370 = arith.constant 1 : i32
        %scan3A_371 = arith.addi %scan3A_323, %scan3A_370 : i32
        %mul3A_372 = arith.constant 1 : i32
        %mul3A_373 = arith.muli %scan3A_371, %mul3A_372 : i32
        %add3A_374 = arith.constant 0 : i32
        %add3A_375 = arith.addi %add3A_374, %mul3A_373 : i32
        %get3A_376 = arith.index_cast %add3A_375 : i32 to index
        %get3A_377 = arith.constant 0 : index
        %get3A_378 = tpu.vector_load %arg12[%get3A_376, %get3A_377] {strides = array<i32>} : memref<50x128xf32, #tpu.memory_space<vmem>>, vector<1x16xf32>,
        %get3A_379 = vector.shape_cast %get3A_378 : vector<1x16xf32> to vector<16xf32>
        %swap3A_380 = arith.constant 0 : i32
        %swap3A_381 = arith.index_cast %swap3A_380 : i32 to index
        %swap3A_382 = arith.index_cast %add3A_375 : i32 to index
        %swap3A_383 = arith.constant 128 : index
        %swap3A_384 = tpu.vector_load %arg16[%swap3A_381, %swap3A_382, %swap3A_383] {strides = array<i32>} : memref<1x50x192xf32, #tpu.memory_space<vmem>>, vector<1x1x16xf32>,
        %swap3A_385 = vector.shape_cast %swap3A_384 : vector<1x1x16xf32> to vector<16xf32>
        %swap3A_386 = vector.shape_cast %get3A_379 : vector<16xf32> to vector<1x1x16xf32>
        tpu.vector_store %arg16[%swap3A_381, %swap3A_382, %swap3A_383], %swap3A_386 {strides = array<i32>} : memref<1x50x192xf32, #tpu.memory_space<vmem>>, vector<1x1x16xf32>,
        %get3A_387 = arith.index_cast %add3A_375 : i32 to index
        %get3A_388 = arith.constant 16 : index
        %get3A_389 = tpu.vector_load %arg12[%get3A_387, %get3A_388] {strides = array<i32>} : memref<50x128xf32, #tpu.memory_space<vmem>>, vector<1x16xf32>,
        %get3A_390 = vector.shape_cast %get3A_389 : vector<1x16xf32> to vector<16xf32>
        %swap3A_391 = arith.constant 0 : i32
        %swap3A_392 = arith.index_cast %swap3A_391 : i32 to index
        %swap3A_393 = arith.index_cast %add3A_375 : i32 to index
        %swap3A_394 = arith.constant 144 : index
        %swap3A_395 = tpu.vector_load %arg16[%swap3A_392, %swap3A_393, %swap3A_394] {strides = array<i32>} : memref<1x50x192xf32, #tpu.memory_space<vmem>>, vector<1x1x16xf32>,
        %swap3A_396 = vector.shape_cast %swap3A_395 : vector<1x1x16xf32> to vector<16xf32>
        %swap3A_397 = vector.shape_cast %get3A_390 : vector<16xf32> to vector<1x1x16xf32>
        tpu.vector_store %arg16[%swap3A_392, %swap3A_393, %swap3A_394], %swap3A_397 {strides = array<i32>} : memref<1x50x192xf32, #tpu.memory_space<vmem>>, vector<1x1x16xf32>,
        %get3A_398 = arith.index_cast %add3A_375 : i32 to index
        %get3A_399 = arith.constant 32 : index
        %get3A_400 = tpu.vector_load %arg12[%get3A_398, %get3A_399] {strides = array<i32>} : memref<50x128xf32, #tpu.memory_space<vmem>>, vector<1x16xf32>,
        %get3A_401 = vector.shape_cast %get3A_400 : vector<1x16xf32> to vector<16xf32>
        %swap3A_402 = arith.constant 0 : i32
        %swap3A_403 = arith.index_cast %swap3A_402 : i32 to index
        %swap3A_404 = arith.index_cast %add3A_375 : i32 to index
        %swap3A_405 = arith.constant 160 : index
        %swap3A_406 = tpu.vector_load %arg16[%swap3A_403, %swap3A_404, %swap3A_405] {strides = array<i32>} : memref<1x50x192xf32, #tpu.memory_space<vmem>>, vector<1x1x16xf32>,
        %swap3A_407 = vector.shape_cast %swap3A_406 : vector<1x1x16xf32> to vector<16xf32>
        %swap3A_408 = vector.shape_cast %get3A_401 : vector<16xf32> to vector<1x1x16xf32>
        tpu.vector_store %arg16[%swap3A_403, %swap3A_404, %swap3A_405], %swap3A_408 {strides = array<i32>} : memref<1x50x192xf32, #tpu.memory_space<vmem>>, vector<1x1x16xf32>,
        %get3A_409 = arith.index_cast %add3A_375 : i32 to index
        %get3A_410 = arith.constant 48 : index
        %get3A_411 = tpu.vector_load %arg12[%get3A_409, %get3A_410] {strides = array<i32>} : memref<50x128xf32, #tpu.memory_space<vmem>>, vector<1x16xf32>,
        %get3A_412 = vector.shape_cast %get3A_411 : vector<1x16xf32> to vector<16xf32>
        %swap3A_413 = arith.constant 0 : i32
        %swap3A_414 = arith.index_cast %swap3A_413 : i32 to index
        %swap3A_415 = arith.index_cast %add3A_375 : i32 to index
        %swap3A_416 = arith.constant 176 : index
        %swap3A_417 = tpu.vector_load %arg16[%swap3A_414, %swap3A_415, %swap3A_416] {strides = array<i32>} : memref<1x50x192xf32, #tpu.memory_space<vmem>>, vector<1x1x16xf32>,
        %swap3A_418 = vector.shape_cast %swap3A_417 : vector<1x1x16xf32> to vector<16xf32>
        %swap3A_419 = vector.shape_cast %get3A_412 : vector<16xf32> to vector<1x1x16xf32>
        tpu.vector_store %arg16[%swap3A_414, %swap3A_415, %swap3A_416], %swap3A_419 {strides = array<i32>} : memref<1x50x192xf32, #tpu.memory_space<vmem>>, vector<1x1x16xf32>,
        %scan3A_420 = arith.constant 2 : i32
        %scan3A_421 = arith.addi %scan3A_323, %scan3A_420 : i32
        %mul3A_422 = arith.constant 1 : i32
        %mul3A_423 = arith.muli %scan3A_421, %mul3A_422 : i32
        %add3A_424 = arith.constant 0 : i32
        %add3A_425 = arith.addi %add3A_424, %mul3A_423 : i32
        %get3A_426 = arith.index_cast %add3A_425 : i32 to index
        %get3A_427 = arith.constant 0 : index
        %get3A_428 = tpu.vector_load %arg12[%get3A_426, %get3A_427] {strides = array<i32>} : memref<50x128xf32, #tpu.memory_space<vmem>>, vector<1x16xf32>,
        %get3A_429 = vector.shape_cast %get3A_428 : vector<1x16xf32> to vector<16xf32>
        %swap3A_430 = arith.constant 0 : i32
        %swap3A_431 = arith.index_cast %swap3A_430 : i32 to index
        %swap3A_432 = arith.index_cast %add3A_425 : i32 to index
        %swap3A_433 = arith.constant 128 : index
        %swap3A_434 = tpu.vector_load %arg16[%swap3A_431, %swap3A_432, %swap3A_433] {strides = array<i32>} : memref<1x50x192xf32, #tpu.memory_space<vmem>>, vector<1x1x16xf32>,
        %swap3A_435 = vector.shape_cast %swap3A_434 : vector<1x1x16xf32> to vector<16xf32>
        %swap3A_436 = vector.shape_cast %get3A_429 : vector<16xf32> to vector<1x1x16xf32>
        tpu.vector_store %arg16[%swap3A_431, %swap3A_432, %swap3A_433], %swap3A_436 {strides = array<i32>} : memref<1x50x192xf32, #tpu.memory_space<vmem>>, vector<1x1x16xf32>,
        %get3A_437 = arith.index_cast %add3A_425 : i32 to index
        %get3A_438 = arith.constant 16 : index
        %get3A_439 = tpu.vector_load %arg12[%get3A_437, %get3A_438] {strides = array<i32>} : memref<50x128xf32, #tpu.memory_space<vmem>>, vector<1x16xf32>,
        %get3A_440 = vector.shape_cast %get3A_439 : vector<1x16xf32> to vector<16xf32>
        %swap3A_441 = arith.constant 0 : i32
        %swap3A_442 = arith.index_cast %swap3A_441 : i32 to index
        %swap3A_443 = arith.index_cast %add3A_425 : i32 to index
        %swap3A_444 = arith.constant 144 : index
        %swap3A_445 = tpu.vector_load %arg16[%swap3A_442, %swap3A_443, %swap3A_444] {strides = array<i32>} : memref<1x50x192xf32, #tpu.memory_space<vmem>>, vector<1x1x16xf32>,
        %swap3A_446 = vector.shape_cast %swap3A_445 : vector<1x1x16xf32> to vector<16xf32>
        %swap3A_447 = vector.shape_cast %get3A_440 : vector<16xf32> to vector<1x1x16xf32>
        tpu.vector_store %arg16[%swap3A_442, %swap3A_443, %swap3A_444], %swap3A_447 {strides = array<i32>} : memref<1x50x192xf32, #tpu.memory_space<vmem>>, vector<1x1x16xf32>,
        %get3A_448 = arith.index_cast %add3A_425 : i32 to index
        %get3A_449 = arith.constant 32 : index
        %get3A_450 = tpu.vector_load %arg12[%get3A_448, %get3A_449] {strides = array<i32>} : memref<50x128xf32, #tpu.memory_space<vmem>>, vector<1x16xf32>,
        %get3A_451 = vector.shape_cast %get3A_450 : vector<1x16xf32> to vector<16xf32>
        %swap3A_452 = arith.constant 0 : i32
        %swap3A_453 = arith.index_cast %swap3A_452 : i32 to index
        %swap3A_454 = arith.index_cast %add3A_425 : i32 to index
        %swap3A_455 = arith.constant 160 : index
        %swap3A_456 = tpu.vector_load %arg16[%swap3A_453, %swap3A_454, %swap3A_455] {strides = array<i32>} : memref<1x50x192xf32, #tpu.memory_space<vmem>>, vector<1x1x16xf32>,
        %swap3A_457 = vector.shape_cast %swap3A_456 : vector<1x1x16xf32> to vector<16xf32>
        %swap3A_458 = vector.shape_cast %get3A_451 : vector<16xf32> to vector<1x1x16xf32>
        tpu.vector_store %arg16[%swap3A_453, %swap3A_454, %swap3A_455], %swap3A_458 {strides = array<i32>} : memref<1x50x192xf32, #tpu.memory_space<vmem>>, vector<1x1x16xf32>,
        %get3A_459 = arith.index_cast %add3A_425 : i32 to index
        %get3A_460 = arith.constant 48 : index
        %get3A_461 = tpu.vector_load %arg12[%get3A_459, %get3A_460] {strides = array<i32>} : memref<50x128xf32, #tpu.memory_space<vmem>>, vector<1x16xf32>,
        %get3A_462 = vector.shape_cast %get3A_461 : vector<1x16xf32> to vector<16xf32>
        %swap3A_463 = arith.constant 0 : i32
        %swap3A_464 = arith.index_cast %swap3A_463 : i32 to index
        %swap3A_465 = arith.index_cast %add3A_425 : i32 to index
        %swap3A_466 = arith.constant 176 : index
        %swap3A_467 = tpu.vector_load %arg16[%swap3A_464, %swap3A_465, %swap3A_466] {strides = array<i32>} : memref<1x50x192xf32, #tpu.memory_space<vmem>>, vector<1x1x16xf32>,
        %swap3A_468 = vector.shape_cast %swap3A_467 : vector<1x1x16xf32> to vector<16xf32>
        %swap3A_469 = vector.shape_cast %get3A_462 : vector<16xf32> to vector<1x1x16xf32>
        tpu.vector_store %arg16[%swap3A_464, %swap3A_465, %swap3A_466], %swap3A_469 {strides = array<i32>} : memref<1x50x192xf32, #tpu.memory_space<vmem>>, vector<1x1x16xf32>,
        %scan3A_470 = arith.constant 3 : i32
        %scan3A_471 = arith.addi %scan3A_323, %scan3A_470 : i32
        %mul3A_472 = arith.constant 1 : i32
        %mul3A_473 = arith.muli %scan3A_471, %mul3A_472 : i32
        %add3A_474 = arith.constant 0 : i32
        %add3A_475 = arith.addi %add3A_474, %mul3A_473 : i32
        %get3A_476 = arith.index_cast %add3A_475 : i32 to index
        %get3A_477 = arith.constant 0 : index
        %get3A_478 = tpu.vector_load %arg12[%get3A_476, %get3A_477] {strides = array<i32>} : memref<50x128xf32, #tpu.memory_space<vmem>>, vector<1x16xf32>,
        %get3A_479 = vector.shape_cast %get3A_478 : vector<1x16xf32> to vector<16xf32>
        %swap3A_480 = arith.constant 0 : i32
        %swap3A_481 = arith.index_cast %swap3A_480 : i32 to index
        %swap3A_482 = arith.index_cast %add3A_475 : i32 to index
        %swap3A_483 = arith.constant 128 : index
        %swap3A_484 = tpu.vector_load %arg16[%swap3A_481, %swap3A_482, %swap3A_483] {strides = array<i32>} : memref<1x50x192xf32, #tpu.memory_space<vmem>>, vector<1x1x16xf32>,
        %swap3A_485 = vector.shape_cast %swap3A_484 : vector<1x1x16xf32> to vector<16xf32>
        %swap3A_486 = vector.shape_cast %get3A_479 : vector<16xf32> to vector<1x1x16xf32>
        tpu.vector_store %arg16[%swap3A_481, %swap3A_482, %swap3A_483], %swap3A_486 {strides = array<i32>} : memref<1x50x192xf32, #tpu.memory_space<vmem>>, vector<1x1x16xf32>,
        %get3A_487 = arith.index_cast %add3A_475 : i32 to index
        %get3A_488 = arith.constant 16 : index
        %get3A_489 = tpu.vector_load %arg12[%get3A_487, %get3A_488] {strides = array<i32>} : memref<50x128xf32, #tpu.memory_space<vmem>>, vector<1x16xf32>,
        %get3A_490 = vector.shape_cast %get3A_489 : vector<1x16xf32> to vector<16xf32>
        %swap3A_491 = arith.constant 0 : i32
        %swap3A_492 = arith.index_cast %swap3A_491 : i32 to index
        %swap3A_493 = arith.index_cast %add3A_475 : i32 to index
        %swap3A_494 = arith.constant 144 : index
        %swap3A_495 = tpu.vector_load %arg16[%swap3A_492, %swap3A_493, %swap3A_494] {strides = array<i32>} : memref<1x50x192xf32, #tpu.memory_space<vmem>>, vector<1x1x16xf32>,
        %swap3A_496 = vector.shape_cast %swap3A_495 : vector<1x1x16xf32> to vector<16xf32>
        %swap3A_497 = vector.shape_cast %get3A_490 : vector<16xf32> to vector<1x1x16xf32>
        tpu.vector_store %arg16[%swap3A_492, %swap3A_493, %swap3A_494], %swap3A_497 {strides = array<i32>} : memref<1x50x192xf32, #tpu.memory_space<vmem>>, vector<1x1x16xf32>,
        %get3A_498 = arith.index_cast %add3A_475 : i32 to index
        %get3A_499 = arith.constant 32 : index
        %get3A_500 = tpu.vector_load %arg12[%get3A_498, %get3A_499] {strides = array<i32>} : memref<50x128xf32, #tpu.memory_space<vmem>>, vector<1x16xf32>,
        %get3A_501 = vector.shape_cast %get3A_500 : vector<1x16xf32> to vector<16xf32>
        %swap3A_502 = arith.constant 0 : i32
        %swap3A_503 = arith.index_cast %swap3A_502 : i32 to index
        %swap3A_504 = arith.index_cast %add3A_475 : i32 to index
        %swap3A_505 = arith.constant 160 : index
        %swap3A_506 = tpu.vector_load %arg16[%swap3A_503, %swap3A_504, %swap3A_505] {strides = array<i32>} : memref<1x50x192xf32, #tpu.memory_space<vmem>>, vector<1x1x16xf32>,
        %swap3A_507 = vector.shape_cast %swap3A_506 : vector<1x1x16xf32> to vector<16xf32>
        %swap3A_508 = vector.shape_cast %get3A_501 : vector<16xf32> to vector<1x1x16xf32>
        tpu.vector_store %arg16[%swap3A_503, %swap3A_504, %swap3A_505], %swap3A_508 {strides = array<i32>} : memref<1x50x192xf32, #tpu.memory_space<vmem>>, vector<1x1x16xf32>,
        %get3A_509 = arith.index_cast %add3A_475 : i32 to index
        %get3A_510 = arith.constant 48 : index
        %get3A_511 = tpu.vector_load %arg12[%get3A_509, %get3A_510] {strides = array<i32>} : memref<50x128xf32, #tpu.memory_space<vmem>>, vector<1x16xf32>,
        %get3A_512 = vector.shape_cast %get3A_511 : vector<1x16xf32> to vector<16xf32>
        %swap3A_513 = arith.constant 0 : i32
        %swap3A_514 = arith.index_cast %swap3A_513 : i32 to index
        %swap3A_515 = arith.index_cast %add3A_475 : i32 to index
        %swap3A_516 = arith.constant 176 : index
        %swap3A_517 = tpu.vector_load %arg16[%swap3A_514, %swap3A_515, %swap3A_516] {strides = array<i32>} : memref<1x50x192xf32, #tpu.memory_space<vmem>>, vector<1x1x16xf32>,
        %swap3A_518 = vector.shape_cast %swap3A_517 : vector<1x1x16xf32> to vector<16xf32>
        %swap3A_519 = vector.shape_cast %get3A_512 : vector<16xf32> to vector<1x1x16xf32>
        tpu.vector_store %arg16[%swap3A_514, %swap3A_515, %swap3A_516], %swap3A_519 {strides = array<i32>} : memref<1x50x192xf32, #tpu.memory_space<vmem>>, vector<1x1x16xf32>,
        %scan3A_520 = arith.constant 4 : i32
        %scan3A_521 = arith.addi %scan3A_323, %scan3A_520 : i32
        %mul3A_522 = arith.constant 1 : i32
        %mul3A_523 = arith.muli %scan3A_521, %mul3A_522 : i32
        %add3A_524 = arith.constant 0 : i32
        %add3A_525 = arith.addi %add3A_524, %mul3A_523 : i32
        %get3A_526 = arith.index_cast %add3A_525 : i32 to index
        %get3A_527 = arith.constant 0 : index
        %get3A_528 = tpu.vector_load %arg12[%get3A_526, %get3A_527] {strides = array<i32>} : memref<50x128xf32, #tpu.memory_space<vmem>>, vector<1x16xf32>,
        %get3A_529 = vector.shape_cast %get3A_528 : vector<1x16xf32> to vector<16xf32>
        %swap3A_530 = arith.constant 0 : i32
        %swap3A_531 = arith.index_cast %swap3A_530 : i32 to index
        %swap3A_532 = arith.index_cast %add3A_525 : i32 to index
        %swap3A_533 = arith.constant 128 : index
        %swap3A_534 = tpu.vector_load %arg16[%swap3A_531, %swap3A_532, %swap3A_533] {strides = array<i32>} : memref<1x50x192xf32, #tpu.memory_space<vmem>>, vector<1x1x16xf32>,
        %swap3A_535 = vector.shape_cast %swap3A_534 : vector<1x1x16xf32> to vector<16xf32>
        %swap3A_536 = vector.shape_cast %get3A_529 : vector<16xf32> to vector<1x1x16xf32>
        tpu.vector_store %arg16[%swap3A_531, %swap3A_532, %swap3A_533], %swap3A_536 {strides = array<i32>} : memref<1x50x192xf32, #tpu.memory_space<vmem>>, vector<1x1x16xf32>,
        %get3A_537 = arith.index_cast %add3A_525 : i32 to index
        %get3A_538 = arith.constant 16 : index
        %get3A_539 = tpu.vector_load %arg12[%get3A_537, %get3A_538] {strides = array<i32>} : memref<50x128xf32, #tpu.memory_space<vmem>>, vector<1x16xf32>,
        %get3A_540 = vector.shape_cast %get3A_539 : vector<1x16xf32> to vector<16xf32>
        %swap3A_541 = arith.constant 0 : i32
        %swap3A_542 = arith.index_cast %swap3A_541 : i32 to index
        %swap3A_543 = arith.index_cast %add3A_525 : i32 to index
        %swap3A_544 = arith.constant 144 : index
        %swap3A_545 = tpu.vector_load %arg16[%swap3A_542, %swap3A_543, %swap3A_544] {strides = array<i32>} : memref<1x50x192xf32, #tpu.memory_space<vmem>>, vector<1x1x16xf32>,
        %swap3A_546 = vector.shape_cast %swap3A_545 : vector<1x1x16xf32> to vector<16xf32>
        %swap3A_547 = vector.shape_cast %get3A_540 : vector<16xf32> to vector<1x1x16xf32>
        tpu.vector_store %arg16[%swap3A_542, %swap3A_543, %swap3A_544], %swap3A_547 {strides = array<i32>} : memref<1x50x192xf32, #tpu.memory_space<vmem>>, vector<1x1x16xf32>,
        %get3A_548 = arith.index_cast %add3A_525 : i32 to index
        %get3A_549 = arith.constant 32 : index
        %get3A_550 = tpu.vector_load %arg12[%get3A_548, %get3A_549] {strides = array<i32>} : memref<50x128xf32, #tpu.memory_space<vmem>>, vector<1x16xf32>,
        %get3A_551 = vector.shape_cast %get3A_550 : vector<1x16xf32> to vector<16xf32>
        %swap3A_552 = arith.constant 0 : i32
        %swap3A_553 = arith.index_cast %swap3A_552 : i32 to index
        %swap3A_554 = arith.index_cast %add3A_525 : i32 to index
        %swap3A_555 = arith.constant 160 : index
        %swap3A_556 = tpu.vector_load %arg16[%swap3A_553, %swap3A_554, %swap3A_555] {strides = array<i32>} : memref<1x50x192xf32, #tpu.memory_space<vmem>>, vector<1x1x16xf32>,
        %swap3A_557 = vector.shape_cast %swap3A_556 : vector<1x1x16xf32> to vector<16xf32>
        %swap3A_558 = vector.shape_cast %get3A_551 : vector<16xf32> to vector<1x1x16xf32>
        tpu.vector_store %arg16[%swap3A_553, %swap3A_554, %swap3A_555], %swap3A_558 {strides = array<i32>} : memref<1x50x192xf32, #tpu.memory_space<vmem>>, vector<1x1x16xf32>,
        %get3A_559 = arith.index_cast %add3A_525 : i32 to index
        %get3A_560 = arith.constant 48 : index
        %get3A_561 = tpu.vector_load %arg12[%get3A_559, %get3A_560] {strides = array<i32>} : memref<50x128xf32, #tpu.memory_space<vmem>>, vector<1x16xf32>,
        %get3A_562 = vector.shape_cast %get3A_561 : vector<1x16xf32> to vector<16xf32>
        %swap3A_563 = arith.constant 0 : i32
        %swap3A_564 = arith.index_cast %swap3A_563 : i32 to index
        %swap3A_565 = arith.index_cast %add3A_525 : i32 to index
        %swap3A_566 = arith.constant 176 : index
        %swap3A_567 = tpu.vector_load %arg16[%swap3A_564, %swap3A_565, %swap3A_566] {strides = array<i32>} : memref<1x50x192xf32, #tpu.memory_space<vmem>>, vector<1x1x16xf32>,
        %swap3A_568 = vector.shape_cast %swap3A_567 : vector<1x1x16xf32> to vector<16xf32>
        %swap3A_569 = vector.shape_cast %get3A_562 : vector<16xf32> to vector<1x1x16xf32>
        tpu.vector_store %arg16[%swap3A_564, %swap3A_565, %swap3A_566], %swap3A_569 {strides = array<i32>} : memref<1x50x192xf32, #tpu.memory_space<vmem>>, vector<1x1x16xf32>,
        %scan3A_570 = arith.constant 5 : i32
        %scan3A_571 = arith.addi %scan3A_323, %scan3A_570 : i32
        %mul3A_572 = arith.constant 1 : i32
        %mul3A_573 = arith.muli %scan3A_571, %mul3A_572 : i32
        %add3A_574 = arith.constant 0 : i32
        %add3A_575 = arith.addi %add3A_574, %mul3A_573 : i32
        %get3A_576 = arith.index_cast %add3A_575 : i32 to index
        %get3A_577 = arith.constant 0 : index
        %get3A_578 = tpu.vector_load %arg12[%get3A_576, %get3A_577] {strides = array<i32>} : memref<50x128xf32, #tpu.memory_space<vmem>>, vector<1x16xf32>,
        %get3A_579 = vector.shape_cast %get3A_578 : vector<1x16xf32> to vector<16xf32>
        %swap3A_580 = arith.constant 0 : i32
        %swap3A_581 = arith.index_cast %swap3A_580 : i32 to index
        %swap3A_582 = arith.index_cast %add3A_575 : i32 to index
        %swap3A_583 = arith.constant 128 : index
        %swap3A_584 = tpu.vector_load %arg16[%swap3A_581, %swap3A_582, %swap3A_583] {strides = array<i32>} : memref<1x50x192xf32, #tpu.memory_space<vmem>>, vector<1x1x16xf32>,
        %swap3A_585 = vector.shape_cast %swap3A_584 : vector<1x1x16xf32> to vector<16xf32>
        %swap3A_586 = vector.shape_cast %get3A_579 : vector<16xf32> to vector<1x1x16xf32>
        tpu.vector_store %arg16[%swap3A_581, %swap3A_582, %swap3A_583], %swap3A_586 {strides = array<i32>} : memref<1x50x192xf32, #tpu.memory_space<vmem>>, vector<1x1x16xf32>,
        %get3A_587 = arith.index_cast %add3A_575 : i32 to index
        %get3A_588 = arith.constant 16 : index
        %get3A_589 = tpu.vector_load %arg12[%get3A_587, %get3A_588] {strides = array<i32>} : memref<50x128xf32, #tpu.memory_space<vmem>>, vector<1x16xf32>,
        %get3A_590 = vector.shape_cast %get3A_589 : vector<1x16xf32> to vector<16xf32>
        %swap3A_591 = arith.constant 0 : i32
        %swap3A_592 = arith.index_cast %swap3A_591 : i32 to index
        %swap3A_593 = arith.index_cast %add3A_575 : i32 to index
        %swap3A_594 = arith.constant 144 : index
        %swap3A_595 = tpu.vector_load %arg16[%swap3A_592, %swap3A_593, %swap3A_594] {strides = array<i32>} : memref<1x50x192xf32, #tpu.memory_space<vmem>>, vector<1x1x16xf32>,
        %swap3A_596 = vector.shape_cast %swap3A_595 : vector<1x1x16xf32> to vector<16xf32>
        %swap3A_597 = vector.shape_cast %get3A_590 : vector<16xf32> to vector<1x1x16xf32>
        tpu.vector_store %arg16[%swap3A_592, %swap3A_593, %swap3A_594], %swap3A_597 {strides = array<i32>} : memref<1x50x192xf32, #tpu.memory_space<vmem>>, vector<1x1x16xf32>,
        %get3A_598 = arith.index_cast %add3A_575 : i32 to index
        %get3A_599 = arith.constant 32 : index
        %get3A_600 = tpu.vector_load %arg12[%get3A_598, %get3A_599] {strides = array<i32>} : memref<50x128xf32, #tpu.memory_space<vmem>>, vector<1x16xf32>,
        %get3A_601 = vector.shape_cast %get3A_600 : vector<1x16xf32> to vector<16xf32>
        %swap3A_602 = arith.constant 0 : i32
        %swap3A_603 = arith.index_cast %swap3A_602 : i32 to index
        %swap3A_604 = arith.index_cast %add3A_575 : i32 to index
        %swap3A_605 = arith.constant 160 : index
        %swap3A_606 = tpu.vector_load %arg16[%swap3A_603, %swap3A_604, %swap3A_605] {strides = array<i32>} : memref<1x50x192xf32, #tpu.memory_space<vmem>>, vector<1x1x16xf32>,
        %swap3A_607 = vector.shape_cast %swap3A_606 : vector<1x1x16xf32> to vector<16xf32>
        %swap3A_608 = vector.shape_cast %get3A_601 : vector<16xf32> to vector<1x1x16xf32>
        tpu.vector_store %arg16[%swap3A_603, %swap3A_604, %swap3A_605], %swap3A_608 {strides = array<i32>} : memref<1x50x192xf32, #tpu.memory_space<vmem>>, vector<1x1x16xf32>,
        %get3A_609 = arith.index_cast %add3A_575 : i32 to index
        %get3A_610 = arith.constant 48 : index
        %get3A_611 = tpu.vector_load %arg12[%get3A_609, %get3A_610] {strides = array<i32>} : memref<50x128xf32, #tpu.memory_space<vmem>>, vector<1x16xf32>,
        %get3A_612 = vector.shape_cast %get3A_611 : vector<1x16xf32> to vector<16xf32>
        %swap3A_613 = arith.constant 0 : i32
        %swap3A_614 = arith.index_cast %swap3A_613 : i32 to index
        %swap3A_615 = arith.index_cast %add3A_575 : i32 to index
        %swap3A_616 = arith.constant 176 : index
        %swap3A_617 = tpu.vector_load %arg16[%swap3A_614, %swap3A_615, %swap3A_616] {strides = array<i32>} : memref<1x50x192xf32, #tpu.memory_space<vmem>>, vector<1x1x16xf32>,
        %swap3A_618 = vector.shape_cast %swap3A_617 : vector<1x1x16xf32> to vector<16xf32>
        %swap3A_619 = vector.shape_cast %get3A_612 : vector<16xf32> to vector<1x1x16xf32>
        tpu.vector_store %arg16[%swap3A_614, %swap3A_615, %swap3A_616], %swap3A_619 {strides = array<i32>} : memref<1x50x192xf32, #tpu.memory_space<vmem>>, vector<1x1x16xf32>,
        %scan3A_620 = arith.constant 6 : i32
        %scan3A_621 = arith.addi %scan3A_323, %scan3A_620 : i32
        %mul3A_622 = arith.constant 1 : i32
        %mul3A_623 = arith.muli %scan3A_621, %mul3A_622 : i32
        %add3A_624 = arith.constant 0 : i32
        %add3A_625 = arith.addi %add3A_624, %mul3A_623 : i32
        %get3A_626 = arith.index_cast %add3A_625 : i32 to index
        %get3A_627 = arith.constant 0 : index
        %get3A_628 = tpu.vector_load %arg12[%get3A_626, %get3A_627] {strides = array<i32>} : memref<50x128xf32, #tpu.memory_space<vmem>>, vector<1x16xf32>,
        %get3A_629 = vector.shape_cast %get3A_628 : vector<1x16xf32> to vector<16xf32>
        %swap3A_630 = arith.constant 0 : i32
        %swap3A_631 = arith.index_cast %swap3A_630 : i32 to index
        %swap3A_632 = arith.index_cast %add3A_625 : i32 to index
        %swap3A_633 = arith.constant 128 : index
        %swap3A_634 = tpu.vector_load %arg16[%swap3A_631, %swap3A_632, %swap3A_633] {strides = array<i32>} : memref<1x50x192xf32, #tpu.memory_space<vmem>>, vector<1x1x16xf32>,
        %swap3A_635 = vector.shape_cast %swap3A_634 : vector<1x1x16xf32> to vector<16xf32>
        %swap3A_636 = vector.shape_cast %get3A_629 : vector<16xf32> to vector<1x1x16xf32>
        tpu.vector_store %arg16[%swap3A_631, %swap3A_632, %swap3A_633], %swap3A_636 {strides = array<i32>} : memref<1x50x192xf32, #tpu.memory_space<vmem>>, vector<1x1x16xf32>,
        %get3A_637 = arith.index_cast %add3A_625 : i32 to index
        %get3A_638 = arith.constant 16 : index
        %get3A_639 = tpu.vector_load %arg12[%get3A_637, %get3A_638] {strides = array<i32>} : memref<50x128xf32, #tpu.memory_space<vmem>>, vector<1x16xf32>,
        %get3A_640 = vector.shape_cast %get3A_639 : vector<1x16xf32> to vector<16xf32>
        %swap3A_641 = arith.constant 0 : i32
        %swap3A_642 = arith.index_cast %swap3A_641 : i32 to index
        %swap3A_643 = arith.index_cast %add3A_625 : i32 to index
        %swap3A_644 = arith.constant 144 : index
        %swap3A_645 = tpu.vector_load %arg16[%swap3A_642, %swap3A_643, %swap3A_644] {strides = array<i32>} : memref<1x50x192xf32, #tpu.memory_space<vmem>>, vector<1x1x16xf32>,
        %swap3A_646 = vector.shape_cast %swap3A_645 : vector<1x1x16xf32> to vector<16xf32>
        %swap3A_647 = vector.shape_cast %get3A_640 : vector<16xf32> to vector<1x1x16xf32>
        tpu.vector_store %arg16[%swap3A_642, %swap3A_643, %swap3A_644], %swap3A_647 {strides = array<i32>} : memref<1x50x192xf32, #tpu.memory_space<vmem>>, vector<1x1x16xf32>,
        %get3A_648 = arith.index_cast %add3A_625 : i32 to index
        %get3A_649 = arith.constant 32 : index
        %get3A_650 = tpu.vector_load %arg12[%get3A_648, %get3A_649] {strides = array<i32>} : memref<50x128xf32, #tpu.memory_space<vmem>>, vector<1x16xf32>,
        %get3A_651 = vector.shape_cast %get3A_650 : vector<1x16xf32> to vector<16xf32>
        %swap3A_652 = arith.constant 0 : i32
        %swap3A_653 = arith.index_cast %swap3A_652 : i32 to index
        %swap3A_654 = arith.index_cast %add3A_625 : i32 to index
        %swap3A_655 = arith.constant 160 : index
        %swap3A_656 = tpu.vector_load %arg16[%swap3A_653, %swap3A_654, %swap3A_655] {strides = array<i32>} : memref<1x50x192xf32, #tpu.memory_space<vmem>>, vector<1x1x16xf32>,
        %swap3A_657 = vector.shape_cast %swap3A_656 : vector<1x1x16xf32> to vector<16xf32>
        %swap3A_658 = vector.shape_cast %get3A_651 : vector<16xf32> to vector<1x1x16xf32>
        tpu.vector_store %arg16[%swap3A_653, %swap3A_654, %swap3A_655], %swap3A_658 {strides = array<i32>} : memref<1x50x192xf32, #tpu.memory_space<vmem>>, vector<1x1x16xf32>,
        %get3A_659 = arith.index_cast %add3A_625 : i32 to index
        %get3A_660 = arith.constant 48 : index
        %get3A_661 = tpu.vector_load %arg12[%get3A_659, %get3A_660] {strides = array<i32>} : memref<50x128xf32, #tpu.memory_space<vmem>>, vector<1x16xf32>,
        %get3A_662 = vector.shape_cast %get3A_661 : vector<1x16xf32> to vector<16xf32>
        %swap3A_663 = arith.constant 0 : i32
        %swap3A_664 = arith.index_cast %swap3A_663 : i32 to index
        %swap3A_665 = arith.index_cast %add3A_625 : i32 to index
        %swap3A_666 = arith.constant 176 : index
        %swap3A_667 = tpu.vector_load %arg16[%swap3A_664, %swap3A_665, %swap3A_666] {strides = array<i32>} : memref<1x50x192xf32, #tpu.memory_space<vmem>>, vector<1x1x16xf32>,
        %swap3A_668 = vector.shape_cast %swap3A_667 : vector<1x1x16xf32> to vector<16xf32>
        %swap3A_669 = vector.shape_cast %get3A_662 : vector<16xf32> to vector<1x1x16xf32>
        tpu.vector_store %arg16[%swap3A_664, %swap3A_665, %swap3A_666], %swap3A_669 {strides = array<i32>} : memref<1x50x192xf32, #tpu.memory_space<vmem>>, vector<1x1x16xf32>,
        %scan3A_670 = arith.constant 7 : i32
        %scan3A_671 = arith.addi %scan3A_323, %scan3A_670 : i32
        %mul3A_672 = arith.constant 1 : i32
        %mul3A_673 = arith.muli %scan3A_671, %mul3A_672 : i32
        %add3A_674 = arith.constant 0 : i32
        %add3A_675 = arith.addi %add3A_674, %mul3A_673 : i32
        %get3A_676 = arith.index_cast %add3A_675 : i32 to index
        %get3A_677 = arith.constant 0 : index
        %get3A_678 = tpu.vector_load %arg12[%get3A_676, %get3A_677] {strides = array<i32>} : memref<50x128xf32, #tpu.memory_space<vmem>>, vector<1x16xf32>,
        %get3A_679 = vector.shape_cast %get3A_678 : vector<1x16xf32> to vector<16xf32>
        %swap3A_680 = arith.constant 0 : i32
        %swap3A_681 = arith.index_cast %swap3A_680 : i32 to index
        %swap3A_682 = arith.index_cast %add3A_675 : i32 to index
        %swap3A_683 = arith.constant 128 : index
        %swap3A_684 = tpu.vector_load %arg16[%swap3A_681, %swap3A_682, %swap3A_683] {strides = array<i32>} : memref<1x50x192xf32, #tpu.memory_space<vmem>>, vector<1x1x16xf32>,
        %swap3A_685 = vector.shape_cast %swap3A_684 : vector<1x1x16xf32> to vector<16xf32>
        %swap3A_686 = vector.shape_cast %get3A_679 : vector<16xf32> to vector<1x1x16xf32>
        tpu.vector_store %arg16[%swap3A_681, %swap3A_682, %swap3A_683], %swap3A_686 {strides = array<i32>} : memref<1x50x192xf32, #tpu.memory_space<vmem>>, vector<1x1x16xf32>,
        %get3A_687 = arith.index_cast %add3A_675 : i32 to index
        %get3A_688 = arith.constant 16 : index
        %get3A_689 = tpu.vector_load %arg12[%get3A_687, %get3A_688] {strides = array<i32>} : memref<50x128xf32, #tpu.memory_space<vmem>>, vector<1x16xf32>,
        %get3A_690 = vector.shape_cast %get3A_689 : vector<1x16xf32> to vector<16xf32>
        %swap3A_691 = arith.constant 0 : i32
        %swap3A_692 = arith.index_cast %swap3A_691 : i32 to index
        %swap3A_693 = arith.index_cast %add3A_675 : i32 to index
        %swap3A_694 = arith.constant 144 : index
        %swap3A_695 = tpu.vector_load %arg16[%swap3A_692, %swap3A_693, %swap3A_694] {strides = array<i32>} : memref<1x50x192xf32, #tpu.memory_space<vmem>>, vector<1x1x16xf32>,
        %swap3A_696 = vector.shape_cast %swap3A_695 : vector<1x1x16xf32> to vector<16xf32>
        %swap3A_697 = vector.shape_cast %get3A_690 : vector<16xf32> to vector<1x1x16xf32>
        tpu.vector_store %arg16[%swap3A_692, %swap3A_693, %swap3A_694], %swap3A_697 {strides = array<i32>} : memref<1x50x192xf32, #tpu.memory_space<vmem>>, vector<1x1x16xf32>,
        %get3A_698 = arith.index_cast %add3A_675 : i32 to index
        %get3A_699 = arith.constant 32 : index
        %get3A_700 = tpu.vector_load %arg12[%get3A_698, %get3A_699] {strides = array<i32>} : memref<50x128xf32, #tpu.memory_space<vmem>>, vector<1x16xf32>,
        %get3A_701 = vector.shape_cast %get3A_700 : vector<1x16xf32> to vector<16xf32>
        %swap3A_702 = arith.constant 0 : i32
        %swap3A_703 = arith.index_cast %swap3A_702 : i32 to index
        %swap3A_704 = arith.index_cast %add3A_675 : i32 to index
        %swap3A_705 = arith.constant 160 : index
        %swap3A_706 = tpu.vector_load %arg16[%swap3A_703, %swap3A_704, %swap3A_705] {strides = array<i32>} : memref<1x50x192xf32, #tpu.memory_space<vmem>>, vector<1x1x16xf32>,
        %swap3A_707 = vector.shape_cast %swap3A_706 : vector<1x1x16xf32> to vector<16xf32>
        %swap3A_708 = vector.shape_cast %get3A_701 : vector<16xf32> to vector<1x1x16xf32>
        tpu.vector_store %arg16[%swap3A_703, %swap3A_704, %swap3A_705], %swap3A_708 {strides = array<i32>} : memref<1x50x192xf32, #tpu.memory_space<vmem>>, vector<1x1x16xf32>,
        %get3A_709 = arith.index_cast %add3A_675 : i32 to index
        %get3A_710 = arith.constant 48 : index
        %get3A_711 = tpu.vector_load %arg12[%get3A_709, %get3A_710] {strides = array<i32>} : memref<50x128xf32, #tpu.memory_space<vmem>>, vector<1x16xf32>,
        %get3A_712 = vector.shape_cast %get3A_711 : vector<1x16xf32> to vector<16xf32>
        %swap3A_713 = arith.constant 0 : i32
        %swap3A_714 = arith.index_cast %swap3A_713 : i32 to index
        %swap3A_715 = arith.index_cast %add3A_675 : i32 to index
        %swap3A_716 = arith.constant 176 : index
        %swap3A_717 = tpu.vector_load %arg16[%swap3A_714, %swap3A_715, %swap3A_716] {strides = array<i32>} : memref<1x50x192xf32, #tpu.memory_space<vmem>>, vector<1x1x16xf32>,
        %swap3A_718 = vector.shape_cast %swap3A_717 : vector<1x1x16xf32> to vector<16xf32>
        %swap3A_719 = vector.shape_cast %get3A_712 : vector<16xf32> to vector<1x1x16xf32>
        tpu.vector_store %arg16[%swap3A_714, %swap3A_715, %swap3A_716], %swap3A_719 {strides = array<i32>} : memref<1x50x192xf32, #tpu.memory_space<vmem>>, vector<1x1x16xf32>,
        %scan3A_720 = arith.constant 8 : i32
        %scan3A_721 = arith.addi %scan3A_323, %scan3A_720 : i32
        %mul3A_722 = arith.constant 1 : i32
        %mul3A_723 = arith.muli %scan3A_721, %mul3A_722 : i32
        %add3A_724 = arith.constant 0 : i32
        %add3A_725 = arith.addi %add3A_724, %mul3A_723 : i32
        %get3A_726 = arith.index_cast %add3A_725 : i32 to index
        %get3A_727 = arith.constant 0 : index
        %get3A_728 = tpu.vector_load %arg12[%get3A_726, %get3A_727] {strides = array<i32>} : memref<50x128xf32, #tpu.memory_space<vmem>>, vector<1x16xf32>,
        %get3A_729 = vector.shape_cast %get3A_728 : vector<1x16xf32> to vector<16xf32>
        %swap3A_730 = arith.constant 0 : i32
        %swap3A_731 = arith.index_cast %swap3A_730 : i32 to index
        %swap3A_732 = arith.index_cast %add3A_725 : i32 to index
        %swap3A_733 = arith.constant 128 : index
        %swap3A_734 = tpu.vector_load %arg16[%swap3A_731, %swap3A_732, %swap3A_733] {strides = array<i32>} : memref<1x50x192xf32, #tpu.memory_space<vmem>>, vector<1x1x16xf32>,
        %swap3A_735 = vector.shape_cast %swap3A_734 : vector<1x1x16xf32> to vector<16xf32>
        %swap3A_736 = vector.shape_cast %get3A_729 : vector<16xf32> to vector<1x1x16xf32>
        tpu.vector_store %arg16[%swap3A_731, %swap3A_732, %swap3A_733], %swap3A_736 {strides = array<i32>} : memref<1x50x192xf32, #tpu.memory_space<vmem>>, vector<1x1x16xf32>,
        %get3A_737 = arith.index_cast %add3A_725 : i32 to index
        %get3A_738 = arith.constant 16 : index
        %get3A_739 = tpu.vector_load %arg12[%get3A_737, %get3A_738] {strides = array<i32>} : memref<50x128xf32, #tpu.memory_space<vmem>>, vector<1x16xf32>,
        %get3A_740 = vector.shape_cast %get3A_739 : vector<1x16xf32> to vector<16xf32>
        %swap3A_741 = arith.constant 0 : i32
        %swap3A_742 = arith.index_cast %swap3A_741 : i32 to index
        %swap3A_743 = arith.index_cast %add3A_725 : i32 to index
        %swap3A_744 = arith.constant 144 : index
        %swap3A_745 = tpu.vector_load %arg16[%swap3A_742, %swap3A_743, %swap3A_744] {strides = array<i32>} : memref<1x50x192xf32, #tpu.memory_space<vmem>>, vector<1x1x16xf32>,
        %swap3A_746 = vector.shape_cast %swap3A_745 : vector<1x1x16xf32> to vector<16xf32>
        %swap3A_747 = vector.shape_cast %get3A_740 : vector<16xf32> to vector<1x1x16xf32>
        tpu.vector_store %arg16[%swap3A_742, %swap3A_743, %swap3A_744], %swap3A_747 {strides = array<i32>} : memref<1x50x192xf32, #tpu.memory_space<vmem>>, vector<1x1x16xf32>,
        %get3A_748 = arith.index_cast %add3A_725 : i32 to index
        %get3A_749 = arith.constant 32 : index
        %get3A_750 = tpu.vector_load %arg12[%get3A_748, %get3A_749] {strides = array<i32>} : memref<50x128xf32, #tpu.memory_space<vmem>>, vector<1x16xf32>,
        %get3A_751 = vector.shape_cast %get3A_750 : vector<1x16xf32> to vector<16xf32>
        %swap3A_752 = arith.constant 0 : i32
        %swap3A_753 = arith.index_cast %swap3A_752 : i32 to index
        %swap3A_754 = arith.index_cast %add3A_725 : i32 to index
        %swap3A_755 = arith.constant 160 : index
        %swap3A_756 = tpu.vector_load %arg16[%swap3A_753, %swap3A_754, %swap3A_755] {strides = array<i32>} : memref<1x50x192xf32, #tpu.memory_space<vmem>>, vector<1x1x16xf32>,
        %swap3A_757 = vector.shape_cast %swap3A_756 : vector<1x1x16xf32> to vector<16xf32>
        %swap3A_758 = vector.shape_cast %get3A_751 : vector<16xf32> to vector<1x1x16xf32>
        tpu.vector_store %arg16[%swap3A_753, %swap3A_754, %swap3A_755], %swap3A_758 {strides = array<i32>} : memref<1x50x192xf32, #tpu.memory_space<vmem>>, vector<1x1x16xf32>,
        %get3A_759 = arith.index_cast %add3A_725 : i32 to index
        %get3A_760 = arith.constant 48 : index
        %get3A_761 = tpu.vector_load %arg12[%get3A_759, %get3A_760] {strides = array<i32>} : memref<50x128xf32, #tpu.memory_space<vmem>>, vector<1x16xf32>,
        %get3A_762 = vector.shape_cast %get3A_761 : vector<1x16xf32> to vector<16xf32>
        %swap3A_763 = arith.constant 0 : i32
        %swap3A_764 = arith.index_cast %swap3A_763 : i32 to index
        %swap3A_765 = arith.index_cast %add3A_725 : i32 to index
        %swap3A_766 = arith.constant 176 : index
        %swap3A_767 = tpu.vector_load %arg16[%swap3A_764, %swap3A_765, %swap3A_766] {strides = array<i32>} : memref<1x50x192xf32, #tpu.memory_space<vmem>>, vector<1x1x16xf32>,
        %swap3A_768 = vector.shape_cast %swap3A_767 : vector<1x1x16xf32> to vector<16xf32>
        %swap3A_769 = vector.shape_cast %get3A_762 : vector<16xf32> to vector<1x1x16xf32>
        tpu.vector_store %arg16[%swap3A_764, %swap3A_765, %swap3A_766], %swap3A_769 {strides = array<i32>} : memref<1x50x192xf32, #tpu.memory_space<vmem>>, vector<1x1x16xf32>,
        %scan3A_770 = arith.constant 9 : i32
        %scan3A_771 = arith.addi %scan3A_323, %scan3A_770 : i32
        %mul3A_772 = arith.constant 1 : i32
        %mul3A_773 = arith.muli %scan3A_771, %mul3A_772 : i32
        %add3A_774 = arith.constant 0 : i32
        %add3A_775 = arith.addi %add3A_774, %mul3A_773 : i32
        %get3A_776 = arith.index_cast %add3A_775 : i32 to index
        %get3A_777 = arith.constant 0 : index
        %get3A_778 = tpu.vector_load %arg12[%get3A_776, %get3A_777] {strides = array<i32>} : memref<50x128xf32, #tpu.memory_space<vmem>>, vector<1x16xf32>,
        %get3A_779 = vector.shape_cast %get3A_778 : vector<1x16xf32> to vector<16xf32>
        %swap3A_780 = arith.constant 0 : i32
        %swap3A_781 = arith.index_cast %swap3A_780 : i32 to index
        %swap3A_782 = arith.index_cast %add3A_775 : i32 to index
        %swap3A_783 = arith.constant 128 : index
        %swap3A_784 = tpu.vector_load %arg16[%swap3A_781, %swap3A_782, %swap3A_783] {strides = array<i32>} : memref<1x50x192xf32, #tpu.memory_space<vmem>>, vector<1x1x16xf32>,
        %swap3A_785 = vector.shape_cast %swap3A_784 : vector<1x1x16xf32> to vector<16xf32>
        %swap3A_786 = vector.shape_cast %get3A_779 : vector<16xf32> to vector<1x1x16xf32>
        tpu.vector_store %arg16[%swap3A_781, %swap3A_782, %swap3A_783], %swap3A_786 {strides = array<i32>} : memref<1x50x192xf32, #tpu.memory_space<vmem>>, vector<1x1x16xf32>,
        %get3A_787 = arith.index_cast %add3A_775 : i32 to index
        %get3A_788 = arith.constant 16 : index
        %get3A_789 = tpu.vector_load %arg12[%get3A_787, %get3A_788] {strides = array<i32>} : memref<50x128xf32, #tpu.memory_space<vmem>>, vector<1x16xf32>,
        %get3A_790 = vector.shape_cast %get3A_789 : vector<1x16xf32> to vector<16xf32>
        %swap3A_791 = arith.constant 0 : i32
        %swap3A_792 = arith.index_cast %swap3A_791 : i32 to index
        %swap3A_793 = arith.index_cast %add3A_775 : i32 to index
        %swap3A_794 = arith.constant 144 : index
        %swap3A_795 = tpu.vector_load %arg16[%swap3A_792, %swap3A_793, %swap3A_794] {strides = array<i32>} : memref<1x50x192xf32, #tpu.memory_space<vmem>>, vector<1x1x16xf32>,
        %swap3A_796 = vector.shape_cast %swap3A_795 : vector<1x1x16xf32> to vector<16xf32>
        %swap3A_797 = vector.shape_cast %get3A_790 : vector<16xf32> to vector<1x1x16xf32>
        tpu.vector_store %arg16[%swap3A_792, %swap3A_793, %swap3A_794], %swap3A_797 {strides = array<i32>} : memref<1x50x192xf32, #tpu.memory_space<vmem>>, vector<1x1x16xf32>,
        %get3A_798 = arith.index_cast %add3A_775 : i32 to index
        %get3A_799 = arith.constant 32 : index
        %get3A_800 = tpu.vector_load %arg12[%get3A_798, %get3A_799] {strides = array<i32>} : memref<50x128xf32, #tpu.memory_space<vmem>>, vector<1x16xf32>,
        %get3A_801 = vector.shape_cast %get3A_800 : vector<1x16xf32> to vector<16xf32>
        %swap3A_802 = arith.constant 0 : i32
        %swap3A_803 = arith.index_cast %swap3A_802 : i32 to index
        %swap3A_804 = arith.index_cast %add3A_775 : i32 to index
        %swap3A_805 = arith.constant 160 : index
        %swap3A_806 = tpu.vector_load %arg16[%swap3A_803, %swap3A_804, %swap3A_805] {strides = array<i32>} : memref<1x50x192xf32, #tpu.memory_space<vmem>>, vector<1x1x16xf32>,
        %swap3A_807 = vector.shape_cast %swap3A_806 : vector<1x1x16xf32> to vector<16xf32>
        %swap3A_808 = vector.shape_cast %get3A_801 : vector<16xf32> to vector<1x1x16xf32>
        tpu.vector_store %arg16[%swap3A_803, %swap3A_804, %swap3A_805], %swap3A_808 {strides = array<i32>} : memref<1x50x192xf32, #tpu.memory_space<vmem>>, vector<1x1x16xf32>,
        %get3A_809 = arith.index_cast %add3A_775 : i32 to index
        %get3A_810 = arith.constant 48 : index
        %get3A_811 = tpu.vector_load %arg12[%get3A_809, %get3A_810] {strides = array<i32>} : memref<50x128xf32, #tpu.memory_space<vmem>>, vector<1x16xf32>,
        %get3A_812 = vector.shape_cast %get3A_811 : vector<1x16xf32> to vector<16xf32>
        %swap3A_813 = arith.constant 0 : i32
        %swap3A_814 = arith.index_cast %swap3A_813 : i32 to index
        %swap3A_815 = arith.index_cast %add3A_775 : i32 to index
        %swap3A_816 = arith.constant 176 : index
        %swap3A_817 = tpu.vector_load %arg16[%swap3A_814, %swap3A_815, %swap3A_816] {strides = array<i32>} : memref<1x50x192xf32, #tpu.memory_space<vmem>>, vector<1x1x16xf32>,
        %swap3A_818 = vector.shape_cast %swap3A_817 : vector<1x1x16xf32> to vector<16xf32>
        %swap3A_819 = vector.shape_cast %get3A_812 : vector<16xf32> to vector<1x1x16xf32>
        tpu.vector_store %arg16[%swap3A_814, %swap3A_815, %swap3A_816], %swap3A_819 {strides = array<i32>} : memref<1x50x192xf32, #tpu.memory_space<vmem>>, vector<1x1x16xf32>,
      }
      %scan3A_239 = arith.constant 50 : i32
      %dma_wait3A_240 = arith.constant 0 : i32
      %dma_wait3A_241 = arith.constant 0 : i32
      %dma_wait3A_242 = arith.constant 0 : i32
      %dma_wait3A_243 = arith.constant 0 : i32
      %dma_wait3A_244 = tpu.memref_slice %arg16[%dma_wait3A_241, %dma_wait3A_242, %dma_wait3A_243] : memref<1x50x192xf32, #tpu.memory_space<vmem>> -> memref<1x50x128xf32, #tpu.memory_space<vmem>>
      %dma_wait3A_245 = tpu.memref_squeeze %dma_wait3A_244 : memref<1x50x128xf32, #tpu.memory_space<vmem>> -> memref<50x128xf32, #tpu.memory_space<vmem>>
      %dma_wait3A_246 = arith.constant 0 : i32
      %dma_wait3A_247 = tpu.memref_slice %arg8[%dma_wait3A_240, %dma_wait3A_246] : memref<2x50xi32, #tpu.memory_space<vmem>> -> memref<1x50xi32, #tpu.memory_space<vmem>>
      %dma_wait3A_248 = tpu.memref_squeeze %dma_wait3A_247 : memref<1x50xi32, #tpu.memory_space<vmem>> -> memref<50xi32, #tpu.memory_space<vmem>>
      %dma_wait3A_249 = arith.constant 0 : i32
      %dma_wait3A_250 = arith.constant 0 : i32
      %dma_wait3A_251 = tpu.memref_slice %arg3[%dma_wait3A_249, %dma_wait3A_250] : memref<100000x128xf32, #tpu.memory_space<hbm>> -> memref<100000x128xf32, #tpu.memory_space<hbm>>
      tpu.wait_indirect_dma semaphore(%arg24 : memref<!tpu.dma_semaphore, #tpu.memory_space<semaphore_mem>>) src(%dma_wait3A_251 : memref<100000x128xf32, #tpu.memory_space<hbm>>) dst(%dma_wait3A_245 : memref<50x128xf32, #tpu.memory_space<vmem>>)
      %mul3A_252 = arith.constant 128 : i32
      %mul3A_253 = arith.muli %add3A, %mul3A_252 : i32
      %add3A_254 = arith.addi %mul3A_253, %add3A_208 : i32
      %dma_start3A_255 = arith.constant 0 : i32
      %dma_start3A_256 = arith.constant 0 : i32
      %dma_start3A_257 = arith.constant 0 : i32
      %dma_start3A_258 = tpu.memref_slice %arg5[%add3A_254, %dma_start3A_255, %dma_start3A_256, %dma_start3A_257] : memref<4096x1x50x192xf32, #tpu.memory_space<hbm>> -> memref<1x1x50x192xf32, #tpu.memory_space<hbm>>
      %dma_start3A_259 = tpu.memref_squeeze %dma_start3A_258 : memref<1x1x50x192xf32, #tpu.memory_space<hbm>> -> memref<1x50x192xf32, #tpu.memory_space<hbm>>
      %dma_start3A_260 = arith.constant 0 : i32
      %dma_start3A_261 = arith.constant 0 : i32
      %dma_start3A_262 = arith.constant 0 : i32
      %dma_start3A_263 = tpu.memref_slice %arg5[%add3A_254, %dma_start3A_260, %dma_start3A_261, %dma_start3A_262] : memref<4096x1x50x192xf32, #tpu.memory_space<hbm>> -> memref<1x1x50x192xf32, #tpu.memory_space<hbm>>
      %dma_start3A_264 = tpu.memref_squeeze %dma_start3A_263 : memref<1x1x50x192xf32, #tpu.memory_space<hbm>> -> memref<1x50x192xf32, #tpu.memory_space<hbm>>
      tpu.enqueue_dma source(%arg16 : memref<1x50x192xf32, #tpu.memory_space<vmem>>) target(%dma_start3A_264 : memref<1x50x192xf32, #tpu.memory_space<hbm>>) target_semaphore(%arg32 : memref<!tpu.dma_semaphore, #tpu.memory_space<semaphore_mem>>)
      %add3A_265 = arith.constant 3 : i32
      %add3A_266 = arith.addi %mul3A_94, %add3A_265 : i32
      %ge3A_267 = arith.constant 3 : i32
      %ge3A_268 = arith.cmpi sge, %add3A_266, %ge3A_267 : i32
      %convert_element_type3A_269 = arith.extui %ge3A_268 : i1 to i32
      %cond3A_270 = arith.constant 0 : i32
      %cond3A_271 = arith.cmpi ne, %convert_element_type3A_269, %cond3A_270 : i32
      scf.if %cond3A_271 {
        %dma_wait3A_323 = arith.constant 0 : i32
        %dma_wait3A_324 = arith.constant 0 : i32
        %dma_wait3A_325 = arith.constant 0 : i32
        %dma_wait3A_326 = arith.constant 0 : i32
        %dma_wait3A_327 = tpu.memref_slice %arg5[%dma_wait3A_323, %dma_wait3A_324, %dma_wait3A_325, %dma_wait3A_326] : memref<4096x1x50x192xf32, #tpu.memory_space<hbm>> -> memref<1x1x50x192xf32, #tpu.memory_space<hbm>>
        %dma_wait3A_328 = tpu.memref_squeeze %dma_wait3A_327 : memref<1x1x50x192xf32, #tpu.memory_space<hbm>> -> memref<1x50x192xf32, #tpu.memory_space<hbm>>
        %dma_wait3A_329 = arith.constant 0 : i32
        %dma_wait3A_330 = arith.constant 0 : i32
        %dma_wait3A_331 = arith.constant 0 : i32
        %dma_wait3A_332 = tpu.memref_slice %arg5[%dma_wait3A_323, %dma_wait3A_329, %dma_wait3A_330, %dma_wait3A_331] : memref<4096x1x50x192xf32, #tpu.memory_space<hbm>> -> memref<1x1x50x192xf32, #tpu.memory_space<hbm>>
        %dma_wait3A_333 = tpu.memref_squeeze %dma_wait3A_332 : memref<1x1x50x192xf32, #tpu.memory_space<hbm>> -> memref<1x50x192xf32, #tpu.memory_space<hbm>>
        tpu.wait_dma2 semaphore(%arg30 : memref<!tpu.dma_semaphore, #tpu.memory_space<semaphore_mem>>) src(%arg14 : memref<1x50x192xf32, #tpu.memory_space<vmem>>) dst(%dma_wait3A_333 : memref<1x50x192xf32, #tpu.memory_space<hbm>>)
      } else {
      }
      %add3A_272 = arith.constant 2 : i32
      %add3A_273 = arith.addi %add3A_266, %add3A_272 : i32
      %lt3A_274 = arith.constant 128 : i32
      %lt3A_275 = arith.cmpi slt, %add3A_273, %lt3A_274 : i32
      %convert_element_type3A_276 = arith.extui %lt3A_275 : i1 to i32
      %cond3A_277 = arith.constant 0 : i32
      %cond3A_278 = arith.cmpi ne, %convert_element_type3A_276, %cond3A_277 : i32
      scf.if %cond3A_278 {
        %add3A_323 = arith.constant 2 : i32
        %add3A_324 = arith.addi %add3A_266, %add3A_323 : i32
        %mul3A_325 = arith.constant 128 : i32
        %mul3A_326 = arith.muli %add3A, %mul3A_325 : i32
        %add3A_327 = arith.addi %mul3A_326, %add3A_324 : i32
        %dma_start3A_328 = arith.constant 0 : i32
        %dma_start3A_329 = arith.constant 0 : i32
        %dma_start3A_330 = tpu.memref_slice %arg2[%add3A_327, %dma_start3A_328, %dma_start3A_329] : memref<4096x2x50xi32, #tpu.memory_space<hbm>> -> memref<1x2x50xi32, #tpu.memory_space<hbm>>
        %dma_start3A_331 = tpu.memref_squeeze %dma_start3A_330 : memref<1x2x50xi32, #tpu.memory_space<hbm>> -> memref<2x50xi32, #tpu.memory_space<hbm>>
        %dma_start3A_332 = arith.constant 0 : i32
        %dma_start3A_333 = arith.constant 0 : i32
        %dma_start3A_334 = tpu.memref_slice %arg2[%add3A_327, %dma_start3A_332, %dma_start3A_333] : memref<4096x2x50xi32, #tpu.memory_space<hbm>> -> memref<1x2x50xi32, #tpu.memory_space<hbm>>
        %dma_start3A_335 = tpu.memref_squeeze %dma_start3A_334 : memref<1x2x50xi32, #tpu.memory_space<hbm>> -> memref<2x50xi32, #tpu.memory_space<hbm>>
        tpu.enqueue_dma source(%dma_start3A_335 : memref<2x50xi32, #tpu.memory_space<hbm>>) target(%arg7 : memref<2x50xi32, #tpu.memory_space<vmem>>) target_semaphore(%arg19 : memref<!tpu.dma_semaphore, #tpu.memory_space<semaphore_mem>>)
      } else {
      }
      %add3A_279 = arith.constant 1 : i32
      %add3A_280 = arith.addi %add3A_266, %add3A_279 : i32
      %lt3A_281 = arith.constant 128 : i32
      %lt3A_282 = arith.cmpi slt, %add3A_280, %lt3A_281 : i32
      %convert_element_type3A_283 = arith.extui %lt3A_282 : i1 to i32
      %cond3A_284 = arith.constant 0 : i32
      %cond3A_285 = arith.cmpi ne, %convert_element_type3A_283, %cond3A_284 : i32
      scf.if %cond3A_285 {
        %dma_wait3A_323 = arith.constant 0 : i32
        %dma_wait3A_324 = arith.constant 0 : i32
        %dma_wait3A_325 = arith.constant 0 : i32
        %dma_wait3A_326 = tpu.memref_slice %arg2[%dma_wait3A_323, %dma_wait3A_324, %dma_wait3A_325] : memref<4096x2x50xi32, #tpu.memory_space<hbm>> -> memref<1x2x50xi32, #tpu.memory_space<hbm>>
        %dma_wait3A_327 = tpu.memref_squeeze %dma_wait3A_326 : memref<1x2x50xi32, #tpu.memory_space<hbm>> -> memref<2x50xi32, #tpu.memory_space<hbm>>
        %dma_wait3A_328 = arith.constant 0 : i32
        %dma_wait3A_329 = arith.constant 0 : i32
        %dma_wait3A_330 = tpu.memref_slice %arg2[%dma_wait3A_323, %dma_wait3A_328, %dma_wait3A_329] : memref<4096x2x50xi32, #tpu.memory_space<hbm>> -> memref<1x2x50xi32, #tpu.memory_space<hbm>>
        %dma_wait3A_331 = tpu.memref_squeeze %dma_wait3A_330 : memref<1x2x50xi32, #tpu.memory_space<hbm>> -> memref<2x50xi32, #tpu.memory_space<hbm>>
        tpu.wait_dma2 semaphore(%arg18 : memref<!tpu.dma_semaphore, #tpu.memory_space<semaphore_mem>>) src(%dma_wait3A_331 : memref<2x50xi32, #tpu.memory_space<hbm>>) dst(%arg6 : memref<2x50xi32, #tpu.memory_space<vmem>>)
        %add3A_332 = arith.constant 1 : i32
        %add3A_333 = arith.addi %add3A_266, %add3A_332 : i32
        %dma_start3A_334 = arith.constant 0 : i32
        %dma_start3A_335 = arith.constant 0 : i32
        %dma_start3A_336 = arith.constant 0 : i32
        %dma_start3A_337 = arith.constant 0 : i32
        %dma_start3A_338 = tpu.memref_slice %arg14[%dma_start3A_335, %dma_start3A_336, %dma_start3A_337] : memref<1x50x192xf32, #tpu.memory_space<vmem>> -> memref<1x50x128xf32, #tpu.memory_space<vmem>>
        %dma_start3A_339 = tpu.memref_squeeze %dma_start3A_338 : memref<1x50x128xf32, #tpu.memory_space<vmem>> -> memref<50x128xf32, #tpu.memory_space<vmem>>
        %dma_start3A_340 = arith.constant 0 : i32
        %dma_start3A_341 = tpu.memref_slice %arg6[%dma_start3A_334, %dma_start3A_340] : memref<2x50xi32, #tpu.memory_space<vmem>> -> memref<1x50xi32, #tpu.memory_space<vmem>>
        %dma_start3A_342 = tpu.memref_squeeze %dma_start3A_341 : memref<1x50xi32, #tpu.memory_space<vmem>> -> memref<50xi32, #tpu.memory_space<vmem>>
        %dma_start3A_343 = arith.constant 0 : i32
        %dma_start3A_344 = arith.constant 0 : i32
        %dma_start3A_345 = tpu.memref_slice %arg3[%dma_start3A_343, %dma_start3A_344] : memref<100000x128xf32, #tpu.memory_space<hbm>> -> memref<100000x128xf32, #tpu.memory_space<hbm>>
        tpu.enqueue_indirect_dma source(%dma_start3A_345 : memref<100000x128xf32, #tpu.memory_space<hbm>>) target(%dma_start3A_339 : memref<50x128xf32, #tpu.memory_space<vmem>>) offsets(%dma_start3A_342 : memref<50xi32, #tpu.memory_space<vmem>>) semaphore(%arg22 : memref<!tpu.dma_semaphore, #tpu.memory_space<semaphore_mem>>)
        %dma_start3A_346 = arith.constant 1 : i32
        %dma_start3A_347 = arith.constant 0 : i32
        %dma_start3A_348 = tpu.memref_slice %arg6[%dma_start3A_346, %dma_start3A_347] : memref<2x50xi32, #tpu.memory_space<vmem>> -> memref<1x50xi32, #tpu.memory_space<vmem>>
        %dma_start3A_349 = tpu.memref_squeeze %dma_start3A_348 : memref<1x50xi32, #tpu.memory_space<vmem>> -> memref<50xi32, #tpu.memory_space<vmem>>
        %dma_start3A_350 = arith.constant 0 : i32
        %dma_start3A_351 = arith.constant 0 : i32
        %dma_start3A_352 = tpu.memref_slice %arg4[%dma_start3A_350, %dma_start3A_351] : memref<1000x128xf32, #tpu.memory_space<hbm>> -> memref<1000x128xf32, #tpu.memory_space<hbm>>
        tpu.enqueue_indirect_dma source(%dma_start3A_352 : memref<1000x128xf32, #tpu.memory_space<hbm>>) target(%arg10 : memref<50x128xf32, #tpu.memory_space<vmem>>) offsets(%dma_start3A_349 : memref<50xi32, #tpu.memory_space<vmem>>) semaphore(%arg26 : memref<!tpu.dma_semaphore, #tpu.memory_space<semaphore_mem>>)
      } else {
      }
      %dma_wait3A_286 = arith.constant 1 : i32
      %dma_wait3A_287 = arith.constant 0 : i32
      %dma_wait3A_288 = tpu.memref_slice %arg9[%dma_wait3A_286, %dma_wait3A_287] : memref<2x50xi32, #tpu.memory_space<vmem>> -> memref<1x50xi32, #tpu.memory_space<vmem>>
      %dma_wait3A_289 = tpu.memref_squeeze %dma_wait3A_288 : memref<1x50xi32, #tpu.memory_space<vmem>> -> memref<50xi32, #tpu.memory_space<vmem>>
      %dma_wait3A_290 = arith.constant 0 : i32
      %dma_wait3A_291 = arith.constant 0 : i32
      %dma_wait3A_292 = tpu.memref_slice %arg4[%dma_wait3A_290, %dma_wait3A_291] : memref<1000x128xf32, #tpu.memory_space<hbm>> -> memref<1000x128xf32, #tpu.memory_space<hbm>>
      tpu.wait_indirect_dma semaphore(%arg29 : memref<!tpu.dma_semaphore, #tpu.memory_space<semaphore_mem>>) src(%dma_wait3A_292 : memref<1000x128xf32, #tpu.memory_space<hbm>>) dst(%arg13 : memref<50x128xf32, #tpu.memory_space<vmem>>)
      %scan3A_293 = arith.constant 0 : i32
      %scan3A_294 = arith.constant 50 : i32
      %scan3A_295 = arith.addi %scan3A_293, %scan3A_294 : i32
      %scan3A_296 = arith.constant 10 : i32
      scf.for %scan3A_323 = %scan3A_293 to %scan3A_295 step %scan3A_296  : i32 {
        %mul3A_324 = arith.constant 1 : i32
        %mul3A_325 = arith.muli %scan3A_323, %mul3A_324 : i32
        %add3A_326 = arith.constant 0 : i32
        %add3A_327 = arith.addi %add3A_326, %mul3A_325 : i32
        %get3A = arith.index_cast %add3A_327 : i32 to index
        %get3A_328 = arith.constant 0 : index
        %get3A_329 = tpu.vector_load %arg13[%get3A, %get3A_328] {strides = array<i32>} : memref<50x128xf32, #tpu.memory_space<vmem>>, vector<1x16xf32>,
        %get3A_330 = vector.shape_cast %get3A_329 : vector<1x16xf32> to vector<16xf32>
        %swap3A = arith.constant 0 : i32
        %swap3A_331 = arith.index_cast %swap3A : i32 to index
        %swap3A_332 = arith.index_cast %add3A_327 : i32 to index
        %swap3A_333 = arith.constant 128 : index
        %swap3A_334 = tpu.vector_load %arg17[%swap3A_331, %swap3A_332, %swap3A_333] {strides = array<i32>} : memref<1x50x192xf32, #tpu.memory_space<vmem>>, vector<1x1x16xf32>,
        %swap3A_335 = vector.shape_cast %swap3A_334 : vector<1x1x16xf32> to vector<16xf32>
        %swap3A_336 = vector.shape_cast %get3A_330 : vector<16xf32> to vector<1x1x16xf32>
        tpu.vector_store %arg17[%swap3A_331, %swap3A_332, %swap3A_333], %swap3A_336 {strides = array<i32>} : memref<1x50x192xf32, #tpu.memory_space<vmem>>, vector<1x1x16xf32>,
        %get3A_337 = arith.index_cast %add3A_327 : i32 to index
        %get3A_338 = arith.constant 16 : index
        %get3A_339 = tpu.vector_load %arg13[%get3A_337, %get3A_338] {strides = array<i32>} : memref<50x128xf32, #tpu.memory_space<vmem>>, vector<1x16xf32>,
        %get3A_340 = vector.shape_cast %get3A_339 : vector<1x16xf32> to vector<16xf32>
        %swap3A_341 = arith.constant 0 : i32
        %swap3A_342 = arith.index_cast %swap3A_341 : i32 to index
        %swap3A_343 = arith.index_cast %add3A_327 : i32 to index
        %swap3A_344 = arith.constant 144 : index
        %swap3A_345 = tpu.vector_load %arg17[%swap3A_342, %swap3A_343, %swap3A_344] {strides = array<i32>} : memref<1x50x192xf32, #tpu.memory_space<vmem>>, vector<1x1x16xf32>,
        %swap3A_346 = vector.shape_cast %swap3A_345 : vector<1x1x16xf32> to vector<16xf32>
        %swap3A_347 = vector.shape_cast %get3A_340 : vector<16xf32> to vector<1x1x16xf32>
        tpu.vector_store %arg17[%swap3A_342, %swap3A_343, %swap3A_344], %swap3A_347 {strides = array<i32>} : memref<1x50x192xf32, #tpu.memory_space<vmem>>, vector<1x1x16xf32>,
        %get3A_348 = arith.index_cast %add3A_327 : i32 to index
        %get3A_349 = arith.constant 32 : index
        %get3A_350 = tpu.vector_load %arg13[%get3A_348, %get3A_349] {strides = array<i32>} : memref<50x128xf32, #tpu.memory_space<vmem>>, vector<1x16xf32>,
        %get3A_351 = vector.shape_cast %get3A_350 : vector<1x16xf32> to vector<16xf32>
        %swap3A_352 = arith.constant 0 : i32
        %swap3A_353 = arith.index_cast %swap3A_352 : i32 to index
        %swap3A_354 = arith.index_cast %add3A_327 : i32 to index
        %swap3A_355 = arith.constant 160 : index
        %swap3A_356 = tpu.vector_load %arg17[%swap3A_353, %swap3A_354, %swap3A_355] {strides = array<i32>} : memref<1x50x192xf32, #tpu.memory_space<vmem>>, vector<1x1x16xf32>,
        %swap3A_357 = vector.shape_cast %swap3A_356 : vector<1x1x16xf32> to vector<16xf32>
        %swap3A_358 = vector.shape_cast %get3A_351 : vector<16xf32> to vector<1x1x16xf32>
        tpu.vector_store %arg17[%swap3A_353, %swap3A_354, %swap3A_355], %swap3A_358 {strides = array<i32>} : memref<1x50x192xf32, #tpu.memory_space<vmem>>, vector<1x1x16xf32>,
        %get3A_359 = arith.index_cast %add3A_327 : i32 to index
        %get3A_360 = arith.constant 48 : index
        %get3A_361 = tpu.vector_load %arg13[%get3A_359, %get3A_360] {strides = array<i32>} : memref<50x128xf32, #tpu.memory_space<vmem>>, vector<1x16xf32>,
        %get3A_362 = vector.shape_cast %get3A_361 : vector<1x16xf32> to vector<16xf32>
        %swap3A_363 = arith.constant 0 : i32
        %swap3A_364 = arith.index_cast %swap3A_363 : i32 to index
        %swap3A_365 = arith.index_cast %add3A_327 : i32 to index
        %swap3A_366 = arith.constant 176 : index
        %swap3A_367 = tpu.vector_load %arg17[%swap3A_364, %swap3A_365, %swap3A_366] {strides = array<i32>} : memref<1x50x192xf32, #tpu.memory_space<vmem>>, vector<1x1x16xf32>,
        %swap3A_368 = vector.shape_cast %swap3A_367 : vector<1x1x16xf32> to vector<16xf32>
        %swap3A_369 = vector.shape_cast %get3A_362 : vector<16xf32> to vector<1x1x16xf32>
        tpu.vector_store %arg17[%swap3A_364, %swap3A_365, %swap3A_366], %swap3A_369 {strides = array<i32>} : memref<1x50x192xf32, #tpu.memory_space<vmem>>, vector<1x1x16xf32>,
        %scan3A_370 = arith.constant 1 : i32
        %scan3A_371 = arith.addi %scan3A_323, %scan3A_370 : i32
        %mul3A_372 = arith.constant 1 : i32
        %mul3A_373 = arith.muli %scan3A_371, %mul3A_372 : i32
        %add3A_374 = arith.constant 0 : i32
        %add3A_375 = arith.addi %add3A_374, %mul3A_373 : i32
        %get3A_376 = arith.index_cast %add3A_375 : i32 to index
        %get3A_377 = arith.constant 0 : index
        %get3A_378 = tpu.vector_load %arg13[%get3A_376, %get3A_377] {strides = array<i32>} : memref<50x128xf32, #tpu.memory_space<vmem>>, vector<1x16xf32>,
        %get3A_379 = vector.shape_cast %get3A_378 : vector<1x16xf32> to vector<16xf32>
        %swap3A_380 = arith.constant 0 : i32
        %swap3A_381 = arith.index_cast %swap3A_380 : i32 to index
        %swap3A_382 = arith.index_cast %add3A_375 : i32 to index
        %swap3A_383 = arith.constant 128 : index
        %swap3A_384 = tpu.vector_load %arg17[%swap3A_381, %swap3A_382, %swap3A_383] {strides = array<i32>} : memref<1x50x192xf32, #tpu.memory_space<vmem>>, vector<1x1x16xf32>,
        %swap3A_385 = vector.shape_cast %swap3A_384 : vector<1x1x16xf32> to vector<16xf32>
        %swap3A_386 = vector.shape_cast %get3A_379 : vector<16xf32> to vector<1x1x16xf32>
        tpu.vector_store %arg17[%swap3A_381, %swap3A_382, %swap3A_383], %swap3A_386 {strides = array<i32>} : memref<1x50x192xf32, #tpu.memory_space<vmem>>, vector<1x1x16xf32>,
        %get3A_387 = arith.index_cast %add3A_375 : i32 to index
        %get3A_388 = arith.constant 16 : index
        %get3A_389 = tpu.vector_load %arg13[%get3A_387, %get3A_388] {strides = array<i32>} : memref<50x128xf32, #tpu.memory_space<vmem>>, vector<1x16xf32>,
        %get3A_390 = vector.shape_cast %get3A_389 : vector<1x16xf32> to vector<16xf32>
        %swap3A_391 = arith.constant 0 : i32
        %swap3A_392 = arith.index_cast %swap3A_391 : i32 to index
        %swap3A_393 = arith.index_cast %add3A_375 : i32 to index
        %swap3A_394 = arith.constant 144 : index
        %swap3A_395 = tpu.vector_load %arg17[%swap3A_392, %swap3A_393, %swap3A_394] {strides = array<i32>} : memref<1x50x192xf32, #tpu.memory_space<vmem>>, vector<1x1x16xf32>,
        %swap3A_396 = vector.shape_cast %swap3A_395 : vector<1x1x16xf32> to vector<16xf32>
        %swap3A_397 = vector.shape_cast %get3A_390 : vector<16xf32> to vector<1x1x16xf32>
        tpu.vector_store %arg17[%swap3A_392, %swap3A_393, %swap3A_394], %swap3A_397 {strides = array<i32>} : memref<1x50x192xf32, #tpu.memory_space<vmem>>, vector<1x1x16xf32>,
        %get3A_398 = arith.index_cast %add3A_375 : i32 to index
        %get3A_399 = arith.constant 32 : index
        %get3A_400 = tpu.vector_load %arg13[%get3A_398, %get3A_399] {strides = array<i32>} : memref<50x128xf32, #tpu.memory_space<vmem>>, vector<1x16xf32>,
        %get3A_401 = vector.shape_cast %get3A_400 : vector<1x16xf32> to vector<16xf32>
        %swap3A_402 = arith.constant 0 : i32
        %swap3A_403 = arith.index_cast %swap3A_402 : i32 to index
        %swap3A_404 = arith.index_cast %add3A_375 : i32 to index
        %swap3A_405 = arith.constant 160 : index
        %swap3A_406 = tpu.vector_load %arg17[%swap3A_403, %swap3A_404, %swap3A_405] {strides = array<i32>} : memref<1x50x192xf32, #tpu.memory_space<vmem>>, vector<1x1x16xf32>,
        %swap3A_407 = vector.shape_cast %swap3A_406 : vector<1x1x16xf32> to vector<16xf32>
        %swap3A_408 = vector.shape_cast %get3A_401 : vector<16xf32> to vector<1x1x16xf32>
        tpu.vector_store %arg17[%swap3A_403, %swap3A_404, %swap3A_405], %swap3A_408 {strides = array<i32>} : memref<1x50x192xf32, #tpu.memory_space<vmem>>, vector<1x1x16xf32>,
        %get3A_409 = arith.index_cast %add3A_375 : i32 to index
        %get3A_410 = arith.constant 48 : index
        %get3A_411 = tpu.vector_load %arg13[%get3A_409, %get3A_410] {strides = array<i32>} : memref<50x128xf32, #tpu.memory_space<vmem>>, vector<1x16xf32>,
        %get3A_412 = vector.shape_cast %get3A_411 : vector<1x16xf32> to vector<16xf32>
        %swap3A_413 = arith.constant 0 : i32
        %swap3A_414 = arith.index_cast %swap3A_413 : i32 to index
        %swap3A_415 = arith.index_cast %add3A_375 : i32 to index
        %swap3A_416 = arith.constant 176 : index
        %swap3A_417 = tpu.vector_load %arg17[%swap3A_414, %swap3A_415, %swap3A_416] {strides = array<i32>} : memref<1x50x192xf32, #tpu.memory_space<vmem>>, vector<1x1x16xf32>,
        %swap3A_418 = vector.shape_cast %swap3A_417 : vector<1x1x16xf32> to vector<16xf32>
        %swap3A_419 = vector.shape_cast %get3A_412 : vector<16xf32> to vector<1x1x16xf32>
        tpu.vector_store %arg17[%swap3A_414, %swap3A_415, %swap3A_416], %swap3A_419 {strides = array<i32>} : memref<1x50x192xf32, #tpu.memory_space<vmem>>, vector<1x1x16xf32>,
        %scan3A_420 = arith.constant 2 : i32
        %scan3A_421 = arith.addi %scan3A_323, %scan3A_420 : i32
        %mul3A_422 = arith.constant 1 : i32
        %mul3A_423 = arith.muli %scan3A_421, %mul3A_422 : i32
        %add3A_424 = arith.constant 0 : i32
        %add3A_425 = arith.addi %add3A_424, %mul3A_423 : i32
        %get3A_426 = arith.index_cast %add3A_425 : i32 to index
        %get3A_427 = arith.constant 0 : index
        %get3A_428 = tpu.vector_load %arg13[%get3A_426, %get3A_427] {strides = array<i32>} : memref<50x128xf32, #tpu.memory_space<vmem>>, vector<1x16xf32>,
        %get3A_429 = vector.shape_cast %get3A_428 : vector<1x16xf32> to vector<16xf32>
        %swap3A_430 = arith.constant 0 : i32
        %swap3A_431 = arith.index_cast %swap3A_430 : i32 to index
        %swap3A_432 = arith.index_cast %add3A_425 : i32 to index
        %swap3A_433 = arith.constant 128 : index
        %swap3A_434 = tpu.vector_load %arg17[%swap3A_431, %swap3A_432, %swap3A_433] {strides = array<i32>} : memref<1x50x192xf32, #tpu.memory_space<vmem>>, vector<1x1x16xf32>,
        %swap3A_435 = vector.shape_cast %swap3A_434 : vector<1x1x16xf32> to vector<16xf32>
        %swap3A_436 = vector.shape_cast %get3A_429 : vector<16xf32> to vector<1x1x16xf32>
        tpu.vector_store %arg17[%swap3A_431, %swap3A_432, %swap3A_433], %swap3A_436 {strides = array<i32>} : memref<1x50x192xf32, #tpu.memory_space<vmem>>, vector<1x1x16xf32>,
        %get3A_437 = arith.index_cast %add3A_425 : i32 to index
        %get3A_438 = arith.constant 16 : index
        %get3A_439 = tpu.vector_load %arg13[%get3A_437, %get3A_438] {strides = array<i32>} : memref<50x128xf32, #tpu.memory_space<vmem>>, vector<1x16xf32>,
        %get3A_440 = vector.shape_cast %get3A_439 : vector<1x16xf32> to vector<16xf32>
        %swap3A_441 = arith.constant 0 : i32
        %swap3A_442 = arith.index_cast %swap3A_441 : i32 to index
        %swap3A_443 = arith.index_cast %add3A_425 : i32 to index
        %swap3A_444 = arith.constant 144 : index
        %swap3A_445 = tpu.vector_load %arg17[%swap3A_442, %swap3A_443, %swap3A_444] {strides = array<i32>} : memref<1x50x192xf32, #tpu.memory_space<vmem>>, vector<1x1x16xf32>,
        %swap3A_446 = vector.shape_cast %swap3A_445 : vector<1x1x16xf32> to vector<16xf32>
        %swap3A_447 = vector.shape_cast %get3A_440 : vector<16xf32> to vector<1x1x16xf32>
        tpu.vector_store %arg17[%swap3A_442, %swap3A_443, %swap3A_444], %swap3A_447 {strides = array<i32>} : memref<1x50x192xf32, #tpu.memory_space<vmem>>, vector<1x1x16xf32>,
        %get3A_448 = arith.index_cast %add3A_425 : i32 to index
        %get3A_449 = arith.constant 32 : index
        %get3A_450 = tpu.vector_load %arg13[%get3A_448, %get3A_449] {strides = array<i32>} : memref<50x128xf32, #tpu.memory_space<vmem>>, vector<1x16xf32>,
        %get3A_451 = vector.shape_cast %get3A_450 : vector<1x16xf32> to vector<16xf32>
        %swap3A_452 = arith.constant 0 : i32
        %swap3A_453 = arith.index_cast %swap3A_452 : i32 to index
        %swap3A_454 = arith.index_cast %add3A_425 : i32 to index
        %swap3A_455 = arith.constant 160 : index
        %swap3A_456 = tpu.vector_load %arg17[%swap3A_453, %swap3A_454, %swap3A_455] {strides = array<i32>} : memref<1x50x192xf32, #tpu.memory_space<vmem>>, vector<1x1x16xf32>,
        %swap3A_457 = vector.shape_cast %swap3A_456 : vector<1x1x16xf32> to vector<16xf32>
        %swap3A_458 = vector.shape_cast %get3A_451 : vector<16xf32> to vector<1x1x16xf32>
        tpu.vector_store %arg17[%swap3A_453, %swap3A_454, %swap3A_455], %swap3A_458 {strides = array<i32>} : memref<1x50x192xf32, #tpu.memory_space<vmem>>, vector<1x1x16xf32>,
        %get3A_459 = arith.index_cast %add3A_425 : i32 to index
        %get3A_460 = arith.constant 48 : index
        %get3A_461 = tpu.vector_load %arg13[%get3A_459, %get3A_460] {strides = array<i32>} : memref<50x128xf32, #tpu.memory_space<vmem>>, vector<1x16xf32>,
        %get3A_462 = vector.shape_cast %get3A_461 : vector<1x16xf32> to vector<16xf32>
        %swap3A_463 = arith.constant 0 : i32
        %swap3A_464 = arith.index_cast %swap3A_463 : i32 to index
        %swap3A_465 = arith.index_cast %add3A_425 : i32 to index
        %swap3A_466 = arith.constant 176 : index
        %swap3A_467 = tpu.vector_load %arg17[%swap3A_464, %swap3A_465, %swap3A_466] {strides = array<i32>} : memref<1x50x192xf32, #tpu.memory_space<vmem>>, vector<1x1x16xf32>,
        %swap3A_468 = vector.shape_cast %swap3A_467 : vector<1x1x16xf32> to vector<16xf32>
        %swap3A_469 = vector.shape_cast %get3A_462 : vector<16xf32> to vector<1x1x16xf32>
        tpu.vector_store %arg17[%swap3A_464, %swap3A_465, %swap3A_466], %swap3A_469 {strides = array<i32>} : memref<1x50x192xf32, #tpu.memory_space<vmem>>, vector<1x1x16xf32>,
        %scan3A_470 = arith.constant 3 : i32
        %scan3A_471 = arith.addi %scan3A_323, %scan3A_470 : i32
        %mul3A_472 = arith.constant 1 : i32
        %mul3A_473 = arith.muli %scan3A_471, %mul3A_472 : i32
        %add3A_474 = arith.constant 0 : i32
        %add3A_475 = arith.addi %add3A_474, %mul3A_473 : i32
        %get3A_476 = arith.index_cast %add3A_475 : i32 to index
        %get3A_477 = arith.constant 0 : index
        %get3A_478 = tpu.vector_load %arg13[%get3A_476, %get3A_477] {strides = array<i32>} : memref<50x128xf32, #tpu.memory_space<vmem>>, vector<1x16xf32>,
        %get3A_479 = vector.shape_cast %get3A_478 : vector<1x16xf32> to vector<16xf32>
        %swap3A_480 = arith.constant 0 : i32
        %swap3A_481 = arith.index_cast %swap3A_480 : i32 to index
        %swap3A_482 = arith.index_cast %add3A_475 : i32 to index
        %swap3A_483 = arith.constant 128 : index
        %swap3A_484 = tpu.vector_load %arg17[%swap3A_481, %swap3A_482, %swap3A_483] {strides = array<i32>} : memref<1x50x192xf32, #tpu.memory_space<vmem>>, vector<1x1x16xf32>,
        %swap3A_485 = vector.shape_cast %swap3A_484 : vector<1x1x16xf32> to vector<16xf32>
        %swap3A_486 = vector.shape_cast %get3A_479 : vector<16xf32> to vector<1x1x16xf32>
        tpu.vector_store %arg17[%swap3A_481, %swap3A_482, %swap3A_483], %swap3A_486 {strides = array<i32>} : memref<1x50x192xf32, #tpu.memory_space<vmem>>, vector<1x1x16xf32>,
        %get3A_487 = arith.index_cast %add3A_475 : i32 to index
        %get3A_488 = arith.constant 16 : index
        %get3A_489 = tpu.vector_load %arg13[%get3A_487, %get3A_488] {strides = array<i32>} : memref<50x128xf32, #tpu.memory_space<vmem>>, vector<1x16xf32>,
        %get3A_490 = vector.shape_cast %get3A_489 : vector<1x16xf32> to vector<16xf32>
        %swap3A_491 = arith.constant 0 : i32
        %swap3A_492 = arith.index_cast %swap3A_491 : i32 to index
        %swap3A_493 = arith.index_cast %add3A_475 : i32 to index
        %swap3A_494 = arith.constant 144 : index
        %swap3A_495 = tpu.vector_load %arg17[%swap3A_492, %swap3A_493, %swap3A_494] {strides = array<i32>} : memref<1x50x192xf32, #tpu.memory_space<vmem>>, vector<1x1x16xf32>,
        %swap3A_496 = vector.shape_cast %swap3A_495 : vector<1x1x16xf32> to vector<16xf32>
        %swap3A_497 = vector.shape_cast %get3A_490 : vector<16xf32> to vector<1x1x16xf32>
        tpu.vector_store %arg17[%swap3A_492, %swap3A_493, %swap3A_494], %swap3A_497 {strides = array<i32>} : memref<1x50x192xf32, #tpu.memory_space<vmem>>, vector<1x1x16xf32>,
        %get3A_498 = arith.index_cast %add3A_475 : i32 to index
        %get3A_499 = arith.constant 32 : index
        %get3A_500 = tpu.vector_load %arg13[%get3A_498, %get3A_499] {strides = array<i32>} : memref<50x128xf32, #tpu.memory_space<vmem>>, vector<1x16xf32>,
        %get3A_501 = vector.shape_cast %get3A_500 : vector<1x16xf32> to vector<16xf32>
        %swap3A_502 = arith.constant 0 : i32
        %swap3A_503 = arith.index_cast %swap3A_502 : i32 to index
        %swap3A_504 = arith.index_cast %add3A_475 : i32 to index
        %swap3A_505 = arith.constant 160 : index
        %swap3A_506 = tpu.vector_load %arg17[%swap3A_503, %swap3A_504, %swap3A_505] {strides = array<i32>} : memref<1x50x192xf32, #tpu.memory_space<vmem>>, vector<1x1x16xf32>,
        %swap3A_507 = vector.shape_cast %swap3A_506 : vector<1x1x16xf32> to vector<16xf32>
        %swap3A_508 = vector.shape_cast %get3A_501 : vector<16xf32> to vector<1x1x16xf32>
        tpu.vector_store %arg17[%swap3A_503, %swap3A_504, %swap3A_505], %swap3A_508 {strides = array<i32>} : memref<1x50x192xf32, #tpu.memory_space<vmem>>, vector<1x1x16xf32>,
        %get3A_509 = arith.index_cast %add3A_475 : i32 to index
        %get3A_510 = arith.constant 48 : index
        %get3A_511 = tpu.vector_load %arg13[%get3A_509, %get3A_510] {strides = array<i32>} : memref<50x128xf32, #tpu.memory_space<vmem>>, vector<1x16xf32>,
        %get3A_512 = vector.shape_cast %get3A_511 : vector<1x16xf32> to vector<16xf32>
        %swap3A_513 = arith.constant 0 : i32
        %swap3A_514 = arith.index_cast %swap3A_513 : i32 to index
        %swap3A_515 = arith.index_cast %add3A_475 : i32 to index
        %swap3A_516 = arith.constant 176 : index
        %swap3A_517 = tpu.vector_load %arg17[%swap3A_514, %swap3A_515, %swap3A_516] {strides = array<i32>} : memref<1x50x192xf32, #tpu.memory_space<vmem>>, vector<1x1x16xf32>,
        %swap3A_518 = vector.shape_cast %swap3A_517 : vector<1x1x16xf32> to vector<16xf32>
        %swap3A_519 = vector.shape_cast %get3A_512 : vector<16xf32> to vector<1x1x16xf32>
        tpu.vector_store %arg17[%swap3A_514, %swap3A_515, %swap3A_516], %swap3A_519 {strides = array<i32>} : memref<1x50x192xf32, #tpu.memory_space<vmem>>, vector<1x1x16xf32>,
        %scan3A_520 = arith.constant 4 : i32
        %scan3A_521 = arith.addi %scan3A_323, %scan3A_520 : i32
        %mul3A_522 = arith.constant 1 : i32
        %mul3A_523 = arith.muli %scan3A_521, %mul3A_522 : i32
        %add3A_524 = arith.constant 0 : i32
        %add3A_525 = arith.addi %add3A_524, %mul3A_523 : i32
        %get3A_526 = arith.index_cast %add3A_525 : i32 to index
        %get3A_527 = arith.constant 0 : index
        %get3A_528 = tpu.vector_load %arg13[%get3A_526, %get3A_527] {strides = array<i32>} : memref<50x128xf32, #tpu.memory_space<vmem>>, vector<1x16xf32>,
        %get3A_529 = vector.shape_cast %get3A_528 : vector<1x16xf32> to vector<16xf32>
        %swap3A_530 = arith.constant 0 : i32
        %swap3A_531 = arith.index_cast %swap3A_530 : i32 to index
        %swap3A_532 = arith.index_cast %add3A_525 : i32 to index
        %swap3A_533 = arith.constant 128 : index
        %swap3A_534 = tpu.vector_load %arg17[%swap3A_531, %swap3A_532, %swap3A_533] {strides = array<i32>} : memref<1x50x192xf32, #tpu.memory_space<vmem>>, vector<1x1x16xf32>,
        %swap3A_535 = vector.shape_cast %swap3A_534 : vector<1x1x16xf32> to vector<16xf32>
        %swap3A_536 = vector.shape_cast %get3A_529 : vector<16xf32> to vector<1x1x16xf32>
        tpu.vector_store %arg17[%swap3A_531, %swap3A_532, %swap3A_533], %swap3A_536 {strides = array<i32>} : memref<1x50x192xf32, #tpu.memory_space<vmem>>, vector<1x1x16xf32>,
        %get3A_537 = arith.index_cast %add3A_525 : i32 to index
        %get3A_538 = arith.constant 16 : index
        %get3A_539 = tpu.vector_load %arg13[%get3A_537, %get3A_538] {strides = array<i32>} : memref<50x128xf32, #tpu.memory_space<vmem>>, vector<1x16xf32>,
        %get3A_540 = vector.shape_cast %get3A_539 : vector<1x16xf32> to vector<16xf32>
        %swap3A_541 = arith.constant 0 : i32
        %swap3A_542 = arith.index_cast %swap3A_541 : i32 to index
        %swap3A_543 = arith.index_cast %add3A_525 : i32 to index
        %swap3A_544 = arith.constant 144 : index
        %swap3A_545 = tpu.vector_load %arg17[%swap3A_542, %swap3A_543, %swap3A_544] {strides = array<i32>} : memref<1x50x192xf32, #tpu.memory_space<vmem>>, vector<1x1x16xf32>,
        %swap3A_546 = vector.shape_cast %swap3A_545 : vector<1x1x16xf32> to vector<16xf32>
        %swap3A_547 = vector.shape_cast %get3A_540 : vector<16xf32> to vector<1x1x16xf32>
        tpu.vector_store %arg17[%swap3A_542, %swap3A_543, %swap3A_544], %swap3A_547 {strides = array<i32>} : memref<1x50x192xf32, #tpu.memory_space<vmem>>, vector<1x1x16xf32>,
        %get3A_548 = arith.index_cast %add3A_525 : i32 to index
        %get3A_549 = arith.constant 32 : index
        %get3A_550 = tpu.vector_load %arg13[%get3A_548, %get3A_549] {strides = array<i32>} : memref<50x128xf32, #tpu.memory_space<vmem>>, vector<1x16xf32>,
        %get3A_551 = vector.shape_cast %get3A_550 : vector<1x16xf32> to vector<16xf32>
        %swap3A_552 = arith.constant 0 : i32
        %swap3A_553 = arith.index_cast %swap3A_552 : i32 to index
        %swap3A_554 = arith.index_cast %add3A_525 : i32 to index
        %swap3A_555 = arith.constant 160 : index
        %swap3A_556 = tpu.vector_load %arg17[%swap3A_553, %swap3A_554, %swap3A_555] {strides = array<i32>} : memref<1x50x192xf32, #tpu.memory_space<vmem>>, vector<1x1x16xf32>,
        %swap3A_557 = vector.shape_cast %swap3A_556 : vector<1x1x16xf32> to vector<16xf32>
        %swap3A_558 = vector.shape_cast %get3A_551 : vector<16xf32> to vector<1x1x16xf32>
        tpu.vector_store %arg17[%swap3A_553, %swap3A_554, %swap3A_555], %swap3A_558 {strides = array<i32>} : memref<1x50x192xf32, #tpu.memory_space<vmem>>, vector<1x1x16xf32>,
        %get3A_559 = arith.index_cast %add3A_525 : i32 to index
        %get3A_560 = arith.constant 48 : index
        %get3A_561 = tpu.vector_load %arg13[%get3A_559, %get3A_560] {strides = array<i32>} : memref<50x128xf32, #tpu.memory_space<vmem>>, vector<1x16xf32>,
        %get3A_562 = vector.shape_cast %get3A_561 : vector<1x16xf32> to vector<16xf32>
        %swap3A_563 = arith.constant 0 : i32
        %swap3A_564 = arith.index_cast %swap3A_563 : i32 to index
        %swap3A_565 = arith.index_cast %add3A_525 : i32 to index
        %swap3A_566 = arith.constant 176 : index
        %swap3A_567 = tpu.vector_load %arg17[%swap3A_564, %swap3A_565, %swap3A_566] {strides = array<i32>} : memref<1x50x192xf32, #tpu.memory_space<vmem>>, vector<1x1x16xf32>,
        %swap3A_568 = vector.shape_cast %swap3A_567 : vector<1x1x16xf32> to vector<16xf32>
        %swap3A_569 = vector.shape_cast %get3A_562 : vector<16xf32> to vector<1x1x16xf32>
        tpu.vector_store %arg17[%swap3A_564, %swap3A_565, %swap3A_566], %swap3A_569 {strides = array<i32>} : memref<1x50x192xf32, #tpu.memory_space<vmem>>, vector<1x1x16xf32>,
        %scan3A_570 = arith.constant 5 : i32
        %scan3A_571 = arith.addi %scan3A_323, %scan3A_570 : i32
        %mul3A_572 = arith.constant 1 : i32
        %mul3A_573 = arith.muli %scan3A_571, %mul3A_572 : i32
        %add3A_574 = arith.constant 0 : i32
        %add3A_575 = arith.addi %add3A_574, %mul3A_573 : i32
        %get3A_576 = arith.index_cast %add3A_575 : i32 to index
        %get3A_577 = arith.constant 0 : index
        %get3A_578 = tpu.vector_load %arg13[%get3A_576, %get3A_577] {strides = array<i32>} : memref<50x128xf32, #tpu.memory_space<vmem>>, vector<1x16xf32>,
        %get3A_579 = vector.shape_cast %get3A_578 : vector<1x16xf32> to vector<16xf32>
        %swap3A_580 = arith.constant 0 : i32
        %swap3A_581 = arith.index_cast %swap3A_580 : i32 to index
        %swap3A_582 = arith.index_cast %add3A_575 : i32 to index
        %swap3A_583 = arith.constant 128 : index
        %swap3A_584 = tpu.vector_load %arg17[%swap3A_581, %swap3A_582, %swap3A_583] {strides = array<i32>} : memref<1x50x192xf32, #tpu.memory_space<vmem>>, vector<1x1x16xf32>,
        %swap3A_585 = vector.shape_cast %swap3A_584 : vector<1x1x16xf32> to vector<16xf32>
        %swap3A_586 = vector.shape_cast %get3A_579 : vector<16xf32> to vector<1x1x16xf32>
        tpu.vector_store %arg17[%swap3A_581, %swap3A_582, %swap3A_583], %swap3A_586 {strides = array<i32>} : memref<1x50x192xf32, #tpu.memory_space<vmem>>, vector<1x1x16xf32>,
        %get3A_587 = arith.index_cast %add3A_575 : i32 to index
        %get3A_588 = arith.constant 16 : index
        %get3A_589 = tpu.vector_load %arg13[%get3A_587, %get3A_588] {strides = array<i32>} : memref<50x128xf32, #tpu.memory_space<vmem>>, vector<1x16xf32>,
        %get3A_590 = vector.shape_cast %get3A_589 : vector<1x16xf32> to vector<16xf32>
        %swap3A_591 = arith.constant 0 : i32
        %swap3A_592 = arith.index_cast %swap3A_591 : i32 to index
        %swap3A_593 = arith.index_cast %add3A_575 : i32 to index
        %swap3A_594 = arith.constant 144 : index
        %swap3A_595 = tpu.vector_load %arg17[%swap3A_592, %swap3A_593, %swap3A_594] {strides = array<i32>} : memref<1x50x192xf32, #tpu.memory_space<vmem>>, vector<1x1x16xf32>,
        %swap3A_596 = vector.shape_cast %swap3A_595 : vector<1x1x16xf32> to vector<16xf32>
        %swap3A_597 = vector.shape_cast %get3A_590 : vector<16xf32> to vector<1x1x16xf32>
        tpu.vector_store %arg17[%swap3A_592, %swap3A_593, %swap3A_594], %swap3A_597 {strides = array<i32>} : memref<1x50x192xf32, #tpu.memory_space<vmem>>, vector<1x1x16xf32>,
        %get3A_598 = arith.index_cast %add3A_575 : i32 to index
        %get3A_599 = arith.constant 32 : index
        %get3A_600 = tpu.vector_load %arg13[%get3A_598, %get3A_599] {strides = array<i32>} : memref<50x128xf32, #tpu.memory_space<vmem>>, vector<1x16xf32>,
        %get3A_601 = vector.shape_cast %get3A_600 : vector<1x16xf32> to vector<16xf32>
        %swap3A_602 = arith.constant 0 : i32
        %swap3A_603 = arith.index_cast %swap3A_602 : i32 to index
        %swap3A_604 = arith.index_cast %add3A_575 : i32 to index
        %swap3A_605 = arith.constant 160 : index
        %swap3A_606 = tpu.vector_load %arg17[%swap3A_603, %swap3A_604, %swap3A_605] {strides = array<i32>} : memref<1x50x192xf32, #tpu.memory_space<vmem>>, vector<1x1x16xf32>,
        %swap3A_607 = vector.shape_cast %swap3A_606 : vector<1x1x16xf32> to vector<16xf32>
        %swap3A_608 = vector.shape_cast %get3A_601 : vector<16xf32> to vector<1x1x16xf32>
        tpu.vector_store %arg17[%swap3A_603, %swap3A_604, %swap3A_605], %swap3A_608 {strides = array<i32>} : memref<1x50x192xf32, #tpu.memory_space<vmem>>, vector<1x1x16xf32>,
        %get3A_609 = arith.index_cast %add3A_575 : i32 to index
        %get3A_610 = arith.constant 48 : index
        %get3A_611 = tpu.vector_load %arg13[%get3A_609, %get3A_610] {strides = array<i32>} : memref<50x128xf32, #tpu.memory_space<vmem>>, vector<1x16xf32>,
        %get3A_612 = vector.shape_cast %get3A_611 : vector<1x16xf32> to vector<16xf32>
        %swap3A_613 = arith.constant 0 : i32
        %swap3A_614 = arith.index_cast %swap3A_613 : i32 to index
        %swap3A_615 = arith.index_cast %add3A_575 : i32 to index
        %swap3A_616 = arith.constant 176 : index
        %swap3A_617 = tpu.vector_load %arg17[%swap3A_614, %swap3A_615, %swap3A_616] {strides = array<i32>} : memref<1x50x192xf32, #tpu.memory_space<vmem>>, vector<1x1x16xf32>,
        %swap3A_618 = vector.shape_cast %swap3A_617 : vector<1x1x16xf32> to vector<16xf32>
        %swap3A_619 = vector.shape_cast %get3A_612 : vector<16xf32> to vector<1x1x16xf32>
        tpu.vector_store %arg17[%swap3A_614, %swap3A_615, %swap3A_616], %swap3A_619 {strides = array<i32>} : memref<1x50x192xf32, #tpu.memory_space<vmem>>, vector<1x1x16xf32>,
        %scan3A_620 = arith.constant 6 : i32
        %scan3A_621 = arith.addi %scan3A_323, %scan3A_620 : i32
        %mul3A_622 = arith.constant 1 : i32
        %mul3A_623 = arith.muli %scan3A_621, %mul3A_622 : i32
        %add3A_624 = arith.constant 0 : i32
        %add3A_625 = arith.addi %add3A_624, %mul3A_623 : i32
        %get3A_626 = arith.index_cast %add3A_625 : i32 to index
        %get3A_627 = arith.constant 0 : index
        %get3A_628 = tpu.vector_load %arg13[%get3A_626, %get3A_627] {strides = array<i32>} : memref<50x128xf32, #tpu.memory_space<vmem>>, vector<1x16xf32>,
        %get3A_629 = vector.shape_cast %get3A_628 : vector<1x16xf32> to vector<16xf32>
        %swap3A_630 = arith.constant 0 : i32
        %swap3A_631 = arith.index_cast %swap3A_630 : i32 to index
        %swap3A_632 = arith.index_cast %add3A_625 : i32 to index
        %swap3A_633 = arith.constant 128 : index
        %swap3A_634 = tpu.vector_load %arg17[%swap3A_631, %swap3A_632, %swap3A_633] {strides = array<i32>} : memref<1x50x192xf32, #tpu.memory_space<vmem>>, vector<1x1x16xf32>,
        %swap3A_635 = vector.shape_cast %swap3A_634 : vector<1x1x16xf32> to vector<16xf32>
        %swap3A_636 = vector.shape_cast %get3A_629 : vector<16xf32> to vector<1x1x16xf32>
        tpu.vector_store %arg17[%swap3A_631, %swap3A_632, %swap3A_633], %swap3A_636 {strides = array<i32>} : memref<1x50x192xf32, #tpu.memory_space<vmem>>, vector<1x1x16xf32>,
        %get3A_637 = arith.index_cast %add3A_625 : i32 to index
        %get3A_638 = arith.constant 16 : index
        %get3A_639 = tpu.vector_load %arg13[%get3A_637, %get3A_638] {strides = array<i32>} : memref<50x128xf32, #tpu.memory_space<vmem>>, vector<1x16xf32>,
        %get3A_640 = vector.shape_cast %get3A_639 : vector<1x16xf32> to vector<16xf32>
        %swap3A_641 = arith.constant 0 : i32
        %swap3A_642 = arith.index_cast %swap3A_641 : i32 to index
        %swap3A_643 = arith.index_cast %add3A_625 : i32 to index
        %swap3A_644 = arith.constant 144 : index
        %swap3A_645 = tpu.vector_load %arg17[%swap3A_642, %swap3A_643, %swap3A_644] {strides = array<i32>} : memref<1x50x192xf32, #tpu.memory_space<vmem>>, vector<1x1x16xf32>,
        %swap3A_646 = vector.shape_cast %swap3A_645 : vector<1x1x16xf32> to vector<16xf32>
        %swap3A_647 = vector.shape_cast %get3A_640 : vector<16xf32> to vector<1x1x16xf32>
        tpu.vector_store %arg17[%swap3A_642, %swap3A_643, %swap3A_644], %swap3A_647 {strides = array<i32>} : memref<1x50x192xf32, #tpu.memory_space<vmem>>, vector<1x1x16xf32>,
        %get3A_648 = arith.index_cast %add3A_625 : i32 to index
        %get3A_649 = arith.constant 32 : index
        %get3A_650 = tpu.vector_load %arg13[%get3A_648, %get3A_649] {strides = array<i32>} : memref<50x128xf32, #tpu.memory_space<vmem>>, vector<1x16xf32>,
        %get3A_651 = vector.shape_cast %get3A_650 : vector<1x16xf32> to vector<16xf32>
        %swap3A_652 = arith.constant 0 : i32
        %swap3A_653 = arith.index_cast %swap3A_652 : i32 to index
        %swap3A_654 = arith.index_cast %add3A_625 : i32 to index
        %swap3A_655 = arith.constant 160 : index
        %swap3A_656 = tpu.vector_load %arg17[%swap3A_653, %swap3A_654, %swap3A_655] {strides = array<i32>} : memref<1x50x192xf32, #tpu.memory_space<vmem>>, vector<1x1x16xf32>,
        %swap3A_657 = vector.shape_cast %swap3A_656 : vector<1x1x16xf32> to vector<16xf32>
        %swap3A_658 = vector.shape_cast %get3A_651 : vector<16xf32> to vector<1x1x16xf32>
        tpu.vector_store %arg17[%swap3A_653, %swap3A_654, %swap3A_655], %swap3A_658 {strides = array<i32>} : memref<1x50x192xf32, #tpu.memory_space<vmem>>, vector<1x1x16xf32>,
        %get3A_659 = arith.index_cast %add3A_625 : i32 to index
        %get3A_660 = arith.constant 48 : index
        %get3A_661 = tpu.vector_load %arg13[%get3A_659, %get3A_660] {strides = array<i32>} : memref<50x128xf32, #tpu.memory_space<vmem>>, vector<1x16xf32>,
        %get3A_662 = vector.shape_cast %get3A_661 : vector<1x16xf32> to vector<16xf32>
        %swap3A_663 = arith.constant 0 : i32
        %swap3A_664 = arith.index_cast %swap3A_663 : i32 to index
        %swap3A_665 = arith.index_cast %add3A_625 : i32 to index
        %swap3A_666 = arith.constant 176 : index
        %swap3A_667 = tpu.vector_load %arg17[%swap3A_664, %swap3A_665, %swap3A_666] {strides = array<i32>} : memref<1x50x192xf32, #tpu.memory_space<vmem>>, vector<1x1x16xf32>,
        %swap3A_668 = vector.shape_cast %swap3A_667 : vector<1x1x16xf32> to vector<16xf32>
        %swap3A_669 = vector.shape_cast %get3A_662 : vector<16xf32> to vector<1x1x16xf32>
        tpu.vector_store %arg17[%swap3A_664, %swap3A_665, %swap3A_666], %swap3A_669 {strides = array<i32>} : memref<1x50x192xf32, #tpu.memory_space<vmem>>, vector<1x1x16xf32>,
        %scan3A_670 = arith.constant 7 : i32
        %scan3A_671 = arith.addi %scan3A_323, %scan3A_670 : i32
        %mul3A_672 = arith.constant 1 : i32
        %mul3A_673 = arith.muli %scan3A_671, %mul3A_672 : i32
        %add3A_674 = arith.constant 0 : i32
        %add3A_675 = arith.addi %add3A_674, %mul3A_673 : i32
        %get3A_676 = arith.index_cast %add3A_675 : i32 to index
        %get3A_677 = arith.constant 0 : index
        %get3A_678 = tpu.vector_load %arg13[%get3A_676, %get3A_677] {strides = array<i32>} : memref<50x128xf32, #tpu.memory_space<vmem>>, vector<1x16xf32>,
        %get3A_679 = vector.shape_cast %get3A_678 : vector<1x16xf32> to vector<16xf32>
        %swap3A_680 = arith.constant 0 : i32
        %swap3A_681 = arith.index_cast %swap3A_680 : i32 to index
        %swap3A_682 = arith.index_cast %add3A_675 : i32 to index
        %swap3A_683 = arith.constant 128 : index
        %swap3A_684 = tpu.vector_load %arg17[%swap3A_681, %swap3A_682, %swap3A_683] {strides = array<i32>} : memref<1x50x192xf32, #tpu.memory_space<vmem>>, vector<1x1x16xf32>,
        %swap3A_685 = vector.shape_cast %swap3A_684 : vector<1x1x16xf32> to vector<16xf32>
        %swap3A_686 = vector.shape_cast %get3A_679 : vector<16xf32> to vector<1x1x16xf32>
        tpu.vector_store %arg17[%swap3A_681, %swap3A_682, %swap3A_683], %swap3A_686 {strides = array<i32>} : memref<1x50x192xf32, #tpu.memory_space<vmem>>, vector<1x1x16xf32>,
        %get3A_687 = arith.index_cast %add3A_675 : i32 to index
        %get3A_688 = arith.constant 16 : index
        %get3A_689 = tpu.vector_load %arg13[%get3A_687, %get3A_688] {strides = array<i32>} : memref<50x128xf32, #tpu.memory_space<vmem>>, vector<1x16xf32>,
        %get3A_690 = vector.shape_cast %get3A_689 : vector<1x16xf32> to vector<16xf32>
        %swap3A_691 = arith.constant 0 : i32
        %swap3A_692 = arith.index_cast %swap3A_691 : i32 to index
        %swap3A_693 = arith.index_cast %add3A_675 : i32 to index
        %swap3A_694 = arith.constant 144 : index
        %swap3A_695 = tpu.vector_load %arg17[%swap3A_692, %swap3A_693, %swap3A_694] {strides = array<i32>} : memref<1x50x192xf32, #tpu.memory_space<vmem>>, vector<1x1x16xf32>,
        %swap3A_696 = vector.shape_cast %swap3A_695 : vector<1x1x16xf32> to vector<16xf32>
        %swap3A_697 = vector.shape_cast %get3A_690 : vector<16xf32> to vector<1x1x16xf32>
        tpu.vector_store %arg17[%swap3A_692, %swap3A_693, %swap3A_694], %swap3A_697 {strides = array<i32>} : memref<1x50x192xf32, #tpu.memory_space<vmem>>, vector<1x1x16xf32>,
        %get3A_698 = arith.index_cast %add3A_675 : i32 to index
        %get3A_699 = arith.constant 32 : index
        %get3A_700 = tpu.vector_load %arg13[%get3A_698, %get3A_699] {strides = array<i32>} : memref<50x128xf32, #tpu.memory_space<vmem>>, vector<1x16xf32>,
        %get3A_701 = vector.shape_cast %get3A_700 : vector<1x16xf32> to vector<16xf32>
        %swap3A_702 = arith.constant 0 : i32
        %swap3A_703 = arith.index_cast %swap3A_702 : i32 to index
        %swap3A_704 = arith.index_cast %add3A_675 : i32 to index
        %swap3A_705 = arith.constant 160 : index
        %swap3A_706 = tpu.vector_load %arg17[%swap3A_703, %swap3A_704, %swap3A_705] {strides = array<i32>} : memref<1x50x192xf32, #tpu.memory_space<vmem>>, vector<1x1x16xf32>,
        %swap3A_707 = vector.shape_cast %swap3A_706 : vector<1x1x16xf32> to vector<16xf32>
        %swap3A_708 = vector.shape_cast %get3A_701 : vector<16xf32> to vector<1x1x16xf32>
        tpu.vector_store %arg17[%swap3A_703, %swap3A_704, %swap3A_705], %swap3A_708 {strides = array<i32>} : memref<1x50x192xf32, #tpu.memory_space<vmem>>, vector<1x1x16xf32>,
        %get3A_709 = arith.index_cast %add3A_675 : i32 to index
        %get3A_710 = arith.constant 48 : index
        %get3A_711 = tpu.vector_load %arg13[%get3A_709, %get3A_710] {strides = array<i32>} : memref<50x128xf32, #tpu.memory_space<vmem>>, vector<1x16xf32>,
        %get3A_712 = vector.shape_cast %get3A_711 : vector<1x16xf32> to vector<16xf32>
        %swap3A_713 = arith.constant 0 : i32
        %swap3A_714 = arith.index_cast %swap3A_713 : i32 to index
        %swap3A_715 = arith.index_cast %add3A_675 : i32 to index
        %swap3A_716 = arith.constant 176 : index
        %swap3A_717 = tpu.vector_load %arg17[%swap3A_714, %swap3A_715, %swap3A_716] {strides = array<i32>} : memref<1x50x192xf32, #tpu.memory_space<vmem>>, vector<1x1x16xf32>,
        %swap3A_718 = vector.shape_cast %swap3A_717 : vector<1x1x16xf32> to vector<16xf32>
        %swap3A_719 = vector.shape_cast %get3A_712 : vector<16xf32> to vector<1x1x16xf32>
        tpu.vector_store %arg17[%swap3A_714, %swap3A_715, %swap3A_716], %swap3A_719 {strides = array<i32>} : memref<1x50x192xf32, #tpu.memory_space<vmem>>, vector<1x1x16xf32>,
        %scan3A_720 = arith.constant 8 : i32
        %scan3A_721 = arith.addi %scan3A_323, %scan3A_720 : i32
        %mul3A_722 = arith.constant 1 : i32
        %mul3A_723 = arith.muli %scan3A_721, %mul3A_722 : i32
        %add3A_724 = arith.constant 0 : i32
        %add3A_725 = arith.addi %add3A_724, %mul3A_723 : i32
        %get3A_726 = arith.index_cast %add3A_725 : i32 to index
        %get3A_727 = arith.constant 0 : index
        %get3A_728 = tpu.vector_load %arg13[%get3A_726, %get3A_727] {strides = array<i32>} : memref<50x128xf32, #tpu.memory_space<vmem>>, vector<1x16xf32>,
        %get3A_729 = vector.shape_cast %get3A_728 : vector<1x16xf32> to vector<16xf32>
        %swap3A_730 = arith.constant 0 : i32
        %swap3A_731 = arith.index_cast %swap3A_730 : i32 to index
        %swap3A_732 = arith.index_cast %add3A_725 : i32 to index
        %swap3A_733 = arith.constant 128 : index
        %swap3A_734 = tpu.vector_load %arg17[%swap3A_731, %swap3A_732, %swap3A_733] {strides = array<i32>} : memref<1x50x192xf32, #tpu.memory_space<vmem>>, vector<1x1x16xf32>,
        %swap3A_735 = vector.shape_cast %swap3A_734 : vector<1x1x16xf32> to vector<16xf32>
        %swap3A_736 = vector.shape_cast %get3A_729 : vector<16xf32> to vector<1x1x16xf32>
        tpu.vector_store %arg17[%swap3A_731, %swap3A_732, %swap3A_733], %swap3A_736 {strides = array<i32>} : memref<1x50x192xf32, #tpu.memory_space<vmem>>, vector<1x1x16xf32>,
        %get3A_737 = arith.index_cast %add3A_725 : i32 to index
        %get3A_738 = arith.constant 16 : index
        %get3A_739 = tpu.vector_load %arg13[%get3A_737, %get3A_738] {strides = array<i32>} : memref<50x128xf32, #tpu.memory_space<vmem>>, vector<1x16xf32>,
        %get3A_740 = vector.shape_cast %get3A_739 : vector<1x16xf32> to vector<16xf32>
        %swap3A_741 = arith.constant 0 : i32
        %swap3A_742 = arith.index_cast %swap3A_741 : i32 to index
        %swap3A_743 = arith.index_cast %add3A_725 : i32 to index
        %swap3A_744 = arith.constant 144 : index
        %swap3A_745 = tpu.vector_load %arg17[%swap3A_742, %swap3A_743, %swap3A_744] {strides = array<i32>} : memref<1x50x192xf32, #tpu.memory_space<vmem>>, vector<1x1x16xf32>,
        %swap3A_746 = vector.shape_cast %swap3A_745 : vector<1x1x16xf32> to vector<16xf32>
        %swap3A_747 = vector.shape_cast %get3A_740 : vector<16xf32> to vector<1x1x16xf32>
        tpu.vector_store %arg17[%swap3A_742, %swap3A_743, %swap3A_744], %swap3A_747 {strides = array<i32>} : memref<1x50x192xf32, #tpu.memory_space<vmem>>, vector<1x1x16xf32>,
        %get3A_748 = arith.index_cast %add3A_725 : i32 to index
        %get3A_749 = arith.constant 32 : index
        %get3A_750 = tpu.vector_load %arg13[%get3A_748, %get3A_749] {strides = array<i32>} : memref<50x128xf32, #tpu.memory_space<vmem>>, vector<1x16xf32>,
        %get3A_751 = vector.shape_cast %get3A_750 : vector<1x16xf32> to vector<16xf32>
        %swap3A_752 = arith.constant 0 : i32
        %swap3A_753 = arith.index_cast %swap3A_752 : i32 to index
        %swap3A_754 = arith.index_cast %add3A_725 : i32 to index
        %swap3A_755 = arith.constant 160 : index
        %swap3A_756 = tpu.vector_load %arg17[%swap3A_753, %swap3A_754, %swap3A_755] {strides = array<i32>} : memref<1x50x192xf32, #tpu.memory_space<vmem>>, vector<1x1x16xf32>,
        %swap3A_757 = vector.shape_cast %swap3A_756 : vector<1x1x16xf32> to vector<16xf32>
        %swap3A_758 = vector.shape_cast %get3A_751 : vector<16xf32> to vector<1x1x16xf32>
        tpu.vector_store %arg17[%swap3A_753, %swap3A_754, %swap3A_755], %swap3A_758 {strides = array<i32>} : memref<1x50x192xf32, #tpu.memory_space<vmem>>, vector<1x1x16xf32>,
        %get3A_759 = arith.index_cast %add3A_725 : i32 to index
        %get3A_760 = arith.constant 48 : index
        %get3A_761 = tpu.vector_load %arg13[%get3A_759, %get3A_760] {strides = array<i32>} : memref<50x128xf32, #tpu.memory_space<vmem>>, vector<1x16xf32>,
        %get3A_762 = vector.shape_cast %get3A_761 : vector<1x16xf32> to vector<16xf32>
        %swap3A_763 = arith.constant 0 : i32
        %swap3A_764 = arith.index_cast %swap3A_763 : i32 to index
        %swap3A_765 = arith.index_cast %add3A_725 : i32 to index
        %swap3A_766 = arith.constant 176 : index
        %swap3A_767 = tpu.vector_load %arg17[%swap3A_764, %swap3A_765, %swap3A_766] {strides = array<i32>} : memref<1x50x192xf32, #tpu.memory_space<vmem>>, vector<1x1x16xf32>,
        %swap3A_768 = vector.shape_cast %swap3A_767 : vector<1x1x16xf32> to vector<16xf32>
        %swap3A_769 = vector.shape_cast %get3A_762 : vector<16xf32> to vector<1x1x16xf32>
        tpu.vector_store %arg17[%swap3A_764, %swap3A_765, %swap3A_766], %swap3A_769 {strides = array<i32>} : memref<1x50x192xf32, #tpu.memory_space<vmem>>, vector<1x1x16xf32>,
        %scan3A_770 = arith.constant 9 : i32
        %scan3A_771 = arith.addi %scan3A_323, %scan3A_770 : i32
        %mul3A_772 = arith.constant 1 : i32
        %mul3A_773 = arith.muli %scan3A_771, %mul3A_772 : i32
        %add3A_774 = arith.constant 0 : i32
        %add3A_775 = arith.addi %add3A_774, %mul3A_773 : i32
        %get3A_776 = arith.index_cast %add3A_775 : i32 to index
        %get3A_777 = arith.constant 0 : index
        %get3A_778 = tpu.vector_load %arg13[%get3A_776, %get3A_777] {strides = array<i32>} : memref<50x128xf32, #tpu.memory_space<vmem>>, vector<1x16xf32>,
        %get3A_779 = vector.shape_cast %get3A_778 : vector<1x16xf32> to vector<16xf32>
        %swap3A_780 = arith.constant 0 : i32
        %swap3A_781 = arith.index_cast %swap3A_780 : i32 to index
        %swap3A_782 = arith.index_cast %add3A_775 : i32 to index
        %swap3A_783 = arith.constant 128 : index
        %swap3A_784 = tpu.vector_load %arg17[%swap3A_781, %swap3A_782, %swap3A_783] {strides = array<i32>} : memref<1x50x192xf32, #tpu.memory_space<vmem>>, vector<1x1x16xf32>,
        %swap3A_785 = vector.shape_cast %swap3A_784 : vector<1x1x16xf32> to vector<16xf32>
        %swap3A_786 = vector.shape_cast %get3A_779 : vector<16xf32> to vector<1x1x16xf32>
        tpu.vector_store %arg17[%swap3A_781, %swap3A_782, %swap3A_783], %swap3A_786 {strides = array<i32>} : memref<1x50x192xf32, #tpu.memory_space<vmem>>, vector<1x1x16xf32>,
        %get3A_787 = arith.index_cast %add3A_775 : i32 to index
        %get3A_788 = arith.constant 16 : index
        %get3A_789 = tpu.vector_load %arg13[%get3A_787, %get3A_788] {strides = array<i32>} : memref<50x128xf32, #tpu.memory_space<vmem>>, vector<1x16xf32>,
        %get3A_790 = vector.shape_cast %get3A_789 : vector<1x16xf32> to vector<16xf32>
        %swap3A_791 = arith.constant 0 : i32
        %swap3A_792 = arith.index_cast %swap3A_791 : i32 to index
        %swap3A_793 = arith.index_cast %add3A_775 : i32 to index
        %swap3A_794 = arith.constant 144 : index
        %swap3A_795 = tpu.vector_load %arg17[%swap3A_792, %swap3A_793, %swap3A_794] {strides = array<i32>} : memref<1x50x192xf32, #tpu.memory_space<vmem>>, vector<1x1x16xf32>,
        %swap3A_796 = vector.shape_cast %swap3A_795 : vector<1x1x16xf32> to vector<16xf32>
        %swap3A_797 = vector.shape_cast %get3A_790 : vector<16xf32> to vector<1x1x16xf32>
        tpu.vector_store %arg17[%swap3A_792, %swap3A_793, %swap3A_794], %swap3A_797 {strides = array<i32>} : memref<1x50x192xf32, #tpu.memory_space<vmem>>, vector<1x1x16xf32>,
        %get3A_798 = arith.index_cast %add3A_775 : i32 to index
        %get3A_799 = arith.constant 32 : index
        %get3A_800 = tpu.vector_load %arg13[%get3A_798, %get3A_799] {strides = array<i32>} : memref<50x128xf32, #tpu.memory_space<vmem>>, vector<1x16xf32>,
        %get3A_801 = vector.shape_cast %get3A_800 : vector<1x16xf32> to vector<16xf32>
        %swap3A_802 = arith.constant 0 : i32
        %swap3A_803 = arith.index_cast %swap3A_802 : i32 to index
        %swap3A_804 = arith.index_cast %add3A_775 : i32 to index
        %swap3A_805 = arith.constant 160 : index
        %swap3A_806 = tpu.vector_load %arg17[%swap3A_803, %swap3A_804, %swap3A_805] {strides = array<i32>} : memref<1x50x192xf32, #tpu.memory_space<vmem>>, vector<1x1x16xf32>,
        %swap3A_807 = vector.shape_cast %swap3A_806 : vector<1x1x16xf32> to vector<16xf32>
        %swap3A_808 = vector.shape_cast %get3A_801 : vector<16xf32> to vector<1x1x16xf32>
        tpu.vector_store %arg17[%swap3A_803, %swap3A_804, %swap3A_805], %swap3A_808 {strides = array<i32>} : memref<1x50x192xf32, #tpu.memory_space<vmem>>, vector<1x1x16xf32>,
        %get3A_809 = arith.index_cast %add3A_775 : i32 to index
        %get3A_810 = arith.constant 48 : index
        %get3A_811 = tpu.vector_load %arg13[%get3A_809, %get3A_810] {strides = array<i32>} : memref<50x128xf32, #tpu.memory_space<vmem>>, vector<1x16xf32>,
        %get3A_812 = vector.shape_cast %get3A_811 : vector<1x16xf32> to vector<16xf32>
        %swap3A_813 = arith.constant 0 : i32
        %swap3A_814 = arith.index_cast %swap3A_813 : i32 to index
        %swap3A_815 = arith.index_cast %add3A_775 : i32 to index
        %swap3A_816 = arith.constant 176 : index
        %swap3A_817 = tpu.vector_load %arg17[%swap3A_814, %swap3A_815, %swap3A_816] {strides = array<i32>} : memref<1x50x192xf32, #tpu.memory_space<vmem>>, vector<1x1x16xf32>,
        %swap3A_818 = vector.shape_cast %swap3A_817 : vector<1x1x16xf32> to vector<16xf32>
        %swap3A_819 = vector.shape_cast %get3A_812 : vector<16xf32> to vector<1x1x16xf32>
        tpu.vector_store %arg17[%swap3A_814, %swap3A_815, %swap3A_816], %swap3A_819 {strides = array<i32>} : memref<1x50x192xf32, #tpu.memory_space<vmem>>, vector<1x1x16xf32>,
      }
      %scan3A_297 = arith.constant 50 : i32
      %dma_wait3A_298 = arith.constant 0 : i32
      %dma_wait3A_299 = arith.constant 0 : i32
      %dma_wait3A_300 = arith.constant 0 : i32
      %dma_wait3A_301 = arith.constant 0 : i32
      %dma_wait3A_302 = tpu.memref_slice %arg17[%dma_wait3A_299, %dma_wait3A_300, %dma_wait3A_301] : memref<1x50x192xf32, #tpu.memory_space<vmem>> -> memref<1x50x128xf32, #tpu.memory_space<vmem>>
      %dma_wait3A_303 = tpu.memref_squeeze %dma_wait3A_302 : memref<1x50x128xf32, #tpu.memory_space<vmem>> -> memref<50x128xf32, #tpu.memory_space<vmem>>
      %dma_wait3A_304 = arith.constant 0 : i32
      %dma_wait3A_305 = tpu.memref_slice %arg9[%dma_wait3A_298, %dma_wait3A_304] : memref<2x50xi32, #tpu.memory_space<vmem>> -> memref<1x50xi32, #tpu.memory_space<vmem>>
      %dma_wait3A_306 = tpu.memref_squeeze %dma_wait3A_305 : memref<1x50xi32, #tpu.memory_space<vmem>> -> memref<50xi32, #tpu.memory_space<vmem>>
      %dma_wait3A_307 = arith.constant 0 : i32
      %dma_wait3A_308 = arith.constant 0 : i32
      %dma_wait3A_309 = tpu.memref_slice %arg3[%dma_wait3A_307, %dma_wait3A_308] : memref<100000x128xf32, #tpu.memory_space<hbm>> -> memref<100000x128xf32, #tpu.memory_space<hbm>>
      tpu.wait_indirect_dma semaphore(%arg25 : memref<!tpu.dma_semaphore, #tpu.memory_space<semaphore_mem>>) src(%dma_wait3A_309 : memref<100000x128xf32, #tpu.memory_space<hbm>>) dst(%dma_wait3A_303 : memref<50x128xf32, #tpu.memory_space<vmem>>)
      %mul3A_310 = arith.constant 128 : i32
      %mul3A_311 = arith.muli %add3A, %mul3A_310 : i32
      %add3A_312 = arith.addi %mul3A_311, %add3A_266 : i32
      %dma_start3A_313 = arith.constant 0 : i32
      %dma_start3A_314 = arith.constant 0 : i32
      %dma_start3A_315 = arith.constant 0 : i32
      %dma_start3A_316 = tpu.memref_slice %arg5[%add3A_312, %dma_start3A_313, %dma_start3A_314, %dma_start3A_315] : memref<4096x1x50x192xf32, #tpu.memory_space<hbm>> -> memref<1x1x50x192xf32, #tpu.memory_space<hbm>>
      %dma_start3A_317 = tpu.memref_squeeze %dma_start3A_316 : memref<1x1x50x192xf32, #tpu.memory_space<hbm>> -> memref<1x50x192xf32, #tpu.memory_space<hbm>>
      %dma_start3A_318 = arith.constant 0 : i32
      %dma_start3A_319 = arith.constant 0 : i32
      %dma_start3A_320 = arith.constant 0 : i32
      %dma_start3A_321 = tpu.memref_slice %arg5[%add3A_312, %dma_start3A_318, %dma_start3A_319, %dma_start3A_320] : memref<4096x1x50x192xf32, #tpu.memory_space<hbm>> -> memref<1x1x50x192xf32, #tpu.memory_space<hbm>>
      %dma_start3A_322 = tpu.memref_squeeze %dma_start3A_321 : memref<1x1x50x192xf32, #tpu.memory_space<hbm>> -> memref<1x50x192xf32, #tpu.memory_space<hbm>>
      tpu.enqueue_dma source(%arg17 : memref<1x50x192xf32, #tpu.memory_space<vmem>>) target(%dma_start3A_322 : memref<1x50x192xf32, #tpu.memory_space<hbm>>) target_semaphore(%arg33 : memref<!tpu.dma_semaphore, #tpu.memory_space<semaphore_mem>>)
    }
    %scan3A_54 = arith.constant 32 : i32
    %dma_wait3A_55 = arith.constant 0 : i32
    %dma_wait3A_56 = arith.constant 0 : i32
    %dma_wait3A_57 = arith.constant 0 : i32
    %dma_wait3A_58 = arith.constant 0 : i32
    %dma_wait3A_59 = tpu.memref_slice %arg5[%dma_wait3A_55, %dma_wait3A_56, %dma_wait3A_57, %dma_wait3A_58] : memref<4096x1x50x192xf32, #tpu.memory_space<hbm>> -> memref<1x1x50x192xf32, #tpu.memory_space<hbm>>
    %dma_wait3A_60 = tpu.memref_squeeze %dma_wait3A_59 : memref<1x1x50x192xf32, #tpu.memory_space<hbm>> -> memref<1x50x192xf32, #tpu.memory_space<hbm>>
    %dma_wait3A_61 = arith.constant 0 : i32
    %dma_wait3A_62 = arith.constant 0 : i32
    %dma_wait3A_63 = arith.constant 0 : i32
    %dma_wait3A_64 = tpu.memref_slice %arg5[%dma_wait3A_55, %dma_wait3A_61, %dma_wait3A_62, %dma_wait3A_63] : memref<4096x1x50x192xf32, #tpu.memory_space<hbm>> -> memref<1x1x50x192xf32, #tpu.memory_space<hbm>>
    %dma_wait3A_65 = tpu.memref_squeeze %dma_wait3A_64 : memref<1x1x50x192xf32, #tpu.memory_space<hbm>> -> memref<1x50x192xf32, #tpu.memory_space<hbm>>
    tpu.wait_dma2 semaphore(%arg31 : memref<!tpu.dma_semaphore, #tpu.memory_space<semaphore_mem>>) src(%arg15 : memref<1x50x192xf32, #tpu.memory_space<vmem>>) dst(%dma_wait3A_65 : memref<1x50x192xf32, #tpu.memory_space<hbm>>)
    %dma_wait3A_66 = arith.constant 0 : i32
    %dma_wait3A_67 = arith.constant 0 : i32
    %dma_wait3A_68 = arith.constant 0 : i32
    %dma_wait3A_69 = arith.constant 0 : i32
    %dma_wait3A_70 = tpu.memref_slice %arg5[%dma_wait3A_66, %dma_wait3A_67, %dma_wait3A_68, %dma_wait3A_69] : memref<4096x1x50x192xf32, #tpu.memory_space<hbm>> -> memref<1x1x50x192xf32, #tpu.memory_space<hbm>>
    %dma_wait3A_71 = tpu.memref_squeeze %dma_wait3A_70 : memref<1x1x50x192xf32, #tpu.memory_space<hbm>> -> memref<1x50x192xf32, #tpu.memory_space<hbm>>
    %dma_wait3A_72 = arith.constant 0 : i32
    %dma_wait3A_73 = arith.constant 0 : i32
    %dma_wait3A_74 = arith.constant 0 : i32
    %dma_wait3A_75 = tpu.memref_slice %arg5[%dma_wait3A_66, %dma_wait3A_72, %dma_wait3A_73, %dma_wait3A_74] : memref<4096x1x50x192xf32, #tpu.memory_space<hbm>> -> memref<1x1x50x192xf32, #tpu.memory_space<hbm>>
    %dma_wait3A_76 = tpu.memref_squeeze %dma_wait3A_75 : memref<1x1x50x192xf32, #tpu.memory_space<hbm>> -> memref<1x50x192xf32, #tpu.memory_space<hbm>>
    tpu.wait_dma2 semaphore(%arg32 : memref<!tpu.dma_semaphore, #tpu.memory_space<semaphore_mem>>) src(%arg16 : memref<1x50x192xf32, #tpu.memory_space<vmem>>) dst(%dma_wait3A_76 : memref<1x50x192xf32, #tpu.memory_space<hbm>>)
    %dma_wait3A_77 = arith.constant 0 : i32
    %dma_wait3A_78 = arith.constant 0 : i32
    %dma_wait3A_79 = arith.constant 0 : i32
    %dma_wait3A_80 = arith.constant 0 : i32
    %dma_wait3A_81 = tpu.memref_slice %arg5[%dma_wait3A_77, %dma_wait3A_78, %dma_wait3A_79, %dma_wait3A_80] : memref<4096x1x50x192xf32, #tpu.memory_space<hbm>> -> memref<1x1x50x192xf32, #tpu.memory_space<hbm>>
    %dma_wait3A_82 = tpu.memref_squeeze %dma_wait3A_81 : memref<1x1x50x192xf32, #tpu.memory_space<hbm>> -> memref<1x50x192xf32, #tpu.memory_space<hbm>>
    %dma_wait3A_83 = arith.constant 0 : i32
    %dma_wait3A_84 = arith.constant 0 : i32
    %dma_wait3A_85 = arith.constant 0 : i32
    %dma_wait3A_86 = tpu.memref_slice %arg5[%dma_wait3A_77, %dma_wait3A_83, %dma_wait3A_84, %dma_wait3A_85] : memref<4096x1x50x192xf32, #tpu.memory_space<hbm>> -> memref<1x1x50x192xf32, #tpu.memory_space<hbm>>
    %dma_wait3A_87 = tpu.memref_squeeze %dma_wait3A_86 : memref<1x1x50x192xf32, #tpu.memory_space<hbm>> -> memref<1x50x192xf32, #tpu.memory_space<hbm>>
    tpu.wait_dma2 semaphore(%arg33 : memref<!tpu.dma_semaphore, #tpu.memory_space<semaphore_mem>>) src(%arg17 : memref<1x50x192xf32, #tpu.memory_space<vmem>>) dst(%dma_wait3A_87 : memref<1x50x192xf32, #tpu.memory_space<hbm>>)
    return
  }
}

</mosaic_0001>

<sc_bundles>
// kernel: kernel.3.cloned.1.call-start
scs
__scs_entry_jumppad:
0x0: {  	(pc) =	sbr.rel $0x88, $3  }
0x1: {  	(tag) =	ssettag $0x0;
	lr =	simm.s32 $0x1  }
0x2: {  	[smem:$0x3F9D] =	sst lr;
	_ =	strace $0xD0000000  }
0x3: {  	_ = 	snop  }
0x4: {  	_ = 	snop  }
0x5: {  	_ = 	snop  }
0x6: {  	_ = 	snop  }
0x7: {  	_ = 	snop  }
__scs_overlays_trampoline_lowered:
0x8: {  	[smem:$0x3FAC] =	sst s0  }
0x9: {  	[smem:$0x3FAD] =	sst s1  }
0xa: {  	[smem:$0x3FAE] =	sst s2  }
0xb: {  	[smem:$0x3FAF] =	sst s3  }
0xc: {  	[smem:$0x3FB0] =	sst s4  }
0xd: {  	[smem:$0x3FB1] =	sst s5  }
0xe: {  	[smem:$0x3FB2] =	sst s6  }
0xf: {  	[smem:$0x3FB3] =	sst s7  }
0x10: {  	[smem:$0x3FB4] =	sst s8  }
0x11: {  	[smem:$0x3FB5] =	sst s9;
	s0 =	simm.s32 @!p0 $0x0  }
0x12: {  	s1 =	sld [smem:$0x3F9B];
	s0 =	simm.s32 @p0 $0x1  }
0x13: {  	[smem:$0x3FB6] =	sst s0;
	s0 =	simm.s32 @!p1 $0x0  }
0x14: {  	s2 =	sld [smem:$0x3F9A];
	s0 =	simm.s32 @p1 $0x1  }
0x15: {  	[smem:$0x3FB7] =	sst s0;
	s0 =	simm.s32 @!p2 $0x0  }
0x16: {  	s3 =	sld [smem:$0x3FDB];
	s0 =	simm.s32 @p2 $0x1  }
0x17: {  	s4 =	simm.s32 $0x1BF5;
	[smem:$0x3FB9] =	sst s0  }
0x18: {  	s0 =	sld [smem:$0x3F9C];
	_ =	swait.ge [sflag:s4], $0x0  }
0x19: {  	s7 =	sld [smem:$0x3F9D]  }
0x1a: {  	s8 =	sadd.s32 $0xFFFFE003, lr  }
0x1b: {  	s9 =	sadd.s32 $0xFFFFFEF7, lr;
	s5 =	simm.s32 $0xFFFFFFFF;
	p2 =	slt.u32 s8, $0xFFFFF086  }
0x1c: {  	p1 =	slt.u32 s9, $0xF7A;
	s5 =	simm.s32 @!p2 $0x0  }
0x1d: {  	s5 =	simm.s32 @p1 $0x1;
	p0 =	seq.s32 s7, s2  }
0x1e: {  	s7 =	smul.u32 @!p0 $0xF7A, s2;
	p2 =	seq.s32 @!p0 s5, $0x0  }
0x1f: {  	s9 =	smul.u32 $0xF7A, s1;
	s8 =	simm.s32 @!p0 $0x1BF5;
	p2 =	por !p2, p0  }
0x20: {  	[sflag:s8] =	ssyncset.s32 @!p0 $0xFFFFF086;
	s6 =	sadd.s32 @!p0 s3, s7;
	s7 =	simm.s32 @!p0 $0x108  }
0x21: {  	s3 =	sadd.s32 s3, s9;
	s6 =	sadd.s32 @!p0 $0x88, s6;
	s7 =	simm.s32 @p2 $0x1082  }
0x22: {  	[simem:s7], [sflag:s8] =	dma.local @!p0 [hbm:s6], $0xF7A  }
0x23: {  	s9 =	sor.u32 $0xD0000000, s2;
	s6 =	simm.s32 $0x108;
	_ =	swait.ge @!p0 [sflag:s8], $0x0  }
0x24: {  	s3 =	sadd.s32 $0x88, s3;
	s6 =	simm.s32 @!p1 $0x1082;
	[sflag:s4] =	ssyncset.s32 $0xFFFFF086  }
0x25: {  	[simem:s6], [sflag:s4] =	dma.local [hbm:s3], $0xF7A  }
0x26: {  	[smem:$0x3F9D] =	sst s1;
	(tag) =	ssettag s2;
	_ =	strace s9  }
0x27: {  	s1 =	sld [smem:$0x3FAD]  }
0x28: {  	s2 =	sld [smem:$0x3FAE]  }
0x29: {  	s4 =	sld [smem:$0x3FB0]  }
0x2a: {  	p0 =	seq.s32 s5, $0x0;
	s5 =	sld [smem:$0x3FB1]  }
0x2b: {  	s6 =	sld [smem:$0x3FB2]  }
0x2c: {  	s7 =	sld [smem:$0x3FB3]  }
0x2d: {  	s3 =	simm.s32 $0x108;
	s8 =	sld [smem:$0x3FB4]  }
0x2e: {  	s3 =	simm.s32 @!p0 $0x1082;
	s9 =	sld [smem:$0x3FB5]  }
0x2f: {  	lr =	sadd.s32 s0, s3;
	s0 =	sld [smem:$0x3FAC]  }
0x30: {  	s3 =	sld [smem:$0x3FAF]  }
0x31: {  	[smem:$0x3FB8] =	sst s10  }
0x32: {  	s10 =	sld [smem:$0x3FB6];
	_ =	sdelay $0x3  }
0x33: {  	p0 =	seq.s32 s10, $0x1;
	s10 =	sld [smem:$0x3FB8];
	_ =	sdelay $0x3  }
0x34: {  	[smem:$0x3FB8] =	sst s10  }
0x35: {  	s10 =	sld [smem:$0x3FB7];
	_ =	sdelay $0x3  }
0x36: {  	p1 =	seq.s32 s10, $0x1;
	s10 =	sld [smem:$0x3FB8];
	_ =	sdelay $0x3  }
0x37: {  	[smem:$0x3FB8] =	sst s10  }
0x38: {  	s10 =	sld [smem:$0x3FB9]  }
0x39: {  	_ = 	snop;
	(pc) =	sbr.ind lr, $3  }
0x3a: {  	_ = 	snop  }
0x3b: {  	_ = 	snop  }
0x3c: {  	p2 =	seq.s32 s10, $0x1;
	s10 =	sld [smem:$0x3FB8]  }
0x3d: {  	_ =	shalt  }
0x3e: {  	_ =	shalt  }
0x3f: {  	_ =	shalt  }
0x40: {  	_ =	shalt  }
0x41: {  	_ =	shalt  }
0x42: {  	_ =	shalt  }
0x43: {  	_ =	shalt  }
0x44: {  	_ =	shalt  }
0x45: {  	_ =	shalt  }
0x46: {  	_ =	shalt  }
0x47: {  	_ =	shalt  }
0x48: {  	_ =	shalt  }
0x49: {  	_ =	shalt  }
0x4a: {  	_ =	shalt  }
0x4b: {  	_ =	shalt  }
0x4c: {  	_ =	shalt  }
0x4d: {  	_ =	shalt  }
0x4e: {  	_ =	shalt  }
0x4f: {  	_ =	shalt  }
0x50: {  	_ =	shalt  }
0x51: {  	_ =	shalt  }
0x52: {  	_ =	shalt  }
0x53: {  	_ =	shalt  }
0x54: {  	_ =	shalt  }
0x55: {  	_ =	shalt  }
0x56: {  	_ =	shalt  }
0x57: {  	_ =	shalt  }
0x58: {  	_ =	shalt  }
0x59: {  	_ =	shalt  }
0x5a: {  	_ =	shalt  }
0x5b: {  	_ =	shalt  }
0x5c: {  	_ =	shalt  }
0x5d: {  	_ =	shalt  }
0x5e: {  	_ =	shalt  }
0x5f: {  	_ =	shalt  }
0x60: {  	_ =	shalt  }
0x61: {  	_ =	shalt  }
0x62: {  	_ =	shalt  }
0x63: {  	_ =	shalt  }
0x64: {  	_ =	shalt  }
0x65: {  	_ =	shalt  }
0x66: {  	_ =	shalt  }
0x67: {  	_ =	shalt  }
0x68: {  	_ =	shalt  }
0x69: {  	_ =	shalt  }
0x6a: {  	_ =	shalt  }
0x6b: {  	_ =	shalt  }
0x6c: {  	_ =	shalt  }
0x6d: {  	_ =	shalt  }
0x6e: {  	_ =	shalt  }
0x6f: {  	_ =	shalt  }
0x70: {  	_ =	shalt  }
0x71: {  	_ =	shalt  }
0x72: {  	_ =	shalt  }
0x73: {  	_ =	shalt  }
0x74: {  	_ =	shalt  }
0x75: {  	_ =	shalt  }
0x76: {  	_ =	shalt  }
0x77: {  	_ =	shalt  }
0x78: {  	_ =	shalt  }
0x79: {  	_ =	shalt  }
0x7a: {  	_ =	shalt  }
0x7b: {  	_ =	shalt  }
0x7c: {  	_ =	shalt  }
0x7d: {  	_ =	shalt  }
0x7e: {  	_ =	shalt  }
0x7f: {  	_ =	shalt  }
0x80: {  	_ =	shalt  }
0x81: {  	_ =	shalt  }
0x82: {  	_ =	shalt  }
0x83: {  	_ =	shalt  }
0x84: {  	_ =	shalt  }
0x85: {  	_ =	shalt  }
0x86: {  	_ =	shalt  }
0x87: {  	_ =	shalt  }
.Lfunc_end0:
.L_simem_size_0:
called_computation.1_lowered:
.L_overlay_start_0:
0x88: {  	s2 =	sld [smem:$0x3FD9]  }
0x89: {  	s3 =	sld [smem:$0x3FFE];
	_ =	sdelay $0x1  }
0x8a: {  	s1 =	srdreg.scid  }
0x8b: {  	s0 =	sand.u32 $0x1, s1  }
0x8c: {  	s17 =	sshll.u32 s0, $0xA;
	s2 =	sadd.s32 s3, s2  }
0x8d: {  	s2 =	sadd.s32 s2, s17  }
0x8e: {  	[smem:$0x3FC4] =	sst s2  }
0x8f: {  	_ = 	snop  }
0x90: {  	s2 =	sld [smem:$0x3FC7]  }
0x91: {  	s18 =	sld [smem:$0x3FD0];
	(tm) =	ssettm $0x1  }
0x92: {  	s4 =	sld [smem:$0x3FFB];
	_ =	sdelay $0x3  }
0x93: {  	_ =	strace s4  }
0x94: {  	s4 =	sld [smem:$0x3FFC];
	_ =	sdelay $0x3  }
0x95: {  	_ =	strace s4  }
0x96: {  	s4 =	sld [smem:$0x3FFD];
	_ =	sdelay $0x3  }
0x97: {  	_ =	strace s4  }
0x98: {  	_ =	strace $0x8FFFFFFF  }
0x99: {  	s19 =	sld [smem:$0x3FDB];
	_ =	sdelay $0x1  }
0x9a: {  	s5 =	simm.s32 $_scs_section_size  }
0x9b: {  	s6 =	simm.s32 $_size__tile_overlayer_lowered;
	s7 =	simm.s32 $_tile_overlayer_lowered  }
0x9c: {  	s22 =	simm.s32 $0x1BFF;
	s21 =	sshll.u32 s7, $0x1;
	s4 =	sadd.s32 s5, s19  }
0x9d: {  	s8 =	simm.s32 $0x0;
	s20 =	sshll.u32 s6, $0x1;
	s6 =	sadd.s32 s21, s4  }
0x9e: {  	[timem:s8], [sflag:s22] =	dma.local [hbm:s6], s20  }
0x9f: {  	_ =	swait.ge [sflag:s22], s20  }
0xa0: {  	s5 =	ssub.s32 $0x0, s20;
	[sflag:s22] =	ssyncset.done $0x0  }
0xa1: {  	[sflag:s22] =	ssyncadd.s32 s5;
	_ =	sdelay $0x1  }
0xa2: {  	s23 =	simm.s32 $0x1B8B  }
0xa3: {  	_ =	swait.ge [sflag:s23], $0x1  }
0xa4: {  	[sflag:s23] =	ssyncset.done $0x0  }
0xa5: {  	s25 =	simm.s32 $0x1B8E;
	s24 =	sld [smem:$0x3FFE];
	[sflag:s23] =	ssyncadd.s32 $0xFFFFFFFF  }
0xa6: {  	s26 =	simm.s32 $execute0_lowered;
	[smem:$0x3FD2] =	sst s25  }
0xa7: {  	s6 =	sshll.u32 s26, $0x1;
	_ =	strace $0x80000046;
	[dreg:$0x1] =	wrdreg $0xFFFFFFFF  }
0xa8: {  	s28 =	simm.s32 $_size_execute0_lowered;
	s4 =	sadd.s32 s4, s6;
	[dreg:$0x0] =	wrdreg $0x0  }
0xa9: {  	s6 =	sshll.u32 s28, $0x1;
	[dreg:$0x2] =	wrdreg s4  }
0xaa: {  	[dreg:$0x3] =	wrdreg s6  }
0xab: {  	[dreg:$0x4] =	wrdreg $0xC0  }
0xac: {  	_ =	task [dreg:s8], $0x5FFFF  }
0xad: {  	[dreg:$0x1] =	wrdreg $0xFFFFFFFF  }
0xae: {  	[dreg:$0x0] =	wrdreg $0x60  }
0xaf: {  	[dreg:$0x2] =	wrdreg s18  }
0xb0: {  	[dreg:$0x3] =	wrdreg s2  }
0xb1: {  	[dreg:$0x4] =	wrdreg s24  }
0xb2: {  	[dreg:$0x5] =	wrdreg $0x9  }
0xb3: {  	_ =	task.clear_ibuf [dreg:s8], $0x6FFFF;
	_ =	strace $0x90000046  }
0xb4: {  	s29 =	simm.s32 $0x9;
	_ =	strace $0x80000048  }
0xb5: {  	_ =	swait.ge [sflag:s29], $0x1  }
0xb6: {  	[sflag:s29] =	ssyncadd.s32 $0xFFFFFFFF  }
0xb7: {  	_ =	strace $0x90000048  }
0xb8: {  	_ =	sfence  }
0xb9: {  	s30 =	sld [smem:$0x0];
	_ =	sdelay $0x2  }
0xba: {  	s31 =	sshll.u32 s1, $0xD;
	s1 =	sshrl.u32 s1, $0x2  }
0xbb: {  	s3 =	sand.u32 $0x4000, s31;
	s1 =	sadd.s32 s1, s30  }
0xbc: {  	s0 =	sor.u32 s3, s0;
	s1 =	sshll.u32 s1, $0x11  }
0xbd: {  	s0 =	sor.u32 s1, s0  }
0xbe: {  	s0 =	sadd.s32 $0x8F2B, s0  }
0xbf: {  	[sflag:s0] =	ssyncadd.remote.s32 $0x1  }
0xc0: {  	_ =	sfence.sel $0xFFFF  }
0xc1: {  	[dreg:$0x0] =	wrdreg $0xFFFFFFFF;
	(pc) =	sbr.abs _section_cstart, $3  }
0xc2: {  	[dreg:$0x1] =	wrdreg $0xFFFFFFFF  }
0xc3: {  	_ =	task.clear_ibuf [dreg:s8], $0x2FFFF;
	_ =	strace $0x9FFFFFFF  }
0xc4: {  	(tm) =	ssettm $0x7FFFFFFF  }
0xc5: {  	_ =	shalt  }
tec
execute0_lowered:
.L_overlay_start_1:
0x0: {  	(tag) =	ssettag $0x1  }
0x1: {  	s1 =	rddreg [dreg:$0x0]  }
0x2: {  	s3 =	rddreg [dreg:$0x1]  }
0x3: {  	s0 =	rddreg [dreg:$0x2];
	s2 =	srdreg.scid  }
0x4: {  	s5 =	stileid.u32;
	s4 =	simm.s32 $0x0;
	s22 =	simm.s32 $0x32  }
0x5: {  	s28 =	simm.s32 $0xAC00;
	s18 =	simm.s32 $0x9;
	s19 =	simm.s32 $0x5  }
0x6: {  	s21 =	simm.s32 $0x3;
	s30 =	simm.s32 $0xA;
	s31 =	simm.s32 $0x6  }
0x7: {  	s14 =	simm.s32 $0xB;
	s10 =	simm.s32 $0x7;
	s29 =	simm.s32 $0xC  }
0x8: {  	s13 =	simm.s32 $0x8;
	s2 =	sand.u32 $0x1, s2;
	s5 =	sshll.u32 s5, $0x8  }
0x9: {  	[smem:$0x7FF] =	sst s4;
	s8 =	sadd.s32 $0x4800, s0;
	s6 =	sshll.u32 s2, $0x7  }
0xa: {  	_ =	strace $0x80000047;
	s2 =	ssub.s32 $0x2, s2;
	s5 =	sor.u32 s6, s5  }
0xb: {  	s6 =	sadd.s32 $0x800, s0;
	s9 =	sshrl.u32 s2, $0x1;
	s25 =	sor.u32 $0x4, s5  }
0xc: {  	s7 =	sshll.u32 s5, $0x5;
	s26 =	sor.u32 $0x5, s5;
	[dreg:$0x6] =	wrdreg s25  }
0xd: {  	s23 =	ssub.s32 s2, s9;
	s7 =	sadd.s32 s1, s7;
	[dreg:$0x7] =	wrdreg s26  }
0xe: {  	v2 =	vlaneseq.u32;
	s9 =	simm.s32 $0x0;
	s0 =	smax.u32 s23, $0x1;
	[dreg:$0x4] =	wrdreg s7  }
0xf: {  	vm0 =	vmmov $0xff;
	vm1 =	vmmov $0x3;
	v1 =	vshrl.u32 v2, $0x3;
	s26 =	simm.s32 $0x2;
	s24 =	sadd.s32 $0x20, s7;
	[dreg:$0x8] =	wrdreg s0  }
0x10: {  	v0 =	vand.u32 $0x7, v2;
	v2 =	vor.u32 $0x8, v2;
	v1 =	vmul.u32 $0x8, v1;
	s25 =	simm.s32 $0xD;
	s0 =	simm.s32 $0x4;
	[dreg:$0x5] =	wrdreg s24  }
.LBB2_1:
0x11: {  	s2 =	rddreg [dreg:$0x4]  }
0x12: {  	[tilespmem:s4], [sflag:$0x1] =	stream.linear.gather [hbm4b:s2+s4], $0x100, $0x38;
	[tilespmem:$0x15400] =	vst v63  }
0x13: {  	s24 =	rddreg [dreg:$0x5];
	s7 =	simm.s32 $0x100  }
0x14: {  	[tilespmem:s7], [sflag:$0x2] =	stream.linear.gather [hbm4b:s24+s4], $0x100, $0x38;
	[tilespmem:$0x15400] =	vst v63  }
0x15: {  	[dreg:$0x9] =	wrdreg s9;
	s7 =	simm.s32 $0x1  }
0x16: {  	_ =	swait.ge [sflag:s7], $0x100  }
0x17: {  	[sflag:s7] =	ssyncset.done $0x0  }
0x18: {  	[sflag:s7] =	ssyncadd.s32 $0xFFFFFF00  }
0x19: {  	v3 =	vld [tilespmem:$0x0];
	_ =	sdelay $0x4  }
0x1a: {  	v4 =	vperm.xlane v3, v0;
	_ =	sdelay $0x1  }
0x1b: {  	v3 =	vperm.xlane v3, v2;
	v4 =	vadd.s32 v1, v4;
	_ =	sdelay $0x1  }
0x1c: {  	v3 =	vadd.s32 v1, v3;
	_ =	sdelay $0x1  }
0x1d: {  	s9 =	simm.s32 $0x7400  }
0x1e: {  	[tilespmem:s9], [sflag:$0x5] =	stream.indirect_vreg.gather [hbm4b:s3+s4], $0x80, v4, vm0, $0xb8;
	[tilespmem:$0x15400] =	vst v63  }
0x1f: {  	s11 =	simm.s32 $0x7C00  }
0x20: {  	[tilespmem:s11], [sflag:$0x5] =	stream.indirect_vreg.gather [hbm4b:s3+s4], $0x80, v3, vm0, $0xb8;
	[tilespmem:$0x15400] =	vst v63  }
0x21: {  	v3 =	vld [tilespmem:$0x10];
	_ =	sdelay $0x4  }
0x22: {  	v62 =	vperm.xlane v3, v0;
	_ =	sdelay $0x1  }
0x23: {  	v3 =	vperm.xlane v3, v2;
	v4 =	vadd.s32 v1, v62;
	_ =	sdelay $0x1  }
0x24: {  	v3 =	vadd.s32 v1, v3;
	_ =	sdelay $0x1  }
0x25: {  	s12 =	simm.s32 $0x8400  }
0x26: {  	[tilespmem:s12], [sflag:$0x5] =	stream.indirect_vreg.gather [hbm4b:s3+s4], $0x80, v4, vm0, $0xb8;
	[tilespmem:$0x15400] =	vst v63  }
0x27: {  	s15 =	simm.s32 $0x8C00  }
0x28: {  	[tilespmem:s15], [sflag:$0x5] =	stream.indirect_vreg.gather [hbm4b:s3+s4], $0x80, v3, vm0, $0xb8;
	[tilespmem:$0x15400] =	vst v63  }
0x29: {  	v3 =	vld [tilespmem:$0x20];
	_ =	sdelay $0x4  }
0x2a: {  	v63 =	vperm.xlane v3, v0;
	_ =	sdelay $0x1  }
0x2b: {  	v3 =	vperm.xlane v3, v2;
	v4 =	vadd.s32 v1, v63;
	_ =	sdelay $0x1  }
0x2c: {  	v3 =	vadd.s32 v1, v3;
	_ =	sdelay $0x1  }
0x2d: {  	s16 =	simm.s32 $0x9400  }
0x2e: {  	[tilespmem:s16], [sflag:$0x5] =	stream.indirect_vreg.gather [hbm4b:s3+s4], $0x80, v4, vm0, $0xb8;
	[tilespmem:$0x15400] =	vst v63  }
0x2f: {  	s17 =	simm.s32 $0x9C00  }
0x30: {  	[tilespmem:s17], [sflag:$0x5] =	stream.indirect_vreg.gather [hbm4b:s3+s4], $0x80, v3, vm0, $0xb8;
	[tilespmem:$0x15400] =	vst v63  }
0x31: {  	v3 =	vld.msk [tilespmem:$0x30], $0x3;
	_ =	sdelay $0x4  }
0x32: {  	v3 =	vperm.xlane v3, v0;
	_ =	sdelay $0x1  }
0x33: {  	v3 =	vadd.s32 v1, v3;
	_ =	sdelay $0x3  }
0x34: {  	s20 =	simm.s32 $0xA400  }
0x35: {  	[tilespmem:s20], [sflag:$0x5] =	stream.indirect_vreg.gather [hbm4b:s3+s4], $0x80, v3, vm1, $0xb8;
	[tilespmem:$0x15400] =	vst v63  }
0x36: {  	s23 =	simm.s32 $0x80;
	s24 =	simm.s32 $0x400;
	s16 =	simm.s32 $0x0  }
0x37: {  	[tilespmem:s24], [sflag:$0x9] =	stream.indirect.gather [hbm4b:s6+s22], $0x80, s23, s22, $0xb8;
	[tilespmem:$0x15400] =	vst v63  }
.LBB2_2:
0x38: {  	s20 =	sshll.u32 s16, $0x2;
	p0 =	seq.s32 s16, $0x0  }
0x39: {  	s7 =	simm.s32 @!p0 $0xE;
	s17 =	sor.u32 s20, s5  }
0x3a: {  	_ =	swait.ge @!p0 [sflag:s7], $0x3800;
	s24 =	sor.u32 $0x2, s17  }
0x3b: {  	[sflag:s7] =	ssyncset.done @!p0 $0x0;
	s9 =	sshll.u32 s24, $0x5  }
0x3c: {  	s2 =	simm.s32 $0x200;
	[sflag:s7] =	ssyncadd.s32 @!p0 $0xFFFFC800;
	s23 =	sadd.s32 s1, s9  }
0x3d: {  	[tilespmem:s2], [sflag:$0x3] =	stream.linear.gather [hbm4b:s23+s4], $0x100, $0x38;
	[tilespmem:$0x15400] =	vst v63  }
0x3e: {  	_ =	swait.ge [sflag:s26], $0x100  }
0x3f: {  	[sflag:s26] =	ssyncset.done $0x0  }
0x40: {  	[sflag:s26] =	ssyncadd.s32 $0xFFFFFF00  }
0x41: {  	v3 =	vld [tilespmem:$0x100];
	_ =	sdelay $0x4  }
0x42: {  	v4 =	vperm.xlane v3, v0;
	_ =	sdelay $0x1  }
0x43: {  	v3 =	vperm.xlane v3, v2;
	v4 =	vadd.s32 v1, v4;
	_ =	sdelay $0x1  }
0x44: {  	v3 =	vadd.s32 v1, v3;
	_ =	sdelay $0x2  }
0x45: {  	[tilespmem:s28], [sflag:$0x6] =	stream.indirect_vreg.gather [hbm4b:s3+s4], $0x80, v4, vm0, $0xb8;
	[tilespmem:$0x15400] =	vst v63  }
0x46: {  	s9 =	simm.s32 $0xB400  }
0x47: {  	[tilespmem:s9], [sflag:$0x6] =	stream.indirect_vreg.gather [hbm4b:s3+s4], $0x80, v3, vm0, $0xb8;
	[tilespmem:$0x15400] =	vst v63  }
0x48: {  	v3 =	vld [tilespmem:$0x110];
	_ =	sdelay $0x4  }
0x49: {  	v4 =	vperm.xlane v3, v0;
	_ =	sdelay $0x1  }
0x4a: {  	v3 =	vperm.xlane v3, v2;
	v4 =	vadd.s32 v1, v4;
	_ =	sdelay $0x1  }
0x4b: {  	v3 =	vadd.s32 v1, v3;
	_ =	sdelay $0x1  }
0x4c: {  	s11 =	simm.s32 $0xBC00  }
0x4d: {  	[tilespmem:s11], [sflag:$0x6] =	stream.indirect_vreg.gather [hbm4b:s3+s4], $0x80, v4, vm0, $0xb8;
	[tilespmem:$0x15400] =	vst v63  }
0x4e: {  	s12 =	simm.s32 $0xC400  }
0x4f: {  	[tilespmem:s12], [sflag:$0x6] =	stream.indirect_vreg.gather [hbm4b:s3+s4], $0x80, v3, vm0, $0xb8;
	[tilespmem:$0x15400] =	vst v63  }
0x50: {  	v3 =	vld [tilespmem:$0x120];
	_ =	sdelay $0x4  }
0x51: {  	v4 =	vperm.xlane v3, v0;
	_ =	sdelay $0x1  }
0x52: {  	v3 =	vperm.xlane v3, v2;
	v4 =	vadd.s32 v1, v4;
	_ =	sdelay $0x1  }
0x53: {  	v3 =	vadd.s32 v1, v3;
	_ =	sdelay $0x1  }
0x54: {  	s15 =	simm.s32 $0xCC00  }
0x55: {  	[tilespmem:s15], [sflag:$0x6] =	stream.indirect_vreg.gather [hbm4b:s3+s4], $0x80, v4, vm0, $0xb8;
	[tilespmem:$0x15400] =	vst v63  }
0x56: {  	s23 =	simm.s32 $0xD400  }
0x57: {  	[tilespmem:s23], [sflag:$0x6] =	stream.indirect_vreg.gather [hbm4b:s3+s4], $0x80, v3, vm0, $0xb8;
	[tilespmem:$0x15400] =	vst v63  }
0x58: {  	v3 =	vld.msk [tilespmem:$0x130], $0x3;
	_ =	sdelay $0x4  }
0x59: {  	v3 =	vperm.xlane v3, v0;
	_ =	sdelay $0x1  }
0x5a: {  	v3 =	vadd.s32 v1, v3;
	_ =	sdelay $0x3  }
0x5b: {  	s7 =	simm.s32 $0xDC00  }
0x5c: {  	[tilespmem:s7], [sflag:$0x6] =	stream.indirect_vreg.gather [hbm4b:s3+s4], $0x80, v3, vm1, $0xb8;
	[tilespmem:$0x15400] =	vst v63  }
0x5d: {  	s9 =	simm.s32 $0x180;
	s11 =	simm.s32 $0x2000  }
0x5e: {  	[tilespmem:s11], [sflag:$0xA] =	stream.indirect.gather [hbm4b:s6+s22], $0x80, s9, s22, $0xb8;
	[tilespmem:$0x15400] =	vst v63  }
0x5f: {  	_ =	swait.ge [sflag:s18], $0x1900  }
0x60: {  	[sflag:s18] =	ssyncset.done $0x0  }
0x61: {  	s11 =	simm.s32 $0x680;
	[sflag:s18] =	ssyncadd.s32 $0xFFFFE700  }
0x62: {  	v3 =	vld [tilespmem:s11+$0xFFFFFD80]  }
0x63: {  	s12 =	simm.s32 $0x0  }
0x64: {  	s12 =	sand.u32 $0x3800, s12;
	s15 =	simm.s32 $0x0  }
0x65: {  	s23 =	sadd.s32 $0x7400, s12;
	s7 =	sand.u32 $0x300, s15  }
0x66: {  	s12 =	sor.u32 s7, s23  }
0x67: {  	[tilespmem:s12+$0x400] =	vst v3  }
0x68: {  	v3 =	vld [tilespmem:s11+$0xFFFFFD90];
	_ =	sdelay $0x4  }
0x69: {  	[tilespmem:s12+$0x410] =	vst v3  }
0x6a: {  	v3 =	vld [tilespmem:s11+$0xFFFFFDA0];
	_ =	sdelay $0x4  }
0x6b: {  	[tilespmem:s12+$0x420] =	vst v3  }
0x6c: {  	v3 =	vld [tilespmem:s11+$0xFFFFFDB0];
	_ =	sdelay $0x4  }
0x6d: {  	[tilespmem:s12+$0x430] =	vst v3  }
0x6e: {  	v3 =	vld [tilespmem:s11+$0xFFFFFE00];
	_ =	sdelay $0x1  }
0x6f: {  	s2 =	simm.s32 $0x80  }
0x70: {  	s12 =	sand.u32 $0x380, s2  }
0x71: {  	s9 =	sor.u32 s12, s23  }
0x72: {  	[tilespmem:s9+$0x400] =	vst v3  }
0x73: {  	v3 =	vld [tilespmem:s11+$0xFFFFFE10];
	_ =	sdelay $0x4  }
0x74: {  	[tilespmem:s9+$0x410] =	vst v3  }
0x75: {  	v3 =	vld [tilespmem:s11+$0xFFFFFE20];
	_ =	sdelay $0x4  }
0x76: {  	[tilespmem:s9+$0x420] =	vst v3  }
0x77: {  	v3 =	vld [tilespmem:s11+$0xFFFFFE30];
	_ =	sdelay $0x4  }
0x78: {  	[tilespmem:s9+$0x430] =	vst v3  }
0x79: {  	v3 =	vld [tilespmem:s11+$0xFFFFFE80];
	_ =	sdelay $0x1  }
0x7a: {  	s15 =	simm.s32 $0x100;
	s23 =	simm.s32 $0x200  }
0x7b: {  	s12 =	sand.u32 $0x7800, s23;
	s9 =	sand.u32 $0x300, s15  }
0x7c: {  	s9 =	sor.u32 s9, s12  }
0x7d: {  	[tilespmem:s9+$0x7800] =	vst v3  }
0x7e: {  	v3 =	vld [tilespmem:s11+$0xFFFFFE90];
	_ =	sdelay $0x4  }
0x7f: {  	[tilespmem:s9+$0x7810] =	vst v3  }
0x80: {  	v3 =	vld [tilespmem:s11+$0xFFFFFEA0];
	_ =	sdelay $0x4  }
0x81: {  	[tilespmem:s9+$0x7820] =	vst v3  }
0x82: {  	v3 =	vld [tilespmem:s11+$0xFFFFFEB0];
	_ =	sdelay $0x4  }
0x83: {  	[tilespmem:s9+$0x7830] =	vst v3  }
0x84: {  	v3 =	vld [tilespmem:s11+$0xFFFFFF00];
	_ =	sdelay $0x1  }
0x85: {  	s2 =	simm.s32 $0x180;
	s15 =	simm.s32 $0x300  }
0x86: {  	s12 =	sand.u32 $0x7800, s15;
	s9 =	sand.u32 $0x380, s2  }
0x87: {  	s9 =	sor.u32 s9, s12  }
0x88: {  	[tilespmem:s9+$0x7800] =	vst v3  }
0x89: {  	v3 =	vld [tilespmem:s11+$0xFFFFFF10];
	_ =	sdelay $0x4  }
0x8a: {  	[tilespmem:s9+$0x7810] =	vst v3  }
0x8b: {  	v3 =	vld [tilespmem:s11+$0xFFFFFF20];
	_ =	sdelay $0x4  }
0x8c: {  	[tilespmem:s9+$0x7820] =	vst v3  }
0x8d: {  	v3 =	vld [tilespmem:s11+$0xFFFFFF30];
	_ =	sdelay $0x4  }
0x8e: {  	[tilespmem:s9+$0x7830] =	vst v3  }
0x8f: {  	v3 =	vld [tilespmem:s11+$0xFFFFFF80];
	_ =	sdelay $0x1  }
0x90: {  	s23 =	simm.s32 $0x200;
	s2 =	simm.s32 $0x400  }
0x91: {  	s12 =	sand.u32 $0x7800, s2;
	s9 =	sand.u32 $0x300, s23  }
0x92: {  	s9 =	sor.u32 s9, s12  }
0x93: {  	[tilespmem:s9+$0x7800] =	vst v3  }
0x94: {  	v3 =	vld [tilespmem:s11+$0xFFFFFF90];
	_ =	sdelay $0x4  }
0x95: {  	[tilespmem:s9+$0x7810] =	vst v3  }
0x96: {  	v3 =	vld [tilespmem:s11+$0xFFFFFFA0];
	_ =	sdelay $0x4  }
0x97: {  	[tilespmem:s9+$0x7820] =	vst v3  }
0x98: {  	v3 =	vld [tilespmem:s11+$0xFFFFFFB0];
	_ =	sdelay $0x4  }
0x99: {  	[tilespmem:s9+$0x7830] =	vst v3  }
0x9a: {  	v3 =	vld [tilespmem:s11+$0x0];
	_ =	sdelay $0x1  }
0x9b: {  	s15 =	simm.s32 $0x280;
	s23 =	simm.s32 $0x500  }
0x9c: {  	s12 =	sand.u32 $0x7800, s23;
	s9 =	sand.u32 $0x380, s15  }
0x9d: {  	s9 =	sor.u32 s9, s12  }
0x9e: {  	[tilespmem:s9+$0x7800] =	vst v3  }
0x9f: {  	v3 =	vld [tilespmem:s11+$0x10];
	_ =	sdelay $0x4  }
0xa0: {  	[tilespmem:s9+$0x7810] =	vst v3  }
0xa1: {  	v3 =	vld [tilespmem:s11+$0x20];
	_ =	sdelay $0x4  }
0xa2: {  	[tilespmem:s9+$0x7820] =	vst v3  }
0xa3: {  	v3 =	vld [tilespmem:s11+$0x30];
	_ =	sdelay $0x4  }
0xa4: {  	[tilespmem:s9+$0x7830] =	vst v3  }
0xa5: {  	v3 =	vld [tilespmem:s11+$0x80];
	_ =	sdelay $0x1  }
0xa6: {  	s2 =	simm.s32 $0x300;
	s15 =	simm.s32 $0x600  }
0xa7: {  	s12 =	sand.u32 $0x7800, s15;
	s9 =	sand.u32 $0x300, s2  }
0xa8: {  	s9 =	sor.u32 s9, s12  }
0xa9: {  	[tilespmem:s9+$0x7800] =	vst v3  }
0xaa: {  	v3 =	vld [tilespmem:s11+$0x90];
	_ =	sdelay $0x4  }
0xab: {  	[tilespmem:s9+$0x7810] =	vst v3  }
0xac: {  	v3 =	vld [tilespmem:s11+$0xA0];
	_ =	sdelay $0x4  }
0xad: {  	[tilespmem:s9+$0x7820] =	vst v3  }
0xae: {  	v3 =	vld [tilespmem:s11+$0xB0];
	_ =	sdelay $0x4  }
0xaf: {  	[tilespmem:s9+$0x7830] =	vst v3  }
0xb0: {  	v3 =	vld [tilespmem:s11+$0x100];
	_ =	sdelay $0x1  }
0xb1: {  	s23 =	simm.s32 $0x380;
	s2 =	simm.s32 $0x700  }
0xb2: {  	s12 =	sand.u32 $0x7800, s2;
	s9 =	sand.u32 $0x380, s23  }
0xb3: {  	s9 =	sor.u32 s9, s12  }
0xb4: {  	[tilespmem:s9+$0x7800] =	vst v3  }
0xb5: {  	v3 =	vld [tilespmem:s11+$0x110];
	_ =	sdelay $0x4  }
0xb6: {  	[tilespmem:s9+$0x7810] =	vst v3  }
0xb7: {  	v3 =	vld [tilespmem:s11+$0x120];
	_ =	sdelay $0x4  }
0xb8: {  	[tilespmem:s9+$0x7820] =	vst v3  }
0xb9: {  	v3 =	vld [tilespmem:s11+$0x130];
	_ =	sdelay $0x4  }
0xba: {  	[tilespmem:s9+$0x7830] =	vst v3  }
0xbb: {  	v3 =	vld [tilespmem:s11+$0x180];
	_ =	sdelay $0x1  }
0xbc: {  	s15 =	simm.s32 $0x800  }
0xbd: {  	s9 =	sand.u32 $0x7800, s15  }
0xbe: {  	s7 =	sor.u32 s7, s9  }
0xbf: {  	[tilespmem:s7+$0x7800] =	vst v3  }
0xc0: {  	v3 =	vld [tilespmem:s11+$0x190];
	_ =	sdelay $0x4  }
0xc1: {  	[tilespmem:s7+$0x7810] =	vst v3  }
0xc2: {  	v3 =	vld [tilespmem:s11+$0x1A0];
	_ =	sdelay $0x4  }
0xc3: {  	[tilespmem:s7+$0x7820] =	vst v3  }
0xc4: {  	v3 =	vld [tilespmem:s11+$0x1B0];
	_ =	sdelay $0x4  }
0xc5: {  	[tilespmem:s7+$0x7830] =	vst v3  }
0xc6: {  	v3 =	vld [tilespmem:s11+$0x200];
	_ =	sdelay $0x1  }
0xc7: {  	s12 =	simm.s32 $0x480;
	s9 =	simm.s32 $0x900  }
0xc8: {  	s15 =	sand.u32 $0x380, s12;
	s23 =	sand.u32 $0x7800, s9  }
0xc9: {  	s28 =	sor.u32 s15, s23  }
0xca: {  	[tilespmem:s28+$0x7800] =	vst v3  }
0xcb: {  	v3 =	vld [tilespmem:s11+$0x210];
	_ =	sdelay $0x4  }
0xcc: {  	[tilespmem:s28+$0x7810] =	vst v3  }
0xcd: {  	v3 =	vld [tilespmem:s11+$0x220];
	_ =	sdelay $0x4  }
0xce: {  	[tilespmem:s28+$0x7820] =	vst v3  }
0xcf: {  	v3 =	vld [tilespmem:s11+$0x230];
	_ =	sdelay $0x3  }
0xd0: {  	s15 =	simm.s32 $0xB80;
	s7 =	simm.s32 $0x0  }
.LBB2_3:
0xd1: {  	s7 =	sadd.s32 $0xA, s7;
	[tilespmem:s28+$0x7830] =	vst v3;
	s9 =	sadd.s32 $0xA00, s9;
	s12 =	sadd.s32 $0x500, s12  }
0xd2: {  	v3 =	vld [tilespmem:s15+$0xFFFFFD80];
	p1 =	slt.u32 s7, $0x28  }
0xd3: {  	s11 =	sadd.s32 $0xFFFFF700, s9  }
0xd4: {  	s28 =	sadd.s32 $0xFFFFFB80, s12;
	s23 =	sand.u32 $0x3800, s11  }
0xd5: {  	s11 =	sand.u32 $0x300, s28;
	s23 =	sadd.s32 $0x7400, s23  }
0xd6: {  	s28 =	sor.u32 s11, s23  }
0xd7: {  	[tilespmem:s28+$0x400] =	vst v3  }
0xd8: {  	v3 =	vld [tilespmem:s15+$0xFFFFFD90];
	_ =	sdelay $0x4  }
0xd9: {  	[tilespmem:s28+$0x410] =	vst v3  }
0xda: {  	v3 =	vld [tilespmem:s15+$0xFFFFFDA0];
	_ =	sdelay $0x4  }
0xdb: {  	[tilespmem:s28+$0x420] =	vst v3  }
0xdc: {  	v3 =	vld [tilespmem:s15+$0xFFFFFDB0];
	_ =	sdelay $0x4  }
0xdd: {  	[tilespmem:s28+$0x430] =	vst v3  }
0xde: {  	v3 =	vld [tilespmem:s15+$0xFFFFFE00];
	_ =	sdelay $0x1  }
0xdf: {  	s28 =	sadd.s32 $0xFFFFFC00, s12  }
0xe0: {  	s28 =	sand.u32 $0x380, s28  }
0xe1: {  	s23 =	sor.u32 s28, s23  }
0xe2: {  	[tilespmem:s23+$0x400] =	vst v3  }
0xe3: {  	v3 =	vld [tilespmem:s15+$0xFFFFFE10];
	_ =	sdelay $0x4  }
0xe4: {  	[tilespmem:s23+$0x410] =	vst v3  }
0xe5: {  	v3 =	vld [tilespmem:s15+$0xFFFFFE20];
	_ =	sdelay $0x4  }
0xe6: {  	[tilespmem:s23+$0x420] =	vst v3  }
0xe7: {  	v3 =	vld [tilespmem:s15+$0xFFFFFE30];
	_ =	sdelay $0x4  }
0xe8: {  	[tilespmem:s23+$0x430] =	vst v3  }
0xe9: {  	v3 =	vld [tilespmem:s15+$0xFFFFFE80];
	_ =	sdelay $0x1  }
0xea: {  	s28 =	sadd.s32 $0xFFFFF900, s9;
	s23 =	sadd.s32 $0xFFFFFC80, s12  }
0xeb: {  	s28 =	sand.u32 $0x7800, s28;
	s23 =	sand.u32 $0x300, s23  }
0xec: {  	s23 =	sor.u32 s23, s28  }
0xed: {  	[tilespmem:s23+$0x7800] =	vst v3  }
0xee: {  	v3 =	vld [tilespmem:s15+$0xFFFFFE90];
	_ =	sdelay $0x4  }
0xef: {  	[tilespmem:s23+$0x7810] =	vst v3  }
0xf0: {  	v3 =	vld [tilespmem:s15+$0xFFFFFEA0];
	_ =	sdelay $0x4  }
0xf1: {  	[tilespmem:s23+$0x7820] =	vst v3  }
0xf2: {  	v3 =	vld [tilespmem:s15+$0xFFFFFEB0];
	_ =	sdelay $0x4  }
0xf3: {  	[tilespmem:s23+$0x7830] =	vst v3  }
0xf4: {  	v3 =	vld [tilespmem:s15+$0xFFFFFF00];
	_ =	sdelay $0x1  }
0xf5: {  	s28 =	sadd.s32 $0xFFFFFA00, s9;
	s23 =	sadd.s32 $0xFFFFFD00, s12  }
0xf6: {  	s28 =	sand.u32 $0x7800, s28;
	s23 =	sand.u32 $0x380, s23  }
0xf7: {  	s23 =	sor.u32 s23, s28  }
0xf8: {  	[tilespmem:s23+$0x7800] =	vst v3  }
0xf9: {  	v3 =	vld [tilespmem:s15+$0xFFFFFF10];
	_ =	sdelay $0x4  }
0xfa: {  	[tilespmem:s23+$0x7810] =	vst v3  }
0xfb: {  	v3 =	vld [tilespmem:s15+$0xFFFFFF20];
	_ =	sdelay $0x4  }
0xfc: {  	[tilespmem:s23+$0x7820] =	vst v3  }
0xfd: {  	v3 =	vld [tilespmem:s15+$0xFFFFFF30];
	_ =	sdelay $0x4  }
0xfe: {  	[tilespmem:s23+$0x7830] =	vst v3  }
0xff: {  	v3 =	vld [tilespmem:s15+$0xFFFFFF80];
	_ =	sdelay $0x1  }
0x100: {  	s28 =	sadd.s32 $0xFFFFFB00, s9;
	s23 =	sadd.s32 $0xFFFFFD80, s12  }
0x101: {  	s28 =	sand.u32 $0x7800, s28;
	s23 =	sand.u32 $0x300, s23  }
0x102: {  	s23 =	sor.u32 s23, s28  }
0x103: {  	[tilespmem:s23+$0x7800] =	vst v3  }
0x104: {  	v3 =	vld [tilespmem:s15+$0xFFFFFF90];
	_ =	sdelay $0x4  }
0x105: {  	[tilespmem:s23+$0x7810] =	vst v3  }
0x106: {  	v3 =	vld [tilespmem:s15+$0xFFFFFFA0];
	_ =	sdelay $0x4  }
0x107: {  	[tilespmem:s23+$0x7820] =	vst v3  }
0x108: {  	v3 =	vld [tilespmem:s15+$0xFFFFFFB0];
	_ =	sdelay $0x4  }
0x109: {  	[tilespmem:s23+$0x7830] =	vst v3  }
0x10a: {  	v3 =	vld [tilespmem:s15+$0x0];
	_ =	sdelay $0x1  }
0x10b: {  	s28 =	sadd.s32 $0xFFFFFC00, s9;
	s23 =	sadd.s32 $0xFFFFFE00, s12  }
0x10c: {  	s28 =	sand.u32 $0x7800, s28;
	s23 =	sand.u32 $0x380, s23  }
0x10d: {  	s23 =	sor.u32 s23, s28  }
0x10e: {  	[tilespmem:s23+$0x7800] =	vst v3  }
0x10f: {  	v3 =	vld [tilespmem:s15+$0x10];
	_ =	sdelay $0x4  }
0x110: {  	[tilespmem:s23+$0x7810] =	vst v3  }
0x111: {  	v3 =	vld [tilespmem:s15+$0x20];
	_ =	sdelay $0x4  }
0x112: {  	[tilespmem:s23+$0x7820] =	vst v3  }
0x113: {  	v3 =	vld [tilespmem:s15+$0x30];
	_ =	sdelay $0x4  }
0x114: {  	[tilespmem:s23+$0x7830] =	vst v3  }
0x115: {  	v3 =	vld [tilespmem:s15+$0x80];
	_ =	sdelay $0x1  }
0x116: {  	s28 =	sadd.s32 $0xFFFFFD00, s9;
	s23 =	sadd.s32 $0xFFFFFE80, s12  }
0x117: {  	s28 =	sand.u32 $0x7800, s28;
	s23 =	sand.u32 $0x300, s23  }
0x118: {  	s23 =	sor.u32 s23, s28  }
0x119: {  	[tilespmem:s23+$0x7800] =	vst v3  }
0x11a: {  	v3 =	vld [tilespmem:s15+$0x90];
	_ =	sdelay $0x4  }
0x11b: {  	[tilespmem:s23+$0x7810] =	vst v3  }
0x11c: {  	v3 =	vld [tilespmem:s15+$0xA0];
	_ =	sdelay $0x4  }
0x11d: {  	[tilespmem:s23+$0x7820] =	vst v3  }
0x11e: {  	v3 =	vld [tilespmem:s15+$0xB0];
	_ =	sdelay $0x4  }
0x11f: {  	[tilespmem:s23+$0x7830] =	vst v3  }
0x120: {  	v3 =	vld [tilespmem:s15+$0x100];
	_ =	sdelay $0x1  }
0x121: {  	s28 =	sadd.s32 $0xFFFFFE00, s9;
	s23 =	sadd.s32 $0xFFFFFF00, s12  }
0x122: {  	s28 =	sand.u32 $0x7800, s28;
	s23 =	sand.u32 $0x380, s23  }
0x123: {  	s23 =	sor.u32 s23, s28  }
0x124: {  	[tilespmem:s23+$0x7800] =	vst v3  }
0x125: {  	v3 =	vld [tilespmem:s15+$0x110];
	_ =	sdelay $0x4  }
0x126: {  	[tilespmem:s23+$0x7810] =	vst v3  }
0x127: {  	v3 =	vld [tilespmem:s15+$0x120];
	_ =	sdelay $0x4  }
0x128: {  	[tilespmem:s23+$0x7820] =	vst v3  }
0x129: {  	v3 =	vld [tilespmem:s15+$0x130];
	_ =	sdelay $0x4  }
0x12a: {  	[tilespmem:s23+$0x7830] =	vst v3  }
0x12b: {  	v3 =	vld [tilespmem:s15+$0x180];
	_ =	sdelay $0x1  }
0x12c: {  	s23 =	sadd.s32 $0xFFFFFF00, s9  }
0x12d: {  	s23 =	sand.u32 $0x7800, s23  }
0x12e: {  	s11 =	sor.u32 s11, s23  }
0x12f: {  	[tilespmem:s11+$0x7800] =	vst v3  }
0x130: {  	v3 =	vld [tilespmem:s15+$0x190];
	_ =	sdelay $0x4  }
0x131: {  	[tilespmem:s11+$0x7810] =	vst v3  }
0x132: {  	v3 =	vld [tilespmem:s15+$0x1A0];
	_ =	sdelay $0x4  }
0x133: {  	[tilespmem:s11+$0x7820] =	vst v3  }
0x134: {  	v3 =	vld [tilespmem:s15+$0x1B0];
	_ =	sdelay $0x4  }
0x135: {  	[tilespmem:s11+$0x7830] =	vst v3  }
0x136: {  	v3 =	vld [tilespmem:s15+$0x200];
	_ =	sdelay $0x2  }
0x137: {  	s23 =	sand.u32 $0x380, s12;
	s11 =	sand.u32 $0x7800, s9  }
0x138: {  	s28 =	sor.u32 s23, s11  }
0x139: {  	[tilespmem:s28+$0x7800] =	vst v3  }
0x13a: {  	v3 =	vld [tilespmem:s15+$0x210];
	_ =	sdelay $0x4  }
0x13b: {  	[tilespmem:s28+$0x7810] =	vst v3  }
0x13c: {  	v3 =	vld [tilespmem:s15+$0x220];
	_ =	sdelay $0x4  }
0x13d: {  	[tilespmem:s28+$0x7820] =	vst v3  }
.Ltmp0:
0x13e: {  	v3 =	vld [tilespmem:s15+$0x230];
	(pc) =	sbr.rel @p1 .LBB2_3-.Ltmp0, $2  }
0x13f: {  	_ =	sdelay $0x2  }
0x140: {  	s15 =	sadd.s32 $0x500, s15  }
0x141: {  	[tilespmem:s28+$0x7830] =	vst v3;
	s7 =	sadd.s32 s5, s20  }
0x142: {  	_ =	swait.ge [sflag:s19], $0x1900;
	s7 =	smul.u32 $0x700, s7  }
0x143: {  	[sflag:s19] =	ssyncset.done $0x0  }
0x144: {  	s2 =	simm.s32 $0x7400;
	[sflag:s19] =	ssyncadd.s32 $0xFFFFE700;
	s7 =	sadd.s32 s8, s7  }
0x145: {  	[hbm4b:s7+s4] =	stream.linear.scatter [tilespmem:s2], [sflag:$0xD], $0x3800, $0x38;
	[tilespmem:$0x15400] =	vst v63  }
0x146: {  	s7 =	simm.s32 @!p0 $0xF  }
0x147: {  	s17 =	sor.u32 $0x3, s17;
	_ =	swait.ge @!p0 [sflag:s7], $0x3800  }
0x148: {  	s9 =	sshll.u32 s17, $0x5;
	[sflag:s7] =	ssyncset.done @!p0 $0x0  }
0x149: {  	s23 =	simm.s32 $0x300;
	s15 =	sadd.s32 s1, s9;
	[sflag:s7] =	ssyncadd.s32 @!p0 $0xFFFFC800  }
0x14a: {  	[tilespmem:s23], [sflag:$0x4] =	stream.linear.gather [hbm4b:s15+s4], $0x100, $0x38;
	[tilespmem:$0x15400] =	vst v63  }
0x14b: {  	_ =	swait.ge [sflag:s21], $0x100  }
0x14c: {  	[sflag:s21] =	ssyncset.done $0x0  }
0x14d: {  	[sflag:s21] =	ssyncadd.s32 $0xFFFFFF00  }
0x14e: {  	v3 =	vld [tilespmem:$0x200];
	_ =	sdelay $0x4  }
0x14f: {  	v4 =	vperm.xlane v3, v0;
	_ =	sdelay $0x1  }
0x150: {  	v3 =	vperm.xlane v3, v2;
	v4 =	vadd.s32 v1, v4;
	_ =	sdelay $0x1  }
0x151: {  	v3 =	vadd.s32 v1, v3;
	_ =	sdelay $0x1  }
0x152: {  	s7 =	simm.s32 $0xE400  }
0x153: {  	[tilespmem:s7], [sflag:$0x7] =	stream.indirect_vreg.gather [hbm4b:s3+s4], $0x80, v4, vm0, $0xb8;
	[tilespmem:$0x15400] =	vst v63  }
0x154: {  	s9 =	simm.s32 $0xEC00  }
0x155: {  	[tilespmem:s9], [sflag:$0x7] =	stream.indirect_vreg.gather [hbm4b:s3+s4], $0x80, v3, vm0, $0xb8;
	[tilespmem:$0x15400] =	vst v63  }
0x156: {  	v3 =	vld [tilespmem:$0x210];
	_ =	sdelay $0x4  }
0x157: {  	v4 =	vperm.xlane v3, v0;
	_ =	sdelay $0x1  }
0x158: {  	v3 =	vperm.xlane v3, v2;
	v4 =	vadd.s32 v1, v4;
	_ =	sdelay $0x1  }
0x159: {  	v3 =	vadd.s32 v1, v3;
	_ =	sdelay $0x1  }
0x15a: {  	s11 =	simm.s32 $0xF400  }
0x15b: {  	[tilespmem:s11], [sflag:$0x7] =	stream.indirect_vreg.gather [hbm4b:s3+s4], $0x80, v4, vm0, $0xb8;
	[tilespmem:$0x15400] =	vst v63  }
0x15c: {  	s12 =	simm.s32 $0xFC00  }
0x15d: {  	[tilespmem:s12], [sflag:$0x7] =	stream.indirect_vreg.gather [hbm4b:s3+s4], $0x80, v3, vm0, $0xb8;
	[tilespmem:$0x15400] =	vst v63  }
0x15e: {  	v3 =	vld [tilespmem:$0x220];
	_ =	sdelay $0x4  }
0x15f: {  	v4 =	vperm.xlane v3, v0;
	_ =	sdelay $0x1  }
0x160: {  	v3 =	vperm.xlane v3, v2;
	v4 =	vadd.s32 v1, v4;
	_ =	sdelay $0x1  }
0x161: {  	v3 =	vadd.s32 v1, v3;
	_ =	sdelay $0x1  }
0x162: {  	s15 =	simm.s32 $0x10400  }
0x163: {  	[tilespmem:s15], [sflag:$0x7] =	stream.indirect_vreg.gather [hbm4b:s3+s4], $0x80, v4, vm0, $0xb8;
	[tilespmem:$0x15400] =	vst v63  }
0x164: {  	s23 =	simm.s32 $0x10C00  }
0x165: {  	[tilespmem:s23], [sflag:$0x7] =	stream.indirect_vreg.gather [hbm4b:s3+s4], $0x80, v3, vm0, $0xb8;
	[tilespmem:$0x15400] =	vst v63  }
0x166: {  	v3 =	vld.msk [tilespmem:$0x230], $0x3;
	_ =	sdelay $0x4  }
0x167: {  	v3 =	vperm.xlane v3, v0;
	_ =	sdelay $0x1  }
0x168: {  	v3 =	vadd.s32 v1, v3;
	_ =	sdelay $0x3  }
0x169: {  	s7 =	simm.s32 $0x11400  }
0x16a: {  	[tilespmem:s7], [sflag:$0x7] =	stream.indirect_vreg.gather [hbm4b:s3+s4], $0x80, v3, vm1, $0xb8;
	[tilespmem:$0x15400] =	vst v63  }
0x16b: {  	s9 =	simm.s32 $0x280;
	s11 =	simm.s32 $0x3C00  }
0x16c: {  	[tilespmem:s11], [sflag:$0xB] =	stream.indirect.gather [hbm4b:s6+s22], $0x80, s9, s22, $0xb8;
	[tilespmem:$0x15400] =	vst v63  }
0x16d: {  	_ =	swait.ge [sflag:s30], $0x1900  }
0x16e: {  	[sflag:s30] =	ssyncset.done $0x0  }
0x16f: {  	s11 =	simm.s32 $0x2280;
	[sflag:s30] =	ssyncadd.s32 $0xFFFFE700  }
0x170: {  	v3 =	vld [tilespmem:s11+$0xFFFFFD80]  }
0x171: {  	s12 =	simm.s32 $0x0  }
0x172: {  	s12 =	sand.u32 $0x3800, s12;
	s15 =	simm.s32 $0x0  }
0x173: {  	s23 =	sadd.s32 $0xAC00, s12;
	s7 =	sand.u32 $0x300, s15  }
0x174: {  	s12 =	sor.u32 s7, s23  }
0x175: {  	[tilespmem:s12+$0x400] =	vst v3  }
0x176: {  	v3 =	vld [tilespmem:s11+$0xFFFFFD90];
	_ =	sdelay $0x4  }
0x177: {  	[tilespmem:s12+$0x410] =	vst v3  }
0x178: {  	v3 =	vld [tilespmem:s11+$0xFFFFFDA0];
	_ =	sdelay $0x4  }
0x179: {  	[tilespmem:s12+$0x420] =	vst v3  }
0x17a: {  	v3 =	vld [tilespmem:s11+$0xFFFFFDB0];
	_ =	sdelay $0x4  }
0x17b: {  	[tilespmem:s12+$0x430] =	vst v3  }
0x17c: {  	v3 =	vld [tilespmem:s11+$0xFFFFFE00];
	_ =	sdelay $0x1  }
0x17d: {  	s2 =	simm.s32 $0x80  }
0x17e: {  	s12 =	sand.u32 $0x380, s2  }
0x17f: {  	s9 =	sor.u32 s12, s23  }
0x180: {  	[tilespmem:s9+$0x400] =	vst v3  }
0x181: {  	v3 =	vld [tilespmem:s11+$0xFFFFFE10];
	_ =	sdelay $0x4  }
0x182: {  	[tilespmem:s9+$0x410] =	vst v3  }
0x183: {  	v3 =	vld [tilespmem:s11+$0xFFFFFE20];
	_ =	sdelay $0x4  }
0x184: {  	[tilespmem:s9+$0x420] =	vst v3  }
0x185: {  	v3 =	vld [tilespmem:s11+$0xFFFFFE30];
	_ =	sdelay $0x4  }
0x186: {  	[tilespmem:s9+$0x430] =	vst v3  }
0x187: {  	v3 =	vld [tilespmem:s11+$0xFFFFFE80];
	_ =	sdelay $0x1  }
0x188: {  	s15 =	simm.s32 $0x100;
	s23 =	simm.s32 $0x200  }
0x189: {  	s12 =	sand.u32 $0x7800, s23;
	s9 =	sand.u32 $0x300, s15  }
0x18a: {  	s9 =	sor.u32 s9, s12  }
0x18b: {  	[tilespmem:s9+$0xB000] =	vst v3  }
0x18c: {  	v3 =	vld [tilespmem:s11+$0xFFFFFE90];
	_ =	sdelay $0x4  }
0x18d: {  	[tilespmem:s9+$0xB010] =	vst v3  }
0x18e: {  	v3 =	vld [tilespmem:s11+$0xFFFFFEA0];
	_ =	sdelay $0x4  }
0x18f: {  	[tilespmem:s9+$0xB020] =	vst v3  }
0x190: {  	v3 =	vld [tilespmem:s11+$0xFFFFFEB0];
	_ =	sdelay $0x4  }
0x191: {  	[tilespmem:s9+$0xB030] =	vst v3  }
0x192: {  	v3 =	vld [tilespmem:s11+$0xFFFFFF00];
	_ =	sdelay $0x1  }
0x193: {  	s2 =	simm.s32 $0x180;
	s15 =	simm.s32 $0x300  }
0x194: {  	s12 =	sand.u32 $0x7800, s15;
	s9 =	sand.u32 $0x380, s2  }
0x195: {  	s9 =	sor.u32 s9, s12  }
0x196: {  	[tilespmem:s9+$0xB000] =	vst v3  }
0x197: {  	v3 =	vld [tilespmem:s11+$0xFFFFFF10];
	_ =	sdelay $0x4  }
0x198: {  	[tilespmem:s9+$0xB010] =	vst v3  }
0x199: {  	v3 =	vld [tilespmem:s11+$0xFFFFFF20];
	_ =	sdelay $0x4  }
0x19a: {  	[tilespmem:s9+$0xB020] =	vst v3  }
0x19b: {  	v3 =	vld [tilespmem:s11+$0xFFFFFF30];
	_ =	sdelay $0x4  }
0x19c: {  	[tilespmem:s9+$0xB030] =	vst v3  }
0x19d: {  	v3 =	vld [tilespmem:s11+$0xFFFFFF80];
	_ =	sdelay $0x1  }
0x19e: {  	s23 =	simm.s32 $0x200;
	s2 =	simm.s32 $0x400  }
0x19f: {  	s12 =	sand.u32 $0x7800, s2;
	s9 =	sand.u32 $0x300, s23  }
0x1a0: {  	s9 =	sor.u32 s9, s12  }
0x1a1: {  	[tilespmem:s9+$0xB000] =	vst v3  }
0x1a2: {  	v3 =	vld [tilespmem:s11+$0xFFFFFF90];
	_ =	sdelay $0x4  }
0x1a3: {  	[tilespmem:s9+$0xB010] =	vst v3  }
0x1a4: {  	v3 =	vld [tilespmem:s11+$0xFFFFFFA0];
	_ =	sdelay $0x4  }
0x1a5: {  	[tilespmem:s9+$0xB020] =	vst v3  }
0x1a6: {  	v3 =	vld [tilespmem:s11+$0xFFFFFFB0];
	_ =	sdelay $0x4  }
0x1a7: {  	[tilespmem:s9+$0xB030] =	vst v3  }
0x1a8: {  	v3 =	vld [tilespmem:s11+$0x0];
	_ =	sdelay $0x1  }
0x1a9: {  	s15 =	simm.s32 $0x280;
	s23 =	simm.s32 $0x500  }
0x1aa: {  	s12 =	sand.u32 $0x7800, s23;
	s9 =	sand.u32 $0x380, s15  }
0x1ab: {  	s9 =	sor.u32 s9, s12  }
0x1ac: {  	[tilespmem:s9+$0xB000] =	vst v3  }
0x1ad: {  	v3 =	vld [tilespmem:s11+$0x10];
	_ =	sdelay $0x4  }
0x1ae: {  	[tilespmem:s9+$0xB010] =	vst v3  }
0x1af: {  	v3 =	vld [tilespmem:s11+$0x20];
	_ =	sdelay $0x4  }
0x1b0: {  	[tilespmem:s9+$0xB020] =	vst v3  }
0x1b1: {  	v3 =	vld [tilespmem:s11+$0x30];
	_ =	sdelay $0x4  }
0x1b2: {  	[tilespmem:s9+$0xB030] =	vst v3  }
0x1b3: {  	v3 =	vld [tilespmem:s11+$0x80];
	_ =	sdelay $0x1  }
0x1b4: {  	s2 =	simm.s32 $0x300;
	s15 =	simm.s32 $0x600  }
0x1b5: {  	s12 =	sand.u32 $0x7800, s15;
	s9 =	sand.u32 $0x300, s2  }
0x1b6: {  	s9 =	sor.u32 s9, s12  }
0x1b7: {  	[tilespmem:s9+$0xB000] =	vst v3  }
0x1b8: {  	v3 =	vld [tilespmem:s11+$0x90];
	_ =	sdelay $0x4  }
0x1b9: {  	[tilespmem:s9+$0xB010] =	vst v3  }
0x1ba: {  	v3 =	vld [tilespmem:s11+$0xA0];
	_ =	sdelay $0x4  }
0x1bb: {  	[tilespmem:s9+$0xB020] =	vst v3  }
0x1bc: {  	v3 =	vld [tilespmem:s11+$0xB0];
	_ =	sdelay $0x4  }
0x1bd: {  	[tilespmem:s9+$0xB030] =	vst v3  }
0x1be: {  	v3 =	vld [tilespmem:s11+$0x100];
	_ =	sdelay $0x1  }
0x1bf: {  	s23 =	simm.s32 $0x380;
	s2 =	simm.s32 $0x700  }
0x1c0: {  	s12 =	sand.u32 $0x7800, s2;
	s9 =	sand.u32 $0x380, s23  }
0x1c1: {  	s9 =	sor.u32 s9, s12  }
0x1c2: {  	[tilespmem:s9+$0xB000] =	vst v3  }
0x1c3: {  	v3 =	vld [tilespmem:s11+$0x110];
	_ =	sdelay $0x4  }
0x1c4: {  	[tilespmem:s9+$0xB010] =	vst v3  }
0x1c5: {  	v3 =	vld [tilespmem:s11+$0x120];
	_ =	sdelay $0x4  }
0x1c6: {  	[tilespmem:s9+$0xB020] =	vst v3  }
0x1c7: {  	v3 =	vld [tilespmem:s11+$0x130];
	_ =	sdelay $0x4  }
0x1c8: {  	[tilespmem:s9+$0xB030] =	vst v3  }
0x1c9: {  	v3 =	vld [tilespmem:s11+$0x180];
	_ =	sdelay $0x1  }
0x1ca: {  	s15 =	simm.s32 $0x800  }
0x1cb: {  	s9 =	sand.u32 $0x7800, s15  }
0x1cc: {  	s7 =	sor.u32 s7, s9  }
0x1cd: {  	[tilespmem:s7+$0xB000] =	vst v3  }
0x1ce: {  	v3 =	vld [tilespmem:s11+$0x190];
	_ =	sdelay $0x4  }
0x1cf: {  	[tilespmem:s7+$0xB010] =	vst v3  }
0x1d0: {  	v3 =	vld [tilespmem:s11+$0x1A0];
	_ =	sdelay $0x4  }
0x1d1: {  	[tilespmem:s7+$0xB020] =	vst v3  }
0x1d2: {  	v3 =	vld [tilespmem:s11+$0x1B0];
	_ =	sdelay $0x4  }
0x1d3: {  	[tilespmem:s7+$0xB030] =	vst v3  }
0x1d4: {  	v3 =	vld [tilespmem:s11+$0x200];
	_ =	sdelay $0x1  }
0x1d5: {  	s12 =	simm.s32 $0x480;
	s9 =	simm.s32 $0x900  }
0x1d6: {  	s15 =	sand.u32 $0x380, s12;
	s23 =	sand.u32 $0x7800, s9  }
0x1d7: {  	s28 =	sor.u32 s15, s23  }
0x1d8: {  	[tilespmem:s28+$0xB000] =	vst v3  }
0x1d9: {  	v3 =	vld [tilespmem:s11+$0x210];
	_ =	sdelay $0x4  }
0x1da: {  	[tilespmem:s28+$0xB010] =	vst v3  }
0x1db: {  	v3 =	vld [tilespmem:s11+$0x220];
	_ =	sdelay $0x4  }
0x1dc: {  	[tilespmem:s28+$0xB020] =	vst v3  }
0x1dd: {  	v3 =	vld [tilespmem:s11+$0x230];
	_ =	sdelay $0x3  }
0x1de: {  	s15 =	simm.s32 $0x0;
	s7 =	sor.u32 $0x1, s20;
	s11 =	simm.s32 $0x2780  }
.LBB2_5:
0x1df: {  	s15 =	sadd.s32 $0xA, s15;
	[tilespmem:s28+$0xB030] =	vst v3;
	s9 =	sadd.s32 $0xA00, s9;
	s12 =	sadd.s32 $0x500, s12  }
0x1e0: {  	v3 =	vld [tilespmem:s11+$0xFFFFFD80];
	p1 =	slt.u32 s15, $0x28  }
0x1e1: {  	s23 =	sadd.s32 $0xFFFFF700, s9  }
0x1e2: {  	s28 =	sadd.s32 $0xFFFFFB80, s12;
	s23 =	sand.u32 $0x3800, s23  }
0x1e3: {  	s28 =	sand.u32 $0x300, s28;
	s23 =	sadd.s32 $0xAC00, s23  }
0x1e4: {  	s2 =	sor.u32 s28, s23  }
0x1e5: {  	[tilespmem:s2+$0x400] =	vst v3  }
0x1e6: {  	v3 =	vld [tilespmem:s11+$0xFFFFFD90];
	_ =	sdelay $0x4  }
0x1e7: {  	[tilespmem:s2+$0x410] =	vst v3  }
0x1e8: {  	v3 =	vld [tilespmem:s11+$0xFFFFFDA0];
	_ =	sdelay $0x4  }
0x1e9: {  	[tilespmem:s2+$0x420] =	vst v3  }
0x1ea: {  	v3 =	vld [tilespmem:s11+$0xFFFFFDB0];
	_ =	sdelay $0x4  }
0x1eb: {  	[tilespmem:s2+$0x430] =	vst v3  }
0x1ec: {  	v3 =	vld [tilespmem:s11+$0xFFFFFE00];
	_ =	sdelay $0x1  }
0x1ed: {  	s2 =	sadd.s32 $0xFFFFFC00, s12  }
0x1ee: {  	s2 =	sand.u32 $0x380, s2  }
0x1ef: {  	s2 =	sor.u32 s2, s23  }
0x1f0: {  	[tilespmem:s2+$0x400] =	vst v3  }
0x1f1: {  	v3 =	vld [tilespmem:s11+$0xFFFFFE10];
	_ =	sdelay $0x4  }
0x1f2: {  	[tilespmem:s2+$0x410] =	vst v3  }
0x1f3: {  	v3 =	vld [tilespmem:s11+$0xFFFFFE20];
	_ =	sdelay $0x4  }
0x1f4: {  	[tilespmem:s2+$0x420] =	vst v3  }
0x1f5: {  	v3 =	vld [tilespmem:s11+$0xFFFFFE30];
	_ =	sdelay $0x4  }
0x1f6: {  	[tilespmem:s2+$0x430] =	vst v3  }
0x1f7: {  	v3 =	vld [tilespmem:s11+$0xFFFFFE80];
	_ =	sdelay $0x1  }
0x1f8: {  	s23 =	sadd.s32 $0xFFFFF900, s9;
	s2 =	sadd.s32 $0xFFFFFC80, s12  }
0x1f9: {  	s23 =	sand.u32 $0x7800, s23;
	s2 =	sand.u32 $0x300, s2  }
0x1fa: {  	s2 =	sor.u32 s2, s23  }
0x1fb: {  	[tilespmem:s2+$0xB000] =	vst v3  }
0x1fc: {  	v3 =	vld [tilespmem:s11+$0xFFFFFE90];
	_ =	sdelay $0x4  }
0x1fd: {  	[tilespmem:s2+$0xB010] =	vst v3  }
0x1fe: {  	v3 =	vld [tilespmem:s11+$0xFFFFFEA0];
	_ =	sdelay $0x4  }
0x1ff: {  	[tilespmem:s2+$0xB020] =	vst v3  }
0x200: {  	v3 =	vld [tilespmem:s11+$0xFFFFFEB0];
	_ =	sdelay $0x4  }
0x201: {  	[tilespmem:s2+$0xB030] =	vst v3  }
0x202: {  	v3 =	vld [tilespmem:s11+$0xFFFFFF00];
	_ =	sdelay $0x1  }
0x203: {  	s23 =	sadd.s32 $0xFFFFFA00, s9;
	s2 =	sadd.s32 $0xFFFFFD00, s12  }
0x204: {  	s23 =	sand.u32 $0x7800, s23;
	s2 =	sand.u32 $0x380, s2  }
0x205: {  	s2 =	sor.u32 s2, s23  }
0x206: {  	[tilespmem:s2+$0xB000] =	vst v3  }
0x207: {  	v3 =	vld [tilespmem:s11+$0xFFFFFF10];
	_ =	sdelay $0x4  }
0x208: {  	[tilespmem:s2+$0xB010] =	vst v3  }
0x209: {  	v3 =	vld [tilespmem:s11+$0xFFFFFF20];
	_ =	sdelay $0x4  }
0x20a: {  	[tilespmem:s2+$0xB020] =	vst v3  }
0x20b: {  	v3 =	vld [tilespmem:s11+$0xFFFFFF30];
	_ =	sdelay $0x4  }
0x20c: {  	[tilespmem:s2+$0xB030] =	vst v3  }
0x20d: {  	v3 =	vld [tilespmem:s11+$0xFFFFFF80];
	_ =	sdelay $0x1  }
0x20e: {  	s23 =	sadd.s32 $0xFFFFFB00, s9;
	s2 =	sadd.s32 $0xFFFFFD80, s12  }
0x20f: {  	s23 =	sand.u32 $0x7800, s23;
	s2 =	sand.u32 $0x300, s2  }
0x210: {  	s2 =	sor.u32 s2, s23  }
0x211: {  	[tilespmem:s2+$0xB000] =	vst v3  }
0x212: {  	v3 =	vld [tilespmem:s11+$0xFFFFFF90];
	_ =	sdelay $0x4  }
0x213: {  	[tilespmem:s2+$0xB010] =	vst v3  }
0x214: {  	v3 =	vld [tilespmem:s11+$0xFFFFFFA0];
	_ =	sdelay $0x4  }
0x215: {  	[tilespmem:s2+$0xB020] =	vst v3  }
0x216: {  	v3 =	vld [tilespmem:s11+$0xFFFFFFB0];
	_ =	sdelay $0x4  }
0x217: {  	[tilespmem:s2+$0xB030] =	vst v3  }
0x218: {  	v3 =	vld [tilespmem:s11+$0x0];
	_ =	sdelay $0x1  }
0x219: {  	s23 =	sadd.s32 $0xFFFFFC00, s9;
	s2 =	sadd.s32 $0xFFFFFE00, s12  }
0x21a: {  	s23 =	sand.u32 $0x7800, s23;
	s2 =	sand.u32 $0x380, s2  }
0x21b: {  	s2 =	sor.u32 s2, s23  }
0x21c: {  	[tilespmem:s2+$0xB000] =	vst v3  }
0x21d: {  	v3 =	vld [tilespmem:s11+$0x10];
	_ =	sdelay $0x4  }
0x21e: {  	[tilespmem:s2+$0xB010] =	vst v3  }
0x21f: {  	v3 =	vld [tilespmem:s11+$0x20];
	_ =	sdelay $0x4  }
0x220: {  	[tilespmem:s2+$0xB020] =	vst v3  }
0x221: {  	v3 =	vld [tilespmem:s11+$0x30];
	_ =	sdelay $0x4  }
0x222: {  	[tilespmem:s2+$0xB030] =	vst v3  }
0x223: {  	v3 =	vld [tilespmem:s11+$0x80];
	_ =	sdelay $0x1  }
0x224: {  	s23 =	sadd.s32 $0xFFFFFD00, s9;
	s2 =	sadd.s32 $0xFFFFFE80, s12  }
0x225: {  	s23 =	sand.u32 $0x7800, s23;
	s2 =	sand.u32 $0x300, s2  }
0x226: {  	s2 =	sor.u32 s2, s23  }
0x227: {  	[tilespmem:s2+$0xB000] =	vst v3  }
0x228: {  	v3 =	vld [tilespmem:s11+$0x90];
	_ =	sdelay $0x4  }
0x229: {  	[tilespmem:s2+$0xB010] =	vst v3  }
0x22a: {  	v3 =	vld [tilespmem:s11+$0xA0];
	_ =	sdelay $0x4  }
0x22b: {  	[tilespmem:s2+$0xB020] =	vst v3  }
0x22c: {  	v3 =	vld [tilespmem:s11+$0xB0];
	_ =	sdelay $0x4  }
0x22d: {  	[tilespmem:s2+$0xB030] =	vst v3  }
0x22e: {  	v3 =	vld [tilespmem:s11+$0x100];
	_ =	sdelay $0x1  }
0x22f: {  	s23 =	sadd.s32 $0xFFFFFE00, s9;
	s2 =	sadd.s32 $0xFFFFFF00, s12  }
0x230: {  	s23 =	sand.u32 $0x7800, s23;
	s2 =	sand.u32 $0x380, s2  }
0x231: {  	s2 =	sor.u32 s2, s23  }
0x232: {  	[tilespmem:s2+$0xB000] =	vst v3  }
0x233: {  	v3 =	vld [tilespmem:s11+$0x110];
	_ =	sdelay $0x4  }
0x234: {  	[tilespmem:s2+$0xB010] =	vst v3  }
0x235: {  	v3 =	vld [tilespmem:s11+$0x120];
	_ =	sdelay $0x4  }
0x236: {  	[tilespmem:s2+$0xB020] =	vst v3  }
0x237: {  	v3 =	vld [tilespmem:s11+$0x130];
	_ =	sdelay $0x4  }
0x238: {  	[tilespmem:s2+$0xB030] =	vst v3  }
0x239: {  	v3 =	vld [tilespmem:s11+$0x180];
	_ =	sdelay $0x1  }
0x23a: {  	s2 =	sadd.s32 $0xFFFFFF00, s9  }
0x23b: {  	s2 =	sand.u32 $0x7800, s2  }
0x23c: {  	s2 =	sor.u32 s28, s2  }
0x23d: {  	[tilespmem:s2+$0xB000] =	vst v3  }
0x23e: {  	v3 =	vld [tilespmem:s11+$0x190];
	_ =	sdelay $0x4  }
0x23f: {  	[tilespmem:s2+$0xB010] =	vst v3  }
0x240: {  	v3 =	vld [tilespmem:s11+$0x1A0];
	_ =	sdelay $0x4  }
0x241: {  	[tilespmem:s2+$0xB020] =	vst v3  }
0x242: {  	v3 =	vld [tilespmem:s11+$0x1B0];
	_ =	sdelay $0x4  }
0x243: {  	[tilespmem:s2+$0xB030] =	vst v3  }
0x244: {  	v3 =	vld [tilespmem:s11+$0x200];
	_ =	sdelay $0x2  }
0x245: {  	s23 =	sand.u32 $0x380, s12;
	s2 =	sand.u32 $0x7800, s9  }
0x246: {  	s28 =	sor.u32 s23, s2  }
0x247: {  	[tilespmem:s28+$0xB000] =	vst v3  }
0x248: {  	v3 =	vld [tilespmem:s11+$0x210];
	_ =	sdelay $0x4  }
0x249: {  	[tilespmem:s28+$0xB010] =	vst v3  }
0x24a: {  	v3 =	vld [tilespmem:s11+$0x220];
	_ =	sdelay $0x4  }
0x24b: {  	[tilespmem:s28+$0xB020] =	vst v3  }
.Ltmp1:
0x24c: {  	v3 =	vld [tilespmem:s11+$0x230];
	(pc) =	sbr.rel @p1 .LBB2_5-.Ltmp1, $2  }
0x24d: {  	_ =	sdelay $0x2  }
0x24e: {  	s11 =	sadd.s32 $0x500, s11  }
0x24f: {  	[tilespmem:s28+$0xB030] =	vst v3;
	s2 =	sadd.s32 s5, s7  }
0x250: {  	_ =	swait.ge [sflag:s31], $0x1900;
	s2 =	smul.u32 $0x700, s2  }
0x251: {  	[sflag:s31] =	ssyncset.done $0x0  }
0x252: {  	s28 =	simm.s32 $0xAC00;
	[sflag:s31] =	ssyncadd.s32 $0xFFFFE700;
	s2 =	sadd.s32 s8, s2  }
0x253: {  	[hbm4b:s2+s4] =	stream.linear.scatter [tilespmem:s28], [sflag:$0xE], $0x3800, $0x38;
	[tilespmem:$0x15400] =	vst v63  }
0x254: {  	s2 =	simm.s32 @!p0 $0x10  }
0x255: {  	p1 =	seq.s32 @!p0 s16, $0x1F;
	_ =	swait.ge @!p0 [sflag:s2], $0x3800  }
0x256: {  	p1 =	por p0, !p1;
	[sflag:s2] =	ssyncset.done @!p0 $0x0  }
0x257: {  	[sflag:s2] =	ssyncadd.s32 @!p0 $0xFFFFC800;
	s2 =	rddreg @p1 [dreg:$0x6]  }
0x258: {  	s2 =	sadd.s32 @p1 s20, s2  }
0x259: {  	s2 =	sshll.u32 @p1 s2, $0x5  }
0x25a: {  	s2 =	sadd.s32 @p1 s1, s2  }
0x25b: {  	[tilespmem:s4], [sflag:$0x1] =	stream.linear.gather @p1 [hbm4b:s2+s4], $0x100, $0x38;
	[tilespmem:$0x15400] =	vst v63  }
0x25c: {  	_ =	swait.ge [sflag:s0], $0x100  }
0x25d: {  	[sflag:s0] =	ssyncset.done $0x0  }
0x25e: {  	[sflag:s0] =	ssyncadd.s32 $0xFFFFFF00  }
0x25f: {  	v3 =	vld [tilespmem:$0x300];
	_ =	sdelay $0x4  }
0x260: {  	v4 =	vperm.xlane v3, v0;
	_ =	sdelay $0x1  }
0x261: {  	v3 =	vperm.xlane v3, v2;
	v4 =	vadd.s32 v1, v4;
	_ =	sdelay $0x1  }
0x262: {  	v3 =	vadd.s32 v1, v3;
	_ =	sdelay $0x1  }
0x263: {  	s7 =	simm.s32 $0x11C00  }
0x264: {  	[tilespmem:s7], [sflag:$0x8] =	stream.indirect_vreg.gather [hbm4b:s3+s4], $0x80, v4, vm0, $0xb8;
	[tilespmem:$0x15400] =	vst v63  }
0x265: {  	s9 =	simm.s32 $0x12400  }
0x266: {  	[tilespmem:s9], [sflag:$0x8] =	stream.indirect_vreg.gather [hbm4b:s3+s4], $0x80, v3, vm0, $0xb8;
	[tilespmem:$0x15400] =	vst v63  }
0x267: {  	v3 =	vld [tilespmem:$0x310];
	_ =	sdelay $0x4  }
0x268: {  	v4 =	vperm.xlane v3, v0;
	_ =	sdelay $0x1  }
0x269: {  	v3 =	vperm.xlane v3, v2;
	v4 =	vadd.s32 v1, v4;
	_ =	sdelay $0x1  }
0x26a: {  	v3 =	vadd.s32 v1, v3;
	_ =	sdelay $0x1  }
0x26b: {  	s11 =	simm.s32 $0x12C00  }
0x26c: {  	[tilespmem:s11], [sflag:$0x8] =	stream.indirect_vreg.gather [hbm4b:s3+s4], $0x80, v4, vm0, $0xb8;
	[tilespmem:$0x15400] =	vst v63  }
0x26d: {  	s12 =	simm.s32 $0x13400  }
0x26e: {  	[tilespmem:s12], [sflag:$0x8] =	stream.indirect_vreg.gather [hbm4b:s3+s4], $0x80, v3, vm0, $0xb8;
	[tilespmem:$0x15400] =	vst v63  }
0x26f: {  	v3 =	vld [tilespmem:$0x320];
	_ =	sdelay $0x4  }
0x270: {  	v4 =	vperm.xlane v3, v0;
	_ =	sdelay $0x1  }
0x271: {  	v3 =	vperm.xlane v3, v2;
	v4 =	vadd.s32 v1, v4;
	_ =	sdelay $0x1  }
0x272: {  	v3 =	vadd.s32 v1, v3;
	_ =	sdelay $0x1  }
0x273: {  	s15 =	simm.s32 $0x13C00  }
0x274: {  	[tilespmem:s15], [sflag:$0x8] =	stream.indirect_vreg.gather [hbm4b:s3+s4], $0x80, v4, vm0, $0xb8;
	[tilespmem:$0x15400] =	vst v63  }
0x275: {  	s23 =	simm.s32 $0x14400  }
0x276: {  	[tilespmem:s23], [sflag:$0x8] =	stream.indirect_vreg.gather [hbm4b:s3+s4], $0x80, v3, vm0, $0xb8;
	[tilespmem:$0x15400] =	vst v63  }
0x277: {  	v3 =	vld.msk [tilespmem:$0x330], $0x3;
	_ =	sdelay $0x4  }
0x278: {  	v3 =	vperm.xlane v3, v0;
	_ =	sdelay $0x1  }
0x279: {  	v3 =	vadd.s32 v1, v3;
	_ =	sdelay $0x3  }
0x27a: {  	s7 =	simm.s32 $0x14C00  }
0x27b: {  	[tilespmem:s7], [sflag:$0x8] =	stream.indirect_vreg.gather [hbm4b:s3+s4], $0x80, v3, vm1, $0xb8;
	[tilespmem:$0x15400] =	vst v63  }
0x27c: {  	s9 =	simm.s32 $0x380;
	s11 =	simm.s32 $0x5800  }
0x27d: {  	[tilespmem:s11], [sflag:$0xC] =	stream.indirect.gather [hbm4b:s6+s22], $0x80, s9, s22, $0xb8;
	[tilespmem:$0x15400] =	vst v63  }
0x27e: {  	_ =	swait.ge [sflag:s14], $0x1900  }
0x27f: {  	[sflag:s14] =	ssyncset.done $0x0  }
0x280: {  	s11 =	simm.s32 $0x3E80;
	[sflag:s14] =	ssyncadd.s32 $0xFFFFE700  }
0x281: {  	v3 =	vld [tilespmem:s11+$0xFFFFFD80]  }
0x282: {  	s12 =	simm.s32 $0x0  }
0x283: {  	s2 =	sand.u32 $0x3800, s12;
	s15 =	simm.s32 $0x0  }
0x284: {  	s2 =	sadd.s32 $0xE400, s2;
	s7 =	sand.u32 $0x300, s15  }
0x285: {  	s9 =	sor.u32 s7, s2  }
0x286: {  	[tilespmem:s9+$0x400] =	vst v3  }
0x287: {  	v3 =	vld [tilespmem:s11+$0xFFFFFD90];
	_ =	sdelay $0x4  }
0x288: {  	[tilespmem:s9+$0x410] =	vst v3  }
0x289: {  	v3 =	vld [tilespmem:s11+$0xFFFFFDA0];
	_ =	sdelay $0x4  }
0x28a: {  	[tilespmem:s9+$0x420] =	vst v3  }
0x28b: {  	v3 =	vld [tilespmem:s11+$0xFFFFFDB0];
	_ =	sdelay $0x4  }
0x28c: {  	[tilespmem:s9+$0x430] =	vst v3  }
0x28d: {  	v3 =	vld [tilespmem:s11+$0xFFFFFE00];
	_ =	sdelay $0x1  }
0x28e: {  	s23 =	simm.s32 $0x80  }
0x28f: {  	s9 =	sand.u32 $0x380, s23  }
0x290: {  	s2 =	sor.u32 s9, s2  }
0x291: {  	[tilespmem:s2+$0x400] =	vst v3  }
0x292: {  	v3 =	vld [tilespmem:s11+$0xFFFFFE10];
	_ =	sdelay $0x4  }
0x293: {  	[tilespmem:s2+$0x410] =	vst v3  }
0x294: {  	v3 =	vld [tilespmem:s11+$0xFFFFFE20];
	_ =	sdelay $0x4  }
0x295: {  	[tilespmem:s2+$0x420] =	vst v3  }
0x296: {  	v3 =	vld [tilespmem:s11+$0xFFFFFE30];
	_ =	sdelay $0x4  }
0x297: {  	[tilespmem:s2+$0x430] =	vst v3  }
0x298: {  	v3 =	vld [tilespmem:s11+$0xFFFFFE80];
	_ =	sdelay $0x1  }
0x299: {  	s12 =	simm.s32 $0x100;
	s15 =	simm.s32 $0x200  }
0x29a: {  	s9 =	sand.u32 $0x7800, s15;
	s2 =	sand.u32 $0x300, s12  }
0x29b: {  	s2 =	sor.u32 s2, s9  }
0x29c: {  	[tilespmem:s2+$0xE800] =	vst v3  }
0x29d: {  	v3 =	vld [tilespmem:s11+$0xFFFFFE90];
	_ =	sdelay $0x4  }
0x29e: {  	[tilespmem:s2+$0xE810] =	vst v3  }
0x29f: {  	v3 =	vld [tilespmem:s11+$0xFFFFFEA0];
	_ =	sdelay $0x4  }
0x2a0: {  	[tilespmem:s2+$0xE820] =	vst v3  }
0x2a1: {  	v3 =	vld [tilespmem:s11+$0xFFFFFEB0];
	_ =	sdelay $0x4  }
0x2a2: {  	[tilespmem:s2+$0xE830] =	vst v3  }
0x2a3: {  	v3 =	vld [tilespmem:s11+$0xFFFFFF00];
	_ =	sdelay $0x1  }
0x2a4: {  	s23 =	simm.s32 $0x180;
	s12 =	simm.s32 $0x300  }
0x2a5: {  	s9 =	sand.u32 $0x7800, s12;
	s2 =	sand.u32 $0x380, s23  }
0x2a6: {  	s2 =	sor.u32 s2, s9  }
0x2a7: {  	[tilespmem:s2+$0xE800] =	vst v3  }
0x2a8: {  	v3 =	vld [tilespmem:s11+$0xFFFFFF10];
	_ =	sdelay $0x4  }
0x2a9: {  	[tilespmem:s2+$0xE810] =	vst v3  }
0x2aa: {  	v3 =	vld [tilespmem:s11+$0xFFFFFF20];
	_ =	sdelay $0x4  }
0x2ab: {  	[tilespmem:s2+$0xE820] =	vst v3  }
0x2ac: {  	v3 =	vld [tilespmem:s11+$0xFFFFFF30];
	_ =	sdelay $0x4  }
0x2ad: {  	[tilespmem:s2+$0xE830] =	vst v3  }
0x2ae: {  	v3 =	vld [tilespmem:s11+$0xFFFFFF80];
	_ =	sdelay $0x1  }
0x2af: {  	s15 =	simm.s32 $0x200;
	s23 =	simm.s32 $0x400  }
0x2b0: {  	s9 =	sand.u32 $0x7800, s23;
	s2 =	sand.u32 $0x300, s15  }
0x2b1: {  	s2 =	sor.u32 s2, s9  }
0x2b2: {  	[tilespmem:s2+$0xE800] =	vst v3  }
0x2b3: {  	v3 =	vld [tilespmem:s11+$0xFFFFFF90];
	_ =	sdelay $0x4  }
0x2b4: {  	[tilespmem:s2+$0xE810] =	vst v3  }
0x2b5: {  	v3 =	vld [tilespmem:s11+$0xFFFFFFA0];
	_ =	sdelay $0x4  }
0x2b6: {  	[tilespmem:s2+$0xE820] =	vst v3  }
0x2b7: {  	v3 =	vld [tilespmem:s11+$0xFFFFFFB0];
	_ =	sdelay $0x4  }
0x2b8: {  	[tilespmem:s2+$0xE830] =	vst v3  }
0x2b9: {  	v3 =	vld [tilespmem:s11+$0x0];
	_ =	sdelay $0x1  }
0x2ba: {  	s12 =	simm.s32 $0x280;
	s15 =	simm.s32 $0x500  }
0x2bb: {  	s9 =	sand.u32 $0x7800, s15;
	s2 =	sand.u32 $0x380, s12  }
0x2bc: {  	s2 =	sor.u32 s2, s9  }
0x2bd: {  	[tilespmem:s2+$0xE800] =	vst v3  }
0x2be: {  	v3 =	vld [tilespmem:s11+$0x10];
	_ =	sdelay $0x4  }
0x2bf: {  	[tilespmem:s2+$0xE810] =	vst v3  }
0x2c0: {  	v3 =	vld [tilespmem:s11+$0x20];
	_ =	sdelay $0x4  }
0x2c1: {  	[tilespmem:s2+$0xE820] =	vst v3  }
0x2c2: {  	v3 =	vld [tilespmem:s11+$0x30];
	_ =	sdelay $0x4  }
0x2c3: {  	[tilespmem:s2+$0xE830] =	vst v3  }
0x2c4: {  	v3 =	vld [tilespmem:s11+$0x80];
	_ =	sdelay $0x1  }
0x2c5: {  	s23 =	simm.s32 $0x300;
	s12 =	simm.s32 $0x600  }
0x2c6: {  	s9 =	sand.u32 $0x7800, s12;
	s2 =	sand.u32 $0x300, s23  }
0x2c7: {  	s2 =	sor.u32 s2, s9  }
0x2c8: {  	[tilespmem:s2+$0xE800] =	vst v3  }
0x2c9: {  	v3 =	vld [tilespmem:s11+$0x90];
	_ =	sdelay $0x4  }
0x2ca: {  	[tilespmem:s2+$0xE810] =	vst v3  }
0x2cb: {  	v3 =	vld [tilespmem:s11+$0xA0];
	_ =	sdelay $0x4  }
0x2cc: {  	[tilespmem:s2+$0xE820] =	vst v3  }
0x2cd: {  	v3 =	vld [tilespmem:s11+$0xB0];
	_ =	sdelay $0x4  }
0x2ce: {  	[tilespmem:s2+$0xE830] =	vst v3  }
0x2cf: {  	v3 =	vld [tilespmem:s11+$0x100];
	_ =	sdelay $0x1  }
0x2d0: {  	s15 =	simm.s32 $0x380;
	s23 =	simm.s32 $0x700  }
0x2d1: {  	s9 =	sand.u32 $0x7800, s23;
	s2 =	sand.u32 $0x380, s15  }
0x2d2: {  	s2 =	sor.u32 s2, s9  }
0x2d3: {  	[tilespmem:s2+$0xE800] =	vst v3  }
0x2d4: {  	v3 =	vld [tilespmem:s11+$0x110];
	_ =	sdelay $0x4  }
0x2d5: {  	[tilespmem:s2+$0xE810] =	vst v3  }
0x2d6: {  	v3 =	vld [tilespmem:s11+$0x120];
	_ =	sdelay $0x4  }
0x2d7: {  	[tilespmem:s2+$0xE820] =	vst v3  }
0x2d8: {  	v3 =	vld [tilespmem:s11+$0x130];
	_ =	sdelay $0x4  }
0x2d9: {  	[tilespmem:s2+$0xE830] =	vst v3  }
0x2da: {  	v3 =	vld [tilespmem:s11+$0x180];
	_ =	sdelay $0x1  }
0x2db: {  	s12 =	simm.s32 $0x800  }
0x2dc: {  	s2 =	sand.u32 $0x7800, s12  }
0x2dd: {  	s2 =	sor.u32 s7, s2  }
0x2de: {  	[tilespmem:s2+$0xE800] =	vst v3  }
0x2df: {  	v3 =	vld [tilespmem:s11+$0x190];
	_ =	sdelay $0x4  }
0x2e0: {  	[tilespmem:s2+$0xE810] =	vst v3  }
0x2e1: {  	v3 =	vld [tilespmem:s11+$0x1A0];
	_ =	sdelay $0x4  }
0x2e2: {  	[tilespmem:s2+$0xE820] =	vst v3  }
0x2e3: {  	v3 =	vld [tilespmem:s11+$0x1B0];
	_ =	sdelay $0x4  }
0x2e4: {  	[tilespmem:s2+$0xE830] =	vst v3  }
0x2e5: {  	v3 =	vld [tilespmem:s11+$0x200];
	_ =	sdelay $0x1  }
0x2e6: {  	s9 =	simm.s32 $0x900;
	s12 =	simm.s32 $0x480  }
0x2e7: {  	s15 =	sand.u32 $0x7800, s9;
	s23 =	sand.u32 $0x380, s12  }
0x2e8: {  	s15 =	sor.u32 s23, s15  }
0x2e9: {  	[tilespmem:s15+$0xE800] =	vst v3  }
0x2ea: {  	v3 =	vld [tilespmem:s11+$0x210];
	_ =	sdelay $0x4  }
0x2eb: {  	[tilespmem:s15+$0xE810] =	vst v3  }
0x2ec: {  	v3 =	vld [tilespmem:s11+$0x220];
	_ =	sdelay $0x4  }
0x2ed: {  	[tilespmem:s15+$0xE820] =	vst v3  }
0x2ee: {  	v3 =	vld [tilespmem:s11+$0x230];
	_ =	sdelay $0x2  }
0x2ef: {  	p0 =	por @!p0 $0x1, $0x1  }
0x2f0: {  	p0 =	por @p1 $0x0, $0x0;
	s7 =	simm.s32 $0x0;
	s11 =	simm.s32 $0x4380  }
.LBB2_7:
0x2f1: {  	s7 =	sadd.s32 $0xA, s7;
	[tilespmem:s15+$0xE830] =	vst v3;
	s9 =	sadd.s32 $0xA00, s9;
	s12 =	sadd.s32 $0x500, s12  }
0x2f2: {  	v3 =	vld [tilespmem:s11+$0xFFFFFD80];
	p1 =	slt.u32 s7, $0x28  }
0x2f3: {  	s2 =	sadd.s32 $0xFFFFF700, s9  }
0x2f4: {  	s15 =	sadd.s32 $0xFFFFFB80, s12;
	s2 =	sand.u32 $0x3800, s2  }
0x2f5: {  	s15 =	sand.u32 $0x300, s15;
	s2 =	sadd.s32 $0xE400, s2  }
0x2f6: {  	s23 =	sor.u32 s15, s2  }
0x2f7: {  	[tilespmem:s23+$0x400] =	vst v3  }
0x2f8: {  	v3 =	vld [tilespmem:s11+$0xFFFFFD90];
	_ =	sdelay $0x4  }
0x2f9: {  	[tilespmem:s23+$0x410] =	vst v3  }
0x2fa: {  	v3 =	vld [tilespmem:s11+$0xFFFFFDA0];
	_ =	sdelay $0x4  }
0x2fb: {  	[tilespmem:s23+$0x420] =	vst v3  }
0x2fc: {  	v3 =	vld [tilespmem:s11+$0xFFFFFDB0];
	_ =	sdelay $0x4  }
0x2fd: {  	[tilespmem:s23+$0x430] =	vst v3  }
0x2fe: {  	v3 =	vld [tilespmem:s11+$0xFFFFFE00];
	_ =	sdelay $0x1  }
0x2ff: {  	s23 =	sadd.s32 $0xFFFFFC00, s12  }
0x300: {  	s23 =	sand.u32 $0x380, s23  }
0x301: {  	s2 =	sor.u32 s23, s2  }
0x302: {  	[tilespmem:s2+$0x400] =	vst v3  }
0x303: {  	v3 =	vld [tilespmem:s11+$0xFFFFFE10];
	_ =	sdelay $0x4  }
0x304: {  	[tilespmem:s2+$0x410] =	vst v3  }
0x305: {  	v3 =	vld [tilespmem:s11+$0xFFFFFE20];
	_ =	sdelay $0x4  }
0x306: {  	[tilespmem:s2+$0x420] =	vst v3  }
0x307: {  	v3 =	vld [tilespmem:s11+$0xFFFFFE30];
	_ =	sdelay $0x4  }
0x308: {  	[tilespmem:s2+$0x430] =	vst v3  }
0x309: {  	v3 =	vld [tilespmem:s11+$0xFFFFFE80];
	_ =	sdelay $0x1  }
0x30a: {  	s23 =	sadd.s32 $0xFFFFF900, s9;
	s2 =	sadd.s32 $0xFFFFFC80, s12  }
0x30b: {  	s23 =	sand.u32 $0x7800, s23;
	s2 =	sand.u32 $0x300, s2  }
0x30c: {  	s2 =	sor.u32 s2, s23  }
0x30d: {  	[tilespmem:s2+$0xE800] =	vst v3  }
0x30e: {  	v3 =	vld [tilespmem:s11+$0xFFFFFE90];
	_ =	sdelay $0x4  }
0x30f: {  	[tilespmem:s2+$0xE810] =	vst v3  }
0x310: {  	v3 =	vld [tilespmem:s11+$0xFFFFFEA0];
	_ =	sdelay $0x4  }
0x311: {  	[tilespmem:s2+$0xE820] =	vst v3  }
0x312: {  	v3 =	vld [tilespmem:s11+$0xFFFFFEB0];
	_ =	sdelay $0x4  }
0x313: {  	[tilespmem:s2+$0xE830] =	vst v3  }
0x314: {  	v3 =	vld [tilespmem:s11+$0xFFFFFF00];
	_ =	sdelay $0x1  }
0x315: {  	s23 =	sadd.s32 $0xFFFFFA00, s9;
	s2 =	sadd.s32 $0xFFFFFD00, s12  }
0x316: {  	s23 =	sand.u32 $0x7800, s23;
	s2 =	sand.u32 $0x380, s2  }
0x317: {  	s2 =	sor.u32 s2, s23  }
0x318: {  	[tilespmem:s2+$0xE800] =	vst v3  }
0x319: {  	v3 =	vld [tilespmem:s11+$0xFFFFFF10];
	_ =	sdelay $0x4  }
0x31a: {  	[tilespmem:s2+$0xE810] =	vst v3  }
0x31b: {  	v3 =	vld [tilespmem:s11+$0xFFFFFF20];
	_ =	sdelay $0x4  }
0x31c: {  	[tilespmem:s2+$0xE820] =	vst v3  }
0x31d: {  	v3 =	vld [tilespmem:s11+$0xFFFFFF30];
	_ =	sdelay $0x4  }
0x31e: {  	[tilespmem:s2+$0xE830] =	vst v3  }
0x31f: {  	v3 =	vld [tilespmem:s11+$0xFFFFFF80];
	_ =	sdelay $0x1  }
0x320: {  	s23 =	sadd.s32 $0xFFFFFB00, s9;
	s2 =	sadd.s32 $0xFFFFFD80, s12  }
0x321: {  	s23 =	sand.u32 $0x7800, s23;
	s2 =	sand.u32 $0x300, s2  }
0x322: {  	s2 =	sor.u32 s2, s23  }
0x323: {  	[tilespmem:s2+$0xE800] =	vst v3  }
0x324: {  	v3 =	vld [tilespmem:s11+$0xFFFFFF90];
	_ =	sdelay $0x4  }
0x325: {  	[tilespmem:s2+$0xE810] =	vst v3  }
0x326: {  	v3 =	vld [tilespmem:s11+$0xFFFFFFA0];
	_ =	sdelay $0x4  }
0x327: {  	[tilespmem:s2+$0xE820] =	vst v3  }
0x328: {  	v3 =	vld [tilespmem:s11+$0xFFFFFFB0];
	_ =	sdelay $0x4  }
0x329: {  	[tilespmem:s2+$0xE830] =	vst v3  }
0x32a: {  	v3 =	vld [tilespmem:s11+$0x0];
	_ =	sdelay $0x1  }
0x32b: {  	s23 =	sadd.s32 $0xFFFFFC00, s9;
	s2 =	sadd.s32 $0xFFFFFE00, s12  }
0x32c: {  	s23 =	sand.u32 $0x7800, s23;
	s2 =	sand.u32 $0x380, s2  }
0x32d: {  	s2 =	sor.u32 s2, s23  }
0x32e: {  	[tilespmem:s2+$0xE800] =	vst v3  }
0x32f: {  	v3 =	vld [tilespmem:s11+$0x10];
	_ =	sdelay $0x4  }
0x330: {  	[tilespmem:s2+$0xE810] =	vst v3  }
0x331: {  	v3 =	vld [tilespmem:s11+$0x20];
	_ =	sdelay $0x4  }
0x332: {  	[tilespmem:s2+$0xE820] =	vst v3  }
0x333: {  	v3 =	vld [tilespmem:s11+$0x30];
	_ =	sdelay $0x4  }
0x334: {  	[tilespmem:s2+$0xE830] =	vst v3  }
0x335: {  	v3 =	vld [tilespmem:s11+$0x80];
	_ =	sdelay $0x1  }
0x336: {  	s23 =	sadd.s32 $0xFFFFFD00, s9;
	s2 =	sadd.s32 $0xFFFFFE80, s12  }
0x337: {  	s23 =	sand.u32 $0x7800, s23;
	s2 =	sand.u32 $0x300, s2  }
0x338: {  	s2 =	sor.u32 s2, s23  }
0x339: {  	[tilespmem:s2+$0xE800] =	vst v3  }
0x33a: {  	v3 =	vld [tilespmem:s11+$0x90];
	_ =	sdelay $0x4  }
0x33b: {  	[tilespmem:s2+$0xE810] =	vst v3  }
0x33c: {  	v3 =	vld [tilespmem:s11+$0xA0];
	_ =	sdelay $0x4  }
0x33d: {  	[tilespmem:s2+$0xE820] =	vst v3  }
0x33e: {  	v3 =	vld [tilespmem:s11+$0xB0];
	_ =	sdelay $0x4  }
0x33f: {  	[tilespmem:s2+$0xE830] =	vst v3  }
0x340: {  	v3 =	vld [tilespmem:s11+$0x100];
	_ =	sdelay $0x1  }
0x341: {  	s23 =	sadd.s32 $0xFFFFFE00, s9;
	s2 =	sadd.s32 $0xFFFFFF00, s12  }
0x342: {  	s23 =	sand.u32 $0x7800, s23;
	s2 =	sand.u32 $0x380, s2  }
0x343: {  	s2 =	sor.u32 s2, s23  }
0x344: {  	[tilespmem:s2+$0xE800] =	vst v3  }
0x345: {  	v3 =	vld [tilespmem:s11+$0x110];
	_ =	sdelay $0x4  }
0x346: {  	[tilespmem:s2+$0xE810] =	vst v3  }
0x347: {  	v3 =	vld [tilespmem:s11+$0x120];
	_ =	sdelay $0x4  }
0x348: {  	[tilespmem:s2+$0xE820] =	vst v3  }
0x349: {  	v3 =	vld [tilespmem:s11+$0x130];
	_ =	sdelay $0x4  }
0x34a: {  	[tilespmem:s2+$0xE830] =	vst v3  }
0x34b: {  	v3 =	vld [tilespmem:s11+$0x180];
	_ =	sdelay $0x1  }
0x34c: {  	s2 =	sadd.s32 $0xFFFFFF00, s9  }
0x34d: {  	s2 =	sand.u32 $0x7800, s2  }
0x34e: {  	s2 =	sor.u32 s15, s2  }
0x34f: {  	[tilespmem:s2+$0xE800] =	vst v3  }
0x350: {  	v3 =	vld [tilespmem:s11+$0x190];
	_ =	sdelay $0x4  }
0x351: {  	[tilespmem:s2+$0xE810] =	vst v3  }
0x352: {  	v3 =	vld [tilespmem:s11+$0x1A0];
	_ =	sdelay $0x4  }
0x353: {  	[tilespmem:s2+$0xE820] =	vst v3  }
0x354: {  	v3 =	vld [tilespmem:s11+$0x1B0];
	_ =	sdelay $0x4  }
0x355: {  	[tilespmem:s2+$0xE830] =	vst v3  }
0x356: {  	v3 =	vld [tilespmem:s11+$0x200];
	_ =	sdelay $0x2  }
0x357: {  	s15 =	sand.u32 $0x380, s12;
	s2 =	sand.u32 $0x7800, s9  }
0x358: {  	s15 =	sor.u32 s15, s2  }
0x359: {  	[tilespmem:s15+$0xE800] =	vst v3  }
0x35a: {  	v3 =	vld [tilespmem:s11+$0x210];
	_ =	sdelay $0x4  }
0x35b: {  	[tilespmem:s15+$0xE810] =	vst v3  }
0x35c: {  	v3 =	vld [tilespmem:s11+$0x220];
	_ =	sdelay $0x4  }
0x35d: {  	[tilespmem:s15+$0xE820] =	vst v3  }
.Ltmp2:
0x35e: {  	v3 =	vld [tilespmem:s11+$0x230];
	(pc) =	sbr.rel @p1 .LBB2_7-.Ltmp2, $2  }
0x35f: {  	_ =	sdelay $0x2  }
0x360: {  	s11 =	sadd.s32 $0x500, s11  }
0x361: {  	[tilespmem:s15+$0xE830] =	vst v3  }
0x362: {  	s2 =	smul.u32 $0x700, s24;
	_ =	swait.ge [sflag:s10], $0x1900  }
0x363: {  	[sflag:s10] =	ssyncset.done $0x0  }
0x364: {  	s7 =	simm.s32 $0xE400;
	s2 =	sadd.s32 s8, s2;
	[sflag:s10] =	ssyncadd.s32 $0xFFFFE700  }
0x365: {  	[hbm4b:s2+s4] =	stream.linear.scatter [tilespmem:s7], [sflag:$0xF], $0x3800, $0x38;
	[tilespmem:$0x15400] =	vst v63  }
0x366: {  	_ =	swait.ge [sflag:s25], $0x3800  }
0x367: {  	s2 =	rddreg [dreg:$0x7]  }
0x368: {  	s2 =	sadd.s32 @!p0 s20, s2  }
0x369: {  	s9 =	simm.s32 @!p0 $0x100;
	[sflag:s25] =	ssyncset.done $0x0;
	s2 =	sshll.u32 @!p0 s2, $0x5  }
0x36a: {  	s7 =	simm.s32 @!p0 $0x0;
	[sflag:s25] =	ssyncadd.s32 $0xFFFFC800;
	s2 =	sadd.s32 @!p0 s1, s2  }
0x36b: {  	[tilespmem:s9], [sflag:$0x2] =	stream.linear.gather @!p0 [hbm4b:s2+s7], $0x100, $0x38;
	[tilespmem:$0x15400] =	vst v63  }
0x36c: {  	s2 =	simm.s32 @!p0 $0x1  }
0x36d: {  	_ =	swait.ge @!p0 [sflag:s2], $0x100  }
0x36e: {  	[sflag:s2] =	ssyncset.done @!p0 $0x0  }
0x36f: {  	[sflag:s2] =	ssyncadd.s32 @!p0 $0xFFFFFF00  }
0x370: {  	v3 =	vld @!p0 [tilespmem:$0x0];
	_ =	sdelay $0x2  }
0x371: {  	v4 =	vlaneseq.u32 @!p0  }
0x372: {  	v5 =	vand.u32 @!p0 $0x7, v4;
	v6 =	vshrl.u32 @!p0 v4, $0x3  }
0x373: {  	v6 =	vmul.u32 @!p0 $0x8, v6;
	v7 =	vperm.xlane @!p0 v3, v5  }
0x374: {  	v4 =	vor.u32 @!p0 $0x8, v4  }
0x375: {  	v3 =	vperm.xlane @!p0 v3, v4;
	v7 =	vadd.s32 @!p0 v6, v7;
	_ =	sdelay $0x1  }
0x376: {  	v3 =	vadd.s32 @!p0 v6, v3;
	_ =	sdelay $0x1  }
0x377: {  	vm2 =	vmmov @!p0 $0xff;
	s2 =	simm.s32 @!p0 $0x7400  }
0x378: {  	[tilespmem:s2], [sflag:$0x5] =	stream.indirect_vreg.gather @!p0 [hbm4b:s3+s7], $0x80, v7, vm2, $0xb8;
	[tilespmem:$0x15400] =	vst v63  }
0x379: {  	s2 =	simm.s32 @!p0 $0x7C00  }
0x37a: {  	[tilespmem:s2], [sflag:$0x5] =	stream.indirect_vreg.gather @!p0 [hbm4b:s3+s7], $0x80, v3, vm2, $0xb8;
	[tilespmem:$0x15400] =	vst v63  }
0x37b: {  	v3 =	vld @!p0 [tilespmem:$0x10];
	_ =	sdelay $0x4  }
0x37c: {  	v7 =	vperm.xlane @!p0 v3, v5;
	_ =	sdelay $0x1  }
0x37d: {  	v3 =	vperm.xlane @!p0 v3, v4;
	v7 =	vadd.s32 @!p0 v6, v7;
	_ =	sdelay $0x1  }
0x37e: {  	v3 =	vadd.s32 @!p0 v6, v3;
	_ =	sdelay $0x1  }
0x37f: {  	s2 =	simm.s32 @!p0 $0x8400  }
0x380: {  	[tilespmem:s2], [sflag:$0x5] =	stream.indirect_vreg.gather @!p0 [hbm4b:s3+s7], $0x80, v7, vm2, $0xb8;
	[tilespmem:$0x15400] =	vst v63  }
0x381: {  	s2 =	simm.s32 @!p0 $0x8C00  }
0x382: {  	[tilespmem:s2], [sflag:$0x5] =	stream.indirect_vreg.gather @!p0 [hbm4b:s3+s7], $0x80, v3, vm2, $0xb8;
	[tilespmem:$0x15400] =	vst v63  }
0x383: {  	v3 =	vld @!p0 [tilespmem:$0x20];
	_ =	sdelay $0x4  }
0x384: {  	v7 =	vperm.xlane @!p0 v3, v5;
	_ =	sdelay $0x1  }
0x385: {  	v3 =	vperm.xlane @!p0 v3, v4;
	v7 =	vadd.s32 @!p0 v6, v7;
	_ =	sdelay $0x1  }
0x386: {  	v3 =	vadd.s32 @!p0 v6, v3;
	_ =	sdelay $0x1  }
0x387: {  	s2 =	simm.s32 @!p0 $0x9400  }
0x388: {  	[tilespmem:s2], [sflag:$0x5] =	stream.indirect_vreg.gather @!p0 [hbm4b:s3+s7], $0x80, v7, vm2, $0xb8;
	[tilespmem:$0x15400] =	vst v63  }
0x389: {  	s2 =	simm.s32 @!p0 $0x9C00  }
0x38a: {  	[tilespmem:s2], [sflag:$0x5] =	stream.indirect_vreg.gather @!p0 [hbm4b:s3+s7], $0x80, v3, vm2, $0xb8;
	[tilespmem:$0x15400] =	vst v63  }
0x38b: {  	v3 =	vld.msk @!p0 [tilespmem:$0x30], $0x3;
	_ =	sdelay $0x4  }
0x38c: {  	v3 =	vperm.xlane @!p0 v3, v5;
	_ =	sdelay $0x1  }
0x38d: {  	v3 =	vadd.s32 @!p0 v6, v3;
	_ =	sdelay $0x3  }
0x38e: {  	vm2 =	vmmov @!p0 $0x3;
	s2 =	simm.s32 @!p0 $0xA400  }
0x38f: {  	[tilespmem:s2], [sflag:$0x5] =	stream.indirect_vreg.gather @!p0 [hbm4b:s3+s7], $0x80, v3, vm2, $0xb8;
	[tilespmem:$0x15400] =	vst v63  }
0x390: {  	s9 =	simm.s32 @!p0 $0x400;
	s2 =	simm.s32 @!p0 $0x32;
	s7 =	simm.s32 @!p0 $0x80  }
0x391: {  	[tilespmem:s9], [sflag:$0x9] =	stream.indirect.gather @!p0 [hbm4b:s6+s2], $0x80, s7, s2, $0xb8;
	[tilespmem:$0x15400] =	vst v63  }
0x392: {  	_ =	swait.ge [sflag:s29], $0x1900  }
0x393: {  	[sflag:s29] =	ssyncset.done $0x0  }
0x394: {  	s7 =	simm.s32 $0x5A80;
	[sflag:s29] =	ssyncadd.s32 $0xFFFFE700  }
0x395: {  	v3 =	vld [tilespmem:s7+$0xFFFFFD80]  }
0x396: {  	s12 =	simm.s32 $0x0  }
0x397: {  	s15 =	simm.s32 $0x0;
	s2 =	sand.u32 $0x3800, s12  }
0x398: {  	s9 =	sand.u32 $0x300, s15;
	s2 =	sadd.s32 $0x11C00, s2  }
0x399: {  	s11 =	sor.u32 s9, s2  }
0x39a: {  	[tilespmem:s11+$0x400] =	vst v3  }
0x39b: {  	v3 =	vld [tilespmem:s7+$0xFFFFFD90];
	_ =	sdelay $0x4  }
0x39c: {  	[tilespmem:s11+$0x410] =	vst v3  }
0x39d: {  	v3 =	vld [tilespmem:s7+$0xFFFFFDA0];
	_ =	sdelay $0x4  }
0x39e: {  	[tilespmem:s11+$0x420] =	vst v3  }
0x39f: {  	v3 =	vld [tilespmem:s7+$0xFFFFFDB0];
	_ =	sdelay $0x4  }
0x3a0: {  	[tilespmem:s11+$0x430] =	vst v3  }
0x3a1: {  	v3 =	vld [tilespmem:s7+$0xFFFFFE00];
	_ =	sdelay $0x1  }
0x3a2: {  	s20 =	simm.s32 $0x80  }
0x3a3: {  	s11 =	sand.u32 $0x380, s20  }
0x3a4: {  	s2 =	sor.u32 s11, s2  }
0x3a5: {  	[tilespmem:s2+$0x400] =	vst v3  }
0x3a6: {  	v3 =	vld [tilespmem:s7+$0xFFFFFE10];
	_ =	sdelay $0x4  }
0x3a7: {  	[tilespmem:s2+$0x410] =	vst v3  }
0x3a8: {  	v3 =	vld [tilespmem:s7+$0xFFFFFE20];
	_ =	sdelay $0x4  }
0x3a9: {  	[tilespmem:s2+$0x420] =	vst v3  }
0x3aa: {  	v3 =	vld [tilespmem:s7+$0xFFFFFE30];
	_ =	sdelay $0x4  }
0x3ab: {  	[tilespmem:s2+$0x430] =	vst v3  }
0x3ac: {  	v3 =	vld [tilespmem:s7+$0xFFFFFE80]  }
0x3ad: {  	s23 =	simm.s32 $0x100;
	s24 =	simm.s32 $0x200  }
0x3ae: {  	s11 =	sand.u32 $0x7800, s24;
	s2 =	sand.u32 $0x300, s23  }
0x3af: {  	s2 =	sor.u32 s2, s11  }
0x3b0: {  	s2 =	sadd.s32 $0x11C00, s2  }
0x3b1: {  	[tilespmem:s2+$0x400] =	vst v3  }
0x3b2: {  	v3 =	vld [tilespmem:s7+$0xFFFFFE90];
	_ =	sdelay $0x4  }
0x3b3: {  	[tilespmem:s2+$0x410] =	vst v3  }
0x3b4: {  	v3 =	vld [tilespmem:s7+$0xFFFFFEA0];
	_ =	sdelay $0x4  }
0x3b5: {  	[tilespmem:s2+$0x420] =	vst v3  }
0x3b6: {  	v3 =	vld [tilespmem:s7+$0xFFFFFEB0];
	_ =	sdelay $0x4  }
0x3b7: {  	[tilespmem:s2+$0x430] =	vst v3  }
0x3b8: {  	v3 =	vld [tilespmem:s7+$0xFFFFFF00]  }
0x3b9: {  	s12 =	simm.s32 $0x180;
	s15 =	simm.s32 $0x300  }
0x3ba: {  	s11 =	sand.u32 $0x7800, s15;
	s2 =	sand.u32 $0x380, s12  }
0x3bb: {  	s2 =	sor.u32 s2, s11  }
0x3bc: {  	s2 =	sadd.s32 $0x11C00, s2  }
0x3bd: {  	[tilespmem:s2+$0x400] =	vst v3  }
0x3be: {  	v3 =	vld [tilespmem:s7+$0xFFFFFF10];
	_ =	sdelay $0x4  }
0x3bf: {  	[tilespmem:s2+$0x410] =	vst v3  }
0x3c0: {  	v3 =	vld [tilespmem:s7+$0xFFFFFF20];
	_ =	sdelay $0x4  }
0x3c1: {  	[tilespmem:s2+$0x420] =	vst v3  }
0x3c2: {  	v3 =	vld [tilespmem:s7+$0xFFFFFF30];
	_ =	sdelay $0x4  }
0x3c3: {  	[tilespmem:s2+$0x430] =	vst v3  }
0x3c4: {  	v3 =	vld [tilespmem:s7+$0xFFFFFF80]  }
0x3c5: {  	s20 =	simm.s32 $0x200;
	s23 =	simm.s32 $0x400  }
0x3c6: {  	s11 =	sand.u32 $0x7800, s23;
	s2 =	sand.u32 $0x300, s20  }
0x3c7: {  	s2 =	sor.u32 s2, s11  }
0x3c8: {  	s2 =	sadd.s32 $0x11C00, s2  }
0x3c9: {  	[tilespmem:s2+$0x400] =	vst v3  }
0x3ca: {  	v3 =	vld [tilespmem:s7+$0xFFFFFF90];
	_ =	sdelay $0x4  }
0x3cb: {  	[tilespmem:s2+$0x410] =	vst v3  }
0x3cc: {  	v3 =	vld [tilespmem:s7+$0xFFFFFFA0];
	_ =	sdelay $0x4  }
0x3cd: {  	[tilespmem:s2+$0x420] =	vst v3  }
0x3ce: {  	v3 =	vld [tilespmem:s7+$0xFFFFFFB0];
	_ =	sdelay $0x4  }
0x3cf: {  	[tilespmem:s2+$0x430] =	vst v3  }
0x3d0: {  	v3 =	vld [tilespmem:s7+$0x0]  }
0x3d1: {  	s24 =	simm.s32 $0x280;
	s12 =	simm.s32 $0x500  }
0x3d2: {  	s11 =	sand.u32 $0x7800, s12;
	s2 =	sand.u32 $0x380, s24  }
0x3d3: {  	s2 =	sor.u32 s2, s11  }
0x3d4: {  	s2 =	sadd.s32 $0x11C00, s2  }
0x3d5: {  	[tilespmem:s2+$0x400] =	vst v3  }
0x3d6: {  	v3 =	vld [tilespmem:s7+$0x10];
	_ =	sdelay $0x4  }
0x3d7: {  	[tilespmem:s2+$0x410] =	vst v3  }
0x3d8: {  	v3 =	vld [tilespmem:s7+$0x20];
	_ =	sdelay $0x4  }
0x3d9: {  	[tilespmem:s2+$0x420] =	vst v3  }
0x3da: {  	v3 =	vld [tilespmem:s7+$0x30];
	_ =	sdelay $0x4  }
0x3db: {  	[tilespmem:s2+$0x430] =	vst v3  }
0x3dc: {  	v3 =	vld [tilespmem:s7+$0x80]  }
0x3dd: {  	s15 =	simm.s32 $0x300;
	s20 =	simm.s32 $0x600  }
0x3de: {  	s11 =	sand.u32 $0x7800, s20;
	s2 =	sand.u32 $0x300, s15  }
0x3df: {  	s2 =	sor.u32 s2, s11  }
0x3e0: {  	s2 =	sadd.s32 $0x11C00, s2  }
0x3e1: {  	[tilespmem:s2+$0x400] =	vst v3  }
0x3e2: {  	v3 =	vld [tilespmem:s7+$0x90];
	_ =	sdelay $0x4  }
0x3e3: {  	[tilespmem:s2+$0x410] =	vst v3  }
0x3e4: {  	v3 =	vld [tilespmem:s7+$0xA0];
	_ =	sdelay $0x4  }
0x3e5: {  	[tilespmem:s2+$0x420] =	vst v3  }
0x3e6: {  	v3 =	vld [tilespmem:s7+$0xB0];
	_ =	sdelay $0x4  }
0x3e7: {  	[tilespmem:s2+$0x430] =	vst v3  }
0x3e8: {  	v3 =	vld [tilespmem:s7+$0x100]  }
0x3e9: {  	s23 =	simm.s32 $0x380;
	s24 =	simm.s32 $0x700  }
0x3ea: {  	s11 =	sand.u32 $0x7800, s24;
	s2 =	sand.u32 $0x380, s23  }
0x3eb: {  	s2 =	sor.u32 s2, s11  }
0x3ec: {  	s2 =	sadd.s32 $0x11C00, s2  }
0x3ed: {  	[tilespmem:s2+$0x400] =	vst v3  }
0x3ee: {  	v3 =	vld [tilespmem:s7+$0x110];
	_ =	sdelay $0x4  }
0x3ef: {  	[tilespmem:s2+$0x410] =	vst v3  }
0x3f0: {  	v3 =	vld [tilespmem:s7+$0x120];
	_ =	sdelay $0x4  }
0x3f1: {  	[tilespmem:s2+$0x420] =	vst v3  }
0x3f2: {  	v3 =	vld [tilespmem:s7+$0x130];
	_ =	sdelay $0x4  }
0x3f3: {  	[tilespmem:s2+$0x430] =	vst v3  }
0x3f4: {  	v3 =	vld [tilespmem:s7+$0x180]  }
0x3f5: {  	s12 =	simm.s32 $0x800  }
0x3f6: {  	s2 =	sand.u32 $0x7800, s12  }
0x3f7: {  	s2 =	sor.u32 s9, s2  }
0x3f8: {  	s2 =	sadd.s32 $0x11C00, s2  }
0x3f9: {  	[tilespmem:s2+$0x400] =	vst v3  }
0x3fa: {  	v3 =	vld [tilespmem:s7+$0x190];
	_ =	sdelay $0x4  }
0x3fb: {  	[tilespmem:s2+$0x410] =	vst v3  }
0x3fc: {  	v3 =	vld [tilespmem:s7+$0x1A0];
	_ =	sdelay $0x4  }
0x3fd: {  	[tilespmem:s2+$0x420] =	vst v3  }
0x3fe: {  	v3 =	vld [tilespmem:s7+$0x1B0];
	_ =	sdelay $0x4  }
0x3ff: {  	[tilespmem:s2+$0x430] =	vst v3  }
0x400: {  	v3 =	vld [tilespmem:s7+$0x200]  }
0x401: {  	s20 =	simm.s32 $0x900;
	s24 =	simm.s32 $0x480  }
0x402: {  	s15 =	sand.u32 $0x7800, s20;
	s23 =	sand.u32 $0x380, s24  }
0x403: {  	s2 =	sor.u32 s23, s15  }
0x404: {  	s11 =	sadd.s32 $0x11C00, s2  }
0x405: {  	[tilespmem:s11+$0x400] =	vst v3  }
0x406: {  	v3 =	vld [tilespmem:s7+$0x210];
	_ =	sdelay $0x4  }
0x407: {  	[tilespmem:s11+$0x410] =	vst v3  }
0x408: {  	v3 =	vld [tilespmem:s7+$0x220];
	_ =	sdelay $0x4  }
0x409: {  	[tilespmem:s11+$0x420] =	vst v3  }
0x40a: {  	v3 =	vld [tilespmem:s7+$0x230];
	_ =	sdelay $0x3  }
0x40b: {  	s12 =	simm.s32 $0x5F80;
	s9 =	simm.s32 $0x0  }
.LBB2_9:
0x40c: {  	s9 =	sadd.s32 $0xA, s9;
	[tilespmem:s11+$0x430] =	vst v3;
	s20 =	sadd.s32 $0xA00, s20;
	s24 =	sadd.s32 $0x500, s24  }
0x40d: {  	v3 =	vld [tilespmem:s12+$0xFFFFFD80];
	p0 =	slt.u32 s9, $0x28  }
0x40e: {  	s2 =	sadd.s32 $0xFFFFF700, s20  }
0x40f: {  	s7 =	sadd.s32 $0xFFFFFB80, s24;
	s11 =	sadd.s32 $0xFFFFFF00, s20;
	s2 =	sand.u32 $0x3800, s2  }
0x410: {  	s7 =	sand.u32 $0x300, s7;
	s11 =	sand.u32 $0x7800, s11;
	s2 =	sadd.s32 $0x11C00, s2  }
0x411: {  	s15 =	sor.u32 s7, s2;
	s7 =	sor.u32 s7, s11  }
0x412: {  	[tilespmem:s15+$0x400] =	vst v3  }
0x413: {  	v3 =	vld [tilespmem:s12+$0xFFFFFD90];
	_ =	sdelay $0x4  }
0x414: {  	[tilespmem:s15+$0x410] =	vst v3  }
0x415: {  	v3 =	vld [tilespmem:s12+$0xFFFFFDA0];
	_ =	sdelay $0x4  }
0x416: {  	[tilespmem:s15+$0x420] =	vst v3  }
0x417: {  	v3 =	vld [tilespmem:s12+$0xFFFFFDB0];
	_ =	sdelay $0x4  }
0x418: {  	[tilespmem:s15+$0x430] =	vst v3  }
0x419: {  	v3 =	vld [tilespmem:s12+$0xFFFFFE00];
	_ =	sdelay $0x1  }
0x41a: {  	s11 =	sadd.s32 $0xFFFFFC00, s24  }
0x41b: {  	s11 =	sand.u32 $0x380, s11  }
0x41c: {  	s2 =	sor.u32 s11, s2  }
0x41d: {  	[tilespmem:s2+$0x400] =	vst v3  }
0x41e: {  	v3 =	vld [tilespmem:s12+$0xFFFFFE10];
	_ =	sdelay $0x4  }
0x41f: {  	[tilespmem:s2+$0x410] =	vst v3  }
0x420: {  	v3 =	vld [tilespmem:s12+$0xFFFFFE20];
	_ =	sdelay $0x4  }
0x421: {  	[tilespmem:s2+$0x420] =	vst v3  }
0x422: {  	v3 =	vld [tilespmem:s12+$0xFFFFFE30];
	_ =	sdelay $0x4  }
0x423: {  	[tilespmem:s2+$0x430] =	vst v3  }
0x424: {  	v3 =	vld [tilespmem:s12+$0xFFFFFE80]  }
0x425: {  	s11 =	sadd.s32 $0xFFFFF900, s20;
	s2 =	sadd.s32 $0xFFFFFC80, s24  }
0x426: {  	s11 =	sand.u32 $0x7800, s11;
	s2 =	sand.u32 $0x300, s2  }
0x427: {  	s2 =	sor.u32 s2, s11  }
0x428: {  	s2 =	sadd.s32 $0x11C00, s2  }
0x429: {  	[tilespmem:s2+$0x400] =	vst v3  }
0x42a: {  	v3 =	vld [tilespmem:s12+$0xFFFFFE90];
	_ =	sdelay $0x4  }
0x42b: {  	[tilespmem:s2+$0x410] =	vst v3  }
0x42c: {  	v3 =	vld [tilespmem:s12+$0xFFFFFEA0];
	_ =	sdelay $0x4  }
0x42d: {  	[tilespmem:s2+$0x420] =	vst v3  }
0x42e: {  	v3 =	vld [tilespmem:s12+$0xFFFFFEB0];
	_ =	sdelay $0x4  }
0x42f: {  	[tilespmem:s2+$0x430] =	vst v3  }
0x430: {  	v3 =	vld [tilespmem:s12+$0xFFFFFF00]  }
0x431: {  	s11 =	sadd.s32 $0xFFFFFA00, s20;
	s2 =	sadd.s32 $0xFFFFFD00, s24  }
0x432: {  	s11 =	sand.u32 $0x7800, s11;
	s2 =	sand.u32 $0x380, s2  }
0x433: {  	s2 =	sor.u32 s2, s11  }
0x434: {  	s2 =	sadd.s32 $0x11C00, s2  }
0x435: {  	[tilespmem:s2+$0x400] =	vst v3  }
0x436: {  	v3 =	vld [tilespmem:s12+$0xFFFFFF10];
	_ =	sdelay $0x4  }
0x437: {  	[tilespmem:s2+$0x410] =	vst v3  }
0x438: {  	v3 =	vld [tilespmem:s12+$0xFFFFFF20];
	_ =	sdelay $0x4  }
0x439: {  	[tilespmem:s2+$0x420] =	vst v3  }
0x43a: {  	v3 =	vld [tilespmem:s12+$0xFFFFFF30];
	_ =	sdelay $0x4  }
0x43b: {  	[tilespmem:s2+$0x430] =	vst v3  }
0x43c: {  	v3 =	vld [tilespmem:s12+$0xFFFFFF80]  }
0x43d: {  	s11 =	sadd.s32 $0xFFFFFB00, s20;
	s2 =	sadd.s32 $0xFFFFFD80, s24  }
0x43e: {  	s11 =	sand.u32 $0x7800, s11;
	s2 =	sand.u32 $0x300, s2  }
0x43f: {  	s2 =	sor.u32 s2, s11  }
0x440: {  	s2 =	sadd.s32 $0x11C00, s2  }
0x441: {  	[tilespmem:s2+$0x400] =	vst v3  }
0x442: {  	v3 =	vld [tilespmem:s12+$0xFFFFFF90];
	_ =	sdelay $0x4  }
0x443: {  	[tilespmem:s2+$0x410] =	vst v3  }
0x444: {  	v3 =	vld [tilespmem:s12+$0xFFFFFFA0];
	_ =	sdelay $0x4  }
0x445: {  	[tilespmem:s2+$0x420] =	vst v3  }
0x446: {  	v3 =	vld [tilespmem:s12+$0xFFFFFFB0];
	_ =	sdelay $0x4  }
0x447: {  	[tilespmem:s2+$0x430] =	vst v3  }
0x448: {  	v3 =	vld [tilespmem:s12+$0x0]  }
0x449: {  	s11 =	sadd.s32 $0xFFFFFC00, s20;
	s2 =	sadd.s32 $0xFFFFFE00, s24  }
0x44a: {  	s11 =	sand.u32 $0x7800, s11;
	s2 =	sand.u32 $0x380, s2  }
0x44b: {  	s2 =	sor.u32 s2, s11  }
0x44c: {  	s2 =	sadd.s32 $0x11C00, s2  }
0x44d: {  	[tilespmem:s2+$0x400] =	vst v3  }
0x44e: {  	v3 =	vld [tilespmem:s12+$0x10];
	_ =	sdelay $0x4  }
0x44f: {  	[tilespmem:s2+$0x410] =	vst v3  }
0x450: {  	v3 =	vld [tilespmem:s12+$0x20];
	_ =	sdelay $0x4  }
0x451: {  	[tilespmem:s2+$0x420] =	vst v3  }
0x452: {  	v3 =	vld [tilespmem:s12+$0x30];
	_ =	sdelay $0x4  }
0x453: {  	[tilespmem:s2+$0x430] =	vst v3  }
0x454: {  	v3 =	vld [tilespmem:s12+$0x80]  }
0x455: {  	s11 =	sadd.s32 $0xFFFFFD00, s20;
	s2 =	sadd.s32 $0xFFFFFE80, s24  }
0x456: {  	s11 =	sand.u32 $0x7800, s11;
	s2 =	sand.u32 $0x300, s2  }
0x457: {  	s2 =	sor.u32 s2, s11  }
0x458: {  	s2 =	sadd.s32 $0x11C00, s2  }
0x459: {  	[tilespmem:s2+$0x400] =	vst v3  }
0x45a: {  	v3 =	vld [tilespmem:s12+$0x90];
	_ =	sdelay $0x4  }
0x45b: {  	[tilespmem:s2+$0x410] =	vst v3  }
0x45c: {  	v3 =	vld [tilespmem:s12+$0xA0];
	_ =	sdelay $0x4  }
0x45d: {  	[tilespmem:s2+$0x420] =	vst v3  }
0x45e: {  	v3 =	vld [tilespmem:s12+$0xB0];
	_ =	sdelay $0x4  }
0x45f: {  	[tilespmem:s2+$0x430] =	vst v3  }
0x460: {  	v3 =	vld [tilespmem:s12+$0x100]  }
0x461: {  	s11 =	sadd.s32 $0xFFFFFE00, s20;
	s2 =	sadd.s32 $0xFFFFFF00, s24  }
0x462: {  	s11 =	sand.u32 $0x7800, s11;
	s2 =	sand.u32 $0x380, s2  }
0x463: {  	s2 =	sor.u32 s2, s11  }
0x464: {  	s2 =	sadd.s32 $0x11C00, s2  }
0x465: {  	[tilespmem:s2+$0x400] =	vst v3  }
0x466: {  	v3 =	vld [tilespmem:s12+$0x110];
	_ =	sdelay $0x4  }
0x467: {  	[tilespmem:s2+$0x410] =	vst v3  }
0x468: {  	v3 =	vld [tilespmem:s12+$0x120];
	_ =	sdelay $0x4  }
0x469: {  	[tilespmem:s2+$0x420] =	vst v3  }
0x46a: {  	v3 =	vld [tilespmem:s12+$0x130];
	_ =	sdelay $0x4  }
0x46b: {  	[tilespmem:s2+$0x430] =	vst v3  }
0x46c: {  	v3 =	vld [tilespmem:s12+$0x180];
	_ =	sdelay $0x3  }
0x46d: {  	s2 =	sadd.s32 $0x11C00, s7  }
0x46e: {  	[tilespmem:s2+$0x400] =	vst v3  }
0x46f: {  	v3 =	vld [tilespmem:s12+$0x190];
	_ =	sdelay $0x4  }
0x470: {  	[tilespmem:s2+$0x410] =	vst v3  }
0x471: {  	v3 =	vld [tilespmem:s12+$0x1A0];
	_ =	sdelay $0x4  }
0x472: {  	[tilespmem:s2+$0x420] =	vst v3  }
0x473: {  	v3 =	vld [tilespmem:s12+$0x1B0];
	_ =	sdelay $0x4  }
0x474: {  	[tilespmem:s2+$0x430] =	vst v3  }
0x475: {  	v3 =	vld [tilespmem:s12+$0x200];
	_ =	sdelay $0x1  }
0x476: {  	s7 =	sand.u32 $0x380, s24;
	s2 =	sand.u32 $0x7800, s20  }
0x477: {  	s2 =	sor.u32 s7, s2  }
0x478: {  	s11 =	sadd.s32 $0x11C00, s2  }
0x479: {  	[tilespmem:s11+$0x400] =	vst v3  }
0x47a: {  	v3 =	vld [tilespmem:s12+$0x210];
	_ =	sdelay $0x4  }
0x47b: {  	[tilespmem:s11+$0x410] =	vst v3  }
0x47c: {  	v3 =	vld [tilespmem:s12+$0x220];
	_ =	sdelay $0x4  }
0x47d: {  	[tilespmem:s11+$0x420] =	vst v3  }
.Ltmp3:
0x47e: {  	v3 =	vld [tilespmem:s12+$0x230];
	(pc) =	sbr.rel @p0 .LBB2_9-.Ltmp3, $2  }
0x47f: {  	_ =	sdelay $0x2  }
0x480: {  	s12 =	sadd.s32 $0x500, s12  }
0x481: {  	s16 =	sadd.s32 $0x1, s16  }
0x482: {  	p0 =	sne.s32 s16, $0x20  }
.Ltmp4:
0x483: {  	[tilespmem:s11+$0x430] =	vst v3;
	(pc) =	sbr.rel @p0 .LBB2_2-.Ltmp4, $4  }
0x484: {  	s2 =	smul.u32 $0x700, s17;
	_ =	swait.ge [sflag:s13], $0x1900  }
0x485: {  	[sflag:s13] =	ssyncset.done $0x0  }
0x486: {  	s7 =	simm.s32 $0x11C00;
	s2 =	sadd.s32 s8, s2;
	[sflag:s13] =	ssyncadd.s32 $0xFFFFE700  }
0x487: {  	[hbm4b:s2+s4] =	stream.linear.scatter [tilespmem:s7], [sflag:$0x10], $0x3800, $0x38;
	[tilespmem:$0x15400] =	vst v63  }
0x488: {  	s2 =	simm.s32 $0xE  }
0x489: {  	_ =	swait.ge [sflag:s2], $0x3800  }
0x48a: {  	[sflag:s2] =	ssyncset.done $0x0  }
0x48b: {  	s23 =	simm.s32 $0xF;
	[sflag:s2] =	ssyncadd.s32 $0xFFFFC800  }
0x48c: {  	_ =	swait.ge [sflag:s23], $0x3800  }
0x48d: {  	[sflag:s23] =	ssyncset.done $0x0  }
0x48e: {  	s7 =	simm.s32 $0x10;
	[sflag:s23] =	ssyncadd.s32 $0xFFFFC800  }
0x48f: {  	_ =	swait.ge [sflag:s7], $0x3800  }
0x490: {  	s9 =	rddreg [dreg:$0x9]  }
0x491: {  	s24 =	rddreg [dreg:$0x8];
	s9 =	sadd.s32 $0x1, s9  }
0x492: {  	p0 =	sne.s32 s9, s24  }
.Ltmp5:
0x493: {  	_ = 	snop;
	(pc) =	sbr.rel @p0 .LBB2_1-.Ltmp5, $3  }
0x494: {  	_ =	sdelay $0x1  }
0x495: {  	[sflag:s7] =	ssyncset.done $0x0  }
0x496: {  	[sflag:s7] =	ssyncadd.s32 $0xFFFFC800  }
0x497: {  	_ =	sfence.sel $0x180000  }
0x498: {  	[bflag:$0x0] =	sbarrier.arrive $0xFFFF  }
0x499: {  	_ =	strace $0x90000047  }
0x49a: {  	s0 =	stileid.u32;
	[bflag:$0x2] =	sbarrier.arrive $0xFFFF  }
0x49b: {  	p0 =	sne.s32 s0, $0x0;
	s0 =	rddreg [dreg:$0x3]  }
0x49c: {  	s0 =	sadd.s32 @!p0 $0x100000, s0  }
0x49d: {  	[sflag:s0] =	ssyncadd.tile.s32 @!p0 $0x1;
	_ =	shalt  }
.Lfunc_end2:
_tile_overlayer_lowered:
.L_overlay_start_2:
0x49e: {  	(tag) =	ssettag $0x2  }
0x49f: {  	s0 =	rddreg [dreg:$0x0];
	s2 =	stileid.u32  }
0x4a0: {  	s1 =	rddreg [dreg:$0x1];
	p0 =	sne.s32 s2, $0x0  }
0x4a1: {  	s3 =	rddreg [dreg:$0x2];
	[bflag:$0x3] =	sbarrier.arrive $0xFFFF;
	s2 =	simm.s32 @!p0 $0x1C11  }
0x4a2: {  	[timem:s3], [sflag:s2] =	dma.local @!p0 [hbm:s0], s1  }
0x4a3: {  	s0 =	simm.s32 @!p0 $0x11  }
0x4a4: {  	_ =	swait.ge @!p0 [sflag:s0], s1  }
0x4a5: {  	s1 =	ssub.s32 @!p0 $0x0, s1;
	[sflag:s0] =	ssyncset.done @!p0 $0x0  }
0x4a6: {  	[sflag:s0] =	ssyncadd.s32 @!p0 s1  }
0x4a7: {  	[bflag:$0x3] =	sbarrier.arrive $0xFFFF  }
0x4a8: {  	_ =	shalt  }

// kernel: sparse-core-data-format-call.cloned.1.call-start
scs
called_computation_lowered:
.L_overlay_start_0:
0x0: {  	s2 =	sld [smem:$0x3FD9]  }
0x1: {  	s3 =	sld [smem:$0x3FFE];
	_ =	sdelay $0x1  }
0x2: {  	s1 =	srdreg.scid  }
0x3: {  	s0 =	sand.u32 $0x1, s1  }
0x4: {  	s18 =	sshll.u32 s0, $0xA;
	s2 =	sadd.s32 s3, s2  }
0x5: {  	s2 =	sadd.s32 s2, s18  }
0x6: {  	[smem:$0x3FC4] =	sst s2  }
0x7: {  	_ = 	snop  }
0x8: {  	s2 =	sld [smem:$0x3FD0];
	(tm) =	ssettm $0x1  }
0x9: {  	s19 =	sld [smem:$0x3FFB];
	_ =	sdelay $0x3  }
0xa: {  	_ =	strace s19  }
0xb: {  	s3 =	sld [smem:$0x3FFC];
	_ =	sdelay $0x3  }
0xc: {  	_ =	strace s3  }
0xd: {  	s3 =	sld [smem:$0x3FFD];
	_ =	sdelay $0x3  }
0xe: {  	_ =	strace s3  }
0xf: {  	_ =	strace $0x8FFFFFFF  }
0x10: {  	s20 =	sld [smem:$0x3FDB];
	_ =	sdelay $0x1  }
0x11: {  	s4 =	simm.s32 $_scs_section_size  }
0x12: {  	s5 =	simm.s32 $_size__tile_overlayer_lowered;
	s6 =	simm.s32 $_tile_overlayer_lowered  }
0x13: {  	s23 =	simm.s32 $0x1BFF;
	s22 =	sshll.u32 s6, $0x1;
	s3 =	sadd.s32 s4, s20  }
0x14: {  	s7 =	simm.s32 $0x0;
	s21 =	sshll.u32 s5, $0x1;
	s5 =	sadd.s32 s22, s3  }
0x15: {  	[timem:s7], [sflag:s23] =	dma.local [hbm:s5], s21  }
0x16: {  	_ =	swait.ge [sflag:s23], s21  }
0x17: {  	s4 =	ssub.s32 $0x0, s21;
	[sflag:s23] =	ssyncset.done $0x0  }
0x18: {  	[sflag:s23] =	ssyncadd.s32 s4;
	_ =	sdelay $0x1  }
0x19: {  	s24 =	simm.s32 $0x1B8B  }
0x1a: {  	_ =	swait.ge [sflag:s24], $0x1  }
0x1b: {  	[sflag:s24] =	ssyncset.done $0x0  }
0x1c: {  	s26 =	simm.s32 $0x1B8E;
	s25 =	sld [smem:$0x3FFE];
	[sflag:s24] =	ssyncadd.s32 $0xFFFFFFFF  }
0x1d: {  	s27 =	simm.s32 $execute0_lowered;
	[smem:$0x3FD2] =	sst s26  }
0x1e: {  	s5 =	sshll.u32 s27, $0x1;
	_ =	strace $0x80000049;
	[dreg:$0x1] =	wrdreg $0xFFFFFFFF  }
0x1f: {  	s28 =	simm.s32 $_size_execute0_lowered;
	s3 =	sadd.s32 s3, s5;
	[dreg:$0x0] =	wrdreg $0x0  }
0x20: {  	s5 =	sshll.u32 s28, $0x1;
	[dreg:$0x2] =	wrdreg s3  }
0x21: {  	[dreg:$0x3] =	wrdreg s5  }
0x22: {  	[dreg:$0x4] =	wrdreg $0xC0  }
0x23: {  	_ =	task [dreg:s7], $0x5FFFF  }
0x24: {  	[dreg:$0x1] =	wrdreg $0xFFFFFFFF  }
0x25: {  	[dreg:$0x0] =	wrdreg $0x60  }
0x26: {  	[dreg:$0x2] =	wrdreg s25  }
0x27: {  	[dreg:$0x3] =	wrdreg s2  }
0x28: {  	[dreg:$0x4] =	wrdreg $0x9  }
0x29: {  	_ =	task.clear_ibuf [dreg:s7], $0x5FFFF;
	_ =	strace $0x90000049  }
0x2a: {  	s29 =	simm.s32 $0x9;
	_ =	strace $0x8000004B  }
0x2b: {  	_ =	swait.ge [sflag:s29], $0x1  }
0x2c: {  	[sflag:s29] =	ssyncadd.s32 $0xFFFFFFFF  }
0x2d: {  	_ =	strace $0x9000004B  }
0x2e: {  	_ =	sfence  }
0x2f: {  	s30 =	sld [smem:$0x0];
	_ =	sdelay $0x2  }
0x30: {  	s31 =	sshll.u32 s1, $0xD;
	s1 =	sshrl.u32 s1, $0x2  }
0x31: {  	s3 =	sand.u32 $0x4000, s31;
	s1 =	sadd.s32 s1, s30  }
0x32: {  	s0 =	sor.u32 s3, s0;
	s1 =	sshll.u32 s1, $0x11  }
0x33: {  	s0 =	sor.u32 s1, s0  }
0x34: {  	s0 =	sadd.s32 $0x8F2B, s0  }
0x35: {  	[sflag:s0] =	ssyncadd.remote.s32 $0x1  }
0x36: {  	_ =	sfence.sel $0xFFFF  }
0x37: {  	[dreg:$0x0] =	wrdreg $0xFFFFFFFF;
	(pc) =	sbr.abs _section_cstart, $3  }
0x38: {  	[dreg:$0x1] =	wrdreg $0xFFFFFFFF  }
0x39: {  	_ =	task.clear_ibuf [dreg:s7], $0x2FFFF;
	_ =	strace $0x9FFFFFFF  }
0x3a: {  	(tm) =	ssettm $0x7FFFFFFF  }
0x3b: {  	_ =	shalt  }
tec
execute0_lowered:
.L_overlay_start_1:
0x0: {  	(tag) =	ssettag $0x1  }
0x1: {  	s0 =	srdreg.scid;
	s6 =	rddreg [dreg:$0x0]  }
0x2: {  	s3 =	rddreg [dreg:$0x1];
	s1 =	sshll.u32 s0, $0x4  }
0x3: {  	s5 =	simm.s32 $0x1;
	s0 =	stileid.u32;
	s1 =	sand.u32 $0x10, s1  }
0x4: {  	s31 =	simm.s32 $0x2;
	s16 =	simm.s32 $0x0;
	s1 =	sor.u32 s0, s1  }
0x5: {  	s8 =	simm.s32 $0x8000;
	s18 =	simm.s32 $0x0;
	s2 =	sshll.u32 s1, $0x7  }
0x6: {  	s17 =	simm.s32 $0x0;
	s9 =	simm.s32 $0x0;
	s4 =	ssub.s32 $0x1000, s2  }
0x7: {  	s10 =	simm.s32 $0x0;
	s11 =	simm.s32 $0x0;
	s30 =	sand.u32 $0xF80, s4  }
0x8: {  	s12 =	simm.s32 $0x0;
	s13 =	simm.s32 $0x0;
	p0 =	sne.s32 s30, $0x0  }
.Ltmp0:
0x9: {  	s7 =	sshrl.u32 s4, $0xC;
	s5 =	simm.s32 @!p0 $0x0;
	(pc) =	sbr.rel .LBB1_1-.Ltmp0, $4  }
0xa: {  	s15 =	simm.s32 $0x0;
	s1 =	rddreg [dreg:$0x2];
	s5 =	sadd.s32 s5, s7  }
0xb: {  	_ =	strace $0x8000004A;
	s4 =	simm.s32 $0x1;
	s5 =	smul.u32 $0x64, s5  }
0xc: {  	s6 =	sadd.s32 $0x4800, s6;
	s14 =	smov.u32 s2;
	[sflag:s4] =	ssyncpa.u1 $0x0  }
0xd: {  	[sflag:s31] =	ssyncpa.u1 $0x0;
	p0 =	por $0x0, $0x0;
	s7 =	sor.u32 $0x1, s5  }
.LBB1_4:
0xe: {  	s23 =	sshra.s32 s23, $0x2;
	s30 =	sshll.u32 s9, $0xC  }
0xf: {  	p1 =	sgt.s32 s10, $0x31;
	s24 =	smov.u32 s10;
	s25 =	sshra.s32 s10, $0x1F  }
0x10: {  	s26 =	sshll.u32 s11, $0x3;
	s28 =	smov.u32 s11;
	s29 =	sshra.s32 s11, $0x1F  }
0x11: {  	s22 =	sadd.s32 s23, s22;
	s24 =	simm.s32 @!p1 $0x31;
	s25 =	sand.u32 s25, s10  }
0x12: {  	s23 =	sand.u32 $0xFFFF8000, s30;
	s27 =	sand.u32 $0xFFFFFC00, s26;
	p1 =	sgt.s32 s9, $0x40  }
0x13: {  	s31 =	sand.u32 s29, s11;
	s29 =	sshll.u32 s9, $0x7;
	s30 =	sshra.s32 s9, $0x1F  }
0x14: {  	[tilespmem:s21+$0x2040 ss:$0x81] =	vst.msk $0xffff, v4;
	s24 =	ssub.s32 s24, s25;
	s23 =	sadd.s32 s27, s23;
	s27 =	smov.u32 s9  }
0x15: {  	[tilespmem:s21+$0x2850 ss:$0x81] =	vst.msk $0xffff, v3;
	s29 =	sand.u32 $0x380, s29;
	s25 =	sadd.s32 $0xFFFFFFCF, s24;
	s27 =	simm.s32 @!p1 $0x40  }
0x16: {  	v5 =	vld [tilespmem:s20+$0xFFFFFFD0];
	[tilespmem:s21+$0x3060 ss:$0x81] =	vst.msk $0xffff, v2;
	p1 =	sgt.s32 s11, $0xF80;
	s23 =	sshrl.u32 s23, $0xC;
	s24 =	ssub.s32 $0x32, s24  }
0x17: {  	v58 =	vld [tilespmem:s20+$0xFFFFFFE0];
	[tilespmem:s21+$0x0 ss:$0x81] =	vst.msk $0xffff, v1;
	s28 =	simm.s32 @!p1 $0xF80;
	p1 =	sgt.s32 s25, $0x0;
	s21 =	smulhi.u32 $0x1555556, s23  }
0x18: {  	v59 =	vld [tilespmem:s20+$0xFFFFFFF0];
	s25 =	ssub.s32 s28, s31;
	s28 =	sand.u32 s30, s9;
	s24 =	simm.s32 @p1 $0x0  }
0x19: {  	v60 =	vld [tilespmem:s20+$0x0];
	s27 =	ssub.s32 s27, s28;
	s31 =	sadd.s32 $0xFFFFF080, s25;
	s25 =	ssub.s32 $0x1000, s25  }
0x1a: {  	v61 =	vld [tilespmem:s20+$0x10];
	[tilespmem:s22+$0x3870 ss:$0x81] =	vst.msk $0xffff, v0;
	s21 =	smul.u32 $0xC0, s21;
	s28 =	sand.u32 $0x7, s11;
	p1 =	sgt.s32 s31, $0x7F  }
0x1b: {  	v62 =	vld [tilespmem:s20+$0x20];
	[tilespmem:s22+$0x810 ss:$0x81] =	vst.msk $0xffff, v5;
	s30 =	sadd.s32 $0xFFFFFFC0, s27;
	s31 =	sand.u32 $0x78, s11;
	s25 =	simm.s32 @p1 $0x0  }
0x1c: {  	v63 =	vld [tilespmem:s20+$0xFFFFFFC0];
	[tilespmem:s22+$0x1020 ss:$0x81] =	vst.msk $0xffff, v58;
	p1 =	sgt.s32 s30, $0x7F;
	s30 =	sand.u32 $0xC00, s26;
	s24 =	smul.u32 s25, s24  }
0x1d: {  	[tilespmem:s22+$0x1830 ss:$0x81] =	vst.msk $0xffff, v59;
	s26 =	ssub.s32 $0xC0, s27;
	s20 =	sor.u32 s31, s30;
	s31 =	smul.u32 $0x18000, s10  }
0x1e: {  	[tilespmem:s22+$0x2040 ss:$0x81] =	vst.msk $0xffff, v60;
	s21 =	ssub.s32 s23, s21;
	s26 =	simm.s32 @p1 $0x0;
	s20 =	sor.u32 s29, s20  }
0x1f: {  	[tilespmem:s22+$0x2850 ss:$0x81] =	vst.msk $0xffff, v61;
	s26 =	smul.u32 s26, s24;
	s20 =	sshrl.u32 s20, $0x3;
	s27 =	sadd.s32 s3, s31  }
0x20: {  	[tilespmem:s22+$0x3060 ss:$0x81] =	vst.msk $0xffff, v62;
	s21 =	sshll.u32 s21, $0x9;
	s29 =	sshll.u32 s28, $0x12;
	s20 =	sadd.s32 s20, s27  }
0x21: {  	[tilespmem:s22+$0x0 ss:$0x81] =	vst.msk $0xffff, v63;
	s31 =	sor.u32 $0x400, s29;
	s30 =	sand.u32 $0x3FFFFFFF, s26;
	s20 =	sadd.s32 s21, s20  }
0x22: {  	[hbm4b:s20+s31] =	stream.strided.scatter [tilespmem:s19], [sflag:$0x2], s30, s8, s31, $0x20;
	[tilespmem:$0x10100] =	vst v63  }
.LBB1_5:
0x23: {  	p1 =	slt.u32 s15, $0x2  }
0x24: {  	p2 =	sgt.s32 @!p1 s18, $0x31  }
0x25: {  	s19 =	smov.u32 s18;
	s20 =	sshra.s32 @!p1 s18, $0x1F;
	p2 =	por !p2, p1  }
0x26: {  	s18 =	sand.u32 @!p1 s20, s18;
	s19 =	simm.s32 @p2 $0x31  }
0x27: {  	p3 =	sgt.s32 @!p1 s16, $0x40;
	s18 =	ssub.s32 @!p1 s19, s18  }
0x28: {  	p4 =	sgt.s32 @!p1 s17, $0xF80;
	s21 =	sshra.s32 @!p1 s17, $0x1F;
	s19 =	sadd.s32 @!p1 $0xFFFFFFCF, s18  }
0x29: {  	s20 =	smov.u32 s16;
	p2 =	sgt.s32 @!p1 s19, $0x0;
	s19 =	sshra.s32 @!p1 s16, $0x1F  }
0x2a: {  	p4 =	por !p4, p1;
	s16 =	sand.u32 @!p1 s19, s16;
	s19 =	smov.u32 s17  }
0x2b: {  	p3 =	por !p3, p1;
	s17 =	sand.u32 @!p1 s21, s17;
	s19 =	simm.s32 @p4 $0xF80  }
0x2c: {  	s20 =	simm.s32 @p3 $0x40;
	s18 =	ssub.s32 @!p1 $0x32, s18;
	s17 =	ssub.s32 @!p1 s19, s17  }
0x2d: {  	p2 =	por !p2, p1;
	s16 =	ssub.s32 @!p1 s20, s16;
	s20 =	sadd.s32 @!p1 $0xFFFFF080, s17  }
0x2e: {  	s18 =	simm.s32 @!p2 $0x0;
	p3 =	sgt.s32 @!p1 s20, $0x7F  }
0x2f: {  	s19 =	sadd.s32 @!p1 $0xFFFFFFC0, s16;
	s17 =	ssub.s32 @!p1 $0x1000, s17;
	p3 =	por !p3, p1  }
0x30: {  	p2 =	sgt.s32 @!p1 s19, $0x7F;
	s19 =	sadd.s32 $0x80, s12;
	s17 =	simm.s32 @!p3 $0x0  }
0x31: {  	p3 =	sgt.s32 s19, $0xBF;
	s17 =	smul.u32 @!p1 s17, s18;
	s18 =	simm.s32 $0x1  }
0x32: {  	s16 =	ssub.s32 @!p1 $0xC0, s16;
	p2 =	por !p2, p1;
	s18 =	simm.s32 @!p3 $0x0  }
0x33: {  	s21 =	smov.u32 s14;
	s16 =	simm.s32 @!p2 $0x0;
	s20 =	sadd.s32 s18, s13  }
0x34: {  	s16 =	smul.u32 @!p1 s16, s17;
	s17 =	sadd.s32 $0x1000, s14;
	p2 =	sgt.s32 s20, $0x31  }
0x35: {  	p0 =	por !p0, !p0;
	s22 =	simm.s32 @!p1 $0x2;
	s21 =	smov.u32 @p2 s17  }
0x36: {  	s19 =	simm.s32 @p3 $0x0;
	s20 =	simm.s32 @p2 $0x0;
	p2 =	sgt.s32 s21, $0xFFF  }
0x37: {  	s18 =	smov.u32 s10;
	s21 =	smov.u32 @p2 s2;
	p2 =	sne.s32 s15, s7  }
.Ltmp1:
0x38: {  	s10 =	smov.u32 s13;
	s16 =	sand.u32 @!p1 $0x3FFFFFFF, s16;
	(pc) =	sbr.rel @!p2 .LBB1_6-.Ltmp1, $4  }
0x39: {  	s17 =	smov.u32 s11;
	s11 =	smov.u32 s14;
	_ =	swait.ge @!p1 [sflag:s22], s16  }
0x3a: {  	s23 =	ssub.s32 @!p1 $0x0, s16;
	s16 =	smov.u32 s9;
	s9 =	smov.u32 s12  }
0x3b: {  	s12 =	smov.u32 s19;
	s13 =	smov.u32 s20;
	[sflag:s22] =	ssyncset.done @!p1 $0x0  }
0x3c: {  	s15 =	sadd.s32 $0x1, s15;
	[sflag:s22] =	ssyncadd.s32 @!p1 s23;
	s14 =	smov.u32 s21  }
.LBB1_1:
0x3d: {  	p1 =	sge.u32 s15, s5  }
0x3e: {  	s19 =	sshll.u32 @!p1 s13, $0x8;
	s20 =	sshll.u32 @!p1 s12, $0x3  }
0x3f: {  	s21 =	sshll.u32 @!p1 s13, $0x7;
	s19 =	sand.u32 @!p1 $0xFFFFF800, s19;
	s20 =	sand.u32 @!p1 $0xFFFFFC00, s20  }
0x40: {  	s19 =	sadd.s32 @!p1 s19, s20;
	s20 =	sand.u32 @!p1 $0x300, s21  }
0x41: {  	s19 =	sor.u32 @!p1 s20, s19  }
0x42: {  	s19 =	sshrl.u32 @!p1 s19, $0x8  }
0x43: {  	s31 =	sadd.s32 $0xFFFFFFFF, s15;
	s20 =	smulhi.u32 @!p1 $0x4924925, s19  }
0x44: {  	s22 =	sxor.u32 @!p1 $0xFFFFFFFF, s15;
	s23 =	sand.u32 @!p1 $0x78, s12;
	s24 =	smul.u32 @!p1 $0x700, s14  }
0x45: {  	s22 =	sshll.u32 @!p1 s22, $0xE;
	s21 =	sand.u32 @!p1 $0x80, s21;
	s20 =	smul.u32 @!p1 $0x38, s20  }
0x46: {  	s22 =	sand.u32 @!p1 $0x4000, s22;
	s21 =	sor.u32 @!p1 s23, s21;
	s23 =	sand.u32 @!p1 $0x7, s12  }
0x47: {  	s19 =	ssub.s32 @!p1 s19, s20;
	s20 =	sshrl.u32 @!p1 s21, $0x3;
	s21 =	sadd.s32 @!p1 s6, s24  }
0x48: {  	s19 =	sshll.u32 @!p1 s19, $0x5;
	s20 =	sadd.s32 @!p1 s20, s21;
	s21 =	sshll.u32 @!p1 s23, $0x12  }
0x49: {  	s19 =	sadd.s32 @!p1 s19, s20;
	s20 =	sor.u32 @!p1 $0x80, s21;
	s21 =	simm.s32 @!p1 $0x3800  }
0x4a: {  	[tilespmem:s22], [sflag:$0x1] =	stream.strided.gather @!p1 [hbm4b:s19+s20], $0x4000, s21, s20, $0x38;
	[tilespmem:$0x10100] =	vst v63  }
0x4b: {  	p1 =	sge.u32 s31, s5  }
.Ltmp2:
0x4c: {  	_ = 	snop;
	(pc) =	sbr.rel @p1 .LBB1_5-.Ltmp2, $1  }
0x4d: {  	_ =	sdelay $0x3  }
0x4e: {  	s19 =	simm.s32 $0x1  }
0x4f: {  	_ =	swait.ge [sflag:s4], $0x4000;
	s19 =	simm.s32 @!p0 $0x0  }
0x50: {  	[sflag:s4] =	ssyncset.done $0x0;
	s20 =	sshll.u32 s19, $0xE  }
0x51: {  	[sflag:s4] =	ssyncadd.s32 $0xFFFFC000;
	s20 =	sor.u32 $0x40, s20  }
0x52: {  	s19 =	smul.u32 $0x10200, s19;
	v0 =	vld [tilespmem:s20+$0x30]  }
0x53: {  	v1 =	vld [tilespmem:s20+$0xFFFFFFD0]  }
0x54: {  	s19 =	sshrl.u32 s19, $0x2;
	v5 =	vld [tilespmem:s20+$0xFFFFFFE0]  }
0x55: {  	v6 =	vld [tilespmem:s20+$0xFFFFFFF0];
	s22 =	sor.u32 $0x8000, s19  }
0x56: {  	s31 =	sand.u32 $0x1, s15;
	v4 =	vld [tilespmem:s20+$0x0];
	s21 =	sadd.s32 $0x0, s22  }
0x57: {  	v3 =	vld [tilespmem:s20+$0x10];
	s19 =	smul.u32 $0x10200, s31;
	[tilespmem:s21+$0x3870 ss:$0x81] =	vst.msk $0xffff, v0  }
0x58: {  	v2 =	vld [tilespmem:s20+$0x20];
	[tilespmem:s21+$0x810 ss:$0x81] =	vst.msk $0xffff, v1  }
0x59: {  	s19 =	sshrl.u32 s19, $0x2;
	v1 =	vld [tilespmem:s20+$0xFFFFFFC0];
	[tilespmem:s21+$0x1020 ss:$0x81] =	vst.msk $0xffff, v5;
	s20 =	sadd.s32 $0x80, s20  }
0x5a: {  	s23 =	simm.s32 $0x4;
	s24 =	simm.s32 $0x8;
	s19 =	sor.u32 $0x8000, s19;
	[tilespmem:s21+$0x1830 ss:$0x81] =	vst.msk $0xffff, v6;
	v0 =	vld [tilespmem:s20+$0x30]  }
.LBB1_3:
0x5b: {  	p1 =	sne.s32 s24, $0x1FC;
	v5 =	vld [tilespmem:s20+$0xFFFFFFD0];
	[tilespmem:s21+$0x2040 ss:$0x81] =	vst.msk $0xffff, v4  }
0x5c: {  	v6 =	vld [tilespmem:s20+$0xFFFFFFE0];
	[tilespmem:s21+$0x2850 ss:$0x81] =	vst.msk $0xffff, v3  }
0x5d: {  	s25 =	sshra.s32 s23, $0x2;
	s23 =	smov.u32 s24;
	v7 =	vld [tilespmem:s20+$0xFFFFFFF0];
	[tilespmem:s21+$0x3060 ss:$0x81] =	vst.msk $0xffff, v2  }
.Ltmp3:
0x5e: {  	v4 =	vld [tilespmem:s20+$0x0];
	[tilespmem:s21+$0x0 ss:$0x81] =	vst.msk $0xffff, v1;
	s21 =	sadd.s32 s25, s22;
	(pc) =	sbr.rel @p1 .LBB1_3-.Ltmp3, $4  }
0x5f: {  	v3 =	vld [tilespmem:s20+$0x10];
	[tilespmem:s21+$0x3870 ss:$0x81] =	vst.msk $0xffff, v0  }
0x60: {  	[tilespmem:s21+$0x810 ss:$0x81] =	vst.msk $0xffff, v5;
	v2 =	vld [tilespmem:s20+$0x20]  }
0x61: {  	v1 =	vld [tilespmem:s20+$0xFFFFFFC0];
	[tilespmem:s21+$0x1020 ss:$0x81] =	vst.msk $0xffff, v6;
	s20 =	sadd.s32 $0x80, s20  }
0x62: {  	s24 =	sadd.s32 $0x4, s24;
	v0 =	vld [tilespmem:s20+$0x30];
	[tilespmem:s21+$0x1830 ss:$0x81] =	vst.msk $0xffff, v7  }
.Ltmp4:
0x63: {  	_ = 	snop;
	(pc) =	sbr.rel .LBB1_4-.Ltmp4, $1  }
0x64: {  	_ =	sdelay $0x3  }
.LBB1_6:
0x65: {  	_ =	sfence.sel $0x180000  }
0x66: {  	s2 =	simm.s32 $0x1;
	[bflag:$0x0] =	sbarrier.arrive $0xFFFF  }
0x67: {  	s31 =	simm.s32 $0x2;
	[sflag:s2] =	ssyncpa.u1 $0x1  }
0x68: {  	[sflag:s31] =	ssyncpa.u1 $0x1  }
0x69: {  	p0 =	sne.s32 s0, $0x0;
	_ =	strace $0x9000004A  }
0x6a: {  	s0 =	sadd.s32 @!p0 $0x100000, s1;
	[bflag:$0x2] =	sbarrier.arrive $0xFFFF  }
0x6b: {  	[sflag:s0] =	ssyncadd.tile.s32 @!p0 $0x1;
	_ =	shalt  }
.Lfunc_end1:
_tile_overlayer_lowered:
.L_overlay_start_2:
0x6c: {  	(tag) =	ssettag $0x2  }
0x6d: {  	s0 =	rddreg [dreg:$0x0];
	s2 =	stileid.u32  }
0x6e: {  	s1 =	rddreg [dreg:$0x1];
	p0 =	sne.s32 s2, $0x0  }
0x6f: {  	s3 =	rddreg [dreg:$0x2];
	[bflag:$0x3] =	sbarrier.arrive $0xFFFF;
	s2 =	simm.s32 @!p0 $0x1C01  }
0x70: {  	[timem:s3], [sflag:s2] =	dma.local @!p0 [hbm:s0], s1  }
0x71: {  	s0 =	simm.s32 @!p0 $0x1  }
0x72: {  	_ =	swait.ge @!p0 [sflag:s0], s1  }
0x73: {  	s1 =	ssub.s32 @!p0 $0x0, s1;
	[sflag:s0] =	ssyncset.done @!p0 $0x0  }
0x74: {  	[sflag:s0] =	ssyncadd.s32 @!p0 s1  }
0x75: {  	[bflag:$0x3] =	sbarrier.arrive $0xFFFF  }
0x76: {  	_ =	shalt  }

</sc_bundles>
